<compile_context>
chip_gen: v7x
topology: tpu7x:2x2x1
jax: 0.10.2.dev20260603
libtpu: 0.0.44.dev20260713+nightly
codegen_flags: <defaults>
</compile_context>

<pallas_src>
import jax
import jax.numpy as jnp
from jax import lax
from jax.experimental import pallas as pl
from jax.experimental.pallas import tpu as pltpu
from jax.experimental.pallas import tpu_sc as plsc

EMBED = 32
LANES = 16
NUM_CORES = 2
NUM_SUBCORES = 16
NUM_WORKERS = NUM_CORES * NUM_SUBCORES


def _mf_body(uid_hbm, mid_hbm, utabT_hbm, mtabT_hbm, out_hbm,
             ids_u, ids_m, bufs, du, dm, out_v, sems):
    b_per_w = ids_u.shape[0]
    wid = lax.axis_index("s") * NUM_CORES + lax.axis_index("c")
    base = wid * b_per_w

    pltpu.sync_copy(uid_hbm.at[pl.ds(base, b_per_w)], ids_u)
    pltpu.sync_copy(mid_hbm.at[pl.ds(base, b_per_w)], ids_m)

    jrow = lax.iota(jnp.int32, LANES)

    def stage_table(tab_hbm, ids_v, dst):
        def group(g, carry):
            vec = ids_v[pl.ds(g * LANES, LANES)]
            tiles = (vec >> 7) * 128
            lanes = vec & 127
            for j in range(LANES):
                t = pl.multiple_of(tiles[j], 128)
                pltpu.async_copy(tab_hbm.at[:, pl.ds(t, 128)],
                                 bufs.at[j], sems.at[j])
            pos = jrow + g * LANES
            for j in range(LANES):
                pltpu.make_async_copy(tab_hbm.at[:, pl.ds(0, 128)],
                                      bufs.at[j], sems.at[j]).wait()
                lane = jnp.full((LANES,), lanes[j], jnp.int32)
                cpos = jnp.full((LANES,), pos[j], jnp.int32)
                for h in range(EMBED // LANES):
                    rows = jrow + h * LANES
                    v = plsc.load_gather(bufs.at[j], [rows, lane])
                    plsc.store_scatter(dst, [rows, cpos], v)
            return carry

        lax.fori_loop(0, b_per_w // LANES, group, 0)

    stage_table(utabT_hbm, ids_u, du)
    stage_table(mtabT_hbm, ids_m, dm)

    def group_body(g, carry):
        cols = jrow + g * LANES
        acc = jnp.zeros((LANES,), jnp.float32)
        for e in range(EMBED):
            row = jnp.full((LANES,), e, jnp.int32)
            uv = plsc.load_gather(du, [row, cols])
            mv = plsc.load_gather(dm, [row, cols])
            acc = acc + uv * mv
        out_v[pl.ds(g * LANES, LANES)] = acc
        return carry

    lax.fori_loop(0, b_per_w // LANES, group_body, 0)

    pltpu.sync_copy(out_v, out_hbm.at[pl.ds(base, b_per_w)])


@jax.jit
def kernel(user_ids, movie_ids, user_table, movie_table):
    uid = user_ids.astype(jnp.int32)
    mid = movie_ids.astype(jnp.int32)
    batch = uid.shape[0]
    b_per_w = batch // NUM_WORKERS

    mesh = plsc.VectorSubcoreMesh(
        core_axis_name="c", subcore_axis_name="s",
        num_cores=NUM_CORES, num_subcores=NUM_SUBCORES)

    mf = pl.kernel(
        _mf_body,
        out_type=jax.ShapeDtypeStruct((batch,), jnp.float32),
        mesh=mesh,
        scratch_types=[
            pltpu.VMEM((b_per_w,), jnp.int32),
            pltpu.VMEM((b_per_w,), jnp.int32),
            pltpu.VMEM((LANES, EMBED, 128), jnp.float32),
            pltpu.VMEM((EMBED, b_per_w), jnp.float32),
            pltpu.VMEM((EMBED, b_per_w), jnp.float32),
            pltpu.VMEM((b_per_w,), jnp.float32),
            pltpu.SemaphoreType.DMA((LANES,)),
        ],
        compiler_params=pltpu.CompilerParams(needs_layout_passes=False),
    )
    return mf(uid, mid, user_table.T, movie_table.T)

# --- scband reference (transcript-rebuilt; emitter-appended) ---
"""Pipeline reference for scband-mf-19542101197664 (READ-ONLY COPY).

The authoritative reference and input builder live on the scoring server;
editing this copy changes nothing except your own understanding.
"""

import jax, jax.numpy as jnp
import numpy as np

NUM_USERS = 1000000
NUM_MOVIES = 1000000
EMBED = 32
BATCH = 16384

def setup_inputs(seed: int = 0) -> dict:
    key = jax.random.key(seed)
    k1, k2, k3, k4 = jax.random.split(key, 4)
    user_ids = jax.random.randint(k1, (BATCH,), 0, NUM_USERS, dtype=jnp.int32).astype(jnp.int64) if False else jax.random.randint(k1, (BATCH,), 0, NUM_USERS)
    movie_ids = jax.random.randint(k2, (BATCH,), 0, NUM_MOVIES)
    user_table = jax.random.normal(k3, (NUM_USERS, EMBED), dtype=jnp.float32)
    movie_table = jax.random.normal(k4, (NUM_MOVIES, EMBED), dtype=jnp.float32)
    return {"user_ids": user_ids, "movie_ids": movie_ids, "user_table": user_table, "movie_table": movie_table}

def reference(user_ids, movie_ids, user_table, movie_table):
    user_embeds = jnp.take(user_table, user_ids, axis=0)
    movie_embeds = jnp.take(movie_table, movie_ids, axis=0)
    preds = jnp.sum(user_embeds * movie_embeds, axis=1)
    return preds

if __name__ == "__main__":
    import jax
    _d = setup_inputs()
    print(jax.jit(kernel)(*tuple(_d.values())))

</pallas_src>

<mosaic_0001>
#map = affine_map<(d0, d1) -> (0)>
#map1 = affine_map<(d0, d1) -> (0, 0)>
module attributes {stable_mosaic.version = 14 : i64} {
  func.func @_mf_body(%arg0: i32, %arg1: i32, %arg2: memref<16384xi32, #tpu.memory_space<hbm>>, %arg3: memref<16384xi32, #tpu.memory_space<hbm>>, %arg4: memref<32x1000000xf32, #tpu.memory_space<hbm>>, %arg5: memref<32x1000000xf32, #tpu.memory_space<hbm>>, %arg6: memref<16384xf32, #tpu.memory_space<hbm>>, %arg7: memref<512xi32, #tpu.memory_space<vmem>>, %arg8: memref<512xi32, #tpu.memory_space<vmem>>, %arg9: memref<16x32x128xf32, #tpu.memory_space<vmem>>, %arg10: memref<32x512xf32, #tpu.memory_space<vmem>>, %arg11: memref<32x512xf32, #tpu.memory_space<vmem>>, %arg12: memref<512xf32, #tpu.memory_space<vmem>>, %arg13: memref<16x!tpu.dma_semaphore, #tpu.memory_space<semaphore_mem>>) attributes {dimension_semantics = [#tpu.dimension_semantics<core_parallel>, #tpu.dimension_semantics<subcore_parallel>], iteration_bounds = array<i64: 2, 16>, scalar_prefetch = 0 : i64, scratch_operands = 7 : i64, tpu.core_type = #tpu.core_type<sc_vector_subcore>, window_params = [{transform_indices = #map}, {transform_indices = #map}, {transform_indices = #map1}, {transform_indices = #map1}, {transform_indices = #map}]} {
    %mul3A = arith.constant 2 : i32
    %mul3A_0 = arith.muli %arg1, %mul3A : i32
    %add3A = arith.addi %mul3A_0, %arg0 : i32
    %mul3A_1 = arith.constant 512 : i32
    %mul3A_2 = arith.muli %add3A, %mul3A_1 : i32
    "tpu.region"() ({
      %run_scoped3A = tpu.sem_alloc : memref<!tpu.dma_semaphore, #tpu.memory_space<semaphore_mem>>
      %dma_start3A = tpu.memref_slice %arg2[%mul3A_2] : memref<16384xi32, #tpu.memory_space<hbm>> -> memref<512xi32, #tpu.memory_space<hbm>>
      %dma_start3A_20 = tpu.memref_slice %arg2[%mul3A_2] : memref<16384xi32, #tpu.memory_space<hbm>> -> memref<512xi32, #tpu.memory_space<hbm>>
      tpu.enqueue_dma source(%dma_start3A_20 : memref<512xi32, #tpu.memory_space<hbm>>) target(%arg7 : memref<512xi32, #tpu.memory_space<vmem>>) target_semaphore(%run_scoped3A : memref<!tpu.dma_semaphore, #tpu.memory_space<semaphore_mem>>)
      %dma_wait3A = tpu.memref_slice %arg2[%mul3A_2] : memref<16384xi32, #tpu.memory_space<hbm>> -> memref<512xi32, #tpu.memory_space<hbm>>
      %dma_wait3A_21 = tpu.memref_slice %arg2[%mul3A_2] : memref<16384xi32, #tpu.memory_space<hbm>> -> memref<512xi32, #tpu.memory_space<hbm>>
      tpu.wait_dma2 semaphore(%run_scoped3A : memref<!tpu.dma_semaphore, #tpu.memory_space<semaphore_mem>>) src(%dma_wait3A_21 : memref<512xi32, #tpu.memory_space<hbm>>) dst(%arg7 : memref<512xi32, #tpu.memory_space<vmem>>)
      tpu.yield
    }) : () -> ()
    "tpu.region"() ({
      %run_scoped3A = tpu.sem_alloc : memref<!tpu.dma_semaphore, #tpu.memory_space<semaphore_mem>>
      %dma_start3A = tpu.memref_slice %arg3[%mul3A_2] : memref<16384xi32, #tpu.memory_space<hbm>> -> memref<512xi32, #tpu.memory_space<hbm>>
      %dma_start3A_20 = tpu.memref_slice %arg3[%mul3A_2] : memref<16384xi32, #tpu.memory_space<hbm>> -> memref<512xi32, #tpu.memory_space<hbm>>
      tpu.enqueue_dma source(%dma_start3A_20 : memref<512xi32, #tpu.memory_space<hbm>>) target(%arg8 : memref<512xi32, #tpu.memory_space<vmem>>) target_semaphore(%run_scoped3A : memref<!tpu.dma_semaphore, #tpu.memory_space<semaphore_mem>>)
      %dma_wait3A = tpu.memref_slice %arg3[%mul3A_2] : memref<16384xi32, #tpu.memory_space<hbm>> -> memref<512xi32, #tpu.memory_space<hbm>>
      %dma_wait3A_21 = tpu.memref_slice %arg3[%mul3A_2] : memref<16384xi32, #tpu.memory_space<hbm>> -> memref<512xi32, #tpu.memory_space<hbm>>
      tpu.wait_dma2 semaphore(%run_scoped3A : memref<!tpu.dma_semaphore, #tpu.memory_space<semaphore_mem>>) src(%dma_wait3A_21 : memref<512xi32, #tpu.memory_space<hbm>>) dst(%arg8 : memref<512xi32, #tpu.memory_space<vmem>>)
      tpu.yield
    }) : () -> ()
    %iota3A = tpu.iota {dimensions = array<i32: 0>} : vector<16xi32>
    %scan3A = arith.constant 0 : i32
    %scan3A_3 = arith.constant 0 : i32
    %scan3A_4 = arith.constant 32 : i32
    %scan3A_5 = arith.addi %scan3A_3, %scan3A_4 : i32
    %scan3A_6 = arith.constant 1 : i32
    scf.for %scan3A_20 = %scan3A_3 to %scan3A_5 step %scan3A_6  : i32 {
      %mul3A_21 = arith.constant 16 : i32
      %mul3A_22 = arith.muli %scan3A_20, %mul3A_21 : i32
      %get3A = arith.index_cast %mul3A_22 : i32 to index
      %get3A_23 = tpu.vector_load %arg7[%get3A] {strides = array<i32>} : memref<512xi32, #tpu.memory_space<vmem>>, vector<16xi32>,
      %shift_right_arithmetic3A = arith.constant 7 : i32
      %shift_right_arithmetic3A_24 = vector.broadcast %shift_right_arithmetic3A : i32 to vector<16xi32>
      %shift_right_arithmetic3A_25 = arith.shrsi %get3A_23, %shift_right_arithmetic3A_24 : vector<16xi32>
      %mul3A_26 = arith.constant 128 : i32
      %mul3A_27 = vector.broadcast %mul3A_26 : i32 to vector<16xi32>
      %mul3A_28 = arith.muli %shift_right_arithmetic3A_25, %mul3A_27 : vector<16xi32>
      %and3A = arith.constant 127 : i32
      %and3A_29 = vector.broadcast %and3A : i32 to vector<16xi32>
      %and3A_30 = arith.andi %get3A_23, %and3A_29 : vector<16xi32>
      %slice3A = vector.extract_strided_slice %mul3A_28 {offsets = [0], sizes = [1], strides = [1]} : vector<16xi32> to vector<1xi32>
      %squeeze3A = vector.extract %slice3A[0] : i32 from vector<1xi32>
      %multiple_of3A = tpu.assume_multiple %squeeze3A, 128 : i32
      %dma_start3A = arith.constant 0 : i32
      %dma_start3A_31 = arith.constant 0 : i32
      %dma_start3A_32 = arith.constant 0 : i32
      %dma_start3A_33 = arith.constant 0 : i32
      %dma_start3A_34 = tpu.memref_slice %arg9[%dma_start3A, %dma_start3A_32, %dma_start3A_33] : memref<16x32x128xf32, #tpu.memory_space<vmem>> -> memref<1x32x128xf32, #tpu.memory_space<vmem>>
      %dma_start3A_35 = tpu.memref_squeeze %dma_start3A_34 : memref<1x32x128xf32, #tpu.memory_space<vmem>> -> memref<32x128xf32, #tpu.memory_space<vmem>>
      %dma_start3A_36 = arith.constant 0 : i32
      %dma_start3A_37 = tpu.memref_slice %arg4[%dma_start3A_36, %multiple_of3A] : memref<32x1000000xf32, #tpu.memory_space<hbm>> -> memref<32x128xf32, #tpu.memory_space<hbm>>
      %dma_start3A_38 = tpu.memref_slice %arg13[%dma_start3A_31] : memref<16x!tpu.dma_semaphore, #tpu.memory_space<semaphore_mem>> -> memref<1x!tpu.dma_semaphore, #tpu.memory_space<semaphore_mem>>
      %dma_start3A_39 = tpu.memref_squeeze %dma_start3A_38 : memref<1x!tpu.dma_semaphore, #tpu.memory_space<semaphore_mem>> -> memref<!tpu.dma_semaphore, #tpu.memory_space<semaphore_mem>>
      %dma_start3A_40 = arith.constant 0 : i32
      %dma_start3A_41 = arith.constant 0 : i32
      %dma_start3A_42 = tpu.memref_slice %arg9[%dma_start3A, %dma_start3A_40, %dma_start3A_41] : memref<16x32x128xf32, #tpu.memory_space<vmem>> -> memref<1x32x128xf32, #tpu.memory_space<vmem>>
      %dma_start3A_43 = tpu.memref_squeeze %dma_start3A_42 : memref<1x32x128xf32, #tpu.memory_space<vmem>> -> memref<32x128xf32, #tpu.memory_space<vmem>>
      %dma_start3A_44 = arith.constant 0 : i32
      %dma_start3A_45 = tpu.memref_slice %arg4[%dma_start3A_44, %multiple_of3A] : memref<32x1000000xf32, #tpu.memory_space<hbm>> -> memref<32x128xf32, #tpu.memory_space<hbm>>
      tpu.enqueue_dma source(%dma_start3A_45 : memref<32x128xf32, #tpu.memory_space<hbm>>) target(%dma_start3A_43 : memref<32x128xf32, #tpu.memory_space<vmem>>) target_semaphore(%dma_start3A_39 : memref<!tpu.dma_semaphore, #tpu.memory_space<semaphore_mem>>)
      %slice3A_46 = vector.extract_strided_slice %mul3A_28 {offsets = [1], sizes = [1], strides = [1]} : vector<16xi32> to vector<1xi32>
      %squeeze3A_47 = vector.extract %slice3A_46[0] : i32 from vector<1xi32>
      %multiple_of3A_48 = tpu.assume_multiple %squeeze3A_47, 128 : i32
      %dma_start3A_49 = arith.constant 1 : i32
      %dma_start3A_50 = arith.constant 1 : i32
      %dma_start3A_51 = arith.constant 0 : i32
      %dma_start3A_52 = arith.constant 0 : i32
      %dma_start3A_53 = tpu.memref_slice %arg9[%dma_start3A_49, %dma_start3A_51, %dma_start3A_52] : memref<16x32x128xf32, #tpu.memory_space<vmem>> -> memref<1x32x128xf32, #tpu.memory_space<vmem>>
      %dma_start3A_54 = tpu.memref_squeeze %dma_start3A_53 : memref<1x32x128xf32, #tpu.memory_space<vmem>> -> memref<32x128xf32, #tpu.memory_space<vmem>>
      %dma_start3A_55 = arith.constant 0 : i32
      %dma_start3A_56 = tpu.memref_slice %arg4[%dma_start3A_55, %multiple_of3A_48] : memref<32x1000000xf32, #tpu.memory_space<hbm>> -> memref<32x128xf32, #tpu.memory_space<hbm>>
      %dma_start3A_57 = tpu.memref_slice %arg13[%dma_start3A_50] : memref<16x!tpu.dma_semaphore, #tpu.memory_space<semaphore_mem>> -> memref<1x!tpu.dma_semaphore, #tpu.memory_space<semaphore_mem>>
      %dma_start3A_58 = tpu.memref_squeeze %dma_start3A_57 : memref<1x!tpu.dma_semaphore, #tpu.memory_space<semaphore_mem>> -> memref<!tpu.dma_semaphore, #tpu.memory_space<semaphore_mem>>
      %dma_start3A_59 = arith.constant 0 : i32
      %dma_start3A_60 = arith.constant 0 : i32
      %dma_start3A_61 = tpu.memref_slice %arg9[%dma_start3A_49, %dma_start3A_59, %dma_start3A_60] : memref<16x32x128xf32, #tpu.memory_space<vmem>> -> memref<1x32x128xf32, #tpu.memory_space<vmem>>
      %dma_start3A_62 = tpu.memref_squeeze %dma_start3A_61 : memref<1x32x128xf32, #tpu.memory_space<vmem>> -> memref<32x128xf32, #tpu.memory_space<vmem>>
      %dma_start3A_63 = arith.constant 0 : i32
      %dma_start3A_64 = tpu.memref_slice %arg4[%dma_start3A_63, %multiple_of3A_48] : memref<32x1000000xf32, #tpu.memory_space<hbm>> -> memref<32x128xf32, #tpu.memory_space<hbm>>
      tpu.enqueue_dma source(%dma_start3A_64 : memref<32x128xf32, #tpu.memory_space<hbm>>) target(%dma_start3A_62 : memref<32x128xf32, #tpu.memory_space<vmem>>) target_semaphore(%dma_start3A_58 : memref<!tpu.dma_semaphore, #tpu.memory_space<semaphore_mem>>)
      %slice3A_65 = vector.extract_strided_slice %mul3A_28 {offsets = [2], sizes = [1], strides = [1]} : vector<16xi32> to vector<1xi32>
      %squeeze3A_66 = vector.extract %slice3A_65[0] : i32 from vector<1xi32>
      %multiple_of3A_67 = tpu.assume_multiple %squeeze3A_66, 128 : i32
      %dma_start3A_68 = arith.constant 2 : i32
      %dma_start3A_69 = arith.constant 2 : i32
      %dma_start3A_70 = arith.constant 0 : i32
      %dma_start3A_71 = arith.constant 0 : i32
      %dma_start3A_72 = tpu.memref_slice %arg9[%dma_start3A_68, %dma_start3A_70, %dma_start3A_71] : memref<16x32x128xf32, #tpu.memory_space<vmem>> -> memref<1x32x128xf32, #tpu.memory_space<vmem>>
      %dma_start3A_73 = tpu.memref_squeeze %dma_start3A_72 : memref<1x32x128xf32, #tpu.memory_space<vmem>> -> memref<32x128xf32, #tpu.memory_space<vmem>>
      %dma_start3A_74 = arith.constant 0 : i32
      %dma_start3A_75 = tpu.memref_slice %arg4[%dma_start3A_74, %multiple_of3A_67] : memref<32x1000000xf32, #tpu.memory_space<hbm>> -> memref<32x128xf32, #tpu.memory_space<hbm>>
      %dma_start3A_76 = tpu.memref_slice %arg13[%dma_start3A_69] : memref<16x!tpu.dma_semaphore, #tpu.memory_space<semaphore_mem>> -> memref<1x!tpu.dma_semaphore, #tpu.memory_space<semaphore_mem>>
      %dma_start3A_77 = tpu.memref_squeeze %dma_start3A_76 : memref<1x!tpu.dma_semaphore, #tpu.memory_space<semaphore_mem>> -> memref<!tpu.dma_semaphore, #tpu.memory_space<semaphore_mem>>
      %dma_start3A_78 = arith.constant 0 : i32
      %dma_start3A_79 = arith.constant 0 : i32
      %dma_start3A_80 = tpu.memref_slice %arg9[%dma_start3A_68, %dma_start3A_78, %dma_start3A_79] : memref<16x32x128xf32, #tpu.memory_space<vmem>> -> memref<1x32x128xf32, #tpu.memory_space<vmem>>
      %dma_start3A_81 = tpu.memref_squeeze %dma_start3A_80 : memref<1x32x128xf32, #tpu.memory_space<vmem>> -> memref<32x128xf32, #tpu.memory_space<vmem>>
      %dma_start3A_82 = arith.constant 0 : i32
      %dma_start3A_83 = tpu.memref_slice %arg4[%dma_start3A_82, %multiple_of3A_67] : memref<32x1000000xf32, #tpu.memory_space<hbm>> -> memref<32x128xf32, #tpu.memory_space<hbm>>
      tpu.enqueue_dma source(%dma_start3A_83 : memref<32x128xf32, #tpu.memory_space<hbm>>) target(%dma_start3A_81 : memref<32x128xf32, #tpu.memory_space<vmem>>) target_semaphore(%dma_start3A_77 : memref<!tpu.dma_semaphore, #tpu.memory_space<semaphore_mem>>)
      %slice3A_84 = vector.extract_strided_slice %mul3A_28 {offsets = [3], sizes = [1], strides = [1]} : vector<16xi32> to vector<1xi32>
      %squeeze3A_85 = vector.extract %slice3A_84[0] : i32 from vector<1xi32>
      %multiple_of3A_86 = tpu.assume_multiple %squeeze3A_85, 128 : i32
      %dma_start3A_87 = arith.constant 3 : i32
      %dma_start3A_88 = arith.constant 3 : i32
      %dma_start3A_89 = arith.constant 0 : i32
      %dma_start3A_90 = arith.constant 0 : i32
      %dma_start3A_91 = tpu.memref_slice %arg9[%dma_start3A_87, %dma_start3A_89, %dma_start3A_90] : memref<16x32x128xf32, #tpu.memory_space<vmem>> -> memref<1x32x128xf32, #tpu.memory_space<vmem>>
      %dma_start3A_92 = tpu.memref_squeeze %dma_start3A_91 : memref<1x32x128xf32, #tpu.memory_space<vmem>> -> memref<32x128xf32, #tpu.memory_space<vmem>>
      %dma_start3A_93 = arith.constant 0 : i32
      %dma_start3A_94 = tpu.memref_slice %arg4[%dma_start3A_93, %multiple_of3A_86] : memref<32x1000000xf32, #tpu.memory_space<hbm>> -> memref<32x128xf32, #tpu.memory_space<hbm>>
      %dma_start3A_95 = tpu.memref_slice %arg13[%dma_start3A_88] : memref<16x!tpu.dma_semaphore, #tpu.memory_space<semaphore_mem>> -> memref<1x!tpu.dma_semaphore, #tpu.memory_space<semaphore_mem>>
      %dma_start3A_96 = tpu.memref_squeeze %dma_start3A_95 : memref<1x!tpu.dma_semaphore, #tpu.memory_space<semaphore_mem>> -> memref<!tpu.dma_semaphore, #tpu.memory_space<semaphore_mem>>
      %dma_start3A_97 = arith.constant 0 : i32
      %dma_start3A_98 = arith.constant 0 : i32
      %dma_start3A_99 = tpu.memref_slice %arg9[%dma_start3A_87, %dma_start3A_97, %dma_start3A_98] : memref<16x32x128xf32, #tpu.memory_space<vmem>> -> memref<1x32x128xf32, #tpu.memory_space<vmem>>
      %dma_start3A_100 = tpu.memref_squeeze %dma_start3A_99 : memref<1x32x128xf32, #tpu.memory_space<vmem>> -> memref<32x128xf32, #tpu.memory_space<vmem>>
      %dma_start3A_101 = arith.constant 0 : i32
      %dma_start3A_102 = tpu.memref_slice %arg4[%dma_start3A_101, %multiple_of3A_86] : memref<32x1000000xf32, #tpu.memory_space<hbm>> -> memref<32x128xf32, #tpu.memory_space<hbm>>
      tpu.enqueue_dma source(%dma_start3A_102 : memref<32x128xf32, #tpu.memory_space<hbm>>) target(%dma_start3A_100 : memref<32x128xf32, #tpu.memory_space<vmem>>) target_semaphore(%dma_start3A_96 : memref<!tpu.dma_semaphore, #tpu.memory_space<semaphore_mem>>)
      %slice3A_103 = vector.extract_strided_slice %mul3A_28 {offsets = [4], sizes = [1], strides = [1]} : vector<16xi32> to vector<1xi32>
      %squeeze3A_104 = vector.extract %slice3A_103[0] : i32 from vector<1xi32>
      %multiple_of3A_105 = tpu.assume_multiple %squeeze3A_104, 128 : i32
      %dma_start3A_106 = arith.constant 4 : i32
      %dma_start3A_107 = arith.constant 4 : i32
      %dma_start3A_108 = arith.constant 0 : i32
      %dma_start3A_109 = arith.constant 0 : i32
      %dma_start3A_110 = tpu.memref_slice %arg9[%dma_start3A_106, %dma_start3A_108, %dma_start3A_109] : memref<16x32x128xf32, #tpu.memory_space<vmem>> -> memref<1x32x128xf32, #tpu.memory_space<vmem>>
      %dma_start3A_111 = tpu.memref_squeeze %dma_start3A_110 : memref<1x32x128xf32, #tpu.memory_space<vmem>> -> memref<32x128xf32, #tpu.memory_space<vmem>>
      %dma_start3A_112 = arith.constant 0 : i32
      %dma_start3A_113 = tpu.memref_slice %arg4[%dma_start3A_112, %multiple_of3A_105] : memref<32x1000000xf32, #tpu.memory_space<hbm>> -> memref<32x128xf32, #tpu.memory_space<hbm>>
      %dma_start3A_114 = tpu.memref_slice %arg13[%dma_start3A_107] : memref<16x!tpu.dma_semaphore, #tpu.memory_space<semaphore_mem>> -> memref<1x!tpu.dma_semaphore, #tpu.memory_space<semaphore_mem>>
      %dma_start3A_115 = tpu.memref_squeeze %dma_start3A_114 : memref<1x!tpu.dma_semaphore, #tpu.memory_space<semaphore_mem>> -> memref<!tpu.dma_semaphore, #tpu.memory_space<semaphore_mem>>
      %dma_start3A_116 = arith.constant 0 : i32
      %dma_start3A_117 = arith.constant 0 : i32
      %dma_start3A_118 = tpu.memref_slice %arg9[%dma_start3A_106, %dma_start3A_116, %dma_start3A_117] : memref<16x32x128xf32, #tpu.memory_space<vmem>> -> memref<1x32x128xf32, #tpu.memory_space<vmem>>
      %dma_start3A_119 = tpu.memref_squeeze %dma_start3A_118 : memref<1x32x128xf32, #tpu.memory_space<vmem>> -> memref<32x128xf32, #tpu.memory_space<vmem>>
      %dma_start3A_120 = arith.constant 0 : i32
      %dma_start3A_121 = tpu.memref_slice %arg4[%dma_start3A_120, %multiple_of3A_105] : memref<32x1000000xf32, #tpu.memory_space<hbm>> -> memref<32x128xf32, #tpu.memory_space<hbm>>
      tpu.enqueue_dma source(%dma_start3A_121 : memref<32x128xf32, #tpu.memory_space<hbm>>) target(%dma_start3A_119 : memref<32x128xf32, #tpu.memory_space<vmem>>) target_semaphore(%dma_start3A_115 : memref<!tpu.dma_semaphore, #tpu.memory_space<semaphore_mem>>)
      %slice3A_122 = vector.extract_strided_slice %mul3A_28 {offsets = [5], sizes = [1], strides = [1]} : vector<16xi32> to vector<1xi32>
      %squeeze3A_123 = vector.extract %slice3A_122[0] : i32 from vector<1xi32>
      %multiple_of3A_124 = tpu.assume_multiple %squeeze3A_123, 128 : i32
      %dma_start3A_125 = arith.constant 5 : i32
      %dma_start3A_126 = arith.constant 5 : i32
      %dma_start3A_127 = arith.constant 0 : i32
      %dma_start3A_128 = arith.constant 0 : i32
      %dma_start3A_129 = tpu.memref_slice %arg9[%dma_start3A_125, %dma_start3A_127, %dma_start3A_128] : memref<16x32x128xf32, #tpu.memory_space<vmem>> -> memref<1x32x128xf32, #tpu.memory_space<vmem>>
      %dma_start3A_130 = tpu.memref_squeeze %dma_start3A_129 : memref<1x32x128xf32, #tpu.memory_space<vmem>> -> memref<32x128xf32, #tpu.memory_space<vmem>>
      %dma_start3A_131 = arith.constant 0 : i32
      %dma_start3A_132 = tpu.memref_slice %arg4[%dma_start3A_131, %multiple_of3A_124] : memref<32x1000000xf32, #tpu.memory_space<hbm>> -> memref<32x128xf32, #tpu.memory_space<hbm>>
      %dma_start3A_133 = tpu.memref_slice %arg13[%dma_start3A_126] : memref<16x!tpu.dma_semaphore, #tpu.memory_space<semaphore_mem>> -> memref<1x!tpu.dma_semaphore, #tpu.memory_space<semaphore_mem>>
      %dma_start3A_134 = tpu.memref_squeeze %dma_start3A_133 : memref<1x!tpu.dma_semaphore, #tpu.memory_space<semaphore_mem>> -> memref<!tpu.dma_semaphore, #tpu.memory_space<semaphore_mem>>
      %dma_start3A_135 = arith.constant 0 : i32
      %dma_start3A_136 = arith.constant 0 : i32
      %dma_start3A_137 = tpu.memref_slice %arg9[%dma_start3A_125, %dma_start3A_135, %dma_start3A_136] : memref<16x32x128xf32, #tpu.memory_space<vmem>> -> memref<1x32x128xf32, #tpu.memory_space<vmem>>
      %dma_start3A_138 = tpu.memref_squeeze %dma_start3A_137 : memref<1x32x128xf32, #tpu.memory_space<vmem>> -> memref<32x128xf32, #tpu.memory_space<vmem>>
      %dma_start3A_139 = arith.constant 0 : i32
      %dma_start3A_140 = tpu.memref_slice %arg4[%dma_start3A_139, %multiple_of3A_124] : memref<32x1000000xf32, #tpu.memory_space<hbm>> -> memref<32x128xf32, #tpu.memory_space<hbm>>
      tpu.enqueue_dma source(%dma_start3A_140 : memref<32x128xf32, #tpu.memory_space<hbm>>) target(%dma_start3A_138 : memref<32x128xf32, #tpu.memory_space<vmem>>) target_semaphore(%dma_start3A_134 : memref<!tpu.dma_semaphore, #tpu.memory_space<semaphore_mem>>)
      %slice3A_141 = vector.extract_strided_slice %mul3A_28 {offsets = [6], sizes = [1], strides = [1]} : vector<16xi32> to vector<1xi32>
      %squeeze3A_142 = vector.extract %slice3A_141[0] : i32 from vector<1xi32>
      %multiple_of3A_143 = tpu.assume_multiple %squeeze3A_142, 128 : i32
      %dma_start3A_144 = arith.constant 6 : i32
      %dma_start3A_145 = arith.constant 6 : i32
      %dma_start3A_146 = arith.constant 0 : i32
      %dma_start3A_147 = arith.constant 0 : i32
      %dma_start3A_148 = tpu.memref_slice %arg9[%dma_start3A_144, %dma_start3A_146, %dma_start3A_147] : memref<16x32x128xf32, #tpu.memory_space<vmem>> -> memref<1x32x128xf32, #tpu.memory_space<vmem>>
      %dma_start3A_149 = tpu.memref_squeeze %dma_start3A_148 : memref<1x32x128xf32, #tpu.memory_space<vmem>> -> memref<32x128xf32, #tpu.memory_space<vmem>>
      %dma_start3A_150 = arith.constant 0 : i32
      %dma_start3A_151 = tpu.memref_slice %arg4[%dma_start3A_150, %multiple_of3A_143] : memref<32x1000000xf32, #tpu.memory_space<hbm>> -> memref<32x128xf32, #tpu.memory_space<hbm>>
      %dma_start3A_152 = tpu.memref_slice %arg13[%dma_start3A_145] : memref<16x!tpu.dma_semaphore, #tpu.memory_space<semaphore_mem>> -> memref<1x!tpu.dma_semaphore, #tpu.memory_space<semaphore_mem>>
      %dma_start3A_153 = tpu.memref_squeeze %dma_start3A_152 : memref<1x!tpu.dma_semaphore, #tpu.memory_space<semaphore_mem>> -> memref<!tpu.dma_semaphore, #tpu.memory_space<semaphore_mem>>
      %dma_start3A_154 = arith.constant 0 : i32
      %dma_start3A_155 = arith.constant 0 : i32
      %dma_start3A_156 = tpu.memref_slice %arg9[%dma_start3A_144, %dma_start3A_154, %dma_start3A_155] : memref<16x32x128xf32, #tpu.memory_space<vmem>> -> memref<1x32x128xf32, #tpu.memory_space<vmem>>
      %dma_start3A_157 = tpu.memref_squeeze %dma_start3A_156 : memref<1x32x128xf32, #tpu.memory_space<vmem>> -> memref<32x128xf32, #tpu.memory_space<vmem>>
      %dma_start3A_158 = arith.constant 0 : i32
      %dma_start3A_159 = tpu.memref_slice %arg4[%dma_start3A_158, %multiple_of3A_143] : memref<32x1000000xf32, #tpu.memory_space<hbm>> -> memref<32x128xf32, #tpu.memory_space<hbm>>
      tpu.enqueue_dma source(%dma_start3A_159 : memref<32x128xf32, #tpu.memory_space<hbm>>) target(%dma_start3A_157 : memref<32x128xf32, #tpu.memory_space<vmem>>) target_semaphore(%dma_start3A_153 : memref<!tpu.dma_semaphore, #tpu.memory_space<semaphore_mem>>)
      %slice3A_160 = vector.extract_strided_slice %mul3A_28 {offsets = [7], sizes = [1], strides = [1]} : vector<16xi32> to vector<1xi32>
      %squeeze3A_161 = vector.extract %slice3A_160[0] : i32 from vector<1xi32>
      %multiple_of3A_162 = tpu.assume_multiple %squeeze3A_161, 128 : i32
      %dma_start3A_163 = arith.constant 7 : i32
      %dma_start3A_164 = arith.constant 7 : i32
      %dma_start3A_165 = arith.constant 0 : i32
      %dma_start3A_166 = arith.constant 0 : i32
      %dma_start3A_167 = tpu.memref_slice %arg9[%dma_start3A_163, %dma_start3A_165, %dma_start3A_166] : memref<16x32x128xf32, #tpu.memory_space<vmem>> -> memref<1x32x128xf32, #tpu.memory_space<vmem>>
      %dma_start3A_168 = tpu.memref_squeeze %dma_start3A_167 : memref<1x32x128xf32, #tpu.memory_space<vmem>> -> memref<32x128xf32, #tpu.memory_space<vmem>>
      %dma_start3A_169 = arith.constant 0 : i32
      %dma_start3A_170 = tpu.memref_slice %arg4[%dma_start3A_169, %multiple_of3A_162] : memref<32x1000000xf32, #tpu.memory_space<hbm>> -> memref<32x128xf32, #tpu.memory_space<hbm>>
      %dma_start3A_171 = tpu.memref_slice %arg13[%dma_start3A_164] : memref<16x!tpu.dma_semaphore, #tpu.memory_space<semaphore_mem>> -> memref<1x!tpu.dma_semaphore, #tpu.memory_space<semaphore_mem>>
      %dma_start3A_172 = tpu.memref_squeeze %dma_start3A_171 : memref<1x!tpu.dma_semaphore, #tpu.memory_space<semaphore_mem>> -> memref<!tpu.dma_semaphore, #tpu.memory_space<semaphore_mem>>
      %dma_start3A_173 = arith.constant 0 : i32
      %dma_start3A_174 = arith.constant 0 : i32
      %dma_start3A_175 = tpu.memref_slice %arg9[%dma_start3A_163, %dma_start3A_173, %dma_start3A_174] : memref<16x32x128xf32, #tpu.memory_space<vmem>> -> memref<1x32x128xf32, #tpu.memory_space<vmem>>
      %dma_start3A_176 = tpu.memref_squeeze %dma_start3A_175 : memref<1x32x128xf32, #tpu.memory_space<vmem>> -> memref<32x128xf32, #tpu.memory_space<vmem>>
      %dma_start3A_177 = arith.constant 0 : i32
      %dma_start3A_178 = tpu.memref_slice %arg4[%dma_start3A_177, %multiple_of3A_162] : memref<32x1000000xf32, #tpu.memory_space<hbm>> -> memref<32x128xf32, #tpu.memory_space<hbm>>
      tpu.enqueue_dma source(%dma_start3A_178 : memref<32x128xf32, #tpu.memory_space<hbm>>) target(%dma_start3A_176 : memref<32x128xf32, #tpu.memory_space<vmem>>) target_semaphore(%dma_start3A_172 : memref<!tpu.dma_semaphore, #tpu.memory_space<semaphore_mem>>)
      %slice3A_179 = vector.extract_strided_slice %mul3A_28 {offsets = [8], sizes = [1], strides = [1]} : vector<16xi32> to vector<1xi32>
      %squeeze3A_180 = vector.extract %slice3A_179[0] : i32 from vector<1xi32>
      %multiple_of3A_181 = tpu.assume_multiple %squeeze3A_180, 128 : i32
      %dma_start3A_182 = arith.constant 8 : i32
      %dma_start3A_183 = arith.constant 8 : i32
      %dma_start3A_184 = arith.constant 0 : i32
      %dma_start3A_185 = arith.constant 0 : i32
      %dma_start3A_186 = tpu.memref_slice %arg9[%dma_start3A_182, %dma_start3A_184, %dma_start3A_185] : memref<16x32x128xf32, #tpu.memory_space<vmem>> -> memref<1x32x128xf32, #tpu.memory_space<vmem>>
      %dma_start3A_187 = tpu.memref_squeeze %dma_start3A_186 : memref<1x32x128xf32, #tpu.memory_space<vmem>> -> memref<32x128xf32, #tpu.memory_space<vmem>>
      %dma_start3A_188 = arith.constant 0 : i32
      %dma_start3A_189 = tpu.memref_slice %arg4[%dma_start3A_188, %multiple_of3A_181] : memref<32x1000000xf32, #tpu.memory_space<hbm>> -> memref<32x128xf32, #tpu.memory_space<hbm>>
      %dma_start3A_190 = tpu.memref_slice %arg13[%dma_start3A_183] : memref<16x!tpu.dma_semaphore, #tpu.memory_space<semaphore_mem>> -> memref<1x!tpu.dma_semaphore, #tpu.memory_space<semaphore_mem>>
      %dma_start3A_191 = tpu.memref_squeeze %dma_start3A_190 : memref<1x!tpu.dma_semaphore, #tpu.memory_space<semaphore_mem>> -> memref<!tpu.dma_semaphore, #tpu.memory_space<semaphore_mem>>
      %dma_start3A_192 = arith.constant 0 : i32
      %dma_start3A_193 = arith.constant 0 : i32
      %dma_start3A_194 = tpu.memref_slice %arg9[%dma_start3A_182, %dma_start3A_192, %dma_start3A_193] : memref<16x32x128xf32, #tpu.memory_space<vmem>> -> memref<1x32x128xf32, #tpu.memory_space<vmem>>
      %dma_start3A_195 = tpu.memref_squeeze %dma_start3A_194 : memref<1x32x128xf32, #tpu.memory_space<vmem>> -> memref<32x128xf32, #tpu.memory_space<vmem>>
      %dma_start3A_196 = arith.constant 0 : i32
      %dma_start3A_197 = tpu.memref_slice %arg4[%dma_start3A_196, %multiple_of3A_181] : memref<32x1000000xf32, #tpu.memory_space<hbm>> -> memref<32x128xf32, #tpu.memory_space<hbm>>
      tpu.enqueue_dma source(%dma_start3A_197 : memref<32x128xf32, #tpu.memory_space<hbm>>) target(%dma_start3A_195 : memref<32x128xf32, #tpu.memory_space<vmem>>) target_semaphore(%dma_start3A_191 : memref<!tpu.dma_semaphore, #tpu.memory_space<semaphore_mem>>)
      %slice3A_198 = vector.extract_strided_slice %mul3A_28 {offsets = [9], sizes = [1], strides = [1]} : vector<16xi32> to vector<1xi32>
      %squeeze3A_199 = vector.extract %slice3A_198[0] : i32 from vector<1xi32>
      %multiple_of3A_200 = tpu.assume_multiple %squeeze3A_199, 128 : i32
      %dma_start3A_201 = arith.constant 9 : i32
      %dma_start3A_202 = arith.constant 9 : i32
      %dma_start3A_203 = arith.constant 0 : i32
      %dma_start3A_204 = arith.constant 0 : i32
      %dma_start3A_205 = tpu.memref_slice %arg9[%dma_start3A_201, %dma_start3A_203, %dma_start3A_204] : memref<16x32x128xf32, #tpu.memory_space<vmem>> -> memref<1x32x128xf32, #tpu.memory_space<vmem>>
      %dma_start3A_206 = tpu.memref_squeeze %dma_start3A_205 : memref<1x32x128xf32, #tpu.memory_space<vmem>> -> memref<32x128xf32, #tpu.memory_space<vmem>>
      %dma_start3A_207 = arith.constant 0 : i32
      %dma_start3A_208 = tpu.memref_slice %arg4[%dma_start3A_207, %multiple_of3A_200] : memref<32x1000000xf32, #tpu.memory_space<hbm>> -> memref<32x128xf32, #tpu.memory_space<hbm>>
      %dma_start3A_209 = tpu.memref_slice %arg13[%dma_start3A_202] : memref<16x!tpu.dma_semaphore, #tpu.memory_space<semaphore_mem>> -> memref<1x!tpu.dma_semaphore, #tpu.memory_space<semaphore_mem>>
      %dma_start3A_210 = tpu.memref_squeeze %dma_start3A_209 : memref<1x!tpu.dma_semaphore, #tpu.memory_space<semaphore_mem>> -> memref<!tpu.dma_semaphore, #tpu.memory_space<semaphore_mem>>
      %dma_start3A_211 = arith.constant 0 : i32
      %dma_start3A_212 = arith.constant 0 : i32
      %dma_start3A_213 = tpu.memref_slice %arg9[%dma_start3A_201, %dma_start3A_211, %dma_start3A_212] : memref<16x32x128xf32, #tpu.memory_space<vmem>> -> memref<1x32x128xf32, #tpu.memory_space<vmem>>
      %dma_start3A_214 = tpu.memref_squeeze %dma_start3A_213 : memref<1x32x128xf32, #tpu.memory_space<vmem>> -> memref<32x128xf32, #tpu.memory_space<vmem>>
      %dma_start3A_215 = arith.constant 0 : i32
      %dma_start3A_216 = tpu.memref_slice %arg4[%dma_start3A_215, %multiple_of3A_200] : memref<32x1000000xf32, #tpu.memory_space<hbm>> -> memref<32x128xf32, #tpu.memory_space<hbm>>
      tpu.enqueue_dma source(%dma_start3A_216 : memref<32x128xf32, #tpu.memory_space<hbm>>) target(%dma_start3A_214 : memref<32x128xf32, #tpu.memory_space<vmem>>) target_semaphore(%dma_start3A_210 : memref<!tpu.dma_semaphore, #tpu.memory_space<semaphore_mem>>)
      %slice3A_217 = vector.extract_strided_slice %mul3A_28 {offsets = [10], sizes = [1], strides = [1]} : vector<16xi32> to vector<1xi32>
      %squeeze3A_218 = vector.extract %slice3A_217[0] : i32 from vector<1xi32>
      %multiple_of3A_219 = tpu.assume_multiple %squeeze3A_218, 128 : i32
      %dma_start3A_220 = arith.constant 10 : i32
      %dma_start3A_221 = arith.constant 10 : i32
      %dma_start3A_222 = arith.constant 0 : i32
      %dma_start3A_223 = arith.constant 0 : i32
      %dma_start3A_224 = tpu.memref_slice %arg9[%dma_start3A_220, %dma_start3A_222, %dma_start3A_223] : memref<16x32x128xf32, #tpu.memory_space<vmem>> -> memref<1x32x128xf32, #tpu.memory_space<vmem>>
      %dma_start3A_225 = tpu.memref_squeeze %dma_start3A_224 : memref<1x32x128xf32, #tpu.memory_space<vmem>> -> memref<32x128xf32, #tpu.memory_space<vmem>>
      %dma_start3A_226 = arith.constant 0 : i32
      %dma_start3A_227 = tpu.memref_slice %arg4[%dma_start3A_226, %multiple_of3A_219] : memref<32x1000000xf32, #tpu.memory_space<hbm>> -> memref<32x128xf32, #tpu.memory_space<hbm>>
      %dma_start3A_228 = tpu.memref_slice %arg13[%dma_start3A_221] : memref<16x!tpu.dma_semaphore, #tpu.memory_space<semaphore_mem>> -> memref<1x!tpu.dma_semaphore, #tpu.memory_space<semaphore_mem>>
      %dma_start3A_229 = tpu.memref_squeeze %dma_start3A_228 : memref<1x!tpu.dma_semaphore, #tpu.memory_space<semaphore_mem>> -> memref<!tpu.dma_semaphore, #tpu.memory_space<semaphore_mem>>
      %dma_start3A_230 = arith.constant 0 : i32
      %dma_start3A_231 = arith.constant 0 : i32
      %dma_start3A_232 = tpu.memref_slice %arg9[%dma_start3A_220, %dma_start3A_230, %dma_start3A_231] : memref<16x32x128xf32, #tpu.memory_space<vmem>> -> memref<1x32x128xf32, #tpu.memory_space<vmem>>
      %dma_start3A_233 = tpu.memref_squeeze %dma_start3A_232 : memref<1x32x128xf32, #tpu.memory_space<vmem>> -> memref<32x128xf32, #tpu.memory_space<vmem>>
      %dma_start3A_234 = arith.constant 0 : i32
      %dma_start3A_235 = tpu.memref_slice %arg4[%dma_start3A_234, %multiple_of3A_219] : memref<32x1000000xf32, #tpu.memory_space<hbm>> -> memref<32x128xf32, #tpu.memory_space<hbm>>
      tpu.enqueue_dma source(%dma_start3A_235 : memref<32x128xf32, #tpu.memory_space<hbm>>) target(%dma_start3A_233 : memref<32x128xf32, #tpu.memory_space<vmem>>) target_semaphore(%dma_start3A_229 : memref<!tpu.dma_semaphore, #tpu.memory_space<semaphore_mem>>)
      %slice3A_236 = vector.extract_strided_slice %mul3A_28 {offsets = [11], sizes = [1], strides = [1]} : vector<16xi32> to vector<1xi32>
      %squeeze3A_237 = vector.extract %slice3A_236[0] : i32 from vector<1xi32>
      %multiple_of3A_238 = tpu.assume_multiple %squeeze3A_237, 128 : i32
      %dma_start3A_239 = arith.constant 11 : i32
      %dma_start3A_240 = arith.constant 11 : i32
      %dma_start3A_241 = arith.constant 0 : i32
      %dma_start3A_242 = arith.constant 0 : i32
      %dma_start3A_243 = tpu.memref_slice %arg9[%dma_start3A_239, %dma_start3A_241, %dma_start3A_242] : memref<16x32x128xf32, #tpu.memory_space<vmem>> -> memref<1x32x128xf32, #tpu.memory_space<vmem>>
      %dma_start3A_244 = tpu.memref_squeeze %dma_start3A_243 : memref<1x32x128xf32, #tpu.memory_space<vmem>> -> memref<32x128xf32, #tpu.memory_space<vmem>>
      %dma_start3A_245 = arith.constant 0 : i32
      %dma_start3A_246 = tpu.memref_slice %arg4[%dma_start3A_245, %multiple_of3A_238] : memref<32x1000000xf32, #tpu.memory_space<hbm>> -> memref<32x128xf32, #tpu.memory_space<hbm>>
      %dma_start3A_247 = tpu.memref_slice %arg13[%dma_start3A_240] : memref<16x!tpu.dma_semaphore, #tpu.memory_space<semaphore_mem>> -> memref<1x!tpu.dma_semaphore, #tpu.memory_space<semaphore_mem>>
      %dma_start3A_248 = tpu.memref_squeeze %dma_start3A_247 : memref<1x!tpu.dma_semaphore, #tpu.memory_space<semaphore_mem>> -> memref<!tpu.dma_semaphore, #tpu.memory_space<semaphore_mem>>
      %dma_start3A_249 = arith.constant 0 : i32
      %dma_start3A_250 = arith.constant 0 : i32
      %dma_start3A_251 = tpu.memref_slice %arg9[%dma_start3A_239, %dma_start3A_249, %dma_start3A_250] : memref<16x32x128xf32, #tpu.memory_space<vmem>> -> memref<1x32x128xf32, #tpu.memory_space<vmem>>
      %dma_start3A_252 = tpu.memref_squeeze %dma_start3A_251 : memref<1x32x128xf32, #tpu.memory_space<vmem>> -> memref<32x128xf32, #tpu.memory_space<vmem>>
      %dma_start3A_253 = arith.constant 0 : i32
      %dma_start3A_254 = tpu.memref_slice %arg4[%dma_start3A_253, %multiple_of3A_238] : memref<32x1000000xf32, #tpu.memory_space<hbm>> -> memref<32x128xf32, #tpu.memory_space<hbm>>
      tpu.enqueue_dma source(%dma_start3A_254 : memref<32x128xf32, #tpu.memory_space<hbm>>) target(%dma_start3A_252 : memref<32x128xf32, #tpu.memory_space<vmem>>) target_semaphore(%dma_start3A_248 : memref<!tpu.dma_semaphore, #tpu.memory_space<semaphore_mem>>)
      %slice3A_255 = vector.extract_strided_slice %mul3A_28 {offsets = [12], sizes = [1], strides = [1]} : vector<16xi32> to vector<1xi32>
      %squeeze3A_256 = vector.extract %slice3A_255[0] : i32 from vector<1xi32>
      %multiple_of3A_257 = tpu.assume_multiple %squeeze3A_256, 128 : i32
      %dma_start3A_258 = arith.constant 12 : i32
      %dma_start3A_259 = arith.constant 12 : i32
      %dma_start3A_260 = arith.constant 0 : i32
      %dma_start3A_261 = arith.constant 0 : i32
      %dma_start3A_262 = tpu.memref_slice %arg9[%dma_start3A_258, %dma_start3A_260, %dma_start3A_261] : memref<16x32x128xf32, #tpu.memory_space<vmem>> -> memref<1x32x128xf32, #tpu.memory_space<vmem>>
      %dma_start3A_263 = tpu.memref_squeeze %dma_start3A_262 : memref<1x32x128xf32, #tpu.memory_space<vmem>> -> memref<32x128xf32, #tpu.memory_space<vmem>>
      %dma_start3A_264 = arith.constant 0 : i32
      %dma_start3A_265 = tpu.memref_slice %arg4[%dma_start3A_264, %multiple_of3A_257] : memref<32x1000000xf32, #tpu.memory_space<hbm>> -> memref<32x128xf32, #tpu.memory_space<hbm>>
      %dma_start3A_266 = tpu.memref_slice %arg13[%dma_start3A_259] : memref<16x!tpu.dma_semaphore, #tpu.memory_space<semaphore_mem>> -> memref<1x!tpu.dma_semaphore, #tpu.memory_space<semaphore_mem>>
      %dma_start3A_267 = tpu.memref_squeeze %dma_start3A_266 : memref<1x!tpu.dma_semaphore, #tpu.memory_space<semaphore_mem>> -> memref<!tpu.dma_semaphore, #tpu.memory_space<semaphore_mem>>
      %dma_start3A_268 = arith.constant 0 : i32
      %dma_start3A_269 = arith.constant 0 : i32
      %dma_start3A_270 = tpu.memref_slice %arg9[%dma_start3A_258, %dma_start3A_268, %dma_start3A_269] : memref<16x32x128xf32, #tpu.memory_space<vmem>> -> memref<1x32x128xf32, #tpu.memory_space<vmem>>
      %dma_start3A_271 = tpu.memref_squeeze %dma_start3A_270 : memref<1x32x128xf32, #tpu.memory_space<vmem>> -> memref<32x128xf32, #tpu.memory_space<vmem>>
      %dma_start3A_272 = arith.constant 0 : i32
      %dma_start3A_273 = tpu.memref_slice %arg4[%dma_start3A_272, %multiple_of3A_257] : memref<32x1000000xf32, #tpu.memory_space<hbm>> -> memref<32x128xf32, #tpu.memory_space<hbm>>
      tpu.enqueue_dma source(%dma_start3A_273 : memref<32x128xf32, #tpu.memory_space<hbm>>) target(%dma_start3A_271 : memref<32x128xf32, #tpu.memory_space<vmem>>) target_semaphore(%dma_start3A_267 : memref<!tpu.dma_semaphore, #tpu.memory_space<semaphore_mem>>)
      %slice3A_274 = vector.extract_strided_slice %mul3A_28 {offsets = [13], sizes = [1], strides = [1]} : vector<16xi32> to vector<1xi32>
      %squeeze3A_275 = vector.extract %slice3A_274[0] : i32 from vector<1xi32>
      %multiple_of3A_276 = tpu.assume_multiple %squeeze3A_275, 128 : i32
      %dma_start3A_277 = arith.constant 13 : i32
      %dma_start3A_278 = arith.constant 13 : i32
      %dma_start3A_279 = arith.constant 0 : i32
      %dma_start3A_280 = arith.constant 0 : i32
      %dma_start3A_281 = tpu.memref_slice %arg9[%dma_start3A_277, %dma_start3A_279, %dma_start3A_280] : memref<16x32x128xf32, #tpu.memory_space<vmem>> -> memref<1x32x128xf32, #tpu.memory_space<vmem>>
      %dma_start3A_282 = tpu.memref_squeeze %dma_start3A_281 : memref<1x32x128xf32, #tpu.memory_space<vmem>> -> memref<32x128xf32, #tpu.memory_space<vmem>>
      %dma_start3A_283 = arith.constant 0 : i32
      %dma_start3A_284 = tpu.memref_slice %arg4[%dma_start3A_283, %multiple_of3A_276] : memref<32x1000000xf32, #tpu.memory_space<hbm>> -> memref<32x128xf32, #tpu.memory_space<hbm>>
      %dma_start3A_285 = tpu.memref_slice %arg13[%dma_start3A_278] : memref<16x!tpu.dma_semaphore, #tpu.memory_space<semaphore_mem>> -> memref<1x!tpu.dma_semaphore, #tpu.memory_space<semaphore_mem>>
      %dma_start3A_286 = tpu.memref_squeeze %dma_start3A_285 : memref<1x!tpu.dma_semaphore, #tpu.memory_space<semaphore_mem>> -> memref<!tpu.dma_semaphore, #tpu.memory_space<semaphore_mem>>
      %dma_start3A_287 = arith.constant 0 : i32
      %dma_start3A_288 = arith.constant 0 : i32
      %dma_start3A_289 = tpu.memref_slice %arg9[%dma_start3A_277, %dma_start3A_287, %dma_start3A_288] : memref<16x32x128xf32, #tpu.memory_space<vmem>> -> memref<1x32x128xf32, #tpu.memory_space<vmem>>
      %dma_start3A_290 = tpu.memref_squeeze %dma_start3A_289 : memref<1x32x128xf32, #tpu.memory_space<vmem>> -> memref<32x128xf32, #tpu.memory_space<vmem>>
      %dma_start3A_291 = arith.constant 0 : i32
      %dma_start3A_292 = tpu.memref_slice %arg4[%dma_start3A_291, %multiple_of3A_276] : memref<32x1000000xf32, #tpu.memory_space<hbm>> -> memref<32x128xf32, #tpu.memory_space<hbm>>
      tpu.enqueue_dma source(%dma_start3A_292 : memref<32x128xf32, #tpu.memory_space<hbm>>) target(%dma_start3A_290 : memref<32x128xf32, #tpu.memory_space<vmem>>) target_semaphore(%dma_start3A_286 : memref<!tpu.dma_semaphore, #tpu.memory_space<semaphore_mem>>)
      %slice3A_293 = vector.extract_strided_slice %mul3A_28 {offsets = [14], sizes = [1], strides = [1]} : vector<16xi32> to vector<1xi32>
      %squeeze3A_294 = vector.extract %slice3A_293[0] : i32 from vector<1xi32>
      %multiple_of3A_295 = tpu.assume_multiple %squeeze3A_294, 128 : i32
      %dma_start3A_296 = arith.constant 14 : i32
      %dma_start3A_297 = arith.constant 14 : i32
      %dma_start3A_298 = arith.constant 0 : i32
      %dma_start3A_299 = arith.constant 0 : i32
      %dma_start3A_300 = tpu.memref_slice %arg9[%dma_start3A_296, %dma_start3A_298, %dma_start3A_299] : memref<16x32x128xf32, #tpu.memory_space<vmem>> -> memref<1x32x128xf32, #tpu.memory_space<vmem>>
      %dma_start3A_301 = tpu.memref_squeeze %dma_start3A_300 : memref<1x32x128xf32, #tpu.memory_space<vmem>> -> memref<32x128xf32, #tpu.memory_space<vmem>>
      %dma_start3A_302 = arith.constant 0 : i32
      %dma_start3A_303 = tpu.memref_slice %arg4[%dma_start3A_302, %multiple_of3A_295] : memref<32x1000000xf32, #tpu.memory_space<hbm>> -> memref<32x128xf32, #tpu.memory_space<hbm>>
      %dma_start3A_304 = tpu.memref_slice %arg13[%dma_start3A_297] : memref<16x!tpu.dma_semaphore, #tpu.memory_space<semaphore_mem>> -> memref<1x!tpu.dma_semaphore, #tpu.memory_space<semaphore_mem>>
      %dma_start3A_305 = tpu.memref_squeeze %dma_start3A_304 : memref<1x!tpu.dma_semaphore, #tpu.memory_space<semaphore_mem>> -> memref<!tpu.dma_semaphore, #tpu.memory_space<semaphore_mem>>
      %dma_start3A_306 = arith.constant 0 : i32
      %dma_start3A_307 = arith.constant 0 : i32
      %dma_start3A_308 = tpu.memref_slice %arg9[%dma_start3A_296, %dma_start3A_306, %dma_start3A_307] : memref<16x32x128xf32, #tpu.memory_space<vmem>> -> memref<1x32x128xf32, #tpu.memory_space<vmem>>
      %dma_start3A_309 = tpu.memref_squeeze %dma_start3A_308 : memref<1x32x128xf32, #tpu.memory_space<vmem>> -> memref<32x128xf32, #tpu.memory_space<vmem>>
      %dma_start3A_310 = arith.constant 0 : i32
      %dma_start3A_311 = tpu.memref_slice %arg4[%dma_start3A_310, %multiple_of3A_295] : memref<32x1000000xf32, #tpu.memory_space<hbm>> -> memref<32x128xf32, #tpu.memory_space<hbm>>
      tpu.enqueue_dma source(%dma_start3A_311 : memref<32x128xf32, #tpu.memory_space<hbm>>) target(%dma_start3A_309 : memref<32x128xf32, #tpu.memory_space<vmem>>) target_semaphore(%dma_start3A_305 : memref<!tpu.dma_semaphore, #tpu.memory_space<semaphore_mem>>)
      %slice3A_312 = vector.extract_strided_slice %mul3A_28 {offsets = [15], sizes = [1], strides = [1]} : vector<16xi32> to vector<1xi32>
      %squeeze3A_313 = vector.extract %slice3A_312[0] : i32 from vector<1xi32>
      %multiple_of3A_314 = tpu.assume_multiple %squeeze3A_313, 128 : i32
      %dma_start3A_315 = arith.constant 15 : i32
      %dma_start3A_316 = arith.constant 15 : i32
      %dma_start3A_317 = arith.constant 0 : i32
      %dma_start3A_318 = arith.constant 0 : i32
      %dma_start3A_319 = tpu.memref_slice %arg9[%dma_start3A_315, %dma_start3A_317, %dma_start3A_318] : memref<16x32x128xf32, #tpu.memory_space<vmem>> -> memref<1x32x128xf32, #tpu.memory_space<vmem>>
      %dma_start3A_320 = tpu.memref_squeeze %dma_start3A_319 : memref<1x32x128xf32, #tpu.memory_space<vmem>> -> memref<32x128xf32, #tpu.memory_space<vmem>>
      %dma_start3A_321 = arith.constant 0 : i32
      %dma_start3A_322 = tpu.memref_slice %arg4[%dma_start3A_321, %multiple_of3A_314] : memref<32x1000000xf32, #tpu.memory_space<hbm>> -> memref<32x128xf32, #tpu.memory_space<hbm>>
      %dma_start3A_323 = tpu.memref_slice %arg13[%dma_start3A_316] : memref<16x!tpu.dma_semaphore, #tpu.memory_space<semaphore_mem>> -> memref<1x!tpu.dma_semaphore, #tpu.memory_space<semaphore_mem>>
      %dma_start3A_324 = tpu.memref_squeeze %dma_start3A_323 : memref<1x!tpu.dma_semaphore, #tpu.memory_space<semaphore_mem>> -> memref<!tpu.dma_semaphore, #tpu.memory_space<semaphore_mem>>
      %dma_start3A_325 = arith.constant 0 : i32
      %dma_start3A_326 = arith.constant 0 : i32
      %dma_start3A_327 = tpu.memref_slice %arg9[%dma_start3A_315, %dma_start3A_325, %dma_start3A_326] : memref<16x32x128xf32, #tpu.memory_space<vmem>> -> memref<1x32x128xf32, #tpu.memory_space<vmem>>
      %dma_start3A_328 = tpu.memref_squeeze %dma_start3A_327 : memref<1x32x128xf32, #tpu.memory_space<vmem>> -> memref<32x128xf32, #tpu.memory_space<vmem>>
      %dma_start3A_329 = arith.constant 0 : i32
      %dma_start3A_330 = tpu.memref_slice %arg4[%dma_start3A_329, %multiple_of3A_314] : memref<32x1000000xf32, #tpu.memory_space<hbm>> -> memref<32x128xf32, #tpu.memory_space<hbm>>
      tpu.enqueue_dma source(%dma_start3A_330 : memref<32x128xf32, #tpu.memory_space<hbm>>) target(%dma_start3A_328 : memref<32x128xf32, #tpu.memory_space<vmem>>) target_semaphore(%dma_start3A_324 : memref<!tpu.dma_semaphore, #tpu.memory_space<semaphore_mem>>)
      %mul3A_331 = arith.constant 16 : i32
      %mul3A_332 = arith.muli %scan3A_20, %mul3A_331 : i32
      %add3A_333 = vector.broadcast %mul3A_332 : i32 to vector<16xi32>
      %add3A_334 = arith.addi %iota3A, %add3A_333 : vector<16xi32>
      %dma_wait3A = arith.constant 0 : i32
      %dma_wait3A_335 = arith.constant 0 : i32
      %dma_wait3A_336 = arith.constant 0 : i32
      %dma_wait3A_337 = arith.constant 0 : i32
      %dma_wait3A_338 = tpu.memref_slice %arg9[%dma_wait3A, %dma_wait3A_336, %dma_wait3A_337] : memref<16x32x128xf32, #tpu.memory_space<vmem>> -> memref<1x32x128xf32, #tpu.memory_space<vmem>>
      %dma_wait3A_339 = tpu.memref_squeeze %dma_wait3A_338 : memref<1x32x128xf32, #tpu.memory_space<vmem>> -> memref<32x128xf32, #tpu.memory_space<vmem>>
      %dma_wait3A_340 = arith.constant 0 : i32
      %dma_wait3A_341 = arith.constant 0 : i32
      %dma_wait3A_342 = tpu.memref_slice %arg4[%dma_wait3A_340, %dma_wait3A_341] : memref<32x1000000xf32, #tpu.memory_space<hbm>> -> memref<32x128xf32, #tpu.memory_space<hbm>>
      %dma_wait3A_343 = tpu.memref_slice %arg13[%dma_wait3A_335] : memref<16x!tpu.dma_semaphore, #tpu.memory_space<semaphore_mem>> -> memref<1x!tpu.dma_semaphore, #tpu.memory_space<semaphore_mem>>
      %dma_wait3A_344 = tpu.memref_squeeze %dma_wait3A_343 : memref<1x!tpu.dma_semaphore, #tpu.memory_space<semaphore_mem>> -> memref<!tpu.dma_semaphore, #tpu.memory_space<semaphore_mem>>
      %dma_wait3A_345 = arith.constant 0 : i32
      %dma_wait3A_346 = arith.constant 0 : i32
      %dma_wait3A_347 = tpu.memref_slice %arg9[%dma_wait3A, %dma_wait3A_345, %dma_wait3A_346] : memref<16x32x128xf32, #tpu.memory_space<vmem>> -> memref<1x32x128xf32, #tpu.memory_space<vmem>>
      %dma_wait3A_348 = tpu.memref_squeeze %dma_wait3A_347 : memref<1x32x128xf32, #tpu.memory_space<vmem>> -> memref<32x128xf32, #tpu.memory_space<vmem>>
      %dma_wait3A_349 = arith.constant 0 : i32
      %dma_wait3A_350 = arith.constant 0 : i32
      %dma_wait3A_351 = tpu.memref_slice %arg4[%dma_wait3A_349, %dma_wait3A_350] : memref<32x1000000xf32, #tpu.memory_space<hbm>> -> memref<32x128xf32, #tpu.memory_space<hbm>>
      tpu.wait_dma2 semaphore(%dma_wait3A_344 : memref<!tpu.dma_semaphore, #tpu.memory_space<semaphore_mem>>) src(%dma_wait3A_351 : memref<32x128xf32, #tpu.memory_space<hbm>>) dst(%dma_wait3A_348 : memref<32x128xf32, #tpu.memory_space<vmem>>)
      %slice3A_352 = vector.extract_strided_slice %and3A_30 {offsets = [0], sizes = [1], strides = [1]} : vector<16xi32> to vector<1xi32>
      %squeeze3A_353 = vector.extract %slice3A_352[0] : i32 from vector<1xi32>
      %broadcast_in_dim3A = vector.broadcast %squeeze3A_353 : i32 to vector<16xi32>
      %slice3A_354 = vector.extract_strided_slice %add3A_334 {offsets = [0], sizes = [1], strides = [1]} : vector<16xi32> to vector<1xi32>
      %squeeze3A_355 = vector.extract %slice3A_354[0] : i32 from vector<1xi32>
      %broadcast_in_dim3A_356 = vector.broadcast %squeeze3A_355 : i32 to vector<16xi32>
      %add3A_357 = arith.constant 0 : i32
      %add3A_358 = vector.broadcast %add3A_357 : i32 to vector<16xi32>
      %add3A_359 = arith.addi %iota3A, %add3A_358 : vector<16xi32>
      %gather3A = arith.constant 0 : i32
      %gather3A_360 = arith.constant 0 : i32
      %gather3A_361 = arith.constant 0 : i32
      %gather3A_362 = tpu.memref_slice %arg9[%gather3A, %gather3A_360, %gather3A_361] : memref<16x32x128xf32, #tpu.memory_space<vmem>> -> memref<1x32x128xf32, #tpu.memory_space<vmem>>
      %gather3A_363 = tpu.memref_squeeze %gather3A_362 : memref<1x32x128xf32, #tpu.memory_space<vmem>> -> memref<32x128xf32, #tpu.memory_space<vmem>>
      %gather3A_364 = tpu.vector_load_idx %gather3A_363[%add3A_359, %broadcast_in_dim3A] : memref<32x128xf32, #tpu.memory_space<vmem>>[vector<16xi32>, vector<16xi32>], vector<16xf32>,
      tpu.vector_store_idx %arg10[%add3A_359, %broadcast_in_dim3A_356], %gather3A_364 : memref<32x512xf32, #tpu.memory_space<vmem>>[vector<16xi32>, vector<16xi32>], vector<16xf32>,
      %add3A_365 = arith.constant 16 : i32
      %add3A_366 = vector.broadcast %add3A_365 : i32 to vector<16xi32>
      %add3A_367 = arith.addi %iota3A, %add3A_366 : vector<16xi32>
      %gather3A_368 = arith.constant 0 : i32
      %gather3A_369 = arith.constant 0 : i32
      %gather3A_370 = arith.constant 0 : i32
      %gather3A_371 = tpu.memref_slice %arg9[%gather3A_368, %gather3A_369, %gather3A_370] : memref<16x32x128xf32, #tpu.memory_space<vmem>> -> memref<1x32x128xf32, #tpu.memory_space<vmem>>
      %gather3A_372 = tpu.memref_squeeze %gather3A_371 : memref<1x32x128xf32, #tpu.memory_space<vmem>> -> memref<32x128xf32, #tpu.memory_space<vmem>>
      %gather3A_373 = tpu.vector_load_idx %gather3A_372[%add3A_367, %broadcast_in_dim3A] : memref<32x128xf32, #tpu.memory_space<vmem>>[vector<16xi32>, vector<16xi32>], vector<16xf32>,
      tpu.vector_store_idx %arg10[%add3A_367, %broadcast_in_dim3A_356], %gather3A_373 : memref<32x512xf32, #tpu.memory_space<vmem>>[vector<16xi32>, vector<16xi32>], vector<16xf32>,
      %dma_wait3A_374 = arith.constant 1 : i32
      %dma_wait3A_375 = arith.constant 1 : i32
      %dma_wait3A_376 = arith.constant 0 : i32
      %dma_wait3A_377 = arith.constant 0 : i32
      %dma_wait3A_378 = tpu.memref_slice %arg9[%dma_wait3A_374, %dma_wait3A_376, %dma_wait3A_377] : memref<16x32x128xf32, #tpu.memory_space<vmem>> -> memref<1x32x128xf32, #tpu.memory_space<vmem>>
      %dma_wait3A_379 = tpu.memref_squeeze %dma_wait3A_378 : memref<1x32x128xf32, #tpu.memory_space<vmem>> -> memref<32x128xf32, #tpu.memory_space<vmem>>
      %dma_wait3A_380 = arith.constant 0 : i32
      %dma_wait3A_381 = arith.constant 0 : i32
      %dma_wait3A_382 = tpu.memref_slice %arg4[%dma_wait3A_380, %dma_wait3A_381] : memref<32x1000000xf32, #tpu.memory_space<hbm>> -> memref<32x128xf32, #tpu.memory_space<hbm>>
      %dma_wait3A_383 = tpu.memref_slice %arg13[%dma_wait3A_375] : memref<16x!tpu.dma_semaphore, #tpu.memory_space<semaphore_mem>> -> memref<1x!tpu.dma_semaphore, #tpu.memory_space<semaphore_mem>>
      %dma_wait3A_384 = tpu.memref_squeeze %dma_wait3A_383 : memref<1x!tpu.dma_semaphore, #tpu.memory_space<semaphore_mem>> -> memref<!tpu.dma_semaphore, #tpu.memory_space<semaphore_mem>>
      %dma_wait3A_385 = arith.constant 0 : i32
      %dma_wait3A_386 = arith.constant 0 : i32
      %dma_wait3A_387 = tpu.memref_slice %arg9[%dma_wait3A_374, %dma_wait3A_385, %dma_wait3A_386] : memref<16x32x128xf32, #tpu.memory_space<vmem>> -> memref<1x32x128xf32, #tpu.memory_space<vmem>>
      %dma_wait3A_388 = tpu.memref_squeeze %dma_wait3A_387 : memref<1x32x128xf32, #tpu.memory_space<vmem>> -> memref<32x128xf32, #tpu.memory_space<vmem>>
      %dma_wait3A_389 = arith.constant 0 : i32
      %dma_wait3A_390 = arith.constant 0 : i32
      %dma_wait3A_391 = tpu.memref_slice %arg4[%dma_wait3A_389, %dma_wait3A_390] : memref<32x1000000xf32, #tpu.memory_space<hbm>> -> memref<32x128xf32, #tpu.memory_space<hbm>>
      tpu.wait_dma2 semaphore(%dma_wait3A_384 : memref<!tpu.dma_semaphore, #tpu.memory_space<semaphore_mem>>) src(%dma_wait3A_391 : memref<32x128xf32, #tpu.memory_space<hbm>>) dst(%dma_wait3A_388 : memref<32x128xf32, #tpu.memory_space<vmem>>)
      %slice3A_392 = vector.extract_strided_slice %and3A_30 {offsets = [1], sizes = [1], strides = [1]} : vector<16xi32> to vector<1xi32>
      %squeeze3A_393 = vector.extract %slice3A_392[0] : i32 from vector<1xi32>
      %broadcast_in_dim3A_394 = vector.broadcast %squeeze3A_393 : i32 to vector<16xi32>
      %slice3A_395 = vector.extract_strided_slice %add3A_334 {offsets = [1], sizes = [1], strides = [1]} : vector<16xi32> to vector<1xi32>
      %squeeze3A_396 = vector.extract %slice3A_395[0] : i32 from vector<1xi32>
      %broadcast_in_dim3A_397 = vector.broadcast %squeeze3A_396 : i32 to vector<16xi32>
      %add3A_398 = arith.constant 0 : i32
      %add3A_399 = vector.broadcast %add3A_398 : i32 to vector<16xi32>
      %add3A_400 = arith.addi %iota3A, %add3A_399 : vector<16xi32>
      %gather3A_401 = arith.constant 1 : i32
      %gather3A_402 = arith.constant 0 : i32
      %gather3A_403 = arith.constant 0 : i32
      %gather3A_404 = tpu.memref_slice %arg9[%gather3A_401, %gather3A_402, %gather3A_403] : memref<16x32x128xf32, #tpu.memory_space<vmem>> -> memref<1x32x128xf32, #tpu.memory_space<vmem>>
      %gather3A_405 = tpu.memref_squeeze %gather3A_404 : memref<1x32x128xf32, #tpu.memory_space<vmem>> -> memref<32x128xf32, #tpu.memory_space<vmem>>
      %gather3A_406 = tpu.vector_load_idx %gather3A_405[%add3A_400, %broadcast_in_dim3A_394] : memref<32x128xf32, #tpu.memory_space<vmem>>[vector<16xi32>, vector<16xi32>], vector<16xf32>,
      tpu.vector_store_idx %arg10[%add3A_400, %broadcast_in_dim3A_397], %gather3A_406 : memref<32x512xf32, #tpu.memory_space<vmem>>[vector<16xi32>, vector<16xi32>], vector<16xf32>,
      %add3A_407 = arith.constant 16 : i32
      %add3A_408 = vector.broadcast %add3A_407 : i32 to vector<16xi32>
      %add3A_409 = arith.addi %iota3A, %add3A_408 : vector<16xi32>
      %gather3A_410 = arith.constant 1 : i32
      %gather3A_411 = arith.constant 0 : i32
      %gather3A_412 = arith.constant 0 : i32
      %gather3A_413 = tpu.memref_slice %arg9[%gather3A_410, %gather3A_411, %gather3A_412] : memref<16x32x128xf32, #tpu.memory_space<vmem>> -> memref<1x32x128xf32, #tpu.memory_space<vmem>>
      %gather3A_414 = tpu.memref_squeeze %gather3A_413 : memref<1x32x128xf32, #tpu.memory_space<vmem>> -> memref<32x128xf32, #tpu.memory_space<vmem>>
      %gather3A_415 = tpu.vector_load_idx %gather3A_414[%add3A_409, %broadcast_in_dim3A_394] : memref<32x128xf32, #tpu.memory_space<vmem>>[vector<16xi32>, vector<16xi32>], vector<16xf32>,
      tpu.vector_store_idx %arg10[%add3A_409, %broadcast_in_dim3A_397], %gather3A_415 : memref<32x512xf32, #tpu.memory_space<vmem>>[vector<16xi32>, vector<16xi32>], vector<16xf32>,
      %dma_wait3A_416 = arith.constant 2 : i32
      %dma_wait3A_417 = arith.constant 2 : i32
      %dma_wait3A_418 = arith.constant 0 : i32
      %dma_wait3A_419 = arith.constant 0 : i32
      %dma_wait3A_420 = tpu.memref_slice %arg9[%dma_wait3A_416, %dma_wait3A_418, %dma_wait3A_419] : memref<16x32x128xf32, #tpu.memory_space<vmem>> -> memref<1x32x128xf32, #tpu.memory_space<vmem>>
      %dma_wait3A_421 = tpu.memref_squeeze %dma_wait3A_420 : memref<1x32x128xf32, #tpu.memory_space<vmem>> -> memref<32x128xf32, #tpu.memory_space<vmem>>
      %dma_wait3A_422 = arith.constant 0 : i32
      %dma_wait3A_423 = arith.constant 0 : i32
      %dma_wait3A_424 = tpu.memref_slice %arg4[%dma_wait3A_422, %dma_wait3A_423] : memref<32x1000000xf32, #tpu.memory_space<hbm>> -> memref<32x128xf32, #tpu.memory_space<hbm>>
      %dma_wait3A_425 = tpu.memref_slice %arg13[%dma_wait3A_417] : memref<16x!tpu.dma_semaphore, #tpu.memory_space<semaphore_mem>> -> memref<1x!tpu.dma_semaphore, #tpu.memory_space<semaphore_mem>>
      %dma_wait3A_426 = tpu.memref_squeeze %dma_wait3A_425 : memref<1x!tpu.dma_semaphore, #tpu.memory_space<semaphore_mem>> -> memref<!tpu.dma_semaphore, #tpu.memory_space<semaphore_mem>>
      %dma_wait3A_427 = arith.constant 0 : i32
      %dma_wait3A_428 = arith.constant 0 : i32
      %dma_wait3A_429 = tpu.memref_slice %arg9[%dma_wait3A_416, %dma_wait3A_427, %dma_wait3A_428] : memref<16x32x128xf32, #tpu.memory_space<vmem>> -> memref<1x32x128xf32, #tpu.memory_space<vmem>>
      %dma_wait3A_430 = tpu.memref_squeeze %dma_wait3A_429 : memref<1x32x128xf32, #tpu.memory_space<vmem>> -> memref<32x128xf32, #tpu.memory_space<vmem>>
      %dma_wait3A_431 = arith.constant 0 : i32
      %dma_wait3A_432 = arith.constant 0 : i32
      %dma_wait3A_433 = tpu.memref_slice %arg4[%dma_wait3A_431, %dma_wait3A_432] : memref<32x1000000xf32, #tpu.memory_space<hbm>> -> memref<32x128xf32, #tpu.memory_space<hbm>>
      tpu.wait_dma2 semaphore(%dma_wait3A_426 : memref<!tpu.dma_semaphore, #tpu.memory_space<semaphore_mem>>) src(%dma_wait3A_433 : memref<32x128xf32, #tpu.memory_space<hbm>>) dst(%dma_wait3A_430 : memref<32x128xf32, #tpu.memory_space<vmem>>)
      %slice3A_434 = vector.extract_strided_slice %and3A_30 {offsets = [2], sizes = [1], strides = [1]} : vector<16xi32> to vector<1xi32>
      %squeeze3A_435 = vector.extract %slice3A_434[0] : i32 from vector<1xi32>
      %broadcast_in_dim3A_436 = vector.broadcast %squeeze3A_435 : i32 to vector<16xi32>
      %slice3A_437 = vector.extract_strided_slice %add3A_334 {offsets = [2], sizes = [1], strides = [1]} : vector<16xi32> to vector<1xi32>
      %squeeze3A_438 = vector.extract %slice3A_437[0] : i32 from vector<1xi32>
      %broadcast_in_dim3A_439 = vector.broadcast %squeeze3A_438 : i32 to vector<16xi32>
      %add3A_440 = arith.constant 0 : i32
      %add3A_441 = vector.broadcast %add3A_440 : i32 to vector<16xi32>
      %add3A_442 = arith.addi %iota3A, %add3A_441 : vector<16xi32>
      %gather3A_443 = arith.constant 2 : i32
      %gather3A_444 = arith.constant 0 : i32
      %gather3A_445 = arith.constant 0 : i32
      %gather3A_446 = tpu.memref_slice %arg9[%gather3A_443, %gather3A_444, %gather3A_445] : memref<16x32x128xf32, #tpu.memory_space<vmem>> -> memref<1x32x128xf32, #tpu.memory_space<vmem>>
      %gather3A_447 = tpu.memref_squeeze %gather3A_446 : memref<1x32x128xf32, #tpu.memory_space<vmem>> -> memref<32x128xf32, #tpu.memory_space<vmem>>
      %gather3A_448 = tpu.vector_load_idx %gather3A_447[%add3A_442, %broadcast_in_dim3A_436] : memref<32x128xf32, #tpu.memory_space<vmem>>[vector<16xi32>, vector<16xi32>], vector<16xf32>,
      tpu.vector_store_idx %arg10[%add3A_442, %broadcast_in_dim3A_439], %gather3A_448 : memref<32x512xf32, #tpu.memory_space<vmem>>[vector<16xi32>, vector<16xi32>], vector<16xf32>,
      %add3A_449 = arith.constant 16 : i32
      %add3A_450 = vector.broadcast %add3A_449 : i32 to vector<16xi32>
      %add3A_451 = arith.addi %iota3A, %add3A_450 : vector<16xi32>
      %gather3A_452 = arith.constant 2 : i32
      %gather3A_453 = arith.constant 0 : i32
      %gather3A_454 = arith.constant 0 : i32
      %gather3A_455 = tpu.memref_slice %arg9[%gather3A_452, %gather3A_453, %gather3A_454] : memref<16x32x128xf32, #tpu.memory_space<vmem>> -> memref<1x32x128xf32, #tpu.memory_space<vmem>>
      %gather3A_456 = tpu.memref_squeeze %gather3A_455 : memref<1x32x128xf32, #tpu.memory_space<vmem>> -> memref<32x128xf32, #tpu.memory_space<vmem>>
      %gather3A_457 = tpu.vector_load_idx %gather3A_456[%add3A_451, %broadcast_in_dim3A_436] : memref<32x128xf32, #tpu.memory_space<vmem>>[vector<16xi32>, vector<16xi32>], vector<16xf32>,
      tpu.vector_store_idx %arg10[%add3A_451, %broadcast_in_dim3A_439], %gather3A_457 : memref<32x512xf32, #tpu.memory_space<vmem>>[vector<16xi32>, vector<16xi32>], vector<16xf32>,
      %dma_wait3A_458 = arith.constant 3 : i32
      %dma_wait3A_459 = arith.constant 3 : i32
      %dma_wait3A_460 = arith.constant 0 : i32
      %dma_wait3A_461 = arith.constant 0 : i32
      %dma_wait3A_462 = tpu.memref_slice %arg9[%dma_wait3A_458, %dma_wait3A_460, %dma_wait3A_461] : memref<16x32x128xf32, #tpu.memory_space<vmem>> -> memref<1x32x128xf32, #tpu.memory_space<vmem>>
      %dma_wait3A_463 = tpu.memref_squeeze %dma_wait3A_462 : memref<1x32x128xf32, #tpu.memory_space<vmem>> -> memref<32x128xf32, #tpu.memory_space<vmem>>
      %dma_wait3A_464 = arith.constant 0 : i32
      %dma_wait3A_465 = arith.constant 0 : i32
      %dma_wait3A_466 = tpu.memref_slice %arg4[%dma_wait3A_464, %dma_wait3A_465] : memref<32x1000000xf32, #tpu.memory_space<hbm>> -> memref<32x128xf32, #tpu.memory_space<hbm>>
      %dma_wait3A_467 = tpu.memref_slice %arg13[%dma_wait3A_459] : memref<16x!tpu.dma_semaphore, #tpu.memory_space<semaphore_mem>> -> memref<1x!tpu.dma_semaphore, #tpu.memory_space<semaphore_mem>>
      %dma_wait3A_468 = tpu.memref_squeeze %dma_wait3A_467 : memref<1x!tpu.dma_semaphore, #tpu.memory_space<semaphore_mem>> -> memref<!tpu.dma_semaphore, #tpu.memory_space<semaphore_mem>>
      %dma_wait3A_469 = arith.constant 0 : i32
      %dma_wait3A_470 = arith.constant 0 : i32
      %dma_wait3A_471 = tpu.memref_slice %arg9[%dma_wait3A_458, %dma_wait3A_469, %dma_wait3A_470] : memref<16x32x128xf32, #tpu.memory_space<vmem>> -> memref<1x32x128xf32, #tpu.memory_space<vmem>>
      %dma_wait3A_472 = tpu.memref_squeeze %dma_wait3A_471 : memref<1x32x128xf32, #tpu.memory_space<vmem>> -> memref<32x128xf32, #tpu.memory_space<vmem>>
      %dma_wait3A_473 = arith.constant 0 : i32
      %dma_wait3A_474 = arith.constant 0 : i32
      %dma_wait3A_475 = tpu.memref_slice %arg4[%dma_wait3A_473, %dma_wait3A_474] : memref<32x1000000xf32, #tpu.memory_space<hbm>> -> memref<32x128xf32, #tpu.memory_space<hbm>>
      tpu.wait_dma2 semaphore(%dma_wait3A_468 : memref<!tpu.dma_semaphore, #tpu.memory_space<semaphore_mem>>) src(%dma_wait3A_475 : memref<32x128xf32, #tpu.memory_space<hbm>>) dst(%dma_wait3A_472 : memref<32x128xf32, #tpu.memory_space<vmem>>)
      %slice3A_476 = vector.extract_strided_slice %and3A_30 {offsets = [3], sizes = [1], strides = [1]} : vector<16xi32> to vector<1xi32>
      %squeeze3A_477 = vector.extract %slice3A_476[0] : i32 from vector<1xi32>
      %broadcast_in_dim3A_478 = vector.broadcast %squeeze3A_477 : i32 to vector<16xi32>
      %slice3A_479 = vector.extract_strided_slice %add3A_334 {offsets = [3], sizes = [1], strides = [1]} : vector<16xi32> to vector<1xi32>
      %squeeze3A_480 = vector.extract %slice3A_479[0] : i32 from vector<1xi32>
      %broadcast_in_dim3A_481 = vector.broadcast %squeeze3A_480 : i32 to vector<16xi32>
      %add3A_482 = arith.constant 0 : i32
      %add3A_483 = vector.broadcast %add3A_482 : i32 to vector<16xi32>
      %add3A_484 = arith.addi %iota3A, %add3A_483 : vector<16xi32>
      %gather3A_485 = arith.constant 3 : i32
      %gather3A_486 = arith.constant 0 : i32
      %gather3A_487 = arith.constant 0 : i32
      %gather3A_488 = tpu.memref_slice %arg9[%gather3A_485, %gather3A_486, %gather3A_487] : memref<16x32x128xf32, #tpu.memory_space<vmem>> -> memref<1x32x128xf32, #tpu.memory_space<vmem>>
      %gather3A_489 = tpu.memref_squeeze %gather3A_488 : memref<1x32x128xf32, #tpu.memory_space<vmem>> -> memref<32x128xf32, #tpu.memory_space<vmem>>
      %gather3A_490 = tpu.vector_load_idx %gather3A_489[%add3A_484, %broadcast_in_dim3A_478] : memref<32x128xf32, #tpu.memory_space<vmem>>[vector<16xi32>, vector<16xi32>], vector<16xf32>,
      tpu.vector_store_idx %arg10[%add3A_484, %broadcast_in_dim3A_481], %gather3A_490 : memref<32x512xf32, #tpu.memory_space<vmem>>[vector<16xi32>, vector<16xi32>], vector<16xf32>,
      %add3A_491 = arith.constant 16 : i32
      %add3A_492 = vector.broadcast %add3A_491 : i32 to vector<16xi32>
      %add3A_493 = arith.addi %iota3A, %add3A_492 : vector<16xi32>
      %gather3A_494 = arith.constant 3 : i32
      %gather3A_495 = arith.constant 0 : i32
      %gather3A_496 = arith.constant 0 : i32
      %gather3A_497 = tpu.memref_slice %arg9[%gather3A_494, %gather3A_495, %gather3A_496] : memref<16x32x128xf32, #tpu.memory_space<vmem>> -> memref<1x32x128xf32, #tpu.memory_space<vmem>>
      %gather3A_498 = tpu.memref_squeeze %gather3A_497 : memref<1x32x128xf32, #tpu.memory_space<vmem>> -> memref<32x128xf32, #tpu.memory_space<vmem>>
      %gather3A_499 = tpu.vector_load_idx %gather3A_498[%add3A_493, %broadcast_in_dim3A_478] : memref<32x128xf32, #tpu.memory_space<vmem>>[vector<16xi32>, vector<16xi32>], vector<16xf32>,
      tpu.vector_store_idx %arg10[%add3A_493, %broadcast_in_dim3A_481], %gather3A_499 : memref<32x512xf32, #tpu.memory_space<vmem>>[vector<16xi32>, vector<16xi32>], vector<16xf32>,
      %dma_wait3A_500 = arith.constant 4 : i32
      %dma_wait3A_501 = arith.constant 4 : i32
      %dma_wait3A_502 = arith.constant 0 : i32
      %dma_wait3A_503 = arith.constant 0 : i32
      %dma_wait3A_504 = tpu.memref_slice %arg9[%dma_wait3A_500, %dma_wait3A_502, %dma_wait3A_503] : memref<16x32x128xf32, #tpu.memory_space<vmem>> -> memref<1x32x128xf32, #tpu.memory_space<vmem>>
      %dma_wait3A_505 = tpu.memref_squeeze %dma_wait3A_504 : memref<1x32x128xf32, #tpu.memory_space<vmem>> -> memref<32x128xf32, #tpu.memory_space<vmem>>
      %dma_wait3A_506 = arith.constant 0 : i32
      %dma_wait3A_507 = arith.constant 0 : i32
      %dma_wait3A_508 = tpu.memref_slice %arg4[%dma_wait3A_506, %dma_wait3A_507] : memref<32x1000000xf32, #tpu.memory_space<hbm>> -> memref<32x128xf32, #tpu.memory_space<hbm>>
      %dma_wait3A_509 = tpu.memref_slice %arg13[%dma_wait3A_501] : memref<16x!tpu.dma_semaphore, #tpu.memory_space<semaphore_mem>> -> memref<1x!tpu.dma_semaphore, #tpu.memory_space<semaphore_mem>>
      %dma_wait3A_510 = tpu.memref_squeeze %dma_wait3A_509 : memref<1x!tpu.dma_semaphore, #tpu.memory_space<semaphore_mem>> -> memref<!tpu.dma_semaphore, #tpu.memory_space<semaphore_mem>>
      %dma_wait3A_511 = arith.constant 0 : i32
      %dma_wait3A_512 = arith.constant 0 : i32
      %dma_wait3A_513 = tpu.memref_slice %arg9[%dma_wait3A_500, %dma_wait3A_511, %dma_wait3A_512] : memref<16x32x128xf32, #tpu.memory_space<vmem>> -> memref<1x32x128xf32, #tpu.memory_space<vmem>>
      %dma_wait3A_514 = tpu.memref_squeeze %dma_wait3A_513 : memref<1x32x128xf32, #tpu.memory_space<vmem>> -> memref<32x128xf32, #tpu.memory_space<vmem>>
      %dma_wait3A_515 = arith.constant 0 : i32
      %dma_wait3A_516 = arith.constant 0 : i32
      %dma_wait3A_517 = tpu.memref_slice %arg4[%dma_wait3A_515, %dma_wait3A_516] : memref<32x1000000xf32, #tpu.memory_space<hbm>> -> memref<32x128xf32, #tpu.memory_space<hbm>>
      tpu.wait_dma2 semaphore(%dma_wait3A_510 : memref<!tpu.dma_semaphore, #tpu.memory_space<semaphore_mem>>) src(%dma_wait3A_517 : memref<32x128xf32, #tpu.memory_space<hbm>>) dst(%dma_wait3A_514 : memref<32x128xf32, #tpu.memory_space<vmem>>)
      %slice3A_518 = vector.extract_strided_slice %and3A_30 {offsets = [4], sizes = [1], strides = [1]} : vector<16xi32> to vector<1xi32>
      %squeeze3A_519 = vector.extract %slice3A_518[0] : i32 from vector<1xi32>
      %broadcast_in_dim3A_520 = vector.broadcast %squeeze3A_519 : i32 to vector<16xi32>
      %slice3A_521 = vector.extract_strided_slice %add3A_334 {offsets = [4], sizes = [1], strides = [1]} : vector<16xi32> to vector<1xi32>
      %squeeze3A_522 = vector.extract %slice3A_521[0] : i32 from vector<1xi32>
      %broadcast_in_dim3A_523 = vector.broadcast %squeeze3A_522 : i32 to vector<16xi32>
      %add3A_524 = arith.constant 0 : i32
      %add3A_525 = vector.broadcast %add3A_524 : i32 to vector<16xi32>
      %add3A_526 = arith.addi %iota3A, %add3A_525 : vector<16xi32>
      %gather3A_527 = arith.constant 4 : i32
      %gather3A_528 = arith.constant 0 : i32
      %gather3A_529 = arith.constant 0 : i32
      %gather3A_530 = tpu.memref_slice %arg9[%gather3A_527, %gather3A_528, %gather3A_529] : memref<16x32x128xf32, #tpu.memory_space<vmem>> -> memref<1x32x128xf32, #tpu.memory_space<vmem>>
      %gather3A_531 = tpu.memref_squeeze %gather3A_530 : memref<1x32x128xf32, #tpu.memory_space<vmem>> -> memref<32x128xf32, #tpu.memory_space<vmem>>
      %gather3A_532 = tpu.vector_load_idx %gather3A_531[%add3A_526, %broadcast_in_dim3A_520] : memref<32x128xf32, #tpu.memory_space<vmem>>[vector<16xi32>, vector<16xi32>], vector<16xf32>,
      tpu.vector_store_idx %arg10[%add3A_526, %broadcast_in_dim3A_523], %gather3A_532 : memref<32x512xf32, #tpu.memory_space<vmem>>[vector<16xi32>, vector<16xi32>], vector<16xf32>,
      %add3A_533 = arith.constant 16 : i32
      %add3A_534 = vector.broadcast %add3A_533 : i32 to vector<16xi32>
      %add3A_535 = arith.addi %iota3A, %add3A_534 : vector<16xi32>
      %gather3A_536 = arith.constant 4 : i32
      %gather3A_537 = arith.constant 0 : i32
      %gather3A_538 = arith.constant 0 : i32
      %gather3A_539 = tpu.memref_slice %arg9[%gather3A_536, %gather3A_537, %gather3A_538] : memref<16x32x128xf32, #tpu.memory_space<vmem>> -> memref<1x32x128xf32, #tpu.memory_space<vmem>>
      %gather3A_540 = tpu.memref_squeeze %gather3A_539 : memref<1x32x128xf32, #tpu.memory_space<vmem>> -> memref<32x128xf32, #tpu.memory_space<vmem>>
      %gather3A_541 = tpu.vector_load_idx %gather3A_540[%add3A_535, %broadcast_in_dim3A_520] : memref<32x128xf32, #tpu.memory_space<vmem>>[vector<16xi32>, vector<16xi32>], vector<16xf32>,
      tpu.vector_store_idx %arg10[%add3A_535, %broadcast_in_dim3A_523], %gather3A_541 : memref<32x512xf32, #tpu.memory_space<vmem>>[vector<16xi32>, vector<16xi32>], vector<16xf32>,
      %dma_wait3A_542 = arith.constant 5 : i32
      %dma_wait3A_543 = arith.constant 5 : i32
      %dma_wait3A_544 = arith.constant 0 : i32
      %dma_wait3A_545 = arith.constant 0 : i32
      %dma_wait3A_546 = tpu.memref_slice %arg9[%dma_wait3A_542, %dma_wait3A_544, %dma_wait3A_545] : memref<16x32x128xf32, #tpu.memory_space<vmem>> -> memref<1x32x128xf32, #tpu.memory_space<vmem>>
      %dma_wait3A_547 = tpu.memref_squeeze %dma_wait3A_546 : memref<1x32x128xf32, #tpu.memory_space<vmem>> -> memref<32x128xf32, #tpu.memory_space<vmem>>
      %dma_wait3A_548 = arith.constant 0 : i32
      %dma_wait3A_549 = arith.constant 0 : i32
      %dma_wait3A_550 = tpu.memref_slice %arg4[%dma_wait3A_548, %dma_wait3A_549] : memref<32x1000000xf32, #tpu.memory_space<hbm>> -> memref<32x128xf32, #tpu.memory_space<hbm>>
      %dma_wait3A_551 = tpu.memref_slice %arg13[%dma_wait3A_543] : memref<16x!tpu.dma_semaphore, #tpu.memory_space<semaphore_mem>> -> memref<1x!tpu.dma_semaphore, #tpu.memory_space<semaphore_mem>>
      %dma_wait3A_552 = tpu.memref_squeeze %dma_wait3A_551 : memref<1x!tpu.dma_semaphore, #tpu.memory_space<semaphore_mem>> -> memref<!tpu.dma_semaphore, #tpu.memory_space<semaphore_mem>>
      %dma_wait3A_553 = arith.constant 0 : i32
      %dma_wait3A_554 = arith.constant 0 : i32
      %dma_wait3A_555 = tpu.memref_slice %arg9[%dma_wait3A_542, %dma_wait3A_553, %dma_wait3A_554] : memref<16x32x128xf32, #tpu.memory_space<vmem>> -> memref<1x32x128xf32, #tpu.memory_space<vmem>>
      %dma_wait3A_556 = tpu.memref_squeeze %dma_wait3A_555 : memref<1x32x128xf32, #tpu.memory_space<vmem>> -> memref<32x128xf32, #tpu.memory_space<vmem>>
      %dma_wait3A_557 = arith.constant 0 : i32
      %dma_wait3A_558 = arith.constant 0 : i32
      %dma_wait3A_559 = tpu.memref_slice %arg4[%dma_wait3A_557, %dma_wait3A_558] : memref<32x1000000xf32, #tpu.memory_space<hbm>> -> memref<32x128xf32, #tpu.memory_space<hbm>>
      tpu.wait_dma2 semaphore(%dma_wait3A_552 : memref<!tpu.dma_semaphore, #tpu.memory_space<semaphore_mem>>) src(%dma_wait3A_559 : memref<32x128xf32, #tpu.memory_space<hbm>>) dst(%dma_wait3A_556 : memref<32x128xf32, #tpu.memory_space<vmem>>)
      %slice3A_560 = vector.extract_strided_slice %and3A_30 {offsets = [5], sizes = [1], strides = [1]} : vector<16xi32> to vector<1xi32>
      %squeeze3A_561 = vector.extract %slice3A_560[0] : i32 from vector<1xi32>
      %broadcast_in_dim3A_562 = vector.broadcast %squeeze3A_561 : i32 to vector<16xi32>
      %slice3A_563 = vector.extract_strided_slice %add3A_334 {offsets = [5], sizes = [1], strides = [1]} : vector<16xi32> to vector<1xi32>
      %squeeze3A_564 = vector.extract %slice3A_563[0] : i32 from vector<1xi32>
      %broadcast_in_dim3A_565 = vector.broadcast %squeeze3A_564 : i32 to vector<16xi32>
      %add3A_566 = arith.constant 0 : i32
      %add3A_567 = vector.broadcast %add3A_566 : i32 to vector<16xi32>
      %add3A_568 = arith.addi %iota3A, %add3A_567 : vector<16xi32>
      %gather3A_569 = arith.constant 5 : i32
      %gather3A_570 = arith.constant 0 : i32
      %gather3A_571 = arith.constant 0 : i32
      %gather3A_572 = tpu.memref_slice %arg9[%gather3A_569, %gather3A_570, %gather3A_571] : memref<16x32x128xf32, #tpu.memory_space<vmem>> -> memref<1x32x128xf32, #tpu.memory_space<vmem>>
      %gather3A_573 = tpu.memref_squeeze %gather3A_572 : memref<1x32x128xf32, #tpu.memory_space<vmem>> -> memref<32x128xf32, #tpu.memory_space<vmem>>
      %gather3A_574 = tpu.vector_load_idx %gather3A_573[%add3A_568, %broadcast_in_dim3A_562] : memref<32x128xf32, #tpu.memory_space<vmem>>[vector<16xi32>, vector<16xi32>], vector<16xf32>,
      tpu.vector_store_idx %arg10[%add3A_568, %broadcast_in_dim3A_565], %gather3A_574 : memref<32x512xf32, #tpu.memory_space<vmem>>[vector<16xi32>, vector<16xi32>], vector<16xf32>,
      %add3A_575 = arith.constant 16 : i32
      %add3A_576 = vector.broadcast %add3A_575 : i32 to vector<16xi32>
      %add3A_577 = arith.addi %iota3A, %add3A_576 : vector<16xi32>
      %gather3A_578 = arith.constant 5 : i32
      %gather3A_579 = arith.constant 0 : i32
      %gather3A_580 = arith.constant 0 : i32
      %gather3A_581 = tpu.memref_slice %arg9[%gather3A_578, %gather3A_579, %gather3A_580] : memref<16x32x128xf32, #tpu.memory_space<vmem>> -> memref<1x32x128xf32, #tpu.memory_space<vmem>>
      %gather3A_582 = tpu.memref_squeeze %gather3A_581 : memref<1x32x128xf32, #tpu.memory_space<vmem>> -> memref<32x128xf32, #tpu.memory_space<vmem>>
      %gather3A_583 = tpu.vector_load_idx %gather3A_582[%add3A_577, %broadcast_in_dim3A_562] : memref<32x128xf32, #tpu.memory_space<vmem>>[vector<16xi32>, vector<16xi32>], vector<16xf32>,
      tpu.vector_store_idx %arg10[%add3A_577, %broadcast_in_dim3A_565], %gather3A_583 : memref<32x512xf32, #tpu.memory_space<vmem>>[vector<16xi32>, vector<16xi32>], vector<16xf32>,
      %dma_wait3A_584 = arith.constant 6 : i32
      %dma_wait3A_585 = arith.constant 6 : i32
      %dma_wait3A_586 = arith.constant 0 : i32
      %dma_wait3A_587 = arith.constant 0 : i32
      %dma_wait3A_588 = tpu.memref_slice %arg9[%dma_wait3A_584, %dma_wait3A_586, %dma_wait3A_587] : memref<16x32x128xf32, #tpu.memory_space<vmem>> -> memref<1x32x128xf32, #tpu.memory_space<vmem>>
      %dma_wait3A_589 = tpu.memref_squeeze %dma_wait3A_588 : memref<1x32x128xf32, #tpu.memory_space<vmem>> -> memref<32x128xf32, #tpu.memory_space<vmem>>
      %dma_wait3A_590 = arith.constant 0 : i32
      %dma_wait3A_591 = arith.constant 0 : i32
      %dma_wait3A_592 = tpu.memref_slice %arg4[%dma_wait3A_590, %dma_wait3A_591] : memref<32x1000000xf32, #tpu.memory_space<hbm>> -> memref<32x128xf32, #tpu.memory_space<hbm>>
      %dma_wait3A_593 = tpu.memref_slice %arg13[%dma_wait3A_585] : memref<16x!tpu.dma_semaphore, #tpu.memory_space<semaphore_mem>> -> memref<1x!tpu.dma_semaphore, #tpu.memory_space<semaphore_mem>>
      %dma_wait3A_594 = tpu.memref_squeeze %dma_wait3A_593 : memref<1x!tpu.dma_semaphore, #tpu.memory_space<semaphore_mem>> -> memref<!tpu.dma_semaphore, #tpu.memory_space<semaphore_mem>>
      %dma_wait3A_595 = arith.constant 0 : i32
      %dma_wait3A_596 = arith.constant 0 : i32
      %dma_wait3A_597 = tpu.memref_slice %arg9[%dma_wait3A_584, %dma_wait3A_595, %dma_wait3A_596] : memref<16x32x128xf32, #tpu.memory_space<vmem>> -> memref<1x32x128xf32, #tpu.memory_space<vmem>>
      %dma_wait3A_598 = tpu.memref_squeeze %dma_wait3A_597 : memref<1x32x128xf32, #tpu.memory_space<vmem>> -> memref<32x128xf32, #tpu.memory_space<vmem>>
      %dma_wait3A_599 = arith.constant 0 : i32
      %dma_wait3A_600 = arith.constant 0 : i32
      %dma_wait3A_601 = tpu.memref_slice %arg4[%dma_wait3A_599, %dma_wait3A_600] : memref<32x1000000xf32, #tpu.memory_space<hbm>> -> memref<32x128xf32, #tpu.memory_space<hbm>>
      tpu.wait_dma2 semaphore(%dma_wait3A_594 : memref<!tpu.dma_semaphore, #tpu.memory_space<semaphore_mem>>) src(%dma_wait3A_601 : memref<32x128xf32, #tpu.memory_space<hbm>>) dst(%dma_wait3A_598 : memref<32x128xf32, #tpu.memory_space<vmem>>)
      %slice3A_602 = vector.extract_strided_slice %and3A_30 {offsets = [6], sizes = [1], strides = [1]} : vector<16xi32> to vector<1xi32>
      %squeeze3A_603 = vector.extract %slice3A_602[0] : i32 from vector<1xi32>
      %broadcast_in_dim3A_604 = vector.broadcast %squeeze3A_603 : i32 to vector<16xi32>
      %slice3A_605 = vector.extract_strided_slice %add3A_334 {offsets = [6], sizes = [1], strides = [1]} : vector<16xi32> to vector<1xi32>
      %squeeze3A_606 = vector.extract %slice3A_605[0] : i32 from vector<1xi32>
      %broadcast_in_dim3A_607 = vector.broadcast %squeeze3A_606 : i32 to vector<16xi32>
      %add3A_608 = arith.constant 0 : i32
      %add3A_609 = vector.broadcast %add3A_608 : i32 to vector<16xi32>
      %add3A_610 = arith.addi %iota3A, %add3A_609 : vector<16xi32>
      %gather3A_611 = arith.constant 6 : i32
      %gather3A_612 = arith.constant 0 : i32
      %gather3A_613 = arith.constant 0 : i32
      %gather3A_614 = tpu.memref_slice %arg9[%gather3A_611, %gather3A_612, %gather3A_613] : memref<16x32x128xf32, #tpu.memory_space<vmem>> -> memref<1x32x128xf32, #tpu.memory_space<vmem>>
      %gather3A_615 = tpu.memref_squeeze %gather3A_614 : memref<1x32x128xf32, #tpu.memory_space<vmem>> -> memref<32x128xf32, #tpu.memory_space<vmem>>
      %gather3A_616 = tpu.vector_load_idx %gather3A_615[%add3A_610, %broadcast_in_dim3A_604] : memref<32x128xf32, #tpu.memory_space<vmem>>[vector<16xi32>, vector<16xi32>], vector<16xf32>,
      tpu.vector_store_idx %arg10[%add3A_610, %broadcast_in_dim3A_607], %gather3A_616 : memref<32x512xf32, #tpu.memory_space<vmem>>[vector<16xi32>, vector<16xi32>], vector<16xf32>,
      %add3A_617 = arith.constant 16 : i32
      %add3A_618 = vector.broadcast %add3A_617 : i32 to vector<16xi32>
      %add3A_619 = arith.addi %iota3A, %add3A_618 : vector<16xi32>
      %gather3A_620 = arith.constant 6 : i32
      %gather3A_621 = arith.constant 0 : i32
      %gather3A_622 = arith.constant 0 : i32
      %gather3A_623 = tpu.memref_slice %arg9[%gather3A_620, %gather3A_621, %gather3A_622] : memref<16x32x128xf32, #tpu.memory_space<vmem>> -> memref<1x32x128xf32, #tpu.memory_space<vmem>>
      %gather3A_624 = tpu.memref_squeeze %gather3A_623 : memref<1x32x128xf32, #tpu.memory_space<vmem>> -> memref<32x128xf32, #tpu.memory_space<vmem>>
      %gather3A_625 = tpu.vector_load_idx %gather3A_624[%add3A_619, %broadcast_in_dim3A_604] : memref<32x128xf32, #tpu.memory_space<vmem>>[vector<16xi32>, vector<16xi32>], vector<16xf32>,
      tpu.vector_store_idx %arg10[%add3A_619, %broadcast_in_dim3A_607], %gather3A_625 : memref<32x512xf32, #tpu.memory_space<vmem>>[vector<16xi32>, vector<16xi32>], vector<16xf32>,
      %dma_wait3A_626 = arith.constant 7 : i32
      %dma_wait3A_627 = arith.constant 7 : i32
      %dma_wait3A_628 = arith.constant 0 : i32
      %dma_wait3A_629 = arith.constant 0 : i32
      %dma_wait3A_630 = tpu.memref_slice %arg9[%dma_wait3A_626, %dma_wait3A_628, %dma_wait3A_629] : memref<16x32x128xf32, #tpu.memory_space<vmem>> -> memref<1x32x128xf32, #tpu.memory_space<vmem>>
      %dma_wait3A_631 = tpu.memref_squeeze %dma_wait3A_630 : memref<1x32x128xf32, #tpu.memory_space<vmem>> -> memref<32x128xf32, #tpu.memory_space<vmem>>
      %dma_wait3A_632 = arith.constant 0 : i32
      %dma_wait3A_633 = arith.constant 0 : i32
      %dma_wait3A_634 = tpu.memref_slice %arg4[%dma_wait3A_632, %dma_wait3A_633] : memref<32x1000000xf32, #tpu.memory_space<hbm>> -> memref<32x128xf32, #tpu.memory_space<hbm>>
      %dma_wait3A_635 = tpu.memref_slice %arg13[%dma_wait3A_627] : memref<16x!tpu.dma_semaphore, #tpu.memory_space<semaphore_mem>> -> memref<1x!tpu.dma_semaphore, #tpu.memory_space<semaphore_mem>>
      %dma_wait3A_636 = tpu.memref_squeeze %dma_wait3A_635 : memref<1x!tpu.dma_semaphore, #tpu.memory_space<semaphore_mem>> -> memref<!tpu.dma_semaphore, #tpu.memory_space<semaphore_mem>>
      %dma_wait3A_637 = arith.constant 0 : i32
      %dma_wait3A_638 = arith.constant 0 : i32
      %dma_wait3A_639 = tpu.memref_slice %arg9[%dma_wait3A_626, %dma_wait3A_637, %dma_wait3A_638] : memref<16x32x128xf32, #tpu.memory_space<vmem>> -> memref<1x32x128xf32, #tpu.memory_space<vmem>>
      %dma_wait3A_640 = tpu.memref_squeeze %dma_wait3A_639 : memref<1x32x128xf32, #tpu.memory_space<vmem>> -> memref<32x128xf32, #tpu.memory_space<vmem>>
      %dma_wait3A_641 = arith.constant 0 : i32
      %dma_wait3A_642 = arith.constant 0 : i32
      %dma_wait3A_643 = tpu.memref_slice %arg4[%dma_wait3A_641, %dma_wait3A_642] : memref<32x1000000xf32, #tpu.memory_space<hbm>> -> memref<32x128xf32, #tpu.memory_space<hbm>>
      tpu.wait_dma2 semaphore(%dma_wait3A_636 : memref<!tpu.dma_semaphore, #tpu.memory_space<semaphore_mem>>) src(%dma_wait3A_643 : memref<32x128xf32, #tpu.memory_space<hbm>>) dst(%dma_wait3A_640 : memref<32x128xf32, #tpu.memory_space<vmem>>)
      %slice3A_644 = vector.extract_strided_slice %and3A_30 {offsets = [7], sizes = [1], strides = [1]} : vector<16xi32> to vector<1xi32>
      %squeeze3A_645 = vector.extract %slice3A_644[0] : i32 from vector<1xi32>
      %broadcast_in_dim3A_646 = vector.broadcast %squeeze3A_645 : i32 to vector<16xi32>
      %slice3A_647 = vector.extract_strided_slice %add3A_334 {offsets = [7], sizes = [1], strides = [1]} : vector<16xi32> to vector<1xi32>
      %squeeze3A_648 = vector.extract %slice3A_647[0] : i32 from vector<1xi32>
      %broadcast_in_dim3A_649 = vector.broadcast %squeeze3A_648 : i32 to vector<16xi32>
      %add3A_650 = arith.constant 0 : i32
      %add3A_651 = vector.broadcast %add3A_650 : i32 to vector<16xi32>
      %add3A_652 = arith.addi %iota3A, %add3A_651 : vector<16xi32>
      %gather3A_653 = arith.constant 7 : i32
      %gather3A_654 = arith.constant 0 : i32
      %gather3A_655 = arith.constant 0 : i32
      %gather3A_656 = tpu.memref_slice %arg9[%gather3A_653, %gather3A_654, %gather3A_655] : memref<16x32x128xf32, #tpu.memory_space<vmem>> -> memref<1x32x128xf32, #tpu.memory_space<vmem>>
      %gather3A_657 = tpu.memref_squeeze %gather3A_656 : memref<1x32x128xf32, #tpu.memory_space<vmem>> -> memref<32x128xf32, #tpu.memory_space<vmem>>
      %gather3A_658 = tpu.vector_load_idx %gather3A_657[%add3A_652, %broadcast_in_dim3A_646] : memref<32x128xf32, #tpu.memory_space<vmem>>[vector<16xi32>, vector<16xi32>], vector<16xf32>,
      tpu.vector_store_idx %arg10[%add3A_652, %broadcast_in_dim3A_649], %gather3A_658 : memref<32x512xf32, #tpu.memory_space<vmem>>[vector<16xi32>, vector<16xi32>], vector<16xf32>,
      %add3A_659 = arith.constant 16 : i32
      %add3A_660 = vector.broadcast %add3A_659 : i32 to vector<16xi32>
      %add3A_661 = arith.addi %iota3A, %add3A_660 : vector<16xi32>
      %gather3A_662 = arith.constant 7 : i32
      %gather3A_663 = arith.constant 0 : i32
      %gather3A_664 = arith.constant 0 : i32
      %gather3A_665 = tpu.memref_slice %arg9[%gather3A_662, %gather3A_663, %gather3A_664] : memref<16x32x128xf32, #tpu.memory_space<vmem>> -> memref<1x32x128xf32, #tpu.memory_space<vmem>>
      %gather3A_666 = tpu.memref_squeeze %gather3A_665 : memref<1x32x128xf32, #tpu.memory_space<vmem>> -> memref<32x128xf32, #tpu.memory_space<vmem>>
      %gather3A_667 = tpu.vector_load_idx %gather3A_666[%add3A_661, %broadcast_in_dim3A_646] : memref<32x128xf32, #tpu.memory_space<vmem>>[vector<16xi32>, vector<16xi32>], vector<16xf32>,
      tpu.vector_store_idx %arg10[%add3A_661, %broadcast_in_dim3A_649], %gather3A_667 : memref<32x512xf32, #tpu.memory_space<vmem>>[vector<16xi32>, vector<16xi32>], vector<16xf32>,
      %dma_wait3A_668 = arith.constant 8 : i32
      %dma_wait3A_669 = arith.constant 8 : i32
      %dma_wait3A_670 = arith.constant 0 : i32
      %dma_wait3A_671 = arith.constant 0 : i32
      %dma_wait3A_672 = tpu.memref_slice %arg9[%dma_wait3A_668, %dma_wait3A_670, %dma_wait3A_671] : memref<16x32x128xf32, #tpu.memory_space<vmem>> -> memref<1x32x128xf32, #tpu.memory_space<vmem>>
      %dma_wait3A_673 = tpu.memref_squeeze %dma_wait3A_672 : memref<1x32x128xf32, #tpu.memory_space<vmem>> -> memref<32x128xf32, #tpu.memory_space<vmem>>
      %dma_wait3A_674 = arith.constant 0 : i32
      %dma_wait3A_675 = arith.constant 0 : i32
      %dma_wait3A_676 = tpu.memref_slice %arg4[%dma_wait3A_674, %dma_wait3A_675] : memref<32x1000000xf32, #tpu.memory_space<hbm>> -> memref<32x128xf32, #tpu.memory_space<hbm>>
      %dma_wait3A_677 = tpu.memref_slice %arg13[%dma_wait3A_669] : memref<16x!tpu.dma_semaphore, #tpu.memory_space<semaphore_mem>> -> memref<1x!tpu.dma_semaphore, #tpu.memory_space<semaphore_mem>>
      %dma_wait3A_678 = tpu.memref_squeeze %dma_wait3A_677 : memref<1x!tpu.dma_semaphore, #tpu.memory_space<semaphore_mem>> -> memref<!tpu.dma_semaphore, #tpu.memory_space<semaphore_mem>>
      %dma_wait3A_679 = arith.constant 0 : i32
      %dma_wait3A_680 = arith.constant 0 : i32
      %dma_wait3A_681 = tpu.memref_slice %arg9[%dma_wait3A_668, %dma_wait3A_679, %dma_wait3A_680] : memref<16x32x128xf32, #tpu.memory_space<vmem>> -> memref<1x32x128xf32, #tpu.memory_space<vmem>>
      %dma_wait3A_682 = tpu.memref_squeeze %dma_wait3A_681 : memref<1x32x128xf32, #tpu.memory_space<vmem>> -> memref<32x128xf32, #tpu.memory_space<vmem>>
      %dma_wait3A_683 = arith.constant 0 : i32
      %dma_wait3A_684 = arith.constant 0 : i32
      %dma_wait3A_685 = tpu.memref_slice %arg4[%dma_wait3A_683, %dma_wait3A_684] : memref<32x1000000xf32, #tpu.memory_space<hbm>> -> memref<32x128xf32, #tpu.memory_space<hbm>>
      tpu.wait_dma2 semaphore(%dma_wait3A_678 : memref<!tpu.dma_semaphore, #tpu.memory_space<semaphore_mem>>) src(%dma_wait3A_685 : memref<32x128xf32, #tpu.memory_space<hbm>>) dst(%dma_wait3A_682 : memref<32x128xf32, #tpu.memory_space<vmem>>)
      %slice3A_686 = vector.extract_strided_slice %and3A_30 {offsets = [8], sizes = [1], strides = [1]} : vector<16xi32> to vector<1xi32>
      %squeeze3A_687 = vector.extract %slice3A_686[0] : i32 from vector<1xi32>
      %broadcast_in_dim3A_688 = vector.broadcast %squeeze3A_687 : i32 to vector<16xi32>
      %slice3A_689 = vector.extract_strided_slice %add3A_334 {offsets = [8], sizes = [1], strides = [1]} : vector<16xi32> to vector<1xi32>
      %squeeze3A_690 = vector.extract %slice3A_689[0] : i32 from vector<1xi32>
      %broadcast_in_dim3A_691 = vector.broadcast %squeeze3A_690 : i32 to vector<16xi32>
      %add3A_692 = arith.constant 0 : i32
      %add3A_693 = vector.broadcast %add3A_692 : i32 to vector<16xi32>
      %add3A_694 = arith.addi %iota3A, %add3A_693 : vector<16xi32>
      %gather3A_695 = arith.constant 8 : i32
      %gather3A_696 = arith.constant 0 : i32
      %gather3A_697 = arith.constant 0 : i32
      %gather3A_698 = tpu.memref_slice %arg9[%gather3A_695, %gather3A_696, %gather3A_697] : memref<16x32x128xf32, #tpu.memory_space<vmem>> -> memref<1x32x128xf32, #tpu.memory_space<vmem>>
      %gather3A_699 = tpu.memref_squeeze %gather3A_698 : memref<1x32x128xf32, #tpu.memory_space<vmem>> -> memref<32x128xf32, #tpu.memory_space<vmem>>
      %gather3A_700 = tpu.vector_load_idx %gather3A_699[%add3A_694, %broadcast_in_dim3A_688] : memref<32x128xf32, #tpu.memory_space<vmem>>[vector<16xi32>, vector<16xi32>], vector<16xf32>,
      tpu.vector_store_idx %arg10[%add3A_694, %broadcast_in_dim3A_691], %gather3A_700 : memref<32x512xf32, #tpu.memory_space<vmem>>[vector<16xi32>, vector<16xi32>], vector<16xf32>,
      %add3A_701 = arith.constant 16 : i32
      %add3A_702 = vector.broadcast %add3A_701 : i32 to vector<16xi32>
      %add3A_703 = arith.addi %iota3A, %add3A_702 : vector<16xi32>
      %gather3A_704 = arith.constant 8 : i32
      %gather3A_705 = arith.constant 0 : i32
      %gather3A_706 = arith.constant 0 : i32
      %gather3A_707 = tpu.memref_slice %arg9[%gather3A_704, %gather3A_705, %gather3A_706] : memref<16x32x128xf32, #tpu.memory_space<vmem>> -> memref<1x32x128xf32, #tpu.memory_space<vmem>>
      %gather3A_708 = tpu.memref_squeeze %gather3A_707 : memref<1x32x128xf32, #tpu.memory_space<vmem>> -> memref<32x128xf32, #tpu.memory_space<vmem>>
      %gather3A_709 = tpu.vector_load_idx %gather3A_708[%add3A_703, %broadcast_in_dim3A_688] : memref<32x128xf32, #tpu.memory_space<vmem>>[vector<16xi32>, vector<16xi32>], vector<16xf32>,
      tpu.vector_store_idx %arg10[%add3A_703, %broadcast_in_dim3A_691], %gather3A_709 : memref<32x512xf32, #tpu.memory_space<vmem>>[vector<16xi32>, vector<16xi32>], vector<16xf32>,
      %dma_wait3A_710 = arith.constant 9 : i32
      %dma_wait3A_711 = arith.constant 9 : i32
      %dma_wait3A_712 = arith.constant 0 : i32
      %dma_wait3A_713 = arith.constant 0 : i32
      %dma_wait3A_714 = tpu.memref_slice %arg9[%dma_wait3A_710, %dma_wait3A_712, %dma_wait3A_713] : memref<16x32x128xf32, #tpu.memory_space<vmem>> -> memref<1x32x128xf32, #tpu.memory_space<vmem>>
      %dma_wait3A_715 = tpu.memref_squeeze %dma_wait3A_714 : memref<1x32x128xf32, #tpu.memory_space<vmem>> -> memref<32x128xf32, #tpu.memory_space<vmem>>
      %dma_wait3A_716 = arith.constant 0 : i32
      %dma_wait3A_717 = arith.constant 0 : i32
      %dma_wait3A_718 = tpu.memref_slice %arg4[%dma_wait3A_716, %dma_wait3A_717] : memref<32x1000000xf32, #tpu.memory_space<hbm>> -> memref<32x128xf32, #tpu.memory_space<hbm>>
      %dma_wait3A_719 = tpu.memref_slice %arg13[%dma_wait3A_711] : memref<16x!tpu.dma_semaphore, #tpu.memory_space<semaphore_mem>> -> memref<1x!tpu.dma_semaphore, #tpu.memory_space<semaphore_mem>>
      %dma_wait3A_720 = tpu.memref_squeeze %dma_wait3A_719 : memref<1x!tpu.dma_semaphore, #tpu.memory_space<semaphore_mem>> -> memref<!tpu.dma_semaphore, #tpu.memory_space<semaphore_mem>>
      %dma_wait3A_721 = arith.constant 0 : i32
      %dma_wait3A_722 = arith.constant 0 : i32
      %dma_wait3A_723 = tpu.memref_slice %arg9[%dma_wait3A_710, %dma_wait3A_721, %dma_wait3A_722] : memref<16x32x128xf32, #tpu.memory_space<vmem>> -> memref<1x32x128xf32, #tpu.memory_space<vmem>>
      %dma_wait3A_724 = tpu.memref_squeeze %dma_wait3A_723 : memref<1x32x128xf32, #tpu.memory_space<vmem>> -> memref<32x128xf32, #tpu.memory_space<vmem>>
      %dma_wait3A_725 = arith.constant 0 : i32
      %dma_wait3A_726 = arith.constant 0 : i32
      %dma_wait3A_727 = tpu.memref_slice %arg4[%dma_wait3A_725, %dma_wait3A_726] : memref<32x1000000xf32, #tpu.memory_space<hbm>> -> memref<32x128xf32, #tpu.memory_space<hbm>>
      tpu.wait_dma2 semaphore(%dma_wait3A_720 : memref<!tpu.dma_semaphore, #tpu.memory_space<semaphore_mem>>) src(%dma_wait3A_727 : memref<32x128xf32, #tpu.memory_space<hbm>>) dst(%dma_wait3A_724 : memref<32x128xf32, #tpu.memory_space<vmem>>)
      %slice3A_728 = vector.extract_strided_slice %and3A_30 {offsets = [9], sizes = [1], strides = [1]} : vector<16xi32> to vector<1xi32>
      %squeeze3A_729 = vector.extract %slice3A_728[0] : i32 from vector<1xi32>
      %broadcast_in_dim3A_730 = vector.broadcast %squeeze3A_729 : i32 to vector<16xi32>
      %slice3A_731 = vector.extract_strided_slice %add3A_334 {offsets = [9], sizes = [1], strides = [1]} : vector<16xi32> to vector<1xi32>
      %squeeze3A_732 = vector.extract %slice3A_731[0] : i32 from vector<1xi32>
      %broadcast_in_dim3A_733 = vector.broadcast %squeeze3A_732 : i32 to vector<16xi32>
      %add3A_734 = arith.constant 0 : i32
      %add3A_735 = vector.broadcast %add3A_734 : i32 to vector<16xi32>
      %add3A_736 = arith.addi %iota3A, %add3A_735 : vector<16xi32>
      %gather3A_737 = arith.constant 9 : i32
      %gather3A_738 = arith.constant 0 : i32
      %gather3A_739 = arith.constant 0 : i32
      %gather3A_740 = tpu.memref_slice %arg9[%gather3A_737, %gather3A_738, %gather3A_739] : memref<16x32x128xf32, #tpu.memory_space<vmem>> -> memref<1x32x128xf32, #tpu.memory_space<vmem>>
      %gather3A_741 = tpu.memref_squeeze %gather3A_740 : memref<1x32x128xf32, #tpu.memory_space<vmem>> -> memref<32x128xf32, #tpu.memory_space<vmem>>
      %gather3A_742 = tpu.vector_load_idx %gather3A_741[%add3A_736, %broadcast_in_dim3A_730] : memref<32x128xf32, #tpu.memory_space<vmem>>[vector<16xi32>, vector<16xi32>], vector<16xf32>,
      tpu.vector_store_idx %arg10[%add3A_736, %broadcast_in_dim3A_733], %gather3A_742 : memref<32x512xf32, #tpu.memory_space<vmem>>[vector<16xi32>, vector<16xi32>], vector<16xf32>,
      %add3A_743 = arith.constant 16 : i32
      %add3A_744 = vector.broadcast %add3A_743 : i32 to vector<16xi32>
      %add3A_745 = arith.addi %iota3A, %add3A_744 : vector<16xi32>
      %gather3A_746 = arith.constant 9 : i32
      %gather3A_747 = arith.constant 0 : i32
      %gather3A_748 = arith.constant 0 : i32
      %gather3A_749 = tpu.memref_slice %arg9[%gather3A_746, %gather3A_747, %gather3A_748] : memref<16x32x128xf32, #tpu.memory_space<vmem>> -> memref<1x32x128xf32, #tpu.memory_space<vmem>>
      %gather3A_750 = tpu.memref_squeeze %gather3A_749 : memref<1x32x128xf32, #tpu.memory_space<vmem>> -> memref<32x128xf32, #tpu.memory_space<vmem>>
      %gather3A_751 = tpu.vector_load_idx %gather3A_750[%add3A_745, %broadcast_in_dim3A_730] : memref<32x128xf32, #tpu.memory_space<vmem>>[vector<16xi32>, vector<16xi32>], vector<16xf32>,
      tpu.vector_store_idx %arg10[%add3A_745, %broadcast_in_dim3A_733], %gather3A_751 : memref<32x512xf32, #tpu.memory_space<vmem>>[vector<16xi32>, vector<16xi32>], vector<16xf32>,
      %dma_wait3A_752 = arith.constant 10 : i32
      %dma_wait3A_753 = arith.constant 10 : i32
      %dma_wait3A_754 = arith.constant 0 : i32
      %dma_wait3A_755 = arith.constant 0 : i32
      %dma_wait3A_756 = tpu.memref_slice %arg9[%dma_wait3A_752, %dma_wait3A_754, %dma_wait3A_755] : memref<16x32x128xf32, #tpu.memory_space<vmem>> -> memref<1x32x128xf32, #tpu.memory_space<vmem>>
      %dma_wait3A_757 = tpu.memref_squeeze %dma_wait3A_756 : memref<1x32x128xf32, #tpu.memory_space<vmem>> -> memref<32x128xf32, #tpu.memory_space<vmem>>
      %dma_wait3A_758 = arith.constant 0 : i32
      %dma_wait3A_759 = arith.constant 0 : i32
      %dma_wait3A_760 = tpu.memref_slice %arg4[%dma_wait3A_758, %dma_wait3A_759] : memref<32x1000000xf32, #tpu.memory_space<hbm>> -> memref<32x128xf32, #tpu.memory_space<hbm>>
      %dma_wait3A_761 = tpu.memref_slice %arg13[%dma_wait3A_753] : memref<16x!tpu.dma_semaphore, #tpu.memory_space<semaphore_mem>> -> memref<1x!tpu.dma_semaphore, #tpu.memory_space<semaphore_mem>>
      %dma_wait3A_762 = tpu.memref_squeeze %dma_wait3A_761 : memref<1x!tpu.dma_semaphore, #tpu.memory_space<semaphore_mem>> -> memref<!tpu.dma_semaphore, #tpu.memory_space<semaphore_mem>>
      %dma_wait3A_763 = arith.constant 0 : i32
      %dma_wait3A_764 = arith.constant 0 : i32
      %dma_wait3A_765 = tpu.memref_slice %arg9[%dma_wait3A_752, %dma_wait3A_763, %dma_wait3A_764] : memref<16x32x128xf32, #tpu.memory_space<vmem>> -> memref<1x32x128xf32, #tpu.memory_space<vmem>>
      %dma_wait3A_766 = tpu.memref_squeeze %dma_wait3A_765 : memref<1x32x128xf32, #tpu.memory_space<vmem>> -> memref<32x128xf32, #tpu.memory_space<vmem>>
      %dma_wait3A_767 = arith.constant 0 : i32
      %dma_wait3A_768 = arith.constant 0 : i32
      %dma_wait3A_769 = tpu.memref_slice %arg4[%dma_wait3A_767, %dma_wait3A_768] : memref<32x1000000xf32, #tpu.memory_space<hbm>> -> memref<32x128xf32, #tpu.memory_space<hbm>>
      tpu.wait_dma2 semaphore(%dma_wait3A_762 : memref<!tpu.dma_semaphore, #tpu.memory_space<semaphore_mem>>) src(%dma_wait3A_769 : memref<32x128xf32, #tpu.memory_space<hbm>>) dst(%dma_wait3A_766 : memref<32x128xf32, #tpu.memory_space<vmem>>)
      %slice3A_770 = vector.extract_strided_slice %and3A_30 {offsets = [10], sizes = [1], strides = [1]} : vector<16xi32> to vector<1xi32>
      %squeeze3A_771 = vector.extract %slice3A_770[0] : i32 from vector<1xi32>
      %broadcast_in_dim3A_772 = vector.broadcast %squeeze3A_771 : i32 to vector<16xi32>
      %slice3A_773 = vector.extract_strided_slice %add3A_334 {offsets = [10], sizes = [1], strides = [1]} : vector<16xi32> to vector<1xi32>
      %squeeze3A_774 = vector.extract %slice3A_773[0] : i32 from vector<1xi32>
      %broadcast_in_dim3A_775 = vector.broadcast %squeeze3A_774 : i32 to vector<16xi32>
      %add3A_776 = arith.constant 0 : i32
      %add3A_777 = vector.broadcast %add3A_776 : i32 to vector<16xi32>
      %add3A_778 = arith.addi %iota3A, %add3A_777 : vector<16xi32>
      %gather3A_779 = arith.constant 10 : i32
      %gather3A_780 = arith.constant 0 : i32
      %gather3A_781 = arith.constant 0 : i32
      %gather3A_782 = tpu.memref_slice %arg9[%gather3A_779, %gather3A_780, %gather3A_781] : memref<16x32x128xf32, #tpu.memory_space<vmem>> -> memref<1x32x128xf32, #tpu.memory_space<vmem>>
      %gather3A_783 = tpu.memref_squeeze %gather3A_782 : memref<1x32x128xf32, #tpu.memory_space<vmem>> -> memref<32x128xf32, #tpu.memory_space<vmem>>
      %gather3A_784 = tpu.vector_load_idx %gather3A_783[%add3A_778, %broadcast_in_dim3A_772] : memref<32x128xf32, #tpu.memory_space<vmem>>[vector<16xi32>, vector<16xi32>], vector<16xf32>,
      tpu.vector_store_idx %arg10[%add3A_778, %broadcast_in_dim3A_775], %gather3A_784 : memref<32x512xf32, #tpu.memory_space<vmem>>[vector<16xi32>, vector<16xi32>], vector<16xf32>,
      %add3A_785 = arith.constant 16 : i32
      %add3A_786 = vector.broadcast %add3A_785 : i32 to vector<16xi32>
      %add3A_787 = arith.addi %iota3A, %add3A_786 : vector<16xi32>
      %gather3A_788 = arith.constant 10 : i32
      %gather3A_789 = arith.constant 0 : i32
      %gather3A_790 = arith.constant 0 : i32
      %gather3A_791 = tpu.memref_slice %arg9[%gather3A_788, %gather3A_789, %gather3A_790] : memref<16x32x128xf32, #tpu.memory_space<vmem>> -> memref<1x32x128xf32, #tpu.memory_space<vmem>>
      %gather3A_792 = tpu.memref_squeeze %gather3A_791 : memref<1x32x128xf32, #tpu.memory_space<vmem>> -> memref<32x128xf32, #tpu.memory_space<vmem>>
      %gather3A_793 = tpu.vector_load_idx %gather3A_792[%add3A_787, %broadcast_in_dim3A_772] : memref<32x128xf32, #tpu.memory_space<vmem>>[vector<16xi32>, vector<16xi32>], vector<16xf32>,
      tpu.vector_store_idx %arg10[%add3A_787, %broadcast_in_dim3A_775], %gather3A_793 : memref<32x512xf32, #tpu.memory_space<vmem>>[vector<16xi32>, vector<16xi32>], vector<16xf32>,
      %dma_wait3A_794 = arith.constant 11 : i32
      %dma_wait3A_795 = arith.constant 11 : i32
      %dma_wait3A_796 = arith.constant 0 : i32
      %dma_wait3A_797 = arith.constant 0 : i32
      %dma_wait3A_798 = tpu.memref_slice %arg9[%dma_wait3A_794, %dma_wait3A_796, %dma_wait3A_797] : memref<16x32x128xf32, #tpu.memory_space<vmem>> -> memref<1x32x128xf32, #tpu.memory_space<vmem>>
      %dma_wait3A_799 = tpu.memref_squeeze %dma_wait3A_798 : memref<1x32x128xf32, #tpu.memory_space<vmem>> -> memref<32x128xf32, #tpu.memory_space<vmem>>
      %dma_wait3A_800 = arith.constant 0 : i32
      %dma_wait3A_801 = arith.constant 0 : i32
      %dma_wait3A_802 = tpu.memref_slice %arg4[%dma_wait3A_800, %dma_wait3A_801] : memref<32x1000000xf32, #tpu.memory_space<hbm>> -> memref<32x128xf32, #tpu.memory_space<hbm>>
      %dma_wait3A_803 = tpu.memref_slice %arg13[%dma_wait3A_795] : memref<16x!tpu.dma_semaphore, #tpu.memory_space<semaphore_mem>> -> memref<1x!tpu.dma_semaphore, #tpu.memory_space<semaphore_mem>>
      %dma_wait3A_804 = tpu.memref_squeeze %dma_wait3A_803 : memref<1x!tpu.dma_semaphore, #tpu.memory_space<semaphore_mem>> -> memref<!tpu.dma_semaphore, #tpu.memory_space<semaphore_mem>>
      %dma_wait3A_805 = arith.constant 0 : i32
      %dma_wait3A_806 = arith.constant 0 : i32
      %dma_wait3A_807 = tpu.memref_slice %arg9[%dma_wait3A_794, %dma_wait3A_805, %dma_wait3A_806] : memref<16x32x128xf32, #tpu.memory_space<vmem>> -> memref<1x32x128xf32, #tpu.memory_space<vmem>>
      %dma_wait3A_808 = tpu.memref_squeeze %dma_wait3A_807 : memref<1x32x128xf32, #tpu.memory_space<vmem>> -> memref<32x128xf32, #tpu.memory_space<vmem>>
      %dma_wait3A_809 = arith.constant 0 : i32
      %dma_wait3A_810 = arith.constant 0 : i32
      %dma_wait3A_811 = tpu.memref_slice %arg4[%dma_wait3A_809, %dma_wait3A_810] : memref<32x1000000xf32, #tpu.memory_space<hbm>> -> memref<32x128xf32, #tpu.memory_space<hbm>>
      tpu.wait_dma2 semaphore(%dma_wait3A_804 : memref<!tpu.dma_semaphore, #tpu.memory_space<semaphore_mem>>) src(%dma_wait3A_811 : memref<32x128xf32, #tpu.memory_space<hbm>>) dst(%dma_wait3A_808 : memref<32x128xf32, #tpu.memory_space<vmem>>)
      %slice3A_812 = vector.extract_strided_slice %and3A_30 {offsets = [11], sizes = [1], strides = [1]} : vector<16xi32> to vector<1xi32>
      %squeeze3A_813 = vector.extract %slice3A_812[0] : i32 from vector<1xi32>
      %broadcast_in_dim3A_814 = vector.broadcast %squeeze3A_813 : i32 to vector<16xi32>
      %slice3A_815 = vector.extract_strided_slice %add3A_334 {offsets = [11], sizes = [1], strides = [1]} : vector<16xi32> to vector<1xi32>
      %squeeze3A_816 = vector.extract %slice3A_815[0] : i32 from vector<1xi32>
      %broadcast_in_dim3A_817 = vector.broadcast %squeeze3A_816 : i32 to vector<16xi32>
      %add3A_818 = arith.constant 0 : i32
      %add3A_819 = vector.broadcast %add3A_818 : i32 to vector<16xi32>
      %add3A_820 = arith.addi %iota3A, %add3A_819 : vector<16xi32>
      %gather3A_821 = arith.constant 11 : i32
      %gather3A_822 = arith.constant 0 : i32
      %gather3A_823 = arith.constant 0 : i32
      %gather3A_824 = tpu.memref_slice %arg9[%gather3A_821, %gather3A_822, %gather3A_823] : memref<16x32x128xf32, #tpu.memory_space<vmem>> -> memref<1x32x128xf32, #tpu.memory_space<vmem>>
      %gather3A_825 = tpu.memref_squeeze %gather3A_824 : memref<1x32x128xf32, #tpu.memory_space<vmem>> -> memref<32x128xf32, #tpu.memory_space<vmem>>
      %gather3A_826 = tpu.vector_load_idx %gather3A_825[%add3A_820, %broadcast_in_dim3A_814] : memref<32x128xf32, #tpu.memory_space<vmem>>[vector<16xi32>, vector<16xi32>], vector<16xf32>,
      tpu.vector_store_idx %arg10[%add3A_820, %broadcast_in_dim3A_817], %gather3A_826 : memref<32x512xf32, #tpu.memory_space<vmem>>[vector<16xi32>, vector<16xi32>], vector<16xf32>,
      %add3A_827 = arith.constant 16 : i32
      %add3A_828 = vector.broadcast %add3A_827 : i32 to vector<16xi32>
      %add3A_829 = arith.addi %iota3A, %add3A_828 : vector<16xi32>
      %gather3A_830 = arith.constant 11 : i32
      %gather3A_831 = arith.constant 0 : i32
      %gather3A_832 = arith.constant 0 : i32
      %gather3A_833 = tpu.memref_slice %arg9[%gather3A_830, %gather3A_831, %gather3A_832] : memref<16x32x128xf32, #tpu.memory_space<vmem>> -> memref<1x32x128xf32, #tpu.memory_space<vmem>>
      %gather3A_834 = tpu.memref_squeeze %gather3A_833 : memref<1x32x128xf32, #tpu.memory_space<vmem>> -> memref<32x128xf32, #tpu.memory_space<vmem>>
      %gather3A_835 = tpu.vector_load_idx %gather3A_834[%add3A_829, %broadcast_in_dim3A_814] : memref<32x128xf32, #tpu.memory_space<vmem>>[vector<16xi32>, vector<16xi32>], vector<16xf32>,
      tpu.vector_store_idx %arg10[%add3A_829, %broadcast_in_dim3A_817], %gather3A_835 : memref<32x512xf32, #tpu.memory_space<vmem>>[vector<16xi32>, vector<16xi32>], vector<16xf32>,
      %dma_wait3A_836 = arith.constant 12 : i32
      %dma_wait3A_837 = arith.constant 12 : i32
      %dma_wait3A_838 = arith.constant 0 : i32
      %dma_wait3A_839 = arith.constant 0 : i32
      %dma_wait3A_840 = tpu.memref_slice %arg9[%dma_wait3A_836, %dma_wait3A_838, %dma_wait3A_839] : memref<16x32x128xf32, #tpu.memory_space<vmem>> -> memref<1x32x128xf32, #tpu.memory_space<vmem>>
      %dma_wait3A_841 = tpu.memref_squeeze %dma_wait3A_840 : memref<1x32x128xf32, #tpu.memory_space<vmem>> -> memref<32x128xf32, #tpu.memory_space<vmem>>
      %dma_wait3A_842 = arith.constant 0 : i32
      %dma_wait3A_843 = arith.constant 0 : i32
      %dma_wait3A_844 = tpu.memref_slice %arg4[%dma_wait3A_842, %dma_wait3A_843] : memref<32x1000000xf32, #tpu.memory_space<hbm>> -> memref<32x128xf32, #tpu.memory_space<hbm>>
      %dma_wait3A_845 = tpu.memref_slice %arg13[%dma_wait3A_837] : memref<16x!tpu.dma_semaphore, #tpu.memory_space<semaphore_mem>> -> memref<1x!tpu.dma_semaphore, #tpu.memory_space<semaphore_mem>>
      %dma_wait3A_846 = tpu.memref_squeeze %dma_wait3A_845 : memref<1x!tpu.dma_semaphore, #tpu.memory_space<semaphore_mem>> -> memref<!tpu.dma_semaphore, #tpu.memory_space<semaphore_mem>>
      %dma_wait3A_847 = arith.constant 0 : i32
      %dma_wait3A_848 = arith.constant 0 : i32
      %dma_wait3A_849 = tpu.memref_slice %arg9[%dma_wait3A_836, %dma_wait3A_847, %dma_wait3A_848] : memref<16x32x128xf32, #tpu.memory_space<vmem>> -> memref<1x32x128xf32, #tpu.memory_space<vmem>>
      %dma_wait3A_850 = tpu.memref_squeeze %dma_wait3A_849 : memref<1x32x128xf32, #tpu.memory_space<vmem>> -> memref<32x128xf32, #tpu.memory_space<vmem>>
      %dma_wait3A_851 = arith.constant 0 : i32
      %dma_wait3A_852 = arith.constant 0 : i32
      %dma_wait3A_853 = tpu.memref_slice %arg4[%dma_wait3A_851, %dma_wait3A_852] : memref<32x1000000xf32, #tpu.memory_space<hbm>> -> memref<32x128xf32, #tpu.memory_space<hbm>>
      tpu.wait_dma2 semaphore(%dma_wait3A_846 : memref<!tpu.dma_semaphore, #tpu.memory_space<semaphore_mem>>) src(%dma_wait3A_853 : memref<32x128xf32, #tpu.memory_space<hbm>>) dst(%dma_wait3A_850 : memref<32x128xf32, #tpu.memory_space<vmem>>)
      %slice3A_854 = vector.extract_strided_slice %and3A_30 {offsets = [12], sizes = [1], strides = [1]} : vector<16xi32> to vector<1xi32>
      %squeeze3A_855 = vector.extract %slice3A_854[0] : i32 from vector<1xi32>
      %broadcast_in_dim3A_856 = vector.broadcast %squeeze3A_855 : i32 to vector<16xi32>
      %slice3A_857 = vector.extract_strided_slice %add3A_334 {offsets = [12], sizes = [1], strides = [1]} : vector<16xi32> to vector<1xi32>
      %squeeze3A_858 = vector.extract %slice3A_857[0] : i32 from vector<1xi32>
      %broadcast_in_dim3A_859 = vector.broadcast %squeeze3A_858 : i32 to vector<16xi32>
      %add3A_860 = arith.constant 0 : i32
      %add3A_861 = vector.broadcast %add3A_860 : i32 to vector<16xi32>
      %add3A_862 = arith.addi %iota3A, %add3A_861 : vector<16xi32>
      %gather3A_863 = arith.constant 12 : i32
      %gather3A_864 = arith.constant 0 : i32
      %gather3A_865 = arith.constant 0 : i32
      %gather3A_866 = tpu.memref_slice %arg9[%gather3A_863, %gather3A_864, %gather3A_865] : memref<16x32x128xf32, #tpu.memory_space<vmem>> -> memref<1x32x128xf32, #tpu.memory_space<vmem>>
      %gather3A_867 = tpu.memref_squeeze %gather3A_866 : memref<1x32x128xf32, #tpu.memory_space<vmem>> -> memref<32x128xf32, #tpu.memory_space<vmem>>
      %gather3A_868 = tpu.vector_load_idx %gather3A_867[%add3A_862, %broadcast_in_dim3A_856] : memref<32x128xf32, #tpu.memory_space<vmem>>[vector<16xi32>, vector<16xi32>], vector<16xf32>,
      tpu.vector_store_idx %arg10[%add3A_862, %broadcast_in_dim3A_859], %gather3A_868 : memref<32x512xf32, #tpu.memory_space<vmem>>[vector<16xi32>, vector<16xi32>], vector<16xf32>,
      %add3A_869 = arith.constant 16 : i32
      %add3A_870 = vector.broadcast %add3A_869 : i32 to vector<16xi32>
      %add3A_871 = arith.addi %iota3A, %add3A_870 : vector<16xi32>
      %gather3A_872 = arith.constant 12 : i32
      %gather3A_873 = arith.constant 0 : i32
      %gather3A_874 = arith.constant 0 : i32
      %gather3A_875 = tpu.memref_slice %arg9[%gather3A_872, %gather3A_873, %gather3A_874] : memref<16x32x128xf32, #tpu.memory_space<vmem>> -> memref<1x32x128xf32, #tpu.memory_space<vmem>>
      %gather3A_876 = tpu.memref_squeeze %gather3A_875 : memref<1x32x128xf32, #tpu.memory_space<vmem>> -> memref<32x128xf32, #tpu.memory_space<vmem>>
      %gather3A_877 = tpu.vector_load_idx %gather3A_876[%add3A_871, %broadcast_in_dim3A_856] : memref<32x128xf32, #tpu.memory_space<vmem>>[vector<16xi32>, vector<16xi32>], vector<16xf32>,
      tpu.vector_store_idx %arg10[%add3A_871, %broadcast_in_dim3A_859], %gather3A_877 : memref<32x512xf32, #tpu.memory_space<vmem>>[vector<16xi32>, vector<16xi32>], vector<16xf32>,
      %dma_wait3A_878 = arith.constant 13 : i32
      %dma_wait3A_879 = arith.constant 13 : i32
      %dma_wait3A_880 = arith.constant 0 : i32
      %dma_wait3A_881 = arith.constant 0 : i32
      %dma_wait3A_882 = tpu.memref_slice %arg9[%dma_wait3A_878, %dma_wait3A_880, %dma_wait3A_881] : memref<16x32x128xf32, #tpu.memory_space<vmem>> -> memref<1x32x128xf32, #tpu.memory_space<vmem>>
      %dma_wait3A_883 = tpu.memref_squeeze %dma_wait3A_882 : memref<1x32x128xf32, #tpu.memory_space<vmem>> -> memref<32x128xf32, #tpu.memory_space<vmem>>
      %dma_wait3A_884 = arith.constant 0 : i32
      %dma_wait3A_885 = arith.constant 0 : i32
      %dma_wait3A_886 = tpu.memref_slice %arg4[%dma_wait3A_884, %dma_wait3A_885] : memref<32x1000000xf32, #tpu.memory_space<hbm>> -> memref<32x128xf32, #tpu.memory_space<hbm>>
      %dma_wait3A_887 = tpu.memref_slice %arg13[%dma_wait3A_879] : memref<16x!tpu.dma_semaphore, #tpu.memory_space<semaphore_mem>> -> memref<1x!tpu.dma_semaphore, #tpu.memory_space<semaphore_mem>>
      %dma_wait3A_888 = tpu.memref_squeeze %dma_wait3A_887 : memref<1x!tpu.dma_semaphore, #tpu.memory_space<semaphore_mem>> -> memref<!tpu.dma_semaphore, #tpu.memory_space<semaphore_mem>>
      %dma_wait3A_889 = arith.constant 0 : i32
      %dma_wait3A_890 = arith.constant 0 : i32
      %dma_wait3A_891 = tpu.memref_slice %arg9[%dma_wait3A_878, %dma_wait3A_889, %dma_wait3A_890] : memref<16x32x128xf32, #tpu.memory_space<vmem>> -> memref<1x32x128xf32, #tpu.memory_space<vmem>>
      %dma_wait3A_892 = tpu.memref_squeeze %dma_wait3A_891 : memref<1x32x128xf32, #tpu.memory_space<vmem>> -> memref<32x128xf32, #tpu.memory_space<vmem>>
      %dma_wait3A_893 = arith.constant 0 : i32
      %dma_wait3A_894 = arith.constant 0 : i32
      %dma_wait3A_895 = tpu.memref_slice %arg4[%dma_wait3A_893, %dma_wait3A_894] : memref<32x1000000xf32, #tpu.memory_space<hbm>> -> memref<32x128xf32, #tpu.memory_space<hbm>>
      tpu.wait_dma2 semaphore(%dma_wait3A_888 : memref<!tpu.dma_semaphore, #tpu.memory_space<semaphore_mem>>) src(%dma_wait3A_895 : memref<32x128xf32, #tpu.memory_space<hbm>>) dst(%dma_wait3A_892 : memref<32x128xf32, #tpu.memory_space<vmem>>)
      %slice3A_896 = vector.extract_strided_slice %and3A_30 {offsets = [13], sizes = [1], strides = [1]} : vector<16xi32> to vector<1xi32>
      %squeeze3A_897 = vector.extract %slice3A_896[0] : i32 from vector<1xi32>
      %broadcast_in_dim3A_898 = vector.broadcast %squeeze3A_897 : i32 to vector<16xi32>
      %slice3A_899 = vector.extract_strided_slice %add3A_334 {offsets = [13], sizes = [1], strides = [1]} : vector<16xi32> to vector<1xi32>
      %squeeze3A_900 = vector.extract %slice3A_899[0] : i32 from vector<1xi32>
      %broadcast_in_dim3A_901 = vector.broadcast %squeeze3A_900 : i32 to vector<16xi32>
      %add3A_902 = arith.constant 0 : i32
      %add3A_903 = vector.broadcast %add3A_902 : i32 to vector<16xi32>
      %add3A_904 = arith.addi %iota3A, %add3A_903 : vector<16xi32>
      %gather3A_905 = arith.constant 13 : i32
      %gather3A_906 = arith.constant 0 : i32
      %gather3A_907 = arith.constant 0 : i32
      %gather3A_908 = tpu.memref_slice %arg9[%gather3A_905, %gather3A_906, %gather3A_907] : memref<16x32x128xf32, #tpu.memory_space<vmem>> -> memref<1x32x128xf32, #tpu.memory_space<vmem>>
      %gather3A_909 = tpu.memref_squeeze %gather3A_908 : memref<1x32x128xf32, #tpu.memory_space<vmem>> -> memref<32x128xf32, #tpu.memory_space<vmem>>
      %gather3A_910 = tpu.vector_load_idx %gather3A_909[%add3A_904, %broadcast_in_dim3A_898] : memref<32x128xf32, #tpu.memory_space<vmem>>[vector<16xi32>, vector<16xi32>], vector<16xf32>,
      tpu.vector_store_idx %arg10[%add3A_904, %broadcast_in_dim3A_901], %gather3A_910 : memref<32x512xf32, #tpu.memory_space<vmem>>[vector<16xi32>, vector<16xi32>], vector<16xf32>,
      %add3A_911 = arith.constant 16 : i32
      %add3A_912 = vector.broadcast %add3A_911 : i32 to vector<16xi32>
      %add3A_913 = arith.addi %iota3A, %add3A_912 : vector<16xi32>
      %gather3A_914 = arith.constant 13 : i32
      %gather3A_915 = arith.constant 0 : i32
      %gather3A_916 = arith.constant 0 : i32
      %gather3A_917 = tpu.memref_slice %arg9[%gather3A_914, %gather3A_915, %gather3A_916] : memref<16x32x128xf32, #tpu.memory_space<vmem>> -> memref<1x32x128xf32, #tpu.memory_space<vmem>>
      %gather3A_918 = tpu.memref_squeeze %gather3A_917 : memref<1x32x128xf32, #tpu.memory_space<vmem>> -> memref<32x128xf32, #tpu.memory_space<vmem>>
      %gather3A_919 = tpu.vector_load_idx %gather3A_918[%add3A_913, %broadcast_in_dim3A_898] : memref<32x128xf32, #tpu.memory_space<vmem>>[vector<16xi32>, vector<16xi32>], vector<16xf32>,
      tpu.vector_store_idx %arg10[%add3A_913, %broadcast_in_dim3A_901], %gather3A_919 : memref<32x512xf32, #tpu.memory_space<vmem>>[vector<16xi32>, vector<16xi32>], vector<16xf32>,
      %dma_wait3A_920 = arith.constant 14 : i32
      %dma_wait3A_921 = arith.constant 14 : i32
      %dma_wait3A_922 = arith.constant 0 : i32
      %dma_wait3A_923 = arith.constant 0 : i32
      %dma_wait3A_924 = tpu.memref_slice %arg9[%dma_wait3A_920, %dma_wait3A_922, %dma_wait3A_923] : memref<16x32x128xf32, #tpu.memory_space<vmem>> -> memref<1x32x128xf32, #tpu.memory_space<vmem>>
      %dma_wait3A_925 = tpu.memref_squeeze %dma_wait3A_924 : memref<1x32x128xf32, #tpu.memory_space<vmem>> -> memref<32x128xf32, #tpu.memory_space<vmem>>
      %dma_wait3A_926 = arith.constant 0 : i32
      %dma_wait3A_927 = arith.constant 0 : i32
      %dma_wait3A_928 = tpu.memref_slice %arg4[%dma_wait3A_926, %dma_wait3A_927] : memref<32x1000000xf32, #tpu.memory_space<hbm>> -> memref<32x128xf32, #tpu.memory_space<hbm>>
      %dma_wait3A_929 = tpu.memref_slice %arg13[%dma_wait3A_921] : memref<16x!tpu.dma_semaphore, #tpu.memory_space<semaphore_mem>> -> memref<1x!tpu.dma_semaphore, #tpu.memory_space<semaphore_mem>>
      %dma_wait3A_930 = tpu.memref_squeeze %dma_wait3A_929 : memref<1x!tpu.dma_semaphore, #tpu.memory_space<semaphore_mem>> -> memref<!tpu.dma_semaphore, #tpu.memory_space<semaphore_mem>>
      %dma_wait3A_931 = arith.constant 0 : i32
      %dma_wait3A_932 = arith.constant 0 : i32
      %dma_wait3A_933 = tpu.memref_slice %arg9[%dma_wait3A_920, %dma_wait3A_931, %dma_wait3A_932] : memref<16x32x128xf32, #tpu.memory_space<vmem>> -> memref<1x32x128xf32, #tpu.memory_space<vmem>>
      %dma_wait3A_934 = tpu.memref_squeeze %dma_wait3A_933 : memref<1x32x128xf32, #tpu.memory_space<vmem>> -> memref<32x128xf32, #tpu.memory_space<vmem>>
      %dma_wait3A_935 = arith.constant 0 : i32
      %dma_wait3A_936 = arith.constant 0 : i32
      %dma_wait3A_937 = tpu.memref_slice %arg4[%dma_wait3A_935, %dma_wait3A_936] : memref<32x1000000xf32, #tpu.memory_space<hbm>> -> memref<32x128xf32, #tpu.memory_space<hbm>>
      tpu.wait_dma2 semaphore(%dma_wait3A_930 : memref<!tpu.dma_semaphore, #tpu.memory_space<semaphore_mem>>) src(%dma_wait3A_937 : memref<32x128xf32, #tpu.memory_space<hbm>>) dst(%dma_wait3A_934 : memref<32x128xf32, #tpu.memory_space<vmem>>)
      %slice3A_938 = vector.extract_strided_slice %and3A_30 {offsets = [14], sizes = [1], strides = [1]} : vector<16xi32> to vector<1xi32>
      %squeeze3A_939 = vector.extract %slice3A_938[0] : i32 from vector<1xi32>
      %broadcast_in_dim3A_940 = vector.broadcast %squeeze3A_939 : i32 to vector<16xi32>
      %slice3A_941 = vector.extract_strided_slice %add3A_334 {offsets = [14], sizes = [1], strides = [1]} : vector<16xi32> to vector<1xi32>
      %squeeze3A_942 = vector.extract %slice3A_941[0] : i32 from vector<1xi32>
      %broadcast_in_dim3A_943 = vector.broadcast %squeeze3A_942 : i32 to vector<16xi32>
      %add3A_944 = arith.constant 0 : i32
      %add3A_945 = vector.broadcast %add3A_944 : i32 to vector<16xi32>
      %add3A_946 = arith.addi %iota3A, %add3A_945 : vector<16xi32>
      %gather3A_947 = arith.constant 14 : i32
      %gather3A_948 = arith.constant 0 : i32
      %gather3A_949 = arith.constant 0 : i32
      %gather3A_950 = tpu.memref_slice %arg9[%gather3A_947, %gather3A_948, %gather3A_949] : memref<16x32x128xf32, #tpu.memory_space<vmem>> -> memref<1x32x128xf32, #tpu.memory_space<vmem>>
      %gather3A_951 = tpu.memref_squeeze %gather3A_950 : memref<1x32x128xf32, #tpu.memory_space<vmem>> -> memref<32x128xf32, #tpu.memory_space<vmem>>
      %gather3A_952 = tpu.vector_load_idx %gather3A_951[%add3A_946, %broadcast_in_dim3A_940] : memref<32x128xf32, #tpu.memory_space<vmem>>[vector<16xi32>, vector<16xi32>], vector<16xf32>,
      tpu.vector_store_idx %arg10[%add3A_946, %broadcast_in_dim3A_943], %gather3A_952 : memref<32x512xf32, #tpu.memory_space<vmem>>[vector<16xi32>, vector<16xi32>], vector<16xf32>,
      %add3A_953 = arith.constant 16 : i32
      %add3A_954 = vector.broadcast %add3A_953 : i32 to vector<16xi32>
      %add3A_955 = arith.addi %iota3A, %add3A_954 : vector<16xi32>
      %gather3A_956 = arith.constant 14 : i32
      %gather3A_957 = arith.constant 0 : i32
      %gather3A_958 = arith.constant 0 : i32
      %gather3A_959 = tpu.memref_slice %arg9[%gather3A_956, %gather3A_957, %gather3A_958] : memref<16x32x128xf32, #tpu.memory_space<vmem>> -> memref<1x32x128xf32, #tpu.memory_space<vmem>>
      %gather3A_960 = tpu.memref_squeeze %gather3A_959 : memref<1x32x128xf32, #tpu.memory_space<vmem>> -> memref<32x128xf32, #tpu.memory_space<vmem>>
      %gather3A_961 = tpu.vector_load_idx %gather3A_960[%add3A_955, %broadcast_in_dim3A_940] : memref<32x128xf32, #tpu.memory_space<vmem>>[vector<16xi32>, vector<16xi32>], vector<16xf32>,
      tpu.vector_store_idx %arg10[%add3A_955, %broadcast_in_dim3A_943], %gather3A_961 : memref<32x512xf32, #tpu.memory_space<vmem>>[vector<16xi32>, vector<16xi32>], vector<16xf32>,
      %dma_wait3A_962 = arith.constant 15 : i32
      %dma_wait3A_963 = arith.constant 15 : i32
      %dma_wait3A_964 = arith.constant 0 : i32
      %dma_wait3A_965 = arith.constant 0 : i32
      %dma_wait3A_966 = tpu.memref_slice %arg9[%dma_wait3A_962, %dma_wait3A_964, %dma_wait3A_965] : memref<16x32x128xf32, #tpu.memory_space<vmem>> -> memref<1x32x128xf32, #tpu.memory_space<vmem>>
      %dma_wait3A_967 = tpu.memref_squeeze %dma_wait3A_966 : memref<1x32x128xf32, #tpu.memory_space<vmem>> -> memref<32x128xf32, #tpu.memory_space<vmem>>
      %dma_wait3A_968 = arith.constant 0 : i32
      %dma_wait3A_969 = arith.constant 0 : i32
      %dma_wait3A_970 = tpu.memref_slice %arg4[%dma_wait3A_968, %dma_wait3A_969] : memref<32x1000000xf32, #tpu.memory_space<hbm>> -> memref<32x128xf32, #tpu.memory_space<hbm>>
      %dma_wait3A_971 = tpu.memref_slice %arg13[%dma_wait3A_963] : memref<16x!tpu.dma_semaphore, #tpu.memory_space<semaphore_mem>> -> memref<1x!tpu.dma_semaphore, #tpu.memory_space<semaphore_mem>>
      %dma_wait3A_972 = tpu.memref_squeeze %dma_wait3A_971 : memref<1x!tpu.dma_semaphore, #tpu.memory_space<semaphore_mem>> -> memref<!tpu.dma_semaphore, #tpu.memory_space<semaphore_mem>>
      %dma_wait3A_973 = arith.constant 0 : i32
      %dma_wait3A_974 = arith.constant 0 : i32
      %dma_wait3A_975 = tpu.memref_slice %arg9[%dma_wait3A_962, %dma_wait3A_973, %dma_wait3A_974] : memref<16x32x128xf32, #tpu.memory_space<vmem>> -> memref<1x32x128xf32, #tpu.memory_space<vmem>>
      %dma_wait3A_976 = tpu.memref_squeeze %dma_wait3A_975 : memref<1x32x128xf32, #tpu.memory_space<vmem>> -> memref<32x128xf32, #tpu.memory_space<vmem>>
      %dma_wait3A_977 = arith.constant 0 : i32
      %dma_wait3A_978 = arith.constant 0 : i32
      %dma_wait3A_979 = tpu.memref_slice %arg4[%dma_wait3A_977, %dma_wait3A_978] : memref<32x1000000xf32, #tpu.memory_space<hbm>> -> memref<32x128xf32, #tpu.memory_space<hbm>>
      tpu.wait_dma2 semaphore(%dma_wait3A_972 : memref<!tpu.dma_semaphore, #tpu.memory_space<semaphore_mem>>) src(%dma_wait3A_979 : memref<32x128xf32, #tpu.memory_space<hbm>>) dst(%dma_wait3A_976 : memref<32x128xf32, #tpu.memory_space<vmem>>)
      %slice3A_980 = vector.extract_strided_slice %and3A_30 {offsets = [15], sizes = [1], strides = [1]} : vector<16xi32> to vector<1xi32>
      %squeeze3A_981 = vector.extract %slice3A_980[0] : i32 from vector<1xi32>
      %broadcast_in_dim3A_982 = vector.broadcast %squeeze3A_981 : i32 to vector<16xi32>
      %slice3A_983 = vector.extract_strided_slice %add3A_334 {offsets = [15], sizes = [1], strides = [1]} : vector<16xi32> to vector<1xi32>
      %squeeze3A_984 = vector.extract %slice3A_983[0] : i32 from vector<1xi32>
      %broadcast_in_dim3A_985 = vector.broadcast %squeeze3A_984 : i32 to vector<16xi32>
      %add3A_986 = arith.constant 0 : i32
      %add3A_987 = vector.broadcast %add3A_986 : i32 to vector<16xi32>
      %add3A_988 = arith.addi %iota3A, %add3A_987 : vector<16xi32>
      %gather3A_989 = arith.constant 15 : i32
      %gather3A_990 = arith.constant 0 : i32
      %gather3A_991 = arith.constant 0 : i32
      %gather3A_992 = tpu.memref_slice %arg9[%gather3A_989, %gather3A_990, %gather3A_991] : memref<16x32x128xf32, #tpu.memory_space<vmem>> -> memref<1x32x128xf32, #tpu.memory_space<vmem>>
      %gather3A_993 = tpu.memref_squeeze %gather3A_992 : memref<1x32x128xf32, #tpu.memory_space<vmem>> -> memref<32x128xf32, #tpu.memory_space<vmem>>
      %gather3A_994 = tpu.vector_load_idx %gather3A_993[%add3A_988, %broadcast_in_dim3A_982] : memref<32x128xf32, #tpu.memory_space<vmem>>[vector<16xi32>, vector<16xi32>], vector<16xf32>,
      tpu.vector_store_idx %arg10[%add3A_988, %broadcast_in_dim3A_985], %gather3A_994 : memref<32x512xf32, #tpu.memory_space<vmem>>[vector<16xi32>, vector<16xi32>], vector<16xf32>,
      %add3A_995 = arith.constant 16 : i32
      %add3A_996 = vector.broadcast %add3A_995 : i32 to vector<16xi32>
      %add3A_997 = arith.addi %iota3A, %add3A_996 : vector<16xi32>
      %gather3A_998 = arith.constant 15 : i32
      %gather3A_999 = arith.constant 0 : i32
      %gather3A_1000 = arith.constant 0 : i32
      %gather3A_1001 = tpu.memref_slice %arg9[%gather3A_998, %gather3A_999, %gather3A_1000] : memref<16x32x128xf32, #tpu.memory_space<vmem>> -> memref<1x32x128xf32, #tpu.memory_space<vmem>>
      %gather3A_1002 = tpu.memref_squeeze %gather3A_1001 : memref<1x32x128xf32, #tpu.memory_space<vmem>> -> memref<32x128xf32, #tpu.memory_space<vmem>>
      %gather3A_1003 = tpu.vector_load_idx %gather3A_1002[%add3A_997, %broadcast_in_dim3A_982] : memref<32x128xf32, #tpu.memory_space<vmem>>[vector<16xi32>, vector<16xi32>], vector<16xf32>,
      tpu.vector_store_idx %arg10[%add3A_997, %broadcast_in_dim3A_985], %gather3A_1003 : memref<32x512xf32, #tpu.memory_space<vmem>>[vector<16xi32>, vector<16xi32>], vector<16xf32>,
    }
    %scan3A_7 = arith.constant 32 : i32
    %scan3A_8 = arith.constant 0 : i32
    %scan3A_9 = arith.constant 0 : i32
    %scan3A_10 = arith.constant 32 : i32
    %scan3A_11 = arith.addi %scan3A_9, %scan3A_10 : i32
    %scan3A_12 = arith.constant 1 : i32
    scf.for %scan3A_20 = %scan3A_9 to %scan3A_11 step %scan3A_12  : i32 {
      %mul3A_21 = arith.constant 16 : i32
      %mul3A_22 = arith.muli %scan3A_20, %mul3A_21 : i32
      %get3A = arith.index_cast %mul3A_22 : i32 to index
      %get3A_23 = tpu.vector_load %arg8[%get3A] {strides = array<i32>} : memref<512xi32, #tpu.memory_space<vmem>>, vector<16xi32>,
      %shift_right_arithmetic3A = arith.constant 7 : i32
      %shift_right_arithmetic3A_24 = vector.broadcast %shift_right_arithmetic3A : i32 to vector<16xi32>
      %shift_right_arithmetic3A_25 = arith.shrsi %get3A_23, %shift_right_arithmetic3A_24 : vector<16xi32>
      %mul3A_26 = arith.constant 128 : i32
      %mul3A_27 = vector.broadcast %mul3A_26 : i32 to vector<16xi32>
      %mul3A_28 = arith.muli %shift_right_arithmetic3A_25, %mul3A_27 : vector<16xi32>
      %and3A = arith.constant 127 : i32
      %and3A_29 = vector.broadcast %and3A : i32 to vector<16xi32>
      %and3A_30 = arith.andi %get3A_23, %and3A_29 : vector<16xi32>
      %slice3A = vector.extract_strided_slice %mul3A_28 {offsets = [0], sizes = [1], strides = [1]} : vector<16xi32> to vector<1xi32>
      %squeeze3A = vector.extract %slice3A[0] : i32 from vector<1xi32>
      %multiple_of3A = tpu.assume_multiple %squeeze3A, 128 : i32
      %dma_start3A = arith.constant 0 : i32
      %dma_start3A_31 = arith.constant 0 : i32
      %dma_start3A_32 = arith.constant 0 : i32
      %dma_start3A_33 = arith.constant 0 : i32
      %dma_start3A_34 = tpu.memref_slice %arg9[%dma_start3A, %dma_start3A_32, %dma_start3A_33] : memref<16x32x128xf32, #tpu.memory_space<vmem>> -> memref<1x32x128xf32, #tpu.memory_space<vmem>>
      %dma_start3A_35 = tpu.memref_squeeze %dma_start3A_34 : memref<1x32x128xf32, #tpu.memory_space<vmem>> -> memref<32x128xf32, #tpu.memory_space<vmem>>
      %dma_start3A_36 = arith.constant 0 : i32
      %dma_start3A_37 = tpu.memref_slice %arg5[%dma_start3A_36, %multiple_of3A] : memref<32x1000000xf32, #tpu.memory_space<hbm>> -> memref<32x128xf32, #tpu.memory_space<hbm>>
      %dma_start3A_38 = tpu.memref_slice %arg13[%dma_start3A_31] : memref<16x!tpu.dma_semaphore, #tpu.memory_space<semaphore_mem>> -> memref<1x!tpu.dma_semaphore, #tpu.memory_space<semaphore_mem>>
      %dma_start3A_39 = tpu.memref_squeeze %dma_start3A_38 : memref<1x!tpu.dma_semaphore, #tpu.memory_space<semaphore_mem>> -> memref<!tpu.dma_semaphore, #tpu.memory_space<semaphore_mem>>
      %dma_start3A_40 = arith.constant 0 : i32
      %dma_start3A_41 = arith.constant 0 : i32
      %dma_start3A_42 = tpu.memref_slice %arg9[%dma_start3A, %dma_start3A_40, %dma_start3A_41] : memref<16x32x128xf32, #tpu.memory_space<vmem>> -> memref<1x32x128xf32, #tpu.memory_space<vmem>>
      %dma_start3A_43 = tpu.memref_squeeze %dma_start3A_42 : memref<1x32x128xf32, #tpu.memory_space<vmem>> -> memref<32x128xf32, #tpu.memory_space<vmem>>
      %dma_start3A_44 = arith.constant 0 : i32
      %dma_start3A_45 = tpu.memref_slice %arg5[%dma_start3A_44, %multiple_of3A] : memref<32x1000000xf32, #tpu.memory_space<hbm>> -> memref<32x128xf32, #tpu.memory_space<hbm>>
      tpu.enqueue_dma source(%dma_start3A_45 : memref<32x128xf32, #tpu.memory_space<hbm>>) target(%dma_start3A_43 : memref<32x128xf32, #tpu.memory_space<vmem>>) target_semaphore(%dma_start3A_39 : memref<!tpu.dma_semaphore, #tpu.memory_space<semaphore_mem>>)
      %slice3A_46 = vector.extract_strided_slice %mul3A_28 {offsets = [1], sizes = [1], strides = [1]} : vector<16xi32> to vector<1xi32>
      %squeeze3A_47 = vector.extract %slice3A_46[0] : i32 from vector<1xi32>
      %multiple_of3A_48 = tpu.assume_multiple %squeeze3A_47, 128 : i32
      %dma_start3A_49 = arith.constant 1 : i32
      %dma_start3A_50 = arith.constant 1 : i32
      %dma_start3A_51 = arith.constant 0 : i32
      %dma_start3A_52 = arith.constant 0 : i32
      %dma_start3A_53 = tpu.memref_slice %arg9[%dma_start3A_49, %dma_start3A_51, %dma_start3A_52] : memref<16x32x128xf32, #tpu.memory_space<vmem>> -> memref<1x32x128xf32, #tpu.memory_space<vmem>>
      %dma_start3A_54 = tpu.memref_squeeze %dma_start3A_53 : memref<1x32x128xf32, #tpu.memory_space<vmem>> -> memref<32x128xf32, #tpu.memory_space<vmem>>
      %dma_start3A_55 = arith.constant 0 : i32
      %dma_start3A_56 = tpu.memref_slice %arg5[%dma_start3A_55, %multiple_of3A_48] : memref<32x1000000xf32, #tpu.memory_space<hbm>> -> memref<32x128xf32, #tpu.memory_space<hbm>>
      %dma_start3A_57 = tpu.memref_slice %arg13[%dma_start3A_50] : memref<16x!tpu.dma_semaphore, #tpu.memory_space<semaphore_mem>> -> memref<1x!tpu.dma_semaphore, #tpu.memory_space<semaphore_mem>>
      %dma_start3A_58 = tpu.memref_squeeze %dma_start3A_57 : memref<1x!tpu.dma_semaphore, #tpu.memory_space<semaphore_mem>> -> memref<!tpu.dma_semaphore, #tpu.memory_space<semaphore_mem>>
      %dma_start3A_59 = arith.constant 0 : i32
      %dma_start3A_60 = arith.constant 0 : i32
      %dma_start3A_61 = tpu.memref_slice %arg9[%dma_start3A_49, %dma_start3A_59, %dma_start3A_60] : memref<16x32x128xf32, #tpu.memory_space<vmem>> -> memref<1x32x128xf32, #tpu.memory_space<vmem>>
      %dma_start3A_62 = tpu.memref_squeeze %dma_start3A_61 : memref<1x32x128xf32, #tpu.memory_space<vmem>> -> memref<32x128xf32, #tpu.memory_space<vmem>>
      %dma_start3A_63 = arith.constant 0 : i32
      %dma_start3A_64 = tpu.memref_slice %arg5[%dma_start3A_63, %multiple_of3A_48] : memref<32x1000000xf32, #tpu.memory_space<hbm>> -> memref<32x128xf32, #tpu.memory_space<hbm>>
      tpu.enqueue_dma source(%dma_start3A_64 : memref<32x128xf32, #tpu.memory_space<hbm>>) target(%dma_start3A_62 : memref<32x128xf32, #tpu.memory_space<vmem>>) target_semaphore(%dma_start3A_58 : memref<!tpu.dma_semaphore, #tpu.memory_space<semaphore_mem>>)
      %slice3A_65 = vector.extract_strided_slice %mul3A_28 {offsets = [2], sizes = [1], strides = [1]} : vector<16xi32> to vector<1xi32>
      %squeeze3A_66 = vector.extract %slice3A_65[0] : i32 from vector<1xi32>
      %multiple_of3A_67 = tpu.assume_multiple %squeeze3A_66, 128 : i32
      %dma_start3A_68 = arith.constant 2 : i32
      %dma_start3A_69 = arith.constant 2 : i32
      %dma_start3A_70 = arith.constant 0 : i32
      %dma_start3A_71 = arith.constant 0 : i32
      %dma_start3A_72 = tpu.memref_slice %arg9[%dma_start3A_68, %dma_start3A_70, %dma_start3A_71] : memref<16x32x128xf32, #tpu.memory_space<vmem>> -> memref<1x32x128xf32, #tpu.memory_space<vmem>>
      %dma_start3A_73 = tpu.memref_squeeze %dma_start3A_72 : memref<1x32x128xf32, #tpu.memory_space<vmem>> -> memref<32x128xf32, #tpu.memory_space<vmem>>
      %dma_start3A_74 = arith.constant 0 : i32
      %dma_start3A_75 = tpu.memref_slice %arg5[%dma_start3A_74, %multiple_of3A_67] : memref<32x1000000xf32, #tpu.memory_space<hbm>> -> memref<32x128xf32, #tpu.memory_space<hbm>>
      %dma_start3A_76 = tpu.memref_slice %arg13[%dma_start3A_69] : memref<16x!tpu.dma_semaphore, #tpu.memory_space<semaphore_mem>> -> memref<1x!tpu.dma_semaphore, #tpu.memory_space<semaphore_mem>>
      %dma_start3A_77 = tpu.memref_squeeze %dma_start3A_76 : memref<1x!tpu.dma_semaphore, #tpu.memory_space<semaphore_mem>> -> memref<!tpu.dma_semaphore, #tpu.memory_space<semaphore_mem>>
      %dma_start3A_78 = arith.constant 0 : i32
      %dma_start3A_79 = arith.constant 0 : i32
      %dma_start3A_80 = tpu.memref_slice %arg9[%dma_start3A_68, %dma_start3A_78, %dma_start3A_79] : memref<16x32x128xf32, #tpu.memory_space<vmem>> -> memref<1x32x128xf32, #tpu.memory_space<vmem>>
      %dma_start3A_81 = tpu.memref_squeeze %dma_start3A_80 : memref<1x32x128xf32, #tpu.memory_space<vmem>> -> memref<32x128xf32, #tpu.memory_space<vmem>>
      %dma_start3A_82 = arith.constant 0 : i32
      %dma_start3A_83 = tpu.memref_slice %arg5[%dma_start3A_82, %multiple_of3A_67] : memref<32x1000000xf32, #tpu.memory_space<hbm>> -> memref<32x128xf32, #tpu.memory_space<hbm>>
      tpu.enqueue_dma source(%dma_start3A_83 : memref<32x128xf32, #tpu.memory_space<hbm>>) target(%dma_start3A_81 : memref<32x128xf32, #tpu.memory_space<vmem>>) target_semaphore(%dma_start3A_77 : memref<!tpu.dma_semaphore, #tpu.memory_space<semaphore_mem>>)
      %slice3A_84 = vector.extract_strided_slice %mul3A_28 {offsets = [3], sizes = [1], strides = [1]} : vector<16xi32> to vector<1xi32>
      %squeeze3A_85 = vector.extract %slice3A_84[0] : i32 from vector<1xi32>
      %multiple_of3A_86 = tpu.assume_multiple %squeeze3A_85, 128 : i32
      %dma_start3A_87 = arith.constant 3 : i32
      %dma_start3A_88 = arith.constant 3 : i32
      %dma_start3A_89 = arith.constant 0 : i32
      %dma_start3A_90 = arith.constant 0 : i32
      %dma_start3A_91 = tpu.memref_slice %arg9[%dma_start3A_87, %dma_start3A_89, %dma_start3A_90] : memref<16x32x128xf32, #tpu.memory_space<vmem>> -> memref<1x32x128xf32, #tpu.memory_space<vmem>>
      %dma_start3A_92 = tpu.memref_squeeze %dma_start3A_91 : memref<1x32x128xf32, #tpu.memory_space<vmem>> -> memref<32x128xf32, #tpu.memory_space<vmem>>
      %dma_start3A_93 = arith.constant 0 : i32
      %dma_start3A_94 = tpu.memref_slice %arg5[%dma_start3A_93, %multiple_of3A_86] : memref<32x1000000xf32, #tpu.memory_space<hbm>> -> memref<32x128xf32, #tpu.memory_space<hbm>>
      %dma_start3A_95 = tpu.memref_slice %arg13[%dma_start3A_88] : memref<16x!tpu.dma_semaphore, #tpu.memory_space<semaphore_mem>> -> memref<1x!tpu.dma_semaphore, #tpu.memory_space<semaphore_mem>>
      %dma_start3A_96 = tpu.memref_squeeze %dma_start3A_95 : memref<1x!tpu.dma_semaphore, #tpu.memory_space<semaphore_mem>> -> memref<!tpu.dma_semaphore, #tpu.memory_space<semaphore_mem>>
      %dma_start3A_97 = arith.constant 0 : i32
      %dma_start3A_98 = arith.constant 0 : i32
      %dma_start3A_99 = tpu.memref_slice %arg9[%dma_start3A_87, %dma_start3A_97, %dma_start3A_98] : memref<16x32x128xf32, #tpu.memory_space<vmem>> -> memref<1x32x128xf32, #tpu.memory_space<vmem>>
      %dma_start3A_100 = tpu.memref_squeeze %dma_start3A_99 : memref<1x32x128xf32, #tpu.memory_space<vmem>> -> memref<32x128xf32, #tpu.memory_space<vmem>>
      %dma_start3A_101 = arith.constant 0 : i32
      %dma_start3A_102 = tpu.memref_slice %arg5[%dma_start3A_101, %multiple_of3A_86] : memref<32x1000000xf32, #tpu.memory_space<hbm>> -> memref<32x128xf32, #tpu.memory_space<hbm>>
      tpu.enqueue_dma source(%dma_start3A_102 : memref<32x128xf32, #tpu.memory_space<hbm>>) target(%dma_start3A_100 : memref<32x128xf32, #tpu.memory_space<vmem>>) target_semaphore(%dma_start3A_96 : memref<!tpu.dma_semaphore, #tpu.memory_space<semaphore_mem>>)
      %slice3A_103 = vector.extract_strided_slice %mul3A_28 {offsets = [4], sizes = [1], strides = [1]} : vector<16xi32> to vector<1xi32>
      %squeeze3A_104 = vector.extract %slice3A_103[0] : i32 from vector<1xi32>
      %multiple_of3A_105 = tpu.assume_multiple %squeeze3A_104, 128 : i32
      %dma_start3A_106 = arith.constant 4 : i32
      %dma_start3A_107 = arith.constant 4 : i32
      %dma_start3A_108 = arith.constant 0 : i32
      %dma_start3A_109 = arith.constant 0 : i32
      %dma_start3A_110 = tpu.memref_slice %arg9[%dma_start3A_106, %dma_start3A_108, %dma_start3A_109] : memref<16x32x128xf32, #tpu.memory_space<vmem>> -> memref<1x32x128xf32, #tpu.memory_space<vmem>>
      %dma_start3A_111 = tpu.memref_squeeze %dma_start3A_110 : memref<1x32x128xf32, #tpu.memory_space<vmem>> -> memref<32x128xf32, #tpu.memory_space<vmem>>
      %dma_start3A_112 = arith.constant 0 : i32
      %dma_start3A_113 = tpu.memref_slice %arg5[%dma_start3A_112, %multiple_of3A_105] : memref<32x1000000xf32, #tpu.memory_space<hbm>> -> memref<32x128xf32, #tpu.memory_space<hbm>>
      %dma_start3A_114 = tpu.memref_slice %arg13[%dma_start3A_107] : memref<16x!tpu.dma_semaphore, #tpu.memory_space<semaphore_mem>> -> memref<1x!tpu.dma_semaphore, #tpu.memory_space<semaphore_mem>>
      %dma_start3A_115 = tpu.memref_squeeze %dma_start3A_114 : memref<1x!tpu.dma_semaphore, #tpu.memory_space<semaphore_mem>> -> memref<!tpu.dma_semaphore, #tpu.memory_space<semaphore_mem>>
      %dma_start3A_116 = arith.constant 0 : i32
      %dma_start3A_117 = arith.constant 0 : i32
      %dma_start3A_118 = tpu.memref_slice %arg9[%dma_start3A_106, %dma_start3A_116, %dma_start3A_117] : memref<16x32x128xf32, #tpu.memory_space<vmem>> -> memref<1x32x128xf32, #tpu.memory_space<vmem>>
      %dma_start3A_119 = tpu.memref_squeeze %dma_start3A_118 : memref<1x32x128xf32, #tpu.memory_space<vmem>> -> memref<32x128xf32, #tpu.memory_space<vmem>>
      %dma_start3A_120 = arith.constant 0 : i32
      %dma_start3A_121 = tpu.memref_slice %arg5[%dma_start3A_120, %multiple_of3A_105] : memref<32x1000000xf32, #tpu.memory_space<hbm>> -> memref<32x128xf32, #tpu.memory_space<hbm>>
      tpu.enqueue_dma source(%dma_start3A_121 : memref<32x128xf32, #tpu.memory_space<hbm>>) target(%dma_start3A_119 : memref<32x128xf32, #tpu.memory_space<vmem>>) target_semaphore(%dma_start3A_115 : memref<!tpu.dma_semaphore, #tpu.memory_space<semaphore_mem>>)
      %slice3A_122 = vector.extract_strided_slice %mul3A_28 {offsets = [5], sizes = [1], strides = [1]} : vector<16xi32> to vector<1xi32>
      %squeeze3A_123 = vector.extract %slice3A_122[0] : i32 from vector<1xi32>
      %multiple_of3A_124 = tpu.assume_multiple %squeeze3A_123, 128 : i32
      %dma_start3A_125 = arith.constant 5 : i32
      %dma_start3A_126 = arith.constant 5 : i32
      %dma_start3A_127 = arith.constant 0 : i32
      %dma_start3A_128 = arith.constant 0 : i32
      %dma_start3A_129 = tpu.memref_slice %arg9[%dma_start3A_125, %dma_start3A_127, %dma_start3A_128] : memref<16x32x128xf32, #tpu.memory_space<vmem>> -> memref<1x32x128xf32, #tpu.memory_space<vmem>>
      %dma_start3A_130 = tpu.memref_squeeze %dma_start3A_129 : memref<1x32x128xf32, #tpu.memory_space<vmem>> -> memref<32x128xf32, #tpu.memory_space<vmem>>
      %dma_start3A_131 = arith.constant 0 : i32
      %dma_start3A_132 = tpu.memref_slice %arg5[%dma_start3A_131, %multiple_of3A_124] : memref<32x1000000xf32, #tpu.memory_space<hbm>> -> memref<32x128xf32, #tpu.memory_space<hbm>>
      %dma_start3A_133 = tpu.memref_slice %arg13[%dma_start3A_126] : memref<16x!tpu.dma_semaphore, #tpu.memory_space<semaphore_mem>> -> memref<1x!tpu.dma_semaphore, #tpu.memory_space<semaphore_mem>>
      %dma_start3A_134 = tpu.memref_squeeze %dma_start3A_133 : memref<1x!tpu.dma_semaphore, #tpu.memory_space<semaphore_mem>> -> memref<!tpu.dma_semaphore, #tpu.memory_space<semaphore_mem>>
      %dma_start3A_135 = arith.constant 0 : i32
      %dma_start3A_136 = arith.constant 0 : i32
      %dma_start3A_137 = tpu.memref_slice %arg9[%dma_start3A_125, %dma_start3A_135, %dma_start3A_136] : memref<16x32x128xf32, #tpu.memory_space<vmem>> -> memref<1x32x128xf32, #tpu.memory_space<vmem>>
      %dma_start3A_138 = tpu.memref_squeeze %dma_start3A_137 : memref<1x32x128xf32, #tpu.memory_space<vmem>> -> memref<32x128xf32, #tpu.memory_space<vmem>>
      %dma_start3A_139 = arith.constant 0 : i32
      %dma_start3A_140 = tpu.memref_slice %arg5[%dma_start3A_139, %multiple_of3A_124] : memref<32x1000000xf32, #tpu.memory_space<hbm>> -> memref<32x128xf32, #tpu.memory_space<hbm>>
      tpu.enqueue_dma source(%dma_start3A_140 : memref<32x128xf32, #tpu.memory_space<hbm>>) target(%dma_start3A_138 : memref<32x128xf32, #tpu.memory_space<vmem>>) target_semaphore(%dma_start3A_134 : memref<!tpu.dma_semaphore, #tpu.memory_space<semaphore_mem>>)
      %slice3A_141 = vector.extract_strided_slice %mul3A_28 {offsets = [6], sizes = [1], strides = [1]} : vector<16xi32> to vector<1xi32>
      %squeeze3A_142 = vector.extract %slice3A_141[0] : i32 from vector<1xi32>
      %multiple_of3A_143 = tpu.assume_multiple %squeeze3A_142, 128 : i32
      %dma_start3A_144 = arith.constant 6 : i32
      %dma_start3A_145 = arith.constant 6 : i32
      %dma_start3A_146 = arith.constant 0 : i32
      %dma_start3A_147 = arith.constant 0 : i32
      %dma_start3A_148 = tpu.memref_slice %arg9[%dma_start3A_144, %dma_start3A_146, %dma_start3A_147] : memref<16x32x128xf32, #tpu.memory_space<vmem>> -> memref<1x32x128xf32, #tpu.memory_space<vmem>>
      %dma_start3A_149 = tpu.memref_squeeze %dma_start3A_148 : memref<1x32x128xf32, #tpu.memory_space<vmem>> -> memref<32x128xf32, #tpu.memory_space<vmem>>
      %dma_start3A_150 = arith.constant 0 : i32
      %dma_start3A_151 = tpu.memref_slice %arg5[%dma_start3A_150, %multiple_of3A_143] : memref<32x1000000xf32, #tpu.memory_space<hbm>> -> memref<32x128xf32, #tpu.memory_space<hbm>>
      %dma_start3A_152 = tpu.memref_slice %arg13[%dma_start3A_145] : memref<16x!tpu.dma_semaphore, #tpu.memory_space<semaphore_mem>> -> memref<1x!tpu.dma_semaphore, #tpu.memory_space<semaphore_mem>>
      %dma_start3A_153 = tpu.memref_squeeze %dma_start3A_152 : memref<1x!tpu.dma_semaphore, #tpu.memory_space<semaphore_mem>> -> memref<!tpu.dma_semaphore, #tpu.memory_space<semaphore_mem>>
      %dma_start3A_154 = arith.constant 0 : i32
      %dma_start3A_155 = arith.constant 0 : i32
      %dma_start3A_156 = tpu.memref_slice %arg9[%dma_start3A_144, %dma_start3A_154, %dma_start3A_155] : memref<16x32x128xf32, #tpu.memory_space<vmem>> -> memref<1x32x128xf32, #tpu.memory_space<vmem>>
      %dma_start3A_157 = tpu.memref_squeeze %dma_start3A_156 : memref<1x32x128xf32, #tpu.memory_space<vmem>> -> memref<32x128xf32, #tpu.memory_space<vmem>>
      %dma_start3A_158 = arith.constant 0 : i32
      %dma_start3A_159 = tpu.memref_slice %arg5[%dma_start3A_158, %multiple_of3A_143] : memref<32x1000000xf32, #tpu.memory_space<hbm>> -> memref<32x128xf32, #tpu.memory_space<hbm>>
      tpu.enqueue_dma source(%dma_start3A_159 : memref<32x128xf32, #tpu.memory_space<hbm>>) target(%dma_start3A_157 : memref<32x128xf32, #tpu.memory_space<vmem>>) target_semaphore(%dma_start3A_153 : memref<!tpu.dma_semaphore, #tpu.memory_space<semaphore_mem>>)
      %slice3A_160 = vector.extract_strided_slice %mul3A_28 {offsets = [7], sizes = [1], strides = [1]} : vector<16xi32> to vector<1xi32>
      %squeeze3A_161 = vector.extract %slice3A_160[0] : i32 from vector<1xi32>
      %multiple_of3A_162 = tpu.assume_multiple %squeeze3A_161, 128 : i32
      %dma_start3A_163 = arith.constant 7 : i32
      %dma_start3A_164 = arith.constant 7 : i32
      %dma_start3A_165 = arith.constant 0 : i32
      %dma_start3A_166 = arith.constant 0 : i32
      %dma_start3A_167 = tpu.memref_slice %arg9[%dma_start3A_163, %dma_start3A_165, %dma_start3A_166] : memref<16x32x128xf32, #tpu.memory_space<vmem>> -> memref<1x32x128xf32, #tpu.memory_space<vmem>>
      %dma_start3A_168 = tpu.memref_squeeze %dma_start3A_167 : memref<1x32x128xf32, #tpu.memory_space<vmem>> -> memref<32x128xf32, #tpu.memory_space<vmem>>
      %dma_start3A_169 = arith.constant 0 : i32
      %dma_start3A_170 = tpu.memref_slice %arg5[%dma_start3A_169, %multiple_of3A_162] : memref<32x1000000xf32, #tpu.memory_space<hbm>> -> memref<32x128xf32, #tpu.memory_space<hbm>>
      %dma_start3A_171 = tpu.memref_slice %arg13[%dma_start3A_164] : memref<16x!tpu.dma_semaphore, #tpu.memory_space<semaphore_mem>> -> memref<1x!tpu.dma_semaphore, #tpu.memory_space<semaphore_mem>>
      %dma_start3A_172 = tpu.memref_squeeze %dma_start3A_171 : memref<1x!tpu.dma_semaphore, #tpu.memory_space<semaphore_mem>> -> memref<!tpu.dma_semaphore, #tpu.memory_space<semaphore_mem>>
      %dma_start3A_173 = arith.constant 0 : i32
      %dma_start3A_174 = arith.constant 0 : i32
      %dma_start3A_175 = tpu.memref_slice %arg9[%dma_start3A_163, %dma_start3A_173, %dma_start3A_174] : memref<16x32x128xf32, #tpu.memory_space<vmem>> -> memref<1x32x128xf32, #tpu.memory_space<vmem>>
      %dma_start3A_176 = tpu.memref_squeeze %dma_start3A_175 : memref<1x32x128xf32, #tpu.memory_space<vmem>> -> memref<32x128xf32, #tpu.memory_space<vmem>>
      %dma_start3A_177 = arith.constant 0 : i32
      %dma_start3A_178 = tpu.memref_slice %arg5[%dma_start3A_177, %multiple_of3A_162] : memref<32x1000000xf32, #tpu.memory_space<hbm>> -> memref<32x128xf32, #tpu.memory_space<hbm>>
      tpu.enqueue_dma source(%dma_start3A_178 : memref<32x128xf32, #tpu.memory_space<hbm>>) target(%dma_start3A_176 : memref<32x128xf32, #tpu.memory_space<vmem>>) target_semaphore(%dma_start3A_172 : memref<!tpu.dma_semaphore, #tpu.memory_space<semaphore_mem>>)
      %slice3A_179 = vector.extract_strided_slice %mul3A_28 {offsets = [8], sizes = [1], strides = [1]} : vector<16xi32> to vector<1xi32>
      %squeeze3A_180 = vector.extract %slice3A_179[0] : i32 from vector<1xi32>
      %multiple_of3A_181 = tpu.assume_multiple %squeeze3A_180, 128 : i32
      %dma_start3A_182 = arith.constant 8 : i32
      %dma_start3A_183 = arith.constant 8 : i32
      %dma_start3A_184 = arith.constant 0 : i32
      %dma_start3A_185 = arith.constant 0 : i32
      %dma_start3A_186 = tpu.memref_slice %arg9[%dma_start3A_182, %dma_start3A_184, %dma_start3A_185] : memref<16x32x128xf32, #tpu.memory_space<vmem>> -> memref<1x32x128xf32, #tpu.memory_space<vmem>>
      %dma_start3A_187 = tpu.memref_squeeze %dma_start3A_186 : memref<1x32x128xf32, #tpu.memory_space<vmem>> -> memref<32x128xf32, #tpu.memory_space<vmem>>
      %dma_start3A_188 = arith.constant 0 : i32
      %dma_start3A_189 = tpu.memref_slice %arg5[%dma_start3A_188, %multiple_of3A_181] : memref<32x1000000xf32, #tpu.memory_space<hbm>> -> memref<32x128xf32, #tpu.memory_space<hbm>>
      %dma_start3A_190 = tpu.memref_slice %arg13[%dma_start3A_183] : memref<16x!tpu.dma_semaphore, #tpu.memory_space<semaphore_mem>> -> memref<1x!tpu.dma_semaphore, #tpu.memory_space<semaphore_mem>>
      %dma_start3A_191 = tpu.memref_squeeze %dma_start3A_190 : memref<1x!tpu.dma_semaphore, #tpu.memory_space<semaphore_mem>> -> memref<!tpu.dma_semaphore, #tpu.memory_space<semaphore_mem>>
      %dma_start3A_192 = arith.constant 0 : i32
      %dma_start3A_193 = arith.constant 0 : i32
      %dma_start3A_194 = tpu.memref_slice %arg9[%dma_start3A_182, %dma_start3A_192, %dma_start3A_193] : memref<16x32x128xf32, #tpu.memory_space<vmem>> -> memref<1x32x128xf32, #tpu.memory_space<vmem>>
      %dma_start3A_195 = tpu.memref_squeeze %dma_start3A_194 : memref<1x32x128xf32, #tpu.memory_space<vmem>> -> memref<32x128xf32, #tpu.memory_space<vmem>>
      %dma_start3A_196 = arith.constant 0 : i32
      %dma_start3A_197 = tpu.memref_slice %arg5[%dma_start3A_196, %multiple_of3A_181] : memref<32x1000000xf32, #tpu.memory_space<hbm>> -> memref<32x128xf32, #tpu.memory_space<hbm>>
      tpu.enqueue_dma source(%dma_start3A_197 : memref<32x128xf32, #tpu.memory_space<hbm>>) target(%dma_start3A_195 : memref<32x128xf32, #tpu.memory_space<vmem>>) target_semaphore(%dma_start3A_191 : memref<!tpu.dma_semaphore, #tpu.memory_space<semaphore_mem>>)
      %slice3A_198 = vector.extract_strided_slice %mul3A_28 {offsets = [9], sizes = [1], strides = [1]} : vector<16xi32> to vector<1xi32>
      %squeeze3A_199 = vector.extract %slice3A_198[0] : i32 from vector<1xi32>
      %multiple_of3A_200 = tpu.assume_multiple %squeeze3A_199, 128 : i32
      %dma_start3A_201 = arith.constant 9 : i32
      %dma_start3A_202 = arith.constant 9 : i32
      %dma_start3A_203 = arith.constant 0 : i32
      %dma_start3A_204 = arith.constant 0 : i32
      %dma_start3A_205 = tpu.memref_slice %arg9[%dma_start3A_201, %dma_start3A_203, %dma_start3A_204] : memref<16x32x128xf32, #tpu.memory_space<vmem>> -> memref<1x32x128xf32, #tpu.memory_space<vmem>>
      %dma_start3A_206 = tpu.memref_squeeze %dma_start3A_205 : memref<1x32x128xf32, #tpu.memory_space<vmem>> -> memref<32x128xf32, #tpu.memory_space<vmem>>
      %dma_start3A_207 = arith.constant 0 : i32
      %dma_start3A_208 = tpu.memref_slice %arg5[%dma_start3A_207, %multiple_of3A_200] : memref<32x1000000xf32, #tpu.memory_space<hbm>> -> memref<32x128xf32, #tpu.memory_space<hbm>>
      %dma_start3A_209 = tpu.memref_slice %arg13[%dma_start3A_202] : memref<16x!tpu.dma_semaphore, #tpu.memory_space<semaphore_mem>> -> memref<1x!tpu.dma_semaphore, #tpu.memory_space<semaphore_mem>>
      %dma_start3A_210 = tpu.memref_squeeze %dma_start3A_209 : memref<1x!tpu.dma_semaphore, #tpu.memory_space<semaphore_mem>> -> memref<!tpu.dma_semaphore, #tpu.memory_space<semaphore_mem>>
      %dma_start3A_211 = arith.constant 0 : i32
      %dma_start3A_212 = arith.constant 0 : i32
      %dma_start3A_213 = tpu.memref_slice %arg9[%dma_start3A_201, %dma_start3A_211, %dma_start3A_212] : memref<16x32x128xf32, #tpu.memory_space<vmem>> -> memref<1x32x128xf32, #tpu.memory_space<vmem>>
      %dma_start3A_214 = tpu.memref_squeeze %dma_start3A_213 : memref<1x32x128xf32, #tpu.memory_space<vmem>> -> memref<32x128xf32, #tpu.memory_space<vmem>>
      %dma_start3A_215 = arith.constant 0 : i32
      %dma_start3A_216 = tpu.memref_slice %arg5[%dma_start3A_215, %multiple_of3A_200] : memref<32x1000000xf32, #tpu.memory_space<hbm>> -> memref<32x128xf32, #tpu.memory_space<hbm>>
      tpu.enqueue_dma source(%dma_start3A_216 : memref<32x128xf32, #tpu.memory_space<hbm>>) target(%dma_start3A_214 : memref<32x128xf32, #tpu.memory_space<vmem>>) target_semaphore(%dma_start3A_210 : memref<!tpu.dma_semaphore, #tpu.memory_space<semaphore_mem>>)
      %slice3A_217 = vector.extract_strided_slice %mul3A_28 {offsets = [10], sizes = [1], strides = [1]} : vector<16xi32> to vector<1xi32>
      %squeeze3A_218 = vector.extract %slice3A_217[0] : i32 from vector<1xi32>
      %multiple_of3A_219 = tpu.assume_multiple %squeeze3A_218, 128 : i32
      %dma_start3A_220 = arith.constant 10 : i32
      %dma_start3A_221 = arith.constant 10 : i32
      %dma_start3A_222 = arith.constant 0 : i32
      %dma_start3A_223 = arith.constant 0 : i32
      %dma_start3A_224 = tpu.memref_slice %arg9[%dma_start3A_220, %dma_start3A_222, %dma_start3A_223] : memref<16x32x128xf32, #tpu.memory_space<vmem>> -> memref<1x32x128xf32, #tpu.memory_space<vmem>>
      %dma_start3A_225 = tpu.memref_squeeze %dma_start3A_224 : memref<1x32x128xf32, #tpu.memory_space<vmem>> -> memref<32x128xf32, #tpu.memory_space<vmem>>
      %dma_start3A_226 = arith.constant 0 : i32
      %dma_start3A_227 = tpu.memref_slice %arg5[%dma_start3A_226, %multiple_of3A_219] : memref<32x1000000xf32, #tpu.memory_space<hbm>> -> memref<32x128xf32, #tpu.memory_space<hbm>>
      %dma_start3A_228 = tpu.memref_slice %arg13[%dma_start3A_221] : memref<16x!tpu.dma_semaphore, #tpu.memory_space<semaphore_mem>> -> memref<1x!tpu.dma_semaphore, #tpu.memory_space<semaphore_mem>>
      %dma_start3A_229 = tpu.memref_squeeze %dma_start3A_228 : memref<1x!tpu.dma_semaphore, #tpu.memory_space<semaphore_mem>> -> memref<!tpu.dma_semaphore, #tpu.memory_space<semaphore_mem>>
      %dma_start3A_230 = arith.constant 0 : i32
      %dma_start3A_231 = arith.constant 0 : i32
      %dma_start3A_232 = tpu.memref_slice %arg9[%dma_start3A_220, %dma_start3A_230, %dma_start3A_231] : memref<16x32x128xf32, #tpu.memory_space<vmem>> -> memref<1x32x128xf32, #tpu.memory_space<vmem>>
      %dma_start3A_233 = tpu.memref_squeeze %dma_start3A_232 : memref<1x32x128xf32, #tpu.memory_space<vmem>> -> memref<32x128xf32, #tpu.memory_space<vmem>>
      %dma_start3A_234 = arith.constant 0 : i32
      %dma_start3A_235 = tpu.memref_slice %arg5[%dma_start3A_234, %multiple_of3A_219] : memref<32x1000000xf32, #tpu.memory_space<hbm>> -> memref<32x128xf32, #tpu.memory_space<hbm>>
      tpu.enqueue_dma source(%dma_start3A_235 : memref<32x128xf32, #tpu.memory_space<hbm>>) target(%dma_start3A_233 : memref<32x128xf32, #tpu.memory_space<vmem>>) target_semaphore(%dma_start3A_229 : memref<!tpu.dma_semaphore, #tpu.memory_space<semaphore_mem>>)
      %slice3A_236 = vector.extract_strided_slice %mul3A_28 {offsets = [11], sizes = [1], strides = [1]} : vector<16xi32> to vector<1xi32>
      %squeeze3A_237 = vector.extract %slice3A_236[0] : i32 from vector<1xi32>
      %multiple_of3A_238 = tpu.assume_multiple %squeeze3A_237, 128 : i32
      %dma_start3A_239 = arith.constant 11 : i32
      %dma_start3A_240 = arith.constant 11 : i32
      %dma_start3A_241 = arith.constant 0 : i32
      %dma_start3A_242 = arith.constant 0 : i32
      %dma_start3A_243 = tpu.memref_slice %arg9[%dma_start3A_239, %dma_start3A_241, %dma_start3A_242] : memref<16x32x128xf32, #tpu.memory_space<vmem>> -> memref<1x32x128xf32, #tpu.memory_space<vmem>>
      %dma_start3A_244 = tpu.memref_squeeze %dma_start3A_243 : memref<1x32x128xf32, #tpu.memory_space<vmem>> -> memref<32x128xf32, #tpu.memory_space<vmem>>
      %dma_start3A_245 = arith.constant 0 : i32
      %dma_start3A_246 = tpu.memref_slice %arg5[%dma_start3A_245, %multiple_of3A_238] : memref<32x1000000xf32, #tpu.memory_space<hbm>> -> memref<32x128xf32, #tpu.memory_space<hbm>>
      %dma_start3A_247 = tpu.memref_slice %arg13[%dma_start3A_240] : memref<16x!tpu.dma_semaphore, #tpu.memory_space<semaphore_mem>> -> memref<1x!tpu.dma_semaphore, #tpu.memory_space<semaphore_mem>>
      %dma_start3A_248 = tpu.memref_squeeze %dma_start3A_247 : memref<1x!tpu.dma_semaphore, #tpu.memory_space<semaphore_mem>> -> memref<!tpu.dma_semaphore, #tpu.memory_space<semaphore_mem>>
      %dma_start3A_249 = arith.constant 0 : i32
      %dma_start3A_250 = arith.constant 0 : i32
      %dma_start3A_251 = tpu.memref_slice %arg9[%dma_start3A_239, %dma_start3A_249, %dma_start3A_250] : memref<16x32x128xf32, #tpu.memory_space<vmem>> -> memref<1x32x128xf32, #tpu.memory_space<vmem>>
      %dma_start3A_252 = tpu.memref_squeeze %dma_start3A_251 : memref<1x32x128xf32, #tpu.memory_space<vmem>> -> memref<32x128xf32, #tpu.memory_space<vmem>>
      %dma_start3A_253 = arith.constant 0 : i32
      %dma_start3A_254 = tpu.memref_slice %arg5[%dma_start3A_253, %multiple_of3A_238] : memref<32x1000000xf32, #tpu.memory_space<hbm>> -> memref<32x128xf32, #tpu.memory_space<hbm>>
      tpu.enqueue_dma source(%dma_start3A_254 : memref<32x128xf32, #tpu.memory_space<hbm>>) target(%dma_start3A_252 : memref<32x128xf32, #tpu.memory_space<vmem>>) target_semaphore(%dma_start3A_248 : memref<!tpu.dma_semaphore, #tpu.memory_space<semaphore_mem>>)
      %slice3A_255 = vector.extract_strided_slice %mul3A_28 {offsets = [12], sizes = [1], strides = [1]} : vector<16xi32> to vector<1xi32>
      %squeeze3A_256 = vector.extract %slice3A_255[0] : i32 from vector<1xi32>
      %multiple_of3A_257 = tpu.assume_multiple %squeeze3A_256, 128 : i32
      %dma_start3A_258 = arith.constant 12 : i32
      %dma_start3A_259 = arith.constant 12 : i32
      %dma_start3A_260 = arith.constant 0 : i32
      %dma_start3A_261 = arith.constant 0 : i32
      %dma_start3A_262 = tpu.memref_slice %arg9[%dma_start3A_258, %dma_start3A_260, %dma_start3A_261] : memref<16x32x128xf32, #tpu.memory_space<vmem>> -> memref<1x32x128xf32, #tpu.memory_space<vmem>>
      %dma_start3A_263 = tpu.memref_squeeze %dma_start3A_262 : memref<1x32x128xf32, #tpu.memory_space<vmem>> -> memref<32x128xf32, #tpu.memory_space<vmem>>
      %dma_start3A_264 = arith.constant 0 : i32
      %dma_start3A_265 = tpu.memref_slice %arg5[%dma_start3A_264, %multiple_of3A_257] : memref<32x1000000xf32, #tpu.memory_space<hbm>> -> memref<32x128xf32, #tpu.memory_space<hbm>>
      %dma_start3A_266 = tpu.memref_slice %arg13[%dma_start3A_259] : memref<16x!tpu.dma_semaphore, #tpu.memory_space<semaphore_mem>> -> memref<1x!tpu.dma_semaphore, #tpu.memory_space<semaphore_mem>>
      %dma_start3A_267 = tpu.memref_squeeze %dma_start3A_266 : memref<1x!tpu.dma_semaphore, #tpu.memory_space<semaphore_mem>> -> memref<!tpu.dma_semaphore, #tpu.memory_space<semaphore_mem>>
      %dma_start3A_268 = arith.constant 0 : i32
      %dma_start3A_269 = arith.constant 0 : i32
      %dma_start3A_270 = tpu.memref_slice %arg9[%dma_start3A_258, %dma_start3A_268, %dma_start3A_269] : memref<16x32x128xf32, #tpu.memory_space<vmem>> -> memref<1x32x128xf32, #tpu.memory_space<vmem>>
      %dma_start3A_271 = tpu.memref_squeeze %dma_start3A_270 : memref<1x32x128xf32, #tpu.memory_space<vmem>> -> memref<32x128xf32, #tpu.memory_space<vmem>>
      %dma_start3A_272 = arith.constant 0 : i32
      %dma_start3A_273 = tpu.memref_slice %arg5[%dma_start3A_272, %multiple_of3A_257] : memref<32x1000000xf32, #tpu.memory_space<hbm>> -> memref<32x128xf32, #tpu.memory_space<hbm>>
      tpu.enqueue_dma source(%dma_start3A_273 : memref<32x128xf32, #tpu.memory_space<hbm>>) target(%dma_start3A_271 : memref<32x128xf32, #tpu.memory_space<vmem>>) target_semaphore(%dma_start3A_267 : memref<!tpu.dma_semaphore, #tpu.memory_space<semaphore_mem>>)
      %slice3A_274 = vector.extract_strided_slice %mul3A_28 {offsets = [13], sizes = [1], strides = [1]} : vector<16xi32> to vector<1xi32>
      %squeeze3A_275 = vector.extract %slice3A_274[0] : i32 from vector<1xi32>
      %multiple_of3A_276 = tpu.assume_multiple %squeeze3A_275, 128 : i32
      %dma_start3A_277 = arith.constant 13 : i32
      %dma_start3A_278 = arith.constant 13 : i32
      %dma_start3A_279 = arith.constant 0 : i32
      %dma_start3A_280 = arith.constant 0 : i32
      %dma_start3A_281 = tpu.memref_slice %arg9[%dma_start3A_277, %dma_start3A_279, %dma_start3A_280] : memref<16x32x128xf32, #tpu.memory_space<vmem>> -> memref<1x32x128xf32, #tpu.memory_space<vmem>>
      %dma_start3A_282 = tpu.memref_squeeze %dma_start3A_281 : memref<1x32x128xf32, #tpu.memory_space<vmem>> -> memref<32x128xf32, #tpu.memory_space<vmem>>
      %dma_start3A_283 = arith.constant 0 : i32
      %dma_start3A_284 = tpu.memref_slice %arg5[%dma_start3A_283, %multiple_of3A_276] : memref<32x1000000xf32, #tpu.memory_space<hbm>> -> memref<32x128xf32, #tpu.memory_space<hbm>>
      %dma_start3A_285 = tpu.memref_slice %arg13[%dma_start3A_278] : memref<16x!tpu.dma_semaphore, #tpu.memory_space<semaphore_mem>> -> memref<1x!tpu.dma_semaphore, #tpu.memory_space<semaphore_mem>>
      %dma_start3A_286 = tpu.memref_squeeze %dma_start3A_285 : memref<1x!tpu.dma_semaphore, #tpu.memory_space<semaphore_mem>> -> memref<!tpu.dma_semaphore, #tpu.memory_space<semaphore_mem>>
      %dma_start3A_287 = arith.constant 0 : i32
      %dma_start3A_288 = arith.constant 0 : i32
      %dma_start3A_289 = tpu.memref_slice %arg9[%dma_start3A_277, %dma_start3A_287, %dma_start3A_288] : memref<16x32x128xf32, #tpu.memory_space<vmem>> -> memref<1x32x128xf32, #tpu.memory_space<vmem>>
      %dma_start3A_290 = tpu.memref_squeeze %dma_start3A_289 : memref<1x32x128xf32, #tpu.memory_space<vmem>> -> memref<32x128xf32, #tpu.memory_space<vmem>>
      %dma_start3A_291 = arith.constant 0 : i32
      %dma_start3A_292 = tpu.memref_slice %arg5[%dma_start3A_291, %multiple_of3A_276] : memref<32x1000000xf32, #tpu.memory_space<hbm>> -> memref<32x128xf32, #tpu.memory_space<hbm>>
      tpu.enqueue_dma source(%dma_start3A_292 : memref<32x128xf32, #tpu.memory_space<hbm>>) target(%dma_start3A_290 : memref<32x128xf32, #tpu.memory_space<vmem>>) target_semaphore(%dma_start3A_286 : memref<!tpu.dma_semaphore, #tpu.memory_space<semaphore_mem>>)
      %slice3A_293 = vector.extract_strided_slice %mul3A_28 {offsets = [14], sizes = [1], strides = [1]} : vector<16xi32> to vector<1xi32>
      %squeeze3A_294 = vector.extract %slice3A_293[0] : i32 from vector<1xi32>
      %multiple_of3A_295 = tpu.assume_multiple %squeeze3A_294, 128 : i32
      %dma_start3A_296 = arith.constant 14 : i32
      %dma_start3A_297 = arith.constant 14 : i32
      %dma_start3A_298 = arith.constant 0 : i32
      %dma_start3A_299 = arith.constant 0 : i32
      %dma_start3A_300 = tpu.memref_slice %arg9[%dma_start3A_296, %dma_start3A_298, %dma_start3A_299] : memref<16x32x128xf32, #tpu.memory_space<vmem>> -> memref<1x32x128xf32, #tpu.memory_space<vmem>>
      %dma_start3A_301 = tpu.memref_squeeze %dma_start3A_300 : memref<1x32x128xf32, #tpu.memory_space<vmem>> -> memref<32x128xf32, #tpu.memory_space<vmem>>
      %dma_start3A_302 = arith.constant 0 : i32
      %dma_start3A_303 = tpu.memref_slice %arg5[%dma_start3A_302, %multiple_of3A_295] : memref<32x1000000xf32, #tpu.memory_space<hbm>> -> memref<32x128xf32, #tpu.memory_space<hbm>>
      %dma_start3A_304 = tpu.memref_slice %arg13[%dma_start3A_297] : memref<16x!tpu.dma_semaphore, #tpu.memory_space<semaphore_mem>> -> memref<1x!tpu.dma_semaphore, #tpu.memory_space<semaphore_mem>>
      %dma_start3A_305 = tpu.memref_squeeze %dma_start3A_304 : memref<1x!tpu.dma_semaphore, #tpu.memory_space<semaphore_mem>> -> memref<!tpu.dma_semaphore, #tpu.memory_space<semaphore_mem>>
      %dma_start3A_306 = arith.constant 0 : i32
      %dma_start3A_307 = arith.constant 0 : i32
      %dma_start3A_308 = tpu.memref_slice %arg9[%dma_start3A_296, %dma_start3A_306, %dma_start3A_307] : memref<16x32x128xf32, #tpu.memory_space<vmem>> -> memref<1x32x128xf32, #tpu.memory_space<vmem>>
      %dma_start3A_309 = tpu.memref_squeeze %dma_start3A_308 : memref<1x32x128xf32, #tpu.memory_space<vmem>> -> memref<32x128xf32, #tpu.memory_space<vmem>>
      %dma_start3A_310 = arith.constant 0 : i32
      %dma_start3A_311 = tpu.memref_slice %arg5[%dma_start3A_310, %multiple_of3A_295] : memref<32x1000000xf32, #tpu.memory_space<hbm>> -> memref<32x128xf32, #tpu.memory_space<hbm>>
      tpu.enqueue_dma source(%dma_start3A_311 : memref<32x128xf32, #tpu.memory_space<hbm>>) target(%dma_start3A_309 : memref<32x128xf32, #tpu.memory_space<vmem>>) target_semaphore(%dma_start3A_305 : memref<!tpu.dma_semaphore, #tpu.memory_space<semaphore_mem>>)
      %slice3A_312 = vector.extract_strided_slice %mul3A_28 {offsets = [15], sizes = [1], strides = [1]} : vector<16xi32> to vector<1xi32>
      %squeeze3A_313 = vector.extract %slice3A_312[0] : i32 from vector<1xi32>
      %multiple_of3A_314 = tpu.assume_multiple %squeeze3A_313, 128 : i32
      %dma_start3A_315 = arith.constant 15 : i32
      %dma_start3A_316 = arith.constant 15 : i32
      %dma_start3A_317 = arith.constant 0 : i32
      %dma_start3A_318 = arith.constant 0 : i32
      %dma_start3A_319 = tpu.memref_slice %arg9[%dma_start3A_315, %dma_start3A_317, %dma_start3A_318] : memref<16x32x128xf32, #tpu.memory_space<vmem>> -> memref<1x32x128xf32, #tpu.memory_space<vmem>>
      %dma_start3A_320 = tpu.memref_squeeze %dma_start3A_319 : memref<1x32x128xf32, #tpu.memory_space<vmem>> -> memref<32x128xf32, #tpu.memory_space<vmem>>
      %dma_start3A_321 = arith.constant 0 : i32
      %dma_start3A_322 = tpu.memref_slice %arg5[%dma_start3A_321, %multiple_of3A_314] : memref<32x1000000xf32, #tpu.memory_space<hbm>> -> memref<32x128xf32, #tpu.memory_space<hbm>>
      %dma_start3A_323 = tpu.memref_slice %arg13[%dma_start3A_316] : memref<16x!tpu.dma_semaphore, #tpu.memory_space<semaphore_mem>> -> memref<1x!tpu.dma_semaphore, #tpu.memory_space<semaphore_mem>>
      %dma_start3A_324 = tpu.memref_squeeze %dma_start3A_323 : memref<1x!tpu.dma_semaphore, #tpu.memory_space<semaphore_mem>> -> memref<!tpu.dma_semaphore, #tpu.memory_space<semaphore_mem>>
      %dma_start3A_325 = arith.constant 0 : i32
      %dma_start3A_326 = arith.constant 0 : i32
      %dma_start3A_327 = tpu.memref_slice %arg9[%dma_start3A_315, %dma_start3A_325, %dma_start3A_326] : memref<16x32x128xf32, #tpu.memory_space<vmem>> -> memref<1x32x128xf32, #tpu.memory_space<vmem>>
      %dma_start3A_328 = tpu.memref_squeeze %dma_start3A_327 : memref<1x32x128xf32, #tpu.memory_space<vmem>> -> memref<32x128xf32, #tpu.memory_space<vmem>>
      %dma_start3A_329 = arith.constant 0 : i32
      %dma_start3A_330 = tpu.memref_slice %arg5[%dma_start3A_329, %multiple_of3A_314] : memref<32x1000000xf32, #tpu.memory_space<hbm>> -> memref<32x128xf32, #tpu.memory_space<hbm>>
      tpu.enqueue_dma source(%dma_start3A_330 : memref<32x128xf32, #tpu.memory_space<hbm>>) target(%dma_start3A_328 : memref<32x128xf32, #tpu.memory_space<vmem>>) target_semaphore(%dma_start3A_324 : memref<!tpu.dma_semaphore, #tpu.memory_space<semaphore_mem>>)
      %mul3A_331 = arith.constant 16 : i32
      %mul3A_332 = arith.muli %scan3A_20, %mul3A_331 : i32
      %add3A_333 = vector.broadcast %mul3A_332 : i32 to vector<16xi32>
      %add3A_334 = arith.addi %iota3A, %add3A_333 : vector<16xi32>
      %dma_wait3A = arith.constant 0 : i32
      %dma_wait3A_335 = arith.constant 0 : i32
      %dma_wait3A_336 = arith.constant 0 : i32
      %dma_wait3A_337 = arith.constant 0 : i32
      %dma_wait3A_338 = tpu.memref_slice %arg9[%dma_wait3A, %dma_wait3A_336, %dma_wait3A_337] : memref<16x32x128xf32, #tpu.memory_space<vmem>> -> memref<1x32x128xf32, #tpu.memory_space<vmem>>
      %dma_wait3A_339 = tpu.memref_squeeze %dma_wait3A_338 : memref<1x32x128xf32, #tpu.memory_space<vmem>> -> memref<32x128xf32, #tpu.memory_space<vmem>>
      %dma_wait3A_340 = arith.constant 0 : i32
      %dma_wait3A_341 = arith.constant 0 : i32
      %dma_wait3A_342 = tpu.memref_slice %arg5[%dma_wait3A_340, %dma_wait3A_341] : memref<32x1000000xf32, #tpu.memory_space<hbm>> -> memref<32x128xf32, #tpu.memory_space<hbm>>
      %dma_wait3A_343 = tpu.memref_slice %arg13[%dma_wait3A_335] : memref<16x!tpu.dma_semaphore, #tpu.memory_space<semaphore_mem>> -> memref<1x!tpu.dma_semaphore, #tpu.memory_space<semaphore_mem>>
      %dma_wait3A_344 = tpu.memref_squeeze %dma_wait3A_343 : memref<1x!tpu.dma_semaphore, #tpu.memory_space<semaphore_mem>> -> memref<!tpu.dma_semaphore, #tpu.memory_space<semaphore_mem>>
      %dma_wait3A_345 = arith.constant 0 : i32
      %dma_wait3A_346 = arith.constant 0 : i32
      %dma_wait3A_347 = tpu.memref_slice %arg9[%dma_wait3A, %dma_wait3A_345, %dma_wait3A_346] : memref<16x32x128xf32, #tpu.memory_space<vmem>> -> memref<1x32x128xf32, #tpu.memory_space<vmem>>
      %dma_wait3A_348 = tpu.memref_squeeze %dma_wait3A_347 : memref<1x32x128xf32, #tpu.memory_space<vmem>> -> memref<32x128xf32, #tpu.memory_space<vmem>>
      %dma_wait3A_349 = arith.constant 0 : i32
      %dma_wait3A_350 = arith.constant 0 : i32
      %dma_wait3A_351 = tpu.memref_slice %arg5[%dma_wait3A_349, %dma_wait3A_350] : memref<32x1000000xf32, #tpu.memory_space<hbm>> -> memref<32x128xf32, #tpu.memory_space<hbm>>
      tpu.wait_dma2 semaphore(%dma_wait3A_344 : memref<!tpu.dma_semaphore, #tpu.memory_space<semaphore_mem>>) src(%dma_wait3A_351 : memref<32x128xf32, #tpu.memory_space<hbm>>) dst(%dma_wait3A_348 : memref<32x128xf32, #tpu.memory_space<vmem>>)
      %slice3A_352 = vector.extract_strided_slice %and3A_30 {offsets = [0], sizes = [1], strides = [1]} : vector<16xi32> to vector<1xi32>
      %squeeze3A_353 = vector.extract %slice3A_352[0] : i32 from vector<1xi32>
      %broadcast_in_dim3A = vector.broadcast %squeeze3A_353 : i32 to vector<16xi32>
      %slice3A_354 = vector.extract_strided_slice %add3A_334 {offsets = [0], sizes = [1], strides = [1]} : vector<16xi32> to vector<1xi32>
      %squeeze3A_355 = vector.extract %slice3A_354[0] : i32 from vector<1xi32>
      %broadcast_in_dim3A_356 = vector.broadcast %squeeze3A_355 : i32 to vector<16xi32>
      %add3A_357 = arith.constant 0 : i32
      %add3A_358 = vector.broadcast %add3A_357 : i32 to vector<16xi32>
      %add3A_359 = arith.addi %iota3A, %add3A_358 : vector<16xi32>
      %gather3A = arith.constant 0 : i32
      %gather3A_360 = arith.constant 0 : i32
      %gather3A_361 = arith.constant 0 : i32
      %gather3A_362 = tpu.memref_slice %arg9[%gather3A, %gather3A_360, %gather3A_361] : memref<16x32x128xf32, #tpu.memory_space<vmem>> -> memref<1x32x128xf32, #tpu.memory_space<vmem>>
      %gather3A_363 = tpu.memref_squeeze %gather3A_362 : memref<1x32x128xf32, #tpu.memory_space<vmem>> -> memref<32x128xf32, #tpu.memory_space<vmem>>
      %gather3A_364 = tpu.vector_load_idx %gather3A_363[%add3A_359, %broadcast_in_dim3A] : memref<32x128xf32, #tpu.memory_space<vmem>>[vector<16xi32>, vector<16xi32>], vector<16xf32>,
      tpu.vector_store_idx %arg11[%add3A_359, %broadcast_in_dim3A_356], %gather3A_364 : memref<32x512xf32, #tpu.memory_space<vmem>>[vector<16xi32>, vector<16xi32>], vector<16xf32>,
      %add3A_365 = arith.constant 16 : i32
      %add3A_366 = vector.broadcast %add3A_365 : i32 to vector<16xi32>
      %add3A_367 = arith.addi %iota3A, %add3A_366 : vector<16xi32>
      %gather3A_368 = arith.constant 0 : i32
      %gather3A_369 = arith.constant 0 : i32
      %gather3A_370 = arith.constant 0 : i32
      %gather3A_371 = tpu.memref_slice %arg9[%gather3A_368, %gather3A_369, %gather3A_370] : memref<16x32x128xf32, #tpu.memory_space<vmem>> -> memref<1x32x128xf32, #tpu.memory_space<vmem>>
      %gather3A_372 = tpu.memref_squeeze %gather3A_371 : memref<1x32x128xf32, #tpu.memory_space<vmem>> -> memref<32x128xf32, #tpu.memory_space<vmem>>
      %gather3A_373 = tpu.vector_load_idx %gather3A_372[%add3A_367, %broadcast_in_dim3A] : memref<32x128xf32, #tpu.memory_space<vmem>>[vector<16xi32>, vector<16xi32>], vector<16xf32>,
      tpu.vector_store_idx %arg11[%add3A_367, %broadcast_in_dim3A_356], %gather3A_373 : memref<32x512xf32, #tpu.memory_space<vmem>>[vector<16xi32>, vector<16xi32>], vector<16xf32>,
      %dma_wait3A_374 = arith.constant 1 : i32
      %dma_wait3A_375 = arith.constant 1 : i32
      %dma_wait3A_376 = arith.constant 0 : i32
      %dma_wait3A_377 = arith.constant 0 : i32
      %dma_wait3A_378 = tpu.memref_slice %arg9[%dma_wait3A_374, %dma_wait3A_376, %dma_wait3A_377] : memref<16x32x128xf32, #tpu.memory_space<vmem>> -> memref<1x32x128xf32, #tpu.memory_space<vmem>>
      %dma_wait3A_379 = tpu.memref_squeeze %dma_wait3A_378 : memref<1x32x128xf32, #tpu.memory_space<vmem>> -> memref<32x128xf32, #tpu.memory_space<vmem>>
      %dma_wait3A_380 = arith.constant 0 : i32
      %dma_wait3A_381 = arith.constant 0 : i32
      %dma_wait3A_382 = tpu.memref_slice %arg5[%dma_wait3A_380, %dma_wait3A_381] : memref<32x1000000xf32, #tpu.memory_space<hbm>> -> memref<32x128xf32, #tpu.memory_space<hbm>>
      %dma_wait3A_383 = tpu.memref_slice %arg13[%dma_wait3A_375] : memref<16x!tpu.dma_semaphore, #tpu.memory_space<semaphore_mem>> -> memref<1x!tpu.dma_semaphore, #tpu.memory_space<semaphore_mem>>
      %dma_wait3A_384 = tpu.memref_squeeze %dma_wait3A_383 : memref<1x!tpu.dma_semaphore, #tpu.memory_space<semaphore_mem>> -> memref<!tpu.dma_semaphore, #tpu.memory_space<semaphore_mem>>
      %dma_wait3A_385 = arith.constant 0 : i32
      %dma_wait3A_386 = arith.constant 0 : i32
      %dma_wait3A_387 = tpu.memref_slice %arg9[%dma_wait3A_374, %dma_wait3A_385, %dma_wait3A_386] : memref<16x32x128xf32, #tpu.memory_space<vmem>> -> memref<1x32x128xf32, #tpu.memory_space<vmem>>
      %dma_wait3A_388 = tpu.memref_squeeze %dma_wait3A_387 : memref<1x32x128xf32, #tpu.memory_space<vmem>> -> memref<32x128xf32, #tpu.memory_space<vmem>>
      %dma_wait3A_389 = arith.constant 0 : i32
      %dma_wait3A_390 = arith.constant 0 : i32
      %dma_wait3A_391 = tpu.memref_slice %arg5[%dma_wait3A_389, %dma_wait3A_390] : memref<32x1000000xf32, #tpu.memory_space<hbm>> -> memref<32x128xf32, #tpu.memory_space<hbm>>
      tpu.wait_dma2 semaphore(%dma_wait3A_384 : memref<!tpu.dma_semaphore, #tpu.memory_space<semaphore_mem>>) src(%dma_wait3A_391 : memref<32x128xf32, #tpu.memory_space<hbm>>) dst(%dma_wait3A_388 : memref<32x128xf32, #tpu.memory_space<vmem>>)
      %slice3A_392 = vector.extract_strided_slice %and3A_30 {offsets = [1], sizes = [1], strides = [1]} : vector<16xi32> to vector<1xi32>
      %squeeze3A_393 = vector.extract %slice3A_392[0] : i32 from vector<1xi32>
      %broadcast_in_dim3A_394 = vector.broadcast %squeeze3A_393 : i32 to vector<16xi32>
      %slice3A_395 = vector.extract_strided_slice %add3A_334 {offsets = [1], sizes = [1], strides = [1]} : vector<16xi32> to vector<1xi32>
      %squeeze3A_396 = vector.extract %slice3A_395[0] : i32 from vector<1xi32>
      %broadcast_in_dim3A_397 = vector.broadcast %squeeze3A_396 : i32 to vector<16xi32>
      %add3A_398 = arith.constant 0 : i32
      %add3A_399 = vector.broadcast %add3A_398 : i32 to vector<16xi32>
      %add3A_400 = arith.addi %iota3A, %add3A_399 : vector<16xi32>
      %gather3A_401 = arith.constant 1 : i32
      %gather3A_402 = arith.constant 0 : i32
      %gather3A_403 = arith.constant 0 : i32
      %gather3A_404 = tpu.memref_slice %arg9[%gather3A_401, %gather3A_402, %gather3A_403] : memref<16x32x128xf32, #tpu.memory_space<vmem>> -> memref<1x32x128xf32, #tpu.memory_space<vmem>>
      %gather3A_405 = tpu.memref_squeeze %gather3A_404 : memref<1x32x128xf32, #tpu.memory_space<vmem>> -> memref<32x128xf32, #tpu.memory_space<vmem>>
      %gather3A_406 = tpu.vector_load_idx %gather3A_405[%add3A_400, %broadcast_in_dim3A_394] : memref<32x128xf32, #tpu.memory_space<vmem>>[vector<16xi32>, vector<16xi32>], vector<16xf32>,
      tpu.vector_store_idx %arg11[%add3A_400, %broadcast_in_dim3A_397], %gather3A_406 : memref<32x512xf32, #tpu.memory_space<vmem>>[vector<16xi32>, vector<16xi32>], vector<16xf32>,
      %add3A_407 = arith.constant 16 : i32
      %add3A_408 = vector.broadcast %add3A_407 : i32 to vector<16xi32>
      %add3A_409 = arith.addi %iota3A, %add3A_408 : vector<16xi32>
      %gather3A_410 = arith.constant 1 : i32
      %gather3A_411 = arith.constant 0 : i32
      %gather3A_412 = arith.constant 0 : i32
      %gather3A_413 = tpu.memref_slice %arg9[%gather3A_410, %gather3A_411, %gather3A_412] : memref<16x32x128xf32, #tpu.memory_space<vmem>> -> memref<1x32x128xf32, #tpu.memory_space<vmem>>
      %gather3A_414 = tpu.memref_squeeze %gather3A_413 : memref<1x32x128xf32, #tpu.memory_space<vmem>> -> memref<32x128xf32, #tpu.memory_space<vmem>>
      %gather3A_415 = tpu.vector_load_idx %gather3A_414[%add3A_409, %broadcast_in_dim3A_394] : memref<32x128xf32, #tpu.memory_space<vmem>>[vector<16xi32>, vector<16xi32>], vector<16xf32>,
      tpu.vector_store_idx %arg11[%add3A_409, %broadcast_in_dim3A_397], %gather3A_415 : memref<32x512xf32, #tpu.memory_space<vmem>>[vector<16xi32>, vector<16xi32>], vector<16xf32>,
      %dma_wait3A_416 = arith.constant 2 : i32
      %dma_wait3A_417 = arith.constant 2 : i32
      %dma_wait3A_418 = arith.constant 0 : i32
      %dma_wait3A_419 = arith.constant 0 : i32
      %dma_wait3A_420 = tpu.memref_slice %arg9[%dma_wait3A_416, %dma_wait3A_418, %dma_wait3A_419] : memref<16x32x128xf32, #tpu.memory_space<vmem>> -> memref<1x32x128xf32, #tpu.memory_space<vmem>>
      %dma_wait3A_421 = tpu.memref_squeeze %dma_wait3A_420 : memref<1x32x128xf32, #tpu.memory_space<vmem>> -> memref<32x128xf32, #tpu.memory_space<vmem>>
      %dma_wait3A_422 = arith.constant 0 : i32
      %dma_wait3A_423 = arith.constant 0 : i32
      %dma_wait3A_424 = tpu.memref_slice %arg5[%dma_wait3A_422, %dma_wait3A_423] : memref<32x1000000xf32, #tpu.memory_space<hbm>> -> memref<32x128xf32, #tpu.memory_space<hbm>>
      %dma_wait3A_425 = tpu.memref_slice %arg13[%dma_wait3A_417] : memref<16x!tpu.dma_semaphore, #tpu.memory_space<semaphore_mem>> -> memref<1x!tpu.dma_semaphore, #tpu.memory_space<semaphore_mem>>
      %dma_wait3A_426 = tpu.memref_squeeze %dma_wait3A_425 : memref<1x!tpu.dma_semaphore, #tpu.memory_space<semaphore_mem>> -> memref<!tpu.dma_semaphore, #tpu.memory_space<semaphore_mem>>
      %dma_wait3A_427 = arith.constant 0 : i32
      %dma_wait3A_428 = arith.constant 0 : i32
      %dma_wait3A_429 = tpu.memref_slice %arg9[%dma_wait3A_416, %dma_wait3A_427, %dma_wait3A_428] : memref<16x32x128xf32, #tpu.memory_space<vmem>> -> memref<1x32x128xf32, #tpu.memory_space<vmem>>
      %dma_wait3A_430 = tpu.memref_squeeze %dma_wait3A_429 : memref<1x32x128xf32, #tpu.memory_space<vmem>> -> memref<32x128xf32, #tpu.memory_space<vmem>>
      %dma_wait3A_431 = arith.constant 0 : i32
      %dma_wait3A_432 = arith.constant 0 : i32
      %dma_wait3A_433 = tpu.memref_slice %arg5[%dma_wait3A_431, %dma_wait3A_432] : memref<32x1000000xf32, #tpu.memory_space<hbm>> -> memref<32x128xf32, #tpu.memory_space<hbm>>
      tpu.wait_dma2 semaphore(%dma_wait3A_426 : memref<!tpu.dma_semaphore, #tpu.memory_space<semaphore_mem>>) src(%dma_wait3A_433 : memref<32x128xf32, #tpu.memory_space<hbm>>) dst(%dma_wait3A_430 : memref<32x128xf32, #tpu.memory_space<vmem>>)
      %slice3A_434 = vector.extract_strided_slice %and3A_30 {offsets = [2], sizes = [1], strides = [1]} : vector<16xi32> to vector<1xi32>
      %squeeze3A_435 = vector.extract %slice3A_434[0] : i32 from vector<1xi32>
      %broadcast_in_dim3A_436 = vector.broadcast %squeeze3A_435 : i32 to vector<16xi32>
      %slice3A_437 = vector.extract_strided_slice %add3A_334 {offsets = [2], sizes = [1], strides = [1]} : vector<16xi32> to vector<1xi32>
      %squeeze3A_438 = vector.extract %slice3A_437[0] : i32 from vector<1xi32>
      %broadcast_in_dim3A_439 = vector.broadcast %squeeze3A_438 : i32 to vector<16xi32>
      %add3A_440 = arith.constant 0 : i32
      %add3A_441 = vector.broadcast %add3A_440 : i32 to vector<16xi32>
      %add3A_442 = arith.addi %iota3A, %add3A_441 : vector<16xi32>
      %gather3A_443 = arith.constant 2 : i32
      %gather3A_444 = arith.constant 0 : i32
      %gather3A_445 = arith.constant 0 : i32
      %gather3A_446 = tpu.memref_slice %arg9[%gather3A_443, %gather3A_444, %gather3A_445] : memref<16x32x128xf32, #tpu.memory_space<vmem>> -> memref<1x32x128xf32, #tpu.memory_space<vmem>>
      %gather3A_447 = tpu.memref_squeeze %gather3A_446 : memref<1x32x128xf32, #tpu.memory_space<vmem>> -> memref<32x128xf32, #tpu.memory_space<vmem>>
      %gather3A_448 = tpu.vector_load_idx %gather3A_447[%add3A_442, %broadcast_in_dim3A_436] : memref<32x128xf32, #tpu.memory_space<vmem>>[vector<16xi32>, vector<16xi32>], vector<16xf32>,
      tpu.vector_store_idx %arg11[%add3A_442, %broadcast_in_dim3A_439], %gather3A_448 : memref<32x512xf32, #tpu.memory_space<vmem>>[vector<16xi32>, vector<16xi32>], vector<16xf32>,
      %add3A_449 = arith.constant 16 : i32
      %add3A_450 = vector.broadcast %add3A_449 : i32 to vector<16xi32>
      %add3A_451 = arith.addi %iota3A, %add3A_450 : vector<16xi32>
      %gather3A_452 = arith.constant 2 : i32
      %gather3A_453 = arith.constant 0 : i32
      %gather3A_454 = arith.constant 0 : i32
      %gather3A_455 = tpu.memref_slice %arg9[%gather3A_452, %gather3A_453, %gather3A_454] : memref<16x32x128xf32, #tpu.memory_space<vmem>> -> memref<1x32x128xf32, #tpu.memory_space<vmem>>
      %gather3A_456 = tpu.memref_squeeze %gather3A_455 : memref<1x32x128xf32, #tpu.memory_space<vmem>> -> memref<32x128xf32, #tpu.memory_space<vmem>>
      %gather3A_457 = tpu.vector_load_idx %gather3A_456[%add3A_451, %broadcast_in_dim3A_436] : memref<32x128xf32, #tpu.memory_space<vmem>>[vector<16xi32>, vector<16xi32>], vector<16xf32>,
      tpu.vector_store_idx %arg11[%add3A_451, %broadcast_in_dim3A_439], %gather3A_457 : memref<32x512xf32, #tpu.memory_space<vmem>>[vector<16xi32>, vector<16xi32>], vector<16xf32>,
      %dma_wait3A_458 = arith.constant 3 : i32
      %dma_wait3A_459 = arith.constant 3 : i32
      %dma_wait3A_460 = arith.constant 0 : i32
      %dma_wait3A_461 = arith.constant 0 : i32
      %dma_wait3A_462 = tpu.memref_slice %arg9[%dma_wait3A_458, %dma_wait3A_460, %dma_wait3A_461] : memref<16x32x128xf32, #tpu.memory_space<vmem>> -> memref<1x32x128xf32, #tpu.memory_space<vmem>>
      %dma_wait3A_463 = tpu.memref_squeeze %dma_wait3A_462 : memref<1x32x128xf32, #tpu.memory_space<vmem>> -> memref<32x128xf32, #tpu.memory_space<vmem>>
      %dma_wait3A_464 = arith.constant 0 : i32
      %dma_wait3A_465 = arith.constant 0 : i32
      %dma_wait3A_466 = tpu.memref_slice %arg5[%dma_wait3A_464, %dma_wait3A_465] : memref<32x1000000xf32, #tpu.memory_space<hbm>> -> memref<32x128xf32, #tpu.memory_space<hbm>>
      %dma_wait3A_467 = tpu.memref_slice %arg13[%dma_wait3A_459] : memref<16x!tpu.dma_semaphore, #tpu.memory_space<semaphore_mem>> -> memref<1x!tpu.dma_semaphore, #tpu.memory_space<semaphore_mem>>
      %dma_wait3A_468 = tpu.memref_squeeze %dma_wait3A_467 : memref<1x!tpu.dma_semaphore, #tpu.memory_space<semaphore_mem>> -> memref<!tpu.dma_semaphore, #tpu.memory_space<semaphore_mem>>
      %dma_wait3A_469 = arith.constant 0 : i32
      %dma_wait3A_470 = arith.constant 0 : i32
      %dma_wait3A_471 = tpu.memref_slice %arg9[%dma_wait3A_458, %dma_wait3A_469, %dma_wait3A_470] : memref<16x32x128xf32, #tpu.memory_space<vmem>> -> memref<1x32x128xf32, #tpu.memory_space<vmem>>
      %dma_wait3A_472 = tpu.memref_squeeze %dma_wait3A_471 : memref<1x32x128xf32, #tpu.memory_space<vmem>> -> memref<32x128xf32, #tpu.memory_space<vmem>>
      %dma_wait3A_473 = arith.constant 0 : i32
      %dma_wait3A_474 = arith.constant 0 : i32
      %dma_wait3A_475 = tpu.memref_slice %arg5[%dma_wait3A_473, %dma_wait3A_474] : memref<32x1000000xf32, #tpu.memory_space<hbm>> -> memref<32x128xf32, #tpu.memory_space<hbm>>
      tpu.wait_dma2 semaphore(%dma_wait3A_468 : memref<!tpu.dma_semaphore, #tpu.memory_space<semaphore_mem>>) src(%dma_wait3A_475 : memref<32x128xf32, #tpu.memory_space<hbm>>) dst(%dma_wait3A_472 : memref<32x128xf32, #tpu.memory_space<vmem>>)
      %slice3A_476 = vector.extract_strided_slice %and3A_30 {offsets = [3], sizes = [1], strides = [1]} : vector<16xi32> to vector<1xi32>
      %squeeze3A_477 = vector.extract %slice3A_476[0] : i32 from vector<1xi32>
      %broadcast_in_dim3A_478 = vector.broadcast %squeeze3A_477 : i32 to vector<16xi32>
      %slice3A_479 = vector.extract_strided_slice %add3A_334 {offsets = [3], sizes = [1], strides = [1]} : vector<16xi32> to vector<1xi32>
      %squeeze3A_480 = vector.extract %slice3A_479[0] : i32 from vector<1xi32>
      %broadcast_in_dim3A_481 = vector.broadcast %squeeze3A_480 : i32 to vector<16xi32>
      %add3A_482 = arith.constant 0 : i32
      %add3A_483 = vector.broadcast %add3A_482 : i32 to vector<16xi32>
      %add3A_484 = arith.addi %iota3A, %add3A_483 : vector<16xi32>
      %gather3A_485 = arith.constant 3 : i32
      %gather3A_486 = arith.constant 0 : i32
      %gather3A_487 = arith.constant 0 : i32
      %gather3A_488 = tpu.memref_slice %arg9[%gather3A_485, %gather3A_486, %gather3A_487] : memref<16x32x128xf32, #tpu.memory_space<vmem>> -> memref<1x32x128xf32, #tpu.memory_space<vmem>>
      %gather3A_489 = tpu.memref_squeeze %gather3A_488 : memref<1x32x128xf32, #tpu.memory_space<vmem>> -> memref<32x128xf32, #tpu.memory_space<vmem>>
      %gather3A_490 = tpu.vector_load_idx %gather3A_489[%add3A_484, %broadcast_in_dim3A_478] : memref<32x128xf32, #tpu.memory_space<vmem>>[vector<16xi32>, vector<16xi32>], vector<16xf32>,
      tpu.vector_store_idx %arg11[%add3A_484, %broadcast_in_dim3A_481], %gather3A_490 : memref<32x512xf32, #tpu.memory_space<vmem>>[vector<16xi32>, vector<16xi32>], vector<16xf32>,
      %add3A_491 = arith.constant 16 : i32
      %add3A_492 = vector.broadcast %add3A_491 : i32 to vector<16xi32>
      %add3A_493 = arith.addi %iota3A, %add3A_492 : vector<16xi32>
      %gather3A_494 = arith.constant 3 : i32
      %gather3A_495 = arith.constant 0 : i32
      %gather3A_496 = arith.constant 0 : i32
      %gather3A_497 = tpu.memref_slice %arg9[%gather3A_494, %gather3A_495, %gather3A_496] : memref<16x32x128xf32, #tpu.memory_space<vmem>> -> memref<1x32x128xf32, #tpu.memory_space<vmem>>
      %gather3A_498 = tpu.memref_squeeze %gather3A_497 : memref<1x32x128xf32, #tpu.memory_space<vmem>> -> memref<32x128xf32, #tpu.memory_space<vmem>>
      %gather3A_499 = tpu.vector_load_idx %gather3A_498[%add3A_493, %broadcast_in_dim3A_478] : memref<32x128xf32, #tpu.memory_space<vmem>>[vector<16xi32>, vector<16xi32>], vector<16xf32>,
      tpu.vector_store_idx %arg11[%add3A_493, %broadcast_in_dim3A_481], %gather3A_499 : memref<32x512xf32, #tpu.memory_space<vmem>>[vector<16xi32>, vector<16xi32>], vector<16xf32>,
      %dma_wait3A_500 = arith.constant 4 : i32
      %dma_wait3A_501 = arith.constant 4 : i32
      %dma_wait3A_502 = arith.constant 0 : i32
      %dma_wait3A_503 = arith.constant 0 : i32
      %dma_wait3A_504 = tpu.memref_slice %arg9[%dma_wait3A_500, %dma_wait3A_502, %dma_wait3A_503] : memref<16x32x128xf32, #tpu.memory_space<vmem>> -> memref<1x32x128xf32, #tpu.memory_space<vmem>>
      %dma_wait3A_505 = tpu.memref_squeeze %dma_wait3A_504 : memref<1x32x128xf32, #tpu.memory_space<vmem>> -> memref<32x128xf32, #tpu.memory_space<vmem>>
      %dma_wait3A_506 = arith.constant 0 : i32
      %dma_wait3A_507 = arith.constant 0 : i32
      %dma_wait3A_508 = tpu.memref_slice %arg5[%dma_wait3A_506, %dma_wait3A_507] : memref<32x1000000xf32, #tpu.memory_space<hbm>> -> memref<32x128xf32, #tpu.memory_space<hbm>>
      %dma_wait3A_509 = tpu.memref_slice %arg13[%dma_wait3A_501] : memref<16x!tpu.dma_semaphore, #tpu.memory_space<semaphore_mem>> -> memref<1x!tpu.dma_semaphore, #tpu.memory_space<semaphore_mem>>
      %dma_wait3A_510 = tpu.memref_squeeze %dma_wait3A_509 : memref<1x!tpu.dma_semaphore, #tpu.memory_space<semaphore_mem>> -> memref<!tpu.dma_semaphore, #tpu.memory_space<semaphore_mem>>
      %dma_wait3A_511 = arith.constant 0 : i32
      %dma_wait3A_512 = arith.constant 0 : i32
      %dma_wait3A_513 = tpu.memref_slice %arg9[%dma_wait3A_500, %dma_wait3A_511, %dma_wait3A_512] : memref<16x32x128xf32, #tpu.memory_space<vmem>> -> memref<1x32x128xf32, #tpu.memory_space<vmem>>
      %dma_wait3A_514 = tpu.memref_squeeze %dma_wait3A_513 : memref<1x32x128xf32, #tpu.memory_space<vmem>> -> memref<32x128xf32, #tpu.memory_space<vmem>>
      %dma_wait3A_515 = arith.constant 0 : i32
      %dma_wait3A_516 = arith.constant 0 : i32
      %dma_wait3A_517 = tpu.memref_slice %arg5[%dma_wait3A_515, %dma_wait3A_516] : memref<32x1000000xf32, #tpu.memory_space<hbm>> -> memref<32x128xf32, #tpu.memory_space<hbm>>
      tpu.wait_dma2 semaphore(%dma_wait3A_510 : memref<!tpu.dma_semaphore, #tpu.memory_space<semaphore_mem>>) src(%dma_wait3A_517 : memref<32x128xf32, #tpu.memory_space<hbm>>) dst(%dma_wait3A_514 : memref<32x128xf32, #tpu.memory_space<vmem>>)
      %slice3A_518 = vector.extract_strided_slice %and3A_30 {offsets = [4], sizes = [1], strides = [1]} : vector<16xi32> to vector<1xi32>
      %squeeze3A_519 = vector.extract %slice3A_518[0] : i32 from vector<1xi32>
      %broadcast_in_dim3A_520 = vector.broadcast %squeeze3A_519 : i32 to vector<16xi32>
      %slice3A_521 = vector.extract_strided_slice %add3A_334 {offsets = [4], sizes = [1], strides = [1]} : vector<16xi32> to vector<1xi32>
      %squeeze3A_522 = vector.extract %slice3A_521[0] : i32 from vector<1xi32>
      %broadcast_in_dim3A_523 = vector.broadcast %squeeze3A_522 : i32 to vector<16xi32>
      %add3A_524 = arith.constant 0 : i32
      %add3A_525 = vector.broadcast %add3A_524 : i32 to vector<16xi32>
      %add3A_526 = arith.addi %iota3A, %add3A_525 : vector<16xi32>
      %gather3A_527 = arith.constant 4 : i32
      %gather3A_528 = arith.constant 0 : i32
      %gather3A_529 = arith.constant 0 : i32
      %gather3A_530 = tpu.memref_slice %arg9[%gather3A_527, %gather3A_528, %gather3A_529] : memref<16x32x128xf32, #tpu.memory_space<vmem>> -> memref<1x32x128xf32, #tpu.memory_space<vmem>>
      %gather3A_531 = tpu.memref_squeeze %gather3A_530 : memref<1x32x128xf32, #tpu.memory_space<vmem>> -> memref<32x128xf32, #tpu.memory_space<vmem>>
      %gather3A_532 = tpu.vector_load_idx %gather3A_531[%add3A_526, %broadcast_in_dim3A_520] : memref<32x128xf32, #tpu.memory_space<vmem>>[vector<16xi32>, vector<16xi32>], vector<16xf32>,
      tpu.vector_store_idx %arg11[%add3A_526, %broadcast_in_dim3A_523], %gather3A_532 : memref<32x512xf32, #tpu.memory_space<vmem>>[vector<16xi32>, vector<16xi32>], vector<16xf32>,
      %add3A_533 = arith.constant 16 : i32
      %add3A_534 = vector.broadcast %add3A_533 : i32 to vector<16xi32>
      %add3A_535 = arith.addi %iota3A, %add3A_534 : vector<16xi32>
      %gather3A_536 = arith.constant 4 : i32
      %gather3A_537 = arith.constant 0 : i32
      %gather3A_538 = arith.constant 0 : i32
      %gather3A_539 = tpu.memref_slice %arg9[%gather3A_536, %gather3A_537, %gather3A_538] : memref<16x32x128xf32, #tpu.memory_space<vmem>> -> memref<1x32x128xf32, #tpu.memory_space<vmem>>
      %gather3A_540 = tpu.memref_squeeze %gather3A_539 : memref<1x32x128xf32, #tpu.memory_space<vmem>> -> memref<32x128xf32, #tpu.memory_space<vmem>>
      %gather3A_541 = tpu.vector_load_idx %gather3A_540[%add3A_535, %broadcast_in_dim3A_520] : memref<32x128xf32, #tpu.memory_space<vmem>>[vector<16xi32>, vector<16xi32>], vector<16xf32>,
      tpu.vector_store_idx %arg11[%add3A_535, %broadcast_in_dim3A_523], %gather3A_541 : memref<32x512xf32, #tpu.memory_space<vmem>>[vector<16xi32>, vector<16xi32>], vector<16xf32>,
      %dma_wait3A_542 = arith.constant 5 : i32
      %dma_wait3A_543 = arith.constant 5 : i32
      %dma_wait3A_544 = arith.constant 0 : i32
      %dma_wait3A_545 = arith.constant 0 : i32
      %dma_wait3A_546 = tpu.memref_slice %arg9[%dma_wait3A_542, %dma_wait3A_544, %dma_wait3A_545] : memref<16x32x128xf32, #tpu.memory_space<vmem>> -> memref<1x32x128xf32, #tpu.memory_space<vmem>>
      %dma_wait3A_547 = tpu.memref_squeeze %dma_wait3A_546 : memref<1x32x128xf32, #tpu.memory_space<vmem>> -> memref<32x128xf32, #tpu.memory_space<vmem>>
      %dma_wait3A_548 = arith.constant 0 : i32
      %dma_wait3A_549 = arith.constant 0 : i32
      %dma_wait3A_550 = tpu.memref_slice %arg5[%dma_wait3A_548, %dma_wait3A_549] : memref<32x1000000xf32, #tpu.memory_space<hbm>> -> memref<32x128xf32, #tpu.memory_space<hbm>>
      %dma_wait3A_551 = tpu.memref_slice %arg13[%dma_wait3A_543] : memref<16x!tpu.dma_semaphore, #tpu.memory_space<semaphore_mem>> -> memref<1x!tpu.dma_semaphore, #tpu.memory_space<semaphore_mem>>
      %dma_wait3A_552 = tpu.memref_squeeze %dma_wait3A_551 : memref<1x!tpu.dma_semaphore, #tpu.memory_space<semaphore_mem>> -> memref<!tpu.dma_semaphore, #tpu.memory_space<semaphore_mem>>
      %dma_wait3A_553 = arith.constant 0 : i32
      %dma_wait3A_554 = arith.constant 0 : i32
      %dma_wait3A_555 = tpu.memref_slice %arg9[%dma_wait3A_542, %dma_wait3A_553, %dma_wait3A_554] : memref<16x32x128xf32, #tpu.memory_space<vmem>> -> memref<1x32x128xf32, #tpu.memory_space<vmem>>
      %dma_wait3A_556 = tpu.memref_squeeze %dma_wait3A_555 : memref<1x32x128xf32, #tpu.memory_space<vmem>> -> memref<32x128xf32, #tpu.memory_space<vmem>>
      %dma_wait3A_557 = arith.constant 0 : i32
      %dma_wait3A_558 = arith.constant 0 : i32
      %dma_wait3A_559 = tpu.memref_slice %arg5[%dma_wait3A_557, %dma_wait3A_558] : memref<32x1000000xf32, #tpu.memory_space<hbm>> -> memref<32x128xf32, #tpu.memory_space<hbm>>
      tpu.wait_dma2 semaphore(%dma_wait3A_552 : memref<!tpu.dma_semaphore, #tpu.memory_space<semaphore_mem>>) src(%dma_wait3A_559 : memref<32x128xf32, #tpu.memory_space<hbm>>) dst(%dma_wait3A_556 : memref<32x128xf32, #tpu.memory_space<vmem>>)
      %slice3A_560 = vector.extract_strided_slice %and3A_30 {offsets = [5], sizes = [1], strides = [1]} : vector<16xi32> to vector<1xi32>
      %squeeze3A_561 = vector.extract %slice3A_560[0] : i32 from vector<1xi32>
      %broadcast_in_dim3A_562 = vector.broadcast %squeeze3A_561 : i32 to vector<16xi32>
      %slice3A_563 = vector.extract_strided_slice %add3A_334 {offsets = [5], sizes = [1], strides = [1]} : vector<16xi32> to vector<1xi32>
      %squeeze3A_564 = vector.extract %slice3A_563[0] : i32 from vector<1xi32>
      %broadcast_in_dim3A_565 = vector.broadcast %squeeze3A_564 : i32 to vector<16xi32>
      %add3A_566 = arith.constant 0 : i32
      %add3A_567 = vector.broadcast %add3A_566 : i32 to vector<16xi32>
      %add3A_568 = arith.addi %iota3A, %add3A_567 : vector<16xi32>
      %gather3A_569 = arith.constant 5 : i32
      %gather3A_570 = arith.constant 0 : i32
      %gather3A_571 = arith.constant 0 : i32
      %gather3A_572 = tpu.memref_slice %arg9[%gather3A_569, %gather3A_570, %gather3A_571] : memref<16x32x128xf32, #tpu.memory_space<vmem>> -> memref<1x32x128xf32, #tpu.memory_space<vmem>>
      %gather3A_573 = tpu.memref_squeeze %gather3A_572 : memref<1x32x128xf32, #tpu.memory_space<vmem>> -> memref<32x128xf32, #tpu.memory_space<vmem>>
      %gather3A_574 = tpu.vector_load_idx %gather3A_573[%add3A_568, %broadcast_in_dim3A_562] : memref<32x128xf32, #tpu.memory_space<vmem>>[vector<16xi32>, vector<16xi32>], vector<16xf32>,
      tpu.vector_store_idx %arg11[%add3A_568, %broadcast_in_dim3A_565], %gather3A_574 : memref<32x512xf32, #tpu.memory_space<vmem>>[vector<16xi32>, vector<16xi32>], vector<16xf32>,
      %add3A_575 = arith.constant 16 : i32
      %add3A_576 = vector.broadcast %add3A_575 : i32 to vector<16xi32>
      %add3A_577 = arith.addi %iota3A, %add3A_576 : vector<16xi32>
      %gather3A_578 = arith.constant 5 : i32
      %gather3A_579 = arith.constant 0 : i32
      %gather3A_580 = arith.constant 0 : i32
      %gather3A_581 = tpu.memref_slice %arg9[%gather3A_578, %gather3A_579, %gather3A_580] : memref<16x32x128xf32, #tpu.memory_space<vmem>> -> memref<1x32x128xf32, #tpu.memory_space<vmem>>
      %gather3A_582 = tpu.memref_squeeze %gather3A_581 : memref<1x32x128xf32, #tpu.memory_space<vmem>> -> memref<32x128xf32, #tpu.memory_space<vmem>>
      %gather3A_583 = tpu.vector_load_idx %gather3A_582[%add3A_577, %broadcast_in_dim3A_562] : memref<32x128xf32, #tpu.memory_space<vmem>>[vector<16xi32>, vector<16xi32>], vector<16xf32>,
      tpu.vector_store_idx %arg11[%add3A_577, %broadcast_in_dim3A_565], %gather3A_583 : memref<32x512xf32, #tpu.memory_space<vmem>>[vector<16xi32>, vector<16xi32>], vector<16xf32>,
      %dma_wait3A_584 = arith.constant 6 : i32
      %dma_wait3A_585 = arith.constant 6 : i32
      %dma_wait3A_586 = arith.constant 0 : i32
      %dma_wait3A_587 = arith.constant 0 : i32
      %dma_wait3A_588 = tpu.memref_slice %arg9[%dma_wait3A_584, %dma_wait3A_586, %dma_wait3A_587] : memref<16x32x128xf32, #tpu.memory_space<vmem>> -> memref<1x32x128xf32, #tpu.memory_space<vmem>>
      %dma_wait3A_589 = tpu.memref_squeeze %dma_wait3A_588 : memref<1x32x128xf32, #tpu.memory_space<vmem>> -> memref<32x128xf32, #tpu.memory_space<vmem>>
      %dma_wait3A_590 = arith.constant 0 : i32
      %dma_wait3A_591 = arith.constant 0 : i32
      %dma_wait3A_592 = tpu.memref_slice %arg5[%dma_wait3A_590, %dma_wait3A_591] : memref<32x1000000xf32, #tpu.memory_space<hbm>> -> memref<32x128xf32, #tpu.memory_space<hbm>>
      %dma_wait3A_593 = tpu.memref_slice %arg13[%dma_wait3A_585] : memref<16x!tpu.dma_semaphore, #tpu.memory_space<semaphore_mem>> -> memref<1x!tpu.dma_semaphore, #tpu.memory_space<semaphore_mem>>
      %dma_wait3A_594 = tpu.memref_squeeze %dma_wait3A_593 : memref<1x!tpu.dma_semaphore, #tpu.memory_space<semaphore_mem>> -> memref<!tpu.dma_semaphore, #tpu.memory_space<semaphore_mem>>
      %dma_wait3A_595 = arith.constant 0 : i32
      %dma_wait3A_596 = arith.constant 0 : i32
      %dma_wait3A_597 = tpu.memref_slice %arg9[%dma_wait3A_584, %dma_wait3A_595, %dma_wait3A_596] : memref<16x32x128xf32, #tpu.memory_space<vmem>> -> memref<1x32x128xf32, #tpu.memory_space<vmem>>
      %dma_wait3A_598 = tpu.memref_squeeze %dma_wait3A_597 : memref<1x32x128xf32, #tpu.memory_space<vmem>> -> memref<32x128xf32, #tpu.memory_space<vmem>>
      %dma_wait3A_599 = arith.constant 0 : i32
      %dma_wait3A_600 = arith.constant 0 : i32
      %dma_wait3A_601 = tpu.memref_slice %arg5[%dma_wait3A_599, %dma_wait3A_600] : memref<32x1000000xf32, #tpu.memory_space<hbm>> -> memref<32x128xf32, #tpu.memory_space<hbm>>
      tpu.wait_dma2 semaphore(%dma_wait3A_594 : memref<!tpu.dma_semaphore, #tpu.memory_space<semaphore_mem>>) src(%dma_wait3A_601 : memref<32x128xf32, #tpu.memory_space<hbm>>) dst(%dma_wait3A_598 : memref<32x128xf32, #tpu.memory_space<vmem>>)
      %slice3A_602 = vector.extract_strided_slice %and3A_30 {offsets = [6], sizes = [1], strides = [1]} : vector<16xi32> to vector<1xi32>
      %squeeze3A_603 = vector.extract %slice3A_602[0] : i32 from vector<1xi32>
      %broadcast_in_dim3A_604 = vector.broadcast %squeeze3A_603 : i32 to vector<16xi32>
      %slice3A_605 = vector.extract_strided_slice %add3A_334 {offsets = [6], sizes = [1], strides = [1]} : vector<16xi32> to vector<1xi32>
      %squeeze3A_606 = vector.extract %slice3A_605[0] : i32 from vector<1xi32>
      %broadcast_in_dim3A_607 = vector.broadcast %squeeze3A_606 : i32 to vector<16xi32>
      %add3A_608 = arith.constant 0 : i32
      %add3A_609 = vector.broadcast %add3A_608 : i32 to vector<16xi32>
      %add3A_610 = arith.addi %iota3A, %add3A_609 : vector<16xi32>
      %gather3A_611 = arith.constant 6 : i32
      %gather3A_612 = arith.constant 0 : i32
      %gather3A_613 = arith.constant 0 : i32
      %gather3A_614 = tpu.memref_slice %arg9[%gather3A_611, %gather3A_612, %gather3A_613] : memref<16x32x128xf32, #tpu.memory_space<vmem>> -> memref<1x32x128xf32, #tpu.memory_space<vmem>>
      %gather3A_615 = tpu.memref_squeeze %gather3A_614 : memref<1x32x128xf32, #tpu.memory_space<vmem>> -> memref<32x128xf32, #tpu.memory_space<vmem>>
      %gather3A_616 = tpu.vector_load_idx %gather3A_615[%add3A_610, %broadcast_in_dim3A_604] : memref<32x128xf32, #tpu.memory_space<vmem>>[vector<16xi32>, vector<16xi32>], vector<16xf32>,
      tpu.vector_store_idx %arg11[%add3A_610, %broadcast_in_dim3A_607], %gather3A_616 : memref<32x512xf32, #tpu.memory_space<vmem>>[vector<16xi32>, vector<16xi32>], vector<16xf32>,
      %add3A_617 = arith.constant 16 : i32
      %add3A_618 = vector.broadcast %add3A_617 : i32 to vector<16xi32>
      %add3A_619 = arith.addi %iota3A, %add3A_618 : vector<16xi32>
      %gather3A_620 = arith.constant 6 : i32
      %gather3A_621 = arith.constant 0 : i32
      %gather3A_622 = arith.constant 0 : i32
      %gather3A_623 = tpu.memref_slice %arg9[%gather3A_620, %gather3A_621, %gather3A_622] : memref<16x32x128xf32, #tpu.memory_space<vmem>> -> memref<1x32x128xf32, #tpu.memory_space<vmem>>
      %gather3A_624 = tpu.memref_squeeze %gather3A_623 : memref<1x32x128xf32, #tpu.memory_space<vmem>> -> memref<32x128xf32, #tpu.memory_space<vmem>>
      %gather3A_625 = tpu.vector_load_idx %gather3A_624[%add3A_619, %broadcast_in_dim3A_604] : memref<32x128xf32, #tpu.memory_space<vmem>>[vector<16xi32>, vector<16xi32>], vector<16xf32>,
      tpu.vector_store_idx %arg11[%add3A_619, %broadcast_in_dim3A_607], %gather3A_625 : memref<32x512xf32, #tpu.memory_space<vmem>>[vector<16xi32>, vector<16xi32>], vector<16xf32>,
      %dma_wait3A_626 = arith.constant 7 : i32
      %dma_wait3A_627 = arith.constant 7 : i32
      %dma_wait3A_628 = arith.constant 0 : i32
      %dma_wait3A_629 = arith.constant 0 : i32
      %dma_wait3A_630 = tpu.memref_slice %arg9[%dma_wait3A_626, %dma_wait3A_628, %dma_wait3A_629] : memref<16x32x128xf32, #tpu.memory_space<vmem>> -> memref<1x32x128xf32, #tpu.memory_space<vmem>>
      %dma_wait3A_631 = tpu.memref_squeeze %dma_wait3A_630 : memref<1x32x128xf32, #tpu.memory_space<vmem>> -> memref<32x128xf32, #tpu.memory_space<vmem>>
      %dma_wait3A_632 = arith.constant 0 : i32
      %dma_wait3A_633 = arith.constant 0 : i32
      %dma_wait3A_634 = tpu.memref_slice %arg5[%dma_wait3A_632, %dma_wait3A_633] : memref<32x1000000xf32, #tpu.memory_space<hbm>> -> memref<32x128xf32, #tpu.memory_space<hbm>>
      %dma_wait3A_635 = tpu.memref_slice %arg13[%dma_wait3A_627] : memref<16x!tpu.dma_semaphore, #tpu.memory_space<semaphore_mem>> -> memref<1x!tpu.dma_semaphore, #tpu.memory_space<semaphore_mem>>
      %dma_wait3A_636 = tpu.memref_squeeze %dma_wait3A_635 : memref<1x!tpu.dma_semaphore, #tpu.memory_space<semaphore_mem>> -> memref<!tpu.dma_semaphore, #tpu.memory_space<semaphore_mem>>
      %dma_wait3A_637 = arith.constant 0 : i32
      %dma_wait3A_638 = arith.constant 0 : i32
      %dma_wait3A_639 = tpu.memref_slice %arg9[%dma_wait3A_626, %dma_wait3A_637, %dma_wait3A_638] : memref<16x32x128xf32, #tpu.memory_space<vmem>> -> memref<1x32x128xf32, #tpu.memory_space<vmem>>
      %dma_wait3A_640 = tpu.memref_squeeze %dma_wait3A_639 : memref<1x32x128xf32, #tpu.memory_space<vmem>> -> memref<32x128xf32, #tpu.memory_space<vmem>>
      %dma_wait3A_641 = arith.constant 0 : i32
      %dma_wait3A_642 = arith.constant 0 : i32
      %dma_wait3A_643 = tpu.memref_slice %arg5[%dma_wait3A_641, %dma_wait3A_642] : memref<32x1000000xf32, #tpu.memory_space<hbm>> -> memref<32x128xf32, #tpu.memory_space<hbm>>
      tpu.wait_dma2 semaphore(%dma_wait3A_636 : memref<!tpu.dma_semaphore, #tpu.memory_space<semaphore_mem>>) src(%dma_wait3A_643 : memref<32x128xf32, #tpu.memory_space<hbm>>) dst(%dma_wait3A_640 : memref<32x128xf32, #tpu.memory_space<vmem>>)
      %slice3A_644 = vector.extract_strided_slice %and3A_30 {offsets = [7], sizes = [1], strides = [1]} : vector<16xi32> to vector<1xi32>
      %squeeze3A_645 = vector.extract %slice3A_644[0] : i32 from vector<1xi32>
      %broadcast_in_dim3A_646 = vector.broadcast %squeeze3A_645 : i32 to vector<16xi32>
      %slice3A_647 = vector.extract_strided_slice %add3A_334 {offsets = [7], sizes = [1], strides = [1]} : vector<16xi32> to vector<1xi32>
      %squeeze3A_648 = vector.extract %slice3A_647[0] : i32 from vector<1xi32>
      %broadcast_in_dim3A_649 = vector.broadcast %squeeze3A_648 : i32 to vector<16xi32>
      %add3A_650 = arith.constant 0 : i32
      %add3A_651 = vector.broadcast %add3A_650 : i32 to vector<16xi32>
      %add3A_652 = arith.addi %iota3A, %add3A_651 : vector<16xi32>
      %gather3A_653 = arith.constant 7 : i32
      %gather3A_654 = arith.constant 0 : i32
      %gather3A_655 = arith.constant 0 : i32
      %gather3A_656 = tpu.memref_slice %arg9[%gather3A_653, %gather3A_654, %gather3A_655] : memref<16x32x128xf32, #tpu.memory_space<vmem>> -> memref<1x32x128xf32, #tpu.memory_space<vmem>>
      %gather3A_657 = tpu.memref_squeeze %gather3A_656 : memref<1x32x128xf32, #tpu.memory_space<vmem>> -> memref<32x128xf32, #tpu.memory_space<vmem>>
      %gather3A_658 = tpu.vector_load_idx %gather3A_657[%add3A_652, %broadcast_in_dim3A_646] : memref<32x128xf32, #tpu.memory_space<vmem>>[vector<16xi32>, vector<16xi32>], vector<16xf32>,
      tpu.vector_store_idx %arg11[%add3A_652, %broadcast_in_dim3A_649], %gather3A_658 : memref<32x512xf32, #tpu.memory_space<vmem>>[vector<16xi32>, vector<16xi32>], vector<16xf32>,
      %add3A_659 = arith.constant 16 : i32
      %add3A_660 = vector.broadcast %add3A_659 : i32 to vector<16xi32>
      %add3A_661 = arith.addi %iota3A, %add3A_660 : vector<16xi32>
      %gather3A_662 = arith.constant 7 : i32
      %gather3A_663 = arith.constant 0 : i32
      %gather3A_664 = arith.constant 0 : i32
      %gather3A_665 = tpu.memref_slice %arg9[%gather3A_662, %gather3A_663, %gather3A_664] : memref<16x32x128xf32, #tpu.memory_space<vmem>> -> memref<1x32x128xf32, #tpu.memory_space<vmem>>
      %gather3A_666 = tpu.memref_squeeze %gather3A_665 : memref<1x32x128xf32, #tpu.memory_space<vmem>> -> memref<32x128xf32, #tpu.memory_space<vmem>>
      %gather3A_667 = tpu.vector_load_idx %gather3A_666[%add3A_661, %broadcast_in_dim3A_646] : memref<32x128xf32, #tpu.memory_space<vmem>>[vector<16xi32>, vector<16xi32>], vector<16xf32>,
      tpu.vector_store_idx %arg11[%add3A_661, %broadcast_in_dim3A_649], %gather3A_667 : memref<32x512xf32, #tpu.memory_space<vmem>>[vector<16xi32>, vector<16xi32>], vector<16xf32>,
      %dma_wait3A_668 = arith.constant 8 : i32
      %dma_wait3A_669 = arith.constant 8 : i32
      %dma_wait3A_670 = arith.constant 0 : i32
      %dma_wait3A_671 = arith.constant 0 : i32
      %dma_wait3A_672 = tpu.memref_slice %arg9[%dma_wait3A_668, %dma_wait3A_670, %dma_wait3A_671] : memref<16x32x128xf32, #tpu.memory_space<vmem>> -> memref<1x32x128xf32, #tpu.memory_space<vmem>>
      %dma_wait3A_673 = tpu.memref_squeeze %dma_wait3A_672 : memref<1x32x128xf32, #tpu.memory_space<vmem>> -> memref<32x128xf32, #tpu.memory_space<vmem>>
      %dma_wait3A_674 = arith.constant 0 : i32
      %dma_wait3A_675 = arith.constant 0 : i32
      %dma_wait3A_676 = tpu.memref_slice %arg5[%dma_wait3A_674, %dma_wait3A_675] : memref<32x1000000xf32, #tpu.memory_space<hbm>> -> memref<32x128xf32, #tpu.memory_space<hbm>>
      %dma_wait3A_677 = tpu.memref_slice %arg13[%dma_wait3A_669] : memref<16x!tpu.dma_semaphore, #tpu.memory_space<semaphore_mem>> -> memref<1x!tpu.dma_semaphore, #tpu.memory_space<semaphore_mem>>
      %dma_wait3A_678 = tpu.memref_squeeze %dma_wait3A_677 : memref<1x!tpu.dma_semaphore, #tpu.memory_space<semaphore_mem>> -> memref<!tpu.dma_semaphore, #tpu.memory_space<semaphore_mem>>
      %dma_wait3A_679 = arith.constant 0 : i32
      %dma_wait3A_680 = arith.constant 0 : i32
      %dma_wait3A_681 = tpu.memref_slice %arg9[%dma_wait3A_668, %dma_wait3A_679, %dma_wait3A_680] : memref<16x32x128xf32, #tpu.memory_space<vmem>> -> memref<1x32x128xf32, #tpu.memory_space<vmem>>
      %dma_wait3A_682 = tpu.memref_squeeze %dma_wait3A_681 : memref<1x32x128xf32, #tpu.memory_space<vmem>> -> memref<32x128xf32, #tpu.memory_space<vmem>>
      %dma_wait3A_683 = arith.constant 0 : i32
      %dma_wait3A_684 = arith.constant 0 : i32
      %dma_wait3A_685 = tpu.memref_slice %arg5[%dma_wait3A_683, %dma_wait3A_684] : memref<32x1000000xf32, #tpu.memory_space<hbm>> -> memref<32x128xf32, #tpu.memory_space<hbm>>
      tpu.wait_dma2 semaphore(%dma_wait3A_678 : memref<!tpu.dma_semaphore, #tpu.memory_space<semaphore_mem>>) src(%dma_wait3A_685 : memref<32x128xf32, #tpu.memory_space<hbm>>) dst(%dma_wait3A_682 : memref<32x128xf32, #tpu.memory_space<vmem>>)
      %slice3A_686 = vector.extract_strided_slice %and3A_30 {offsets = [8], sizes = [1], strides = [1]} : vector<16xi32> to vector<1xi32>
      %squeeze3A_687 = vector.extract %slice3A_686[0] : i32 from vector<1xi32>
      %broadcast_in_dim3A_688 = vector.broadcast %squeeze3A_687 : i32 to vector<16xi32>
      %slice3A_689 = vector.extract_strided_slice %add3A_334 {offsets = [8], sizes = [1], strides = [1]} : vector<16xi32> to vector<1xi32>
      %squeeze3A_690 = vector.extract %slice3A_689[0] : i32 from vector<1xi32>
      %broadcast_in_dim3A_691 = vector.broadcast %squeeze3A_690 : i32 to vector<16xi32>
      %add3A_692 = arith.constant 0 : i32
      %add3A_693 = vector.broadcast %add3A_692 : i32 to vector<16xi32>
      %add3A_694 = arith.addi %iota3A, %add3A_693 : vector<16xi32>
      %gather3A_695 = arith.constant 8 : i32
      %gather3A_696 = arith.constant 0 : i32
      %gather3A_697 = arith.constant 0 : i32
      %gather3A_698 = tpu.memref_slice %arg9[%gather3A_695, %gather3A_696, %gather3A_697] : memref<16x32x128xf32, #tpu.memory_space<vmem>> -> memref<1x32x128xf32, #tpu.memory_space<vmem>>
      %gather3A_699 = tpu.memref_squeeze %gather3A_698 : memref<1x32x128xf32, #tpu.memory_space<vmem>> -> memref<32x128xf32, #tpu.memory_space<vmem>>
      %gather3A_700 = tpu.vector_load_idx %gather3A_699[%add3A_694, %broadcast_in_dim3A_688] : memref<32x128xf32, #tpu.memory_space<vmem>>[vector<16xi32>, vector<16xi32>], vector<16xf32>,
      tpu.vector_store_idx %arg11[%add3A_694, %broadcast_in_dim3A_691], %gather3A_700 : memref<32x512xf32, #tpu.memory_space<vmem>>[vector<16xi32>, vector<16xi32>], vector<16xf32>,
      %add3A_701 = arith.constant 16 : i32
      %add3A_702 = vector.broadcast %add3A_701 : i32 to vector<16xi32>
      %add3A_703 = arith.addi %iota3A, %add3A_702 : vector<16xi32>
      %gather3A_704 = arith.constant 8 : i32
      %gather3A_705 = arith.constant 0 : i32
      %gather3A_706 = arith.constant 0 : i32
      %gather3A_707 = tpu.memref_slice %arg9[%gather3A_704, %gather3A_705, %gather3A_706] : memref<16x32x128xf32, #tpu.memory_space<vmem>> -> memref<1x32x128xf32, #tpu.memory_space<vmem>>
      %gather3A_708 = tpu.memref_squeeze %gather3A_707 : memref<1x32x128xf32, #tpu.memory_space<vmem>> -> memref<32x128xf32, #tpu.memory_space<vmem>>
      %gather3A_709 = tpu.vector_load_idx %gather3A_708[%add3A_703, %broadcast_in_dim3A_688] : memref<32x128xf32, #tpu.memory_space<vmem>>[vector<16xi32>, vector<16xi32>], vector<16xf32>,
      tpu.vector_store_idx %arg11[%add3A_703, %broadcast_in_dim3A_691], %gather3A_709 : memref<32x512xf32, #tpu.memory_space<vmem>>[vector<16xi32>, vector<16xi32>], vector<16xf32>,
      %dma_wait3A_710 = arith.constant 9 : i32
      %dma_wait3A_711 = arith.constant 9 : i32
      %dma_wait3A_712 = arith.constant 0 : i32
      %dma_wait3A_713 = arith.constant 0 : i32
      %dma_wait3A_714 = tpu.memref_slice %arg9[%dma_wait3A_710, %dma_wait3A_712, %dma_wait3A_713] : memref<16x32x128xf32, #tpu.memory_space<vmem>> -> memref<1x32x128xf32, #tpu.memory_space<vmem>>
      %dma_wait3A_715 = tpu.memref_squeeze %dma_wait3A_714 : memref<1x32x128xf32, #tpu.memory_space<vmem>> -> memref<32x128xf32, #tpu.memory_space<vmem>>
      %dma_wait3A_716 = arith.constant 0 : i32
      %dma_wait3A_717 = arith.constant 0 : i32
      %dma_wait3A_718 = tpu.memref_slice %arg5[%dma_wait3A_716, %dma_wait3A_717] : memref<32x1000000xf32, #tpu.memory_space<hbm>> -> memref<32x128xf32, #tpu.memory_space<hbm>>
      %dma_wait3A_719 = tpu.memref_slice %arg13[%dma_wait3A_711] : memref<16x!tpu.dma_semaphore, #tpu.memory_space<semaphore_mem>> -> memref<1x!tpu.dma_semaphore, #tpu.memory_space<semaphore_mem>>
      %dma_wait3A_720 = tpu.memref_squeeze %dma_wait3A_719 : memref<1x!tpu.dma_semaphore, #tpu.memory_space<semaphore_mem>> -> memref<!tpu.dma_semaphore, #tpu.memory_space<semaphore_mem>>
      %dma_wait3A_721 = arith.constant 0 : i32
      %dma_wait3A_722 = arith.constant 0 : i32
      %dma_wait3A_723 = tpu.memref_slice %arg9[%dma_wait3A_710, %dma_wait3A_721, %dma_wait3A_722] : memref<16x32x128xf32, #tpu.memory_space<vmem>> -> memref<1x32x128xf32, #tpu.memory_space<vmem>>
      %dma_wait3A_724 = tpu.memref_squeeze %dma_wait3A_723 : memref<1x32x128xf32, #tpu.memory_space<vmem>> -> memref<32x128xf32, #tpu.memory_space<vmem>>
      %dma_wait3A_725 = arith.constant 0 : i32
      %dma_wait3A_726 = arith.constant 0 : i32
      %dma_wait3A_727 = tpu.memref_slice %arg5[%dma_wait3A_725, %dma_wait3A_726] : memref<32x1000000xf32, #tpu.memory_space<hbm>> -> memref<32x128xf32, #tpu.memory_space<hbm>>
      tpu.wait_dma2 semaphore(%dma_wait3A_720 : memref<!tpu.dma_semaphore, #tpu.memory_space<semaphore_mem>>) src(%dma_wait3A_727 : memref<32x128xf32, #tpu.memory_space<hbm>>) dst(%dma_wait3A_724 : memref<32x128xf32, #tpu.memory_space<vmem>>)
      %slice3A_728 = vector.extract_strided_slice %and3A_30 {offsets = [9], sizes = [1], strides = [1]} : vector<16xi32> to vector<1xi32>
      %squeeze3A_729 = vector.extract %slice3A_728[0] : i32 from vector<1xi32>
      %broadcast_in_dim3A_730 = vector.broadcast %squeeze3A_729 : i32 to vector<16xi32>
      %slice3A_731 = vector.extract_strided_slice %add3A_334 {offsets = [9], sizes = [1], strides = [1]} : vector<16xi32> to vector<1xi32>
      %squeeze3A_732 = vector.extract %slice3A_731[0] : i32 from vector<1xi32>
      %broadcast_in_dim3A_733 = vector.broadcast %squeeze3A_732 : i32 to vector<16xi32>
      %add3A_734 = arith.constant 0 : i32
      %add3A_735 = vector.broadcast %add3A_734 : i32 to vector<16xi32>
      %add3A_736 = arith.addi %iota3A, %add3A_735 : vector<16xi32>
      %gather3A_737 = arith.constant 9 : i32
      %gather3A_738 = arith.constant 0 : i32
      %gather3A_739 = arith.constant 0 : i32
      %gather3A_740 = tpu.memref_slice %arg9[%gather3A_737, %gather3A_738, %gather3A_739] : memref<16x32x128xf32, #tpu.memory_space<vmem>> -> memref<1x32x128xf32, #tpu.memory_space<vmem>>
      %gather3A_741 = tpu.memref_squeeze %gather3A_740 : memref<1x32x128xf32, #tpu.memory_space<vmem>> -> memref<32x128xf32, #tpu.memory_space<vmem>>
      %gather3A_742 = tpu.vector_load_idx %gather3A_741[%add3A_736, %broadcast_in_dim3A_730] : memref<32x128xf32, #tpu.memory_space<vmem>>[vector<16xi32>, vector<16xi32>], vector<16xf32>,
      tpu.vector_store_idx %arg11[%add3A_736, %broadcast_in_dim3A_733], %gather3A_742 : memref<32x512xf32, #tpu.memory_space<vmem>>[vector<16xi32>, vector<16xi32>], vector<16xf32>,
      %add3A_743 = arith.constant 16 : i32
      %add3A_744 = vector.broadcast %add3A_743 : i32 to vector<16xi32>
      %add3A_745 = arith.addi %iota3A, %add3A_744 : vector<16xi32>
      %gather3A_746 = arith.constant 9 : i32
      %gather3A_747 = arith.constant 0 : i32
      %gather3A_748 = arith.constant 0 : i32
      %gather3A_749 = tpu.memref_slice %arg9[%gather3A_746, %gather3A_747, %gather3A_748] : memref<16x32x128xf32, #tpu.memory_space<vmem>> -> memref<1x32x128xf32, #tpu.memory_space<vmem>>
      %gather3A_750 = tpu.memref_squeeze %gather3A_749 : memref<1x32x128xf32, #tpu.memory_space<vmem>> -> memref<32x128xf32, #tpu.memory_space<vmem>>
      %gather3A_751 = tpu.vector_load_idx %gather3A_750[%add3A_745, %broadcast_in_dim3A_730] : memref<32x128xf32, #tpu.memory_space<vmem>>[vector<16xi32>, vector<16xi32>], vector<16xf32>,
      tpu.vector_store_idx %arg11[%add3A_745, %broadcast_in_dim3A_733], %gather3A_751 : memref<32x512xf32, #tpu.memory_space<vmem>>[vector<16xi32>, vector<16xi32>], vector<16xf32>,
      %dma_wait3A_752 = arith.constant 10 : i32
      %dma_wait3A_753 = arith.constant 10 : i32
      %dma_wait3A_754 = arith.constant 0 : i32
      %dma_wait3A_755 = arith.constant 0 : i32
      %dma_wait3A_756 = tpu.memref_slice %arg9[%dma_wait3A_752, %dma_wait3A_754, %dma_wait3A_755] : memref<16x32x128xf32, #tpu.memory_space<vmem>> -> memref<1x32x128xf32, #tpu.memory_space<vmem>>
      %dma_wait3A_757 = tpu.memref_squeeze %dma_wait3A_756 : memref<1x32x128xf32, #tpu.memory_space<vmem>> -> memref<32x128xf32, #tpu.memory_space<vmem>>
      %dma_wait3A_758 = arith.constant 0 : i32
      %dma_wait3A_759 = arith.constant 0 : i32
      %dma_wait3A_760 = tpu.memref_slice %arg5[%dma_wait3A_758, %dma_wait3A_759] : memref<32x1000000xf32, #tpu.memory_space<hbm>> -> memref<32x128xf32, #tpu.memory_space<hbm>>
      %dma_wait3A_761 = tpu.memref_slice %arg13[%dma_wait3A_753] : memref<16x!tpu.dma_semaphore, #tpu.memory_space<semaphore_mem>> -> memref<1x!tpu.dma_semaphore, #tpu.memory_space<semaphore_mem>>
      %dma_wait3A_762 = tpu.memref_squeeze %dma_wait3A_761 : memref<1x!tpu.dma_semaphore, #tpu.memory_space<semaphore_mem>> -> memref<!tpu.dma_semaphore, #tpu.memory_space<semaphore_mem>>
      %dma_wait3A_763 = arith.constant 0 : i32
      %dma_wait3A_764 = arith.constant 0 : i32
      %dma_wait3A_765 = tpu.memref_slice %arg9[%dma_wait3A_752, %dma_wait3A_763, %dma_wait3A_764] : memref<16x32x128xf32, #tpu.memory_space<vmem>> -> memref<1x32x128xf32, #tpu.memory_space<vmem>>
      %dma_wait3A_766 = tpu.memref_squeeze %dma_wait3A_765 : memref<1x32x128xf32, #tpu.memory_space<vmem>> -> memref<32x128xf32, #tpu.memory_space<vmem>>
      %dma_wait3A_767 = arith.constant 0 : i32
      %dma_wait3A_768 = arith.constant 0 : i32
      %dma_wait3A_769 = tpu.memref_slice %arg5[%dma_wait3A_767, %dma_wait3A_768] : memref<32x1000000xf32, #tpu.memory_space<hbm>> -> memref<32x128xf32, #tpu.memory_space<hbm>>
      tpu.wait_dma2 semaphore(%dma_wait3A_762 : memref<!tpu.dma_semaphore, #tpu.memory_space<semaphore_mem>>) src(%dma_wait3A_769 : memref<32x128xf32, #tpu.memory_space<hbm>>) dst(%dma_wait3A_766 : memref<32x128xf32, #tpu.memory_space<vmem>>)
      %slice3A_770 = vector.extract_strided_slice %and3A_30 {offsets = [10], sizes = [1], strides = [1]} : vector<16xi32> to vector<1xi32>
      %squeeze3A_771 = vector.extract %slice3A_770[0] : i32 from vector<1xi32>
      %broadcast_in_dim3A_772 = vector.broadcast %squeeze3A_771 : i32 to vector<16xi32>
      %slice3A_773 = vector.extract_strided_slice %add3A_334 {offsets = [10], sizes = [1], strides = [1]} : vector<16xi32> to vector<1xi32>
      %squeeze3A_774 = vector.extract %slice3A_773[0] : i32 from vector<1xi32>
      %broadcast_in_dim3A_775 = vector.broadcast %squeeze3A_774 : i32 to vector<16xi32>
      %add3A_776 = arith.constant 0 : i32
      %add3A_777 = vector.broadcast %add3A_776 : i32 to vector<16xi32>
      %add3A_778 = arith.addi %iota3A, %add3A_777 : vector<16xi32>
      %gather3A_779 = arith.constant 10 : i32
      %gather3A_780 = arith.constant 0 : i32
      %gather3A_781 = arith.constant 0 : i32
      %gather3A_782 = tpu.memref_slice %arg9[%gather3A_779, %gather3A_780, %gather3A_781] : memref<16x32x128xf32, #tpu.memory_space<vmem>> -> memref<1x32x128xf32, #tpu.memory_space<vmem>>
      %gather3A_783 = tpu.memref_squeeze %gather3A_782 : memref<1x32x128xf32, #tpu.memory_space<vmem>> -> memref<32x128xf32, #tpu.memory_space<vmem>>
      %gather3A_784 = tpu.vector_load_idx %gather3A_783[%add3A_778, %broadcast_in_dim3A_772] : memref<32x128xf32, #tpu.memory_space<vmem>>[vector<16xi32>, vector<16xi32>], vector<16xf32>,
      tpu.vector_store_idx %arg11[%add3A_778, %broadcast_in_dim3A_775], %gather3A_784 : memref<32x512xf32, #tpu.memory_space<vmem>>[vector<16xi32>, vector<16xi32>], vector<16xf32>,
      %add3A_785 = arith.constant 16 : i32
      %add3A_786 = vector.broadcast %add3A_785 : i32 to vector<16xi32>
      %add3A_787 = arith.addi %iota3A, %add3A_786 : vector<16xi32>
      %gather3A_788 = arith.constant 10 : i32
      %gather3A_789 = arith.constant 0 : i32
      %gather3A_790 = arith.constant 0 : i32
      %gather3A_791 = tpu.memref_slice %arg9[%gather3A_788, %gather3A_789, %gather3A_790] : memref<16x32x128xf32, #tpu.memory_space<vmem>> -> memref<1x32x128xf32, #tpu.memory_space<vmem>>
      %gather3A_792 = tpu.memref_squeeze %gather3A_791 : memref<1x32x128xf32, #tpu.memory_space<vmem>> -> memref<32x128xf32, #tpu.memory_space<vmem>>
      %gather3A_793 = tpu.vector_load_idx %gather3A_792[%add3A_787, %broadcast_in_dim3A_772] : memref<32x128xf32, #tpu.memory_space<vmem>>[vector<16xi32>, vector<16xi32>], vector<16xf32>,
      tpu.vector_store_idx %arg11[%add3A_787, %broadcast_in_dim3A_775], %gather3A_793 : memref<32x512xf32, #tpu.memory_space<vmem>>[vector<16xi32>, vector<16xi32>], vector<16xf32>,
      %dma_wait3A_794 = arith.constant 11 : i32
      %dma_wait3A_795 = arith.constant 11 : i32
      %dma_wait3A_796 = arith.constant 0 : i32
      %dma_wait3A_797 = arith.constant 0 : i32
      %dma_wait3A_798 = tpu.memref_slice %arg9[%dma_wait3A_794, %dma_wait3A_796, %dma_wait3A_797] : memref<16x32x128xf32, #tpu.memory_space<vmem>> -> memref<1x32x128xf32, #tpu.memory_space<vmem>>
      %dma_wait3A_799 = tpu.memref_squeeze %dma_wait3A_798 : memref<1x32x128xf32, #tpu.memory_space<vmem>> -> memref<32x128xf32, #tpu.memory_space<vmem>>
      %dma_wait3A_800 = arith.constant 0 : i32
      %dma_wait3A_801 = arith.constant 0 : i32
      %dma_wait3A_802 = tpu.memref_slice %arg5[%dma_wait3A_800, %dma_wait3A_801] : memref<32x1000000xf32, #tpu.memory_space<hbm>> -> memref<32x128xf32, #tpu.memory_space<hbm>>
      %dma_wait3A_803 = tpu.memref_slice %arg13[%dma_wait3A_795] : memref<16x!tpu.dma_semaphore, #tpu.memory_space<semaphore_mem>> -> memref<1x!tpu.dma_semaphore, #tpu.memory_space<semaphore_mem>>
      %dma_wait3A_804 = tpu.memref_squeeze %dma_wait3A_803 : memref<1x!tpu.dma_semaphore, #tpu.memory_space<semaphore_mem>> -> memref<!tpu.dma_semaphore, #tpu.memory_space<semaphore_mem>>
      %dma_wait3A_805 = arith.constant 0 : i32
      %dma_wait3A_806 = arith.constant 0 : i32
      %dma_wait3A_807 = tpu.memref_slice %arg9[%dma_wait3A_794, %dma_wait3A_805, %dma_wait3A_806] : memref<16x32x128xf32, #tpu.memory_space<vmem>> -> memref<1x32x128xf32, #tpu.memory_space<vmem>>
      %dma_wait3A_808 = tpu.memref_squeeze %dma_wait3A_807 : memref<1x32x128xf32, #tpu.memory_space<vmem>> -> memref<32x128xf32, #tpu.memory_space<vmem>>
      %dma_wait3A_809 = arith.constant 0 : i32
      %dma_wait3A_810 = arith.constant 0 : i32
      %dma_wait3A_811 = tpu.memref_slice %arg5[%dma_wait3A_809, %dma_wait3A_810] : memref<32x1000000xf32, #tpu.memory_space<hbm>> -> memref<32x128xf32, #tpu.memory_space<hbm>>
      tpu.wait_dma2 semaphore(%dma_wait3A_804 : memref<!tpu.dma_semaphore, #tpu.memory_space<semaphore_mem>>) src(%dma_wait3A_811 : memref<32x128xf32, #tpu.memory_space<hbm>>) dst(%dma_wait3A_808 : memref<32x128xf32, #tpu.memory_space<vmem>>)
      %slice3A_812 = vector.extract_strided_slice %and3A_30 {offsets = [11], sizes = [1], strides = [1]} : vector<16xi32> to vector<1xi32>
      %squeeze3A_813 = vector.extract %slice3A_812[0] : i32 from vector<1xi32>
      %broadcast_in_dim3A_814 = vector.broadcast %squeeze3A_813 : i32 to vector<16xi32>
      %slice3A_815 = vector.extract_strided_slice %add3A_334 {offsets = [11], sizes = [1], strides = [1]} : vector<16xi32> to vector<1xi32>
      %squeeze3A_816 = vector.extract %slice3A_815[0] : i32 from vector<1xi32>
      %broadcast_in_dim3A_817 = vector.broadcast %squeeze3A_816 : i32 to vector<16xi32>
      %add3A_818 = arith.constant 0 : i32
      %add3A_819 = vector.broadcast %add3A_818 : i32 to vector<16xi32>
      %add3A_820 = arith.addi %iota3A, %add3A_819 : vector<16xi32>
      %gather3A_821 = arith.constant 11 : i32
      %gather3A_822 = arith.constant 0 : i32
      %gather3A_823 = arith.constant 0 : i32
      %gather3A_824 = tpu.memref_slice %arg9[%gather3A_821, %gather3A_822, %gather3A_823] : memref<16x32x128xf32, #tpu.memory_space<vmem>> -> memref<1x32x128xf32, #tpu.memory_space<vmem>>
      %gather3A_825 = tpu.memref_squeeze %gather3A_824 : memref<1x32x128xf32, #tpu.memory_space<vmem>> -> memref<32x128xf32, #tpu.memory_space<vmem>>
      %gather3A_826 = tpu.vector_load_idx %gather3A_825[%add3A_820, %broadcast_in_dim3A_814] : memref<32x128xf32, #tpu.memory_space<vmem>>[vector<16xi32>, vector<16xi32>], vector<16xf32>,
      tpu.vector_store_idx %arg11[%add3A_820, %broadcast_in_dim3A_817], %gather3A_826 : memref<32x512xf32, #tpu.memory_space<vmem>>[vector<16xi32>, vector<16xi32>], vector<16xf32>,
      %add3A_827 = arith.constant 16 : i32
      %add3A_828 = vector.broadcast %add3A_827 : i32 to vector<16xi32>
      %add3A_829 = arith.addi %iota3A, %add3A_828 : vector<16xi32>
      %gather3A_830 = arith.constant 11 : i32
      %gather3A_831 = arith.constant 0 : i32
      %gather3A_832 = arith.constant 0 : i32
      %gather3A_833 = tpu.memref_slice %arg9[%gather3A_830, %gather3A_831, %gather3A_832] : memref<16x32x128xf32, #tpu.memory_space<vmem>> -> memref<1x32x128xf32, #tpu.memory_space<vmem>>
      %gather3A_834 = tpu.memref_squeeze %gather3A_833 : memref<1x32x128xf32, #tpu.memory_space<vmem>> -> memref<32x128xf32, #tpu.memory_space<vmem>>
      %gather3A_835 = tpu.vector_load_idx %gather3A_834[%add3A_829, %broadcast_in_dim3A_814] : memref<32x128xf32, #tpu.memory_space<vmem>>[vector<16xi32>, vector<16xi32>], vector<16xf32>,
      tpu.vector_store_idx %arg11[%add3A_829, %broadcast_in_dim3A_817], %gather3A_835 : memref<32x512xf32, #tpu.memory_space<vmem>>[vector<16xi32>, vector<16xi32>], vector<16xf32>,
      %dma_wait3A_836 = arith.constant 12 : i32
      %dma_wait3A_837 = arith.constant 12 : i32
      %dma_wait3A_838 = arith.constant 0 : i32
      %dma_wait3A_839 = arith.constant 0 : i32
      %dma_wait3A_840 = tpu.memref_slice %arg9[%dma_wait3A_836, %dma_wait3A_838, %dma_wait3A_839] : memref<16x32x128xf32, #tpu.memory_space<vmem>> -> memref<1x32x128xf32, #tpu.memory_space<vmem>>
      %dma_wait3A_841 = tpu.memref_squeeze %dma_wait3A_840 : memref<1x32x128xf32, #tpu.memory_space<vmem>> -> memref<32x128xf32, #tpu.memory_space<vmem>>
      %dma_wait3A_842 = arith.constant 0 : i32
      %dma_wait3A_843 = arith.constant 0 : i32
      %dma_wait3A_844 = tpu.memref_slice %arg5[%dma_wait3A_842, %dma_wait3A_843] : memref<32x1000000xf32, #tpu.memory_space<hbm>> -> memref<32x128xf32, #tpu.memory_space<hbm>>
      %dma_wait3A_845 = tpu.memref_slice %arg13[%dma_wait3A_837] : memref<16x!tpu.dma_semaphore, #tpu.memory_space<semaphore_mem>> -> memref<1x!tpu.dma_semaphore, #tpu.memory_space<semaphore_mem>>
      %dma_wait3A_846 = tpu.memref_squeeze %dma_wait3A_845 : memref<1x!tpu.dma_semaphore, #tpu.memory_space<semaphore_mem>> -> memref<!tpu.dma_semaphore, #tpu.memory_space<semaphore_mem>>
      %dma_wait3A_847 = arith.constant 0 : i32
      %dma_wait3A_848 = arith.constant 0 : i32
      %dma_wait3A_849 = tpu.memref_slice %arg9[%dma_wait3A_836, %dma_wait3A_847, %dma_wait3A_848] : memref<16x32x128xf32, #tpu.memory_space<vmem>> -> memref<1x32x128xf32, #tpu.memory_space<vmem>>
      %dma_wait3A_850 = tpu.memref_squeeze %dma_wait3A_849 : memref<1x32x128xf32, #tpu.memory_space<vmem>> -> memref<32x128xf32, #tpu.memory_space<vmem>>
      %dma_wait3A_851 = arith.constant 0 : i32
      %dma_wait3A_852 = arith.constant 0 : i32
      %dma_wait3A_853 = tpu.memref_slice %arg5[%dma_wait3A_851, %dma_wait3A_852] : memref<32x1000000xf32, #tpu.memory_space<hbm>> -> memref<32x128xf32, #tpu.memory_space<hbm>>
      tpu.wait_dma2 semaphore(%dma_wait3A_846 : memref<!tpu.dma_semaphore, #tpu.memory_space<semaphore_mem>>) src(%dma_wait3A_853 : memref<32x128xf32, #tpu.memory_space<hbm>>) dst(%dma_wait3A_850 : memref<32x128xf32, #tpu.memory_space<vmem>>)
      %slice3A_854 = vector.extract_strided_slice %and3A_30 {offsets = [12], sizes = [1], strides = [1]} : vector<16xi32> to vector<1xi32>
      %squeeze3A_855 = vector.extract %slice3A_854[0] : i32 from vector<1xi32>
      %broadcast_in_dim3A_856 = vector.broadcast %squeeze3A_855 : i32 to vector<16xi32>
      %slice3A_857 = vector.extract_strided_slice %add3A_334 {offsets = [12], sizes = [1], strides = [1]} : vector<16xi32> to vector<1xi32>
      %squeeze3A_858 = vector.extract %slice3A_857[0] : i32 from vector<1xi32>
      %broadcast_in_dim3A_859 = vector.broadcast %squeeze3A_858 : i32 to vector<16xi32>
      %add3A_860 = arith.constant 0 : i32
      %add3A_861 = vector.broadcast %add3A_860 : i32 to vector<16xi32>
      %add3A_862 = arith.addi %iota3A, %add3A_861 : vector<16xi32>
      %gather3A_863 = arith.constant 12 : i32
      %gather3A_864 = arith.constant 0 : i32
      %gather3A_865 = arith.constant 0 : i32
      %gather3A_866 = tpu.memref_slice %arg9[%gather3A_863, %gather3A_864, %gather3A_865] : memref<16x32x128xf32, #tpu.memory_space<vmem>> -> memref<1x32x128xf32, #tpu.memory_space<vmem>>
      %gather3A_867 = tpu.memref_squeeze %gather3A_866 : memref<1x32x128xf32, #tpu.memory_space<vmem>> -> memref<32x128xf32, #tpu.memory_space<vmem>>
      %gather3A_868 = tpu.vector_load_idx %gather3A_867[%add3A_862, %broadcast_in_dim3A_856] : memref<32x128xf32, #tpu.memory_space<vmem>>[vector<16xi32>, vector<16xi32>], vector<16xf32>,
      tpu.vector_store_idx %arg11[%add3A_862, %broadcast_in_dim3A_859], %gather3A_868 : memref<32x512xf32, #tpu.memory_space<vmem>>[vector<16xi32>, vector<16xi32>], vector<16xf32>,
      %add3A_869 = arith.constant 16 : i32
      %add3A_870 = vector.broadcast %add3A_869 : i32 to vector<16xi32>
      %add3A_871 = arith.addi %iota3A, %add3A_870 : vector<16xi32>
      %gather3A_872 = arith.constant 12 : i32
      %gather3A_873 = arith.constant 0 : i32
      %gather3A_874 = arith.constant 0 : i32
      %gather3A_875 = tpu.memref_slice %arg9[%gather3A_872, %gather3A_873, %gather3A_874] : memref<16x32x128xf32, #tpu.memory_space<vmem>> -> memref<1x32x128xf32, #tpu.memory_space<vmem>>
      %gather3A_876 = tpu.memref_squeeze %gather3A_875 : memref<1x32x128xf32, #tpu.memory_space<vmem>> -> memref<32x128xf32, #tpu.memory_space<vmem>>
      %gather3A_877 = tpu.vector_load_idx %gather3A_876[%add3A_871, %broadcast_in_dim3A_856] : memref<32x128xf32, #tpu.memory_space<vmem>>[vector<16xi32>, vector<16xi32>], vector<16xf32>,
      tpu.vector_store_idx %arg11[%add3A_871, %broadcast_in_dim3A_859], %gather3A_877 : memref<32x512xf32, #tpu.memory_space<vmem>>[vector<16xi32>, vector<16xi32>], vector<16xf32>,
      %dma_wait3A_878 = arith.constant 13 : i32
      %dma_wait3A_879 = arith.constant 13 : i32
      %dma_wait3A_880 = arith.constant 0 : i32
      %dma_wait3A_881 = arith.constant 0 : i32
      %dma_wait3A_882 = tpu.memref_slice %arg9[%dma_wait3A_878, %dma_wait3A_880, %dma_wait3A_881] : memref<16x32x128xf32, #tpu.memory_space<vmem>> -> memref<1x32x128xf32, #tpu.memory_space<vmem>>
      %dma_wait3A_883 = tpu.memref_squeeze %dma_wait3A_882 : memref<1x32x128xf32, #tpu.memory_space<vmem>> -> memref<32x128xf32, #tpu.memory_space<vmem>>
      %dma_wait3A_884 = arith.constant 0 : i32
      %dma_wait3A_885 = arith.constant 0 : i32
      %dma_wait3A_886 = tpu.memref_slice %arg5[%dma_wait3A_884, %dma_wait3A_885] : memref<32x1000000xf32, #tpu.memory_space<hbm>> -> memref<32x128xf32, #tpu.memory_space<hbm>>
      %dma_wait3A_887 = tpu.memref_slice %arg13[%dma_wait3A_879] : memref<16x!tpu.dma_semaphore, #tpu.memory_space<semaphore_mem>> -> memref<1x!tpu.dma_semaphore, #tpu.memory_space<semaphore_mem>>
      %dma_wait3A_888 = tpu.memref_squeeze %dma_wait3A_887 : memref<1x!tpu.dma_semaphore, #tpu.memory_space<semaphore_mem>> -> memref<!tpu.dma_semaphore, #tpu.memory_space<semaphore_mem>>
      %dma_wait3A_889 = arith.constant 0 : i32
      %dma_wait3A_890 = arith.constant 0 : i32
      %dma_wait3A_891 = tpu.memref_slice %arg9[%dma_wait3A_878, %dma_wait3A_889, %dma_wait3A_890] : memref<16x32x128xf32, #tpu.memory_space<vmem>> -> memref<1x32x128xf32, #tpu.memory_space<vmem>>
      %dma_wait3A_892 = tpu.memref_squeeze %dma_wait3A_891 : memref<1x32x128xf32, #tpu.memory_space<vmem>> -> memref<32x128xf32, #tpu.memory_space<vmem>>
      %dma_wait3A_893 = arith.constant 0 : i32
      %dma_wait3A_894 = arith.constant 0 : i32
      %dma_wait3A_895 = tpu.memref_slice %arg5[%dma_wait3A_893, %dma_wait3A_894] : memref<32x1000000xf32, #tpu.memory_space<hbm>> -> memref<32x128xf32, #tpu.memory_space<hbm>>
      tpu.wait_dma2 semaphore(%dma_wait3A_888 : memref<!tpu.dma_semaphore, #tpu.memory_space<semaphore_mem>>) src(%dma_wait3A_895 : memref<32x128xf32, #tpu.memory_space<hbm>>) dst(%dma_wait3A_892 : memref<32x128xf32, #tpu.memory_space<vmem>>)
      %slice3A_896 = vector.extract_strided_slice %and3A_30 {offsets = [13], sizes = [1], strides = [1]} : vector<16xi32> to vector<1xi32>
      %squeeze3A_897 = vector.extract %slice3A_896[0] : i32 from vector<1xi32>
      %broadcast_in_dim3A_898 = vector.broadcast %squeeze3A_897 : i32 to vector<16xi32>
      %slice3A_899 = vector.extract_strided_slice %add3A_334 {offsets = [13], sizes = [1], strides = [1]} : vector<16xi32> to vector<1xi32>
      %squeeze3A_900 = vector.extract %slice3A_899[0] : i32 from vector<1xi32>
      %broadcast_in_dim3A_901 = vector.broadcast %squeeze3A_900 : i32 to vector<16xi32>
      %add3A_902 = arith.constant 0 : i32
      %add3A_903 = vector.broadcast %add3A_902 : i32 to vector<16xi32>
      %add3A_904 = arith.addi %iota3A, %add3A_903 : vector<16xi32>
      %gather3A_905 = arith.constant 13 : i32
      %gather3A_906 = arith.constant 0 : i32
      %gather3A_907 = arith.constant 0 : i32
      %gather3A_908 = tpu.memref_slice %arg9[%gather3A_905, %gather3A_906, %gather3A_907] : memref<16x32x128xf32, #tpu.memory_space<vmem>> -> memref<1x32x128xf32, #tpu.memory_space<vmem>>
      %gather3A_909 = tpu.memref_squeeze %gather3A_908 : memref<1x32x128xf32, #tpu.memory_space<vmem>> -> memref<32x128xf32, #tpu.memory_space<vmem>>
      %gather3A_910 = tpu.vector_load_idx %gather3A_909[%add3A_904, %broadcast_in_dim3A_898] : memref<32x128xf32, #tpu.memory_space<vmem>>[vector<16xi32>, vector<16xi32>], vector<16xf32>,
      tpu.vector_store_idx %arg11[%add3A_904, %broadcast_in_dim3A_901], %gather3A_910 : memref<32x512xf32, #tpu.memory_space<vmem>>[vector<16xi32>, vector<16xi32>], vector<16xf32>,
      %add3A_911 = arith.constant 16 : i32
      %add3A_912 = vector.broadcast %add3A_911 : i32 to vector<16xi32>
      %add3A_913 = arith.addi %iota3A, %add3A_912 : vector<16xi32>
      %gather3A_914 = arith.constant 13 : i32
      %gather3A_915 = arith.constant 0 : i32
      %gather3A_916 = arith.constant 0 : i32
      %gather3A_917 = tpu.memref_slice %arg9[%gather3A_914, %gather3A_915, %gather3A_916] : memref<16x32x128xf32, #tpu.memory_space<vmem>> -> memref<1x32x128xf32, #tpu.memory_space<vmem>>
      %gather3A_918 = tpu.memref_squeeze %gather3A_917 : memref<1x32x128xf32, #tpu.memory_space<vmem>> -> memref<32x128xf32, #tpu.memory_space<vmem>>
      %gather3A_919 = tpu.vector_load_idx %gather3A_918[%add3A_913, %broadcast_in_dim3A_898] : memref<32x128xf32, #tpu.memory_space<vmem>>[vector<16xi32>, vector<16xi32>], vector<16xf32>,
      tpu.vector_store_idx %arg11[%add3A_913, %broadcast_in_dim3A_901], %gather3A_919 : memref<32x512xf32, #tpu.memory_space<vmem>>[vector<16xi32>, vector<16xi32>], vector<16xf32>,
      %dma_wait3A_920 = arith.constant 14 : i32
      %dma_wait3A_921 = arith.constant 14 : i32
      %dma_wait3A_922 = arith.constant 0 : i32
      %dma_wait3A_923 = arith.constant 0 : i32
      %dma_wait3A_924 = tpu.memref_slice %arg9[%dma_wait3A_920, %dma_wait3A_922, %dma_wait3A_923] : memref<16x32x128xf32, #tpu.memory_space<vmem>> -> memref<1x32x128xf32, #tpu.memory_space<vmem>>
      %dma_wait3A_925 = tpu.memref_squeeze %dma_wait3A_924 : memref<1x32x128xf32, #tpu.memory_space<vmem>> -> memref<32x128xf32, #tpu.memory_space<vmem>>
      %dma_wait3A_926 = arith.constant 0 : i32
      %dma_wait3A_927 = arith.constant 0 : i32
      %dma_wait3A_928 = tpu.memref_slice %arg5[%dma_wait3A_926, %dma_wait3A_927] : memref<32x1000000xf32, #tpu.memory_space<hbm>> -> memref<32x128xf32, #tpu.memory_space<hbm>>
      %dma_wait3A_929 = tpu.memref_slice %arg13[%dma_wait3A_921] : memref<16x!tpu.dma_semaphore, #tpu.memory_space<semaphore_mem>> -> memref<1x!tpu.dma_semaphore, #tpu.memory_space<semaphore_mem>>
      %dma_wait3A_930 = tpu.memref_squeeze %dma_wait3A_929 : memref<1x!tpu.dma_semaphore, #tpu.memory_space<semaphore_mem>> -> memref<!tpu.dma_semaphore, #tpu.memory_space<semaphore_mem>>
      %dma_wait3A_931 = arith.constant 0 : i32
      %dma_wait3A_932 = arith.constant 0 : i32
      %dma_wait3A_933 = tpu.memref_slice %arg9[%dma_wait3A_920, %dma_wait3A_931, %dma_wait3A_932] : memref<16x32x128xf32, #tpu.memory_space<vmem>> -> memref<1x32x128xf32, #tpu.memory_space<vmem>>
      %dma_wait3A_934 = tpu.memref_squeeze %dma_wait3A_933 : memref<1x32x128xf32, #tpu.memory_space<vmem>> -> memref<32x128xf32, #tpu.memory_space<vmem>>
      %dma_wait3A_935 = arith.constant 0 : i32
      %dma_wait3A_936 = arith.constant 0 : i32
      %dma_wait3A_937 = tpu.memref_slice %arg5[%dma_wait3A_935, %dma_wait3A_936] : memref<32x1000000xf32, #tpu.memory_space<hbm>> -> memref<32x128xf32, #tpu.memory_space<hbm>>
      tpu.wait_dma2 semaphore(%dma_wait3A_930 : memref<!tpu.dma_semaphore, #tpu.memory_space<semaphore_mem>>) src(%dma_wait3A_937 : memref<32x128xf32, #tpu.memory_space<hbm>>) dst(%dma_wait3A_934 : memref<32x128xf32, #tpu.memory_space<vmem>>)
      %slice3A_938 = vector.extract_strided_slice %and3A_30 {offsets = [14], sizes = [1], strides = [1]} : vector<16xi32> to vector<1xi32>
      %squeeze3A_939 = vector.extract %slice3A_938[0] : i32 from vector<1xi32>
      %broadcast_in_dim3A_940 = vector.broadcast %squeeze3A_939 : i32 to vector<16xi32>
      %slice3A_941 = vector.extract_strided_slice %add3A_334 {offsets = [14], sizes = [1], strides = [1]} : vector<16xi32> to vector<1xi32>
      %squeeze3A_942 = vector.extract %slice3A_941[0] : i32 from vector<1xi32>
      %broadcast_in_dim3A_943 = vector.broadcast %squeeze3A_942 : i32 to vector<16xi32>
      %add3A_944 = arith.constant 0 : i32
      %add3A_945 = vector.broadcast %add3A_944 : i32 to vector<16xi32>
      %add3A_946 = arith.addi %iota3A, %add3A_945 : vector<16xi32>
      %gather3A_947 = arith.constant 14 : i32
      %gather3A_948 = arith.constant 0 : i32
      %gather3A_949 = arith.constant 0 : i32
      %gather3A_950 = tpu.memref_slice %arg9[%gather3A_947, %gather3A_948, %gather3A_949] : memref<16x32x128xf32, #tpu.memory_space<vmem>> -> memref<1x32x128xf32, #tpu.memory_space<vmem>>
      %gather3A_951 = tpu.memref_squeeze %gather3A_950 : memref<1x32x128xf32, #tpu.memory_space<vmem>> -> memref<32x128xf32, #tpu.memory_space<vmem>>
      %gather3A_952 = tpu.vector_load_idx %gather3A_951[%add3A_946, %broadcast_in_dim3A_940] : memref<32x128xf32, #tpu.memory_space<vmem>>[vector<16xi32>, vector<16xi32>], vector<16xf32>,
      tpu.vector_store_idx %arg11[%add3A_946, %broadcast_in_dim3A_943], %gather3A_952 : memref<32x512xf32, #tpu.memory_space<vmem>>[vector<16xi32>, vector<16xi32>], vector<16xf32>,
      %add3A_953 = arith.constant 16 : i32
      %add3A_954 = vector.broadcast %add3A_953 : i32 to vector<16xi32>
      %add3A_955 = arith.addi %iota3A, %add3A_954 : vector<16xi32>
      %gather3A_956 = arith.constant 14 : i32
      %gather3A_957 = arith.constant 0 : i32
      %gather3A_958 = arith.constant 0 : i32
      %gather3A_959 = tpu.memref_slice %arg9[%gather3A_956, %gather3A_957, %gather3A_958] : memref<16x32x128xf32, #tpu.memory_space<vmem>> -> memref<1x32x128xf32, #tpu.memory_space<vmem>>
      %gather3A_960 = tpu.memref_squeeze %gather3A_959 : memref<1x32x128xf32, #tpu.memory_space<vmem>> -> memref<32x128xf32, #tpu.memory_space<vmem>>
      %gather3A_961 = tpu.vector_load_idx %gather3A_960[%add3A_955, %broadcast_in_dim3A_940] : memref<32x128xf32, #tpu.memory_space<vmem>>[vector<16xi32>, vector<16xi32>], vector<16xf32>,
      tpu.vector_store_idx %arg11[%add3A_955, %broadcast_in_dim3A_943], %gather3A_961 : memref<32x512xf32, #tpu.memory_space<vmem>>[vector<16xi32>, vector<16xi32>], vector<16xf32>,
      %dma_wait3A_962 = arith.constant 15 : i32
      %dma_wait3A_963 = arith.constant 15 : i32
      %dma_wait3A_964 = arith.constant 0 : i32
      %dma_wait3A_965 = arith.constant 0 : i32
      %dma_wait3A_966 = tpu.memref_slice %arg9[%dma_wait3A_962, %dma_wait3A_964, %dma_wait3A_965] : memref<16x32x128xf32, #tpu.memory_space<vmem>> -> memref<1x32x128xf32, #tpu.memory_space<vmem>>
      %dma_wait3A_967 = tpu.memref_squeeze %dma_wait3A_966 : memref<1x32x128xf32, #tpu.memory_space<vmem>> -> memref<32x128xf32, #tpu.memory_space<vmem>>
      %dma_wait3A_968 = arith.constant 0 : i32
      %dma_wait3A_969 = arith.constant 0 : i32
      %dma_wait3A_970 = tpu.memref_slice %arg5[%dma_wait3A_968, %dma_wait3A_969] : memref<32x1000000xf32, #tpu.memory_space<hbm>> -> memref<32x128xf32, #tpu.memory_space<hbm>>
      %dma_wait3A_971 = tpu.memref_slice %arg13[%dma_wait3A_963] : memref<16x!tpu.dma_semaphore, #tpu.memory_space<semaphore_mem>> -> memref<1x!tpu.dma_semaphore, #tpu.memory_space<semaphore_mem>>
      %dma_wait3A_972 = tpu.memref_squeeze %dma_wait3A_971 : memref<1x!tpu.dma_semaphore, #tpu.memory_space<semaphore_mem>> -> memref<!tpu.dma_semaphore, #tpu.memory_space<semaphore_mem>>
      %dma_wait3A_973 = arith.constant 0 : i32
      %dma_wait3A_974 = arith.constant 0 : i32
      %dma_wait3A_975 = tpu.memref_slice %arg9[%dma_wait3A_962, %dma_wait3A_973, %dma_wait3A_974] : memref<16x32x128xf32, #tpu.memory_space<vmem>> -> memref<1x32x128xf32, #tpu.memory_space<vmem>>
      %dma_wait3A_976 = tpu.memref_squeeze %dma_wait3A_975 : memref<1x32x128xf32, #tpu.memory_space<vmem>> -> memref<32x128xf32, #tpu.memory_space<vmem>>
      %dma_wait3A_977 = arith.constant 0 : i32
      %dma_wait3A_978 = arith.constant 0 : i32
      %dma_wait3A_979 = tpu.memref_slice %arg5[%dma_wait3A_977, %dma_wait3A_978] : memref<32x1000000xf32, #tpu.memory_space<hbm>> -> memref<32x128xf32, #tpu.memory_space<hbm>>
      tpu.wait_dma2 semaphore(%dma_wait3A_972 : memref<!tpu.dma_semaphore, #tpu.memory_space<semaphore_mem>>) src(%dma_wait3A_979 : memref<32x128xf32, #tpu.memory_space<hbm>>) dst(%dma_wait3A_976 : memref<32x128xf32, #tpu.memory_space<vmem>>)
      %slice3A_980 = vector.extract_strided_slice %and3A_30 {offsets = [15], sizes = [1], strides = [1]} : vector<16xi32> to vector<1xi32>
      %squeeze3A_981 = vector.extract %slice3A_980[0] : i32 from vector<1xi32>
      %broadcast_in_dim3A_982 = vector.broadcast %squeeze3A_981 : i32 to vector<16xi32>
      %slice3A_983 = vector.extract_strided_slice %add3A_334 {offsets = [15], sizes = [1], strides = [1]} : vector<16xi32> to vector<1xi32>
      %squeeze3A_984 = vector.extract %slice3A_983[0] : i32 from vector<1xi32>
      %broadcast_in_dim3A_985 = vector.broadcast %squeeze3A_984 : i32 to vector<16xi32>
      %add3A_986 = arith.constant 0 : i32
      %add3A_987 = vector.broadcast %add3A_986 : i32 to vector<16xi32>
      %add3A_988 = arith.addi %iota3A, %add3A_987 : vector<16xi32>
      %gather3A_989 = arith.constant 15 : i32
      %gather3A_990 = arith.constant 0 : i32
      %gather3A_991 = arith.constant 0 : i32
      %gather3A_992 = tpu.memref_slice %arg9[%gather3A_989, %gather3A_990, %gather3A_991] : memref<16x32x128xf32, #tpu.memory_space<vmem>> -> memref<1x32x128xf32, #tpu.memory_space<vmem>>
      %gather3A_993 = tpu.memref_squeeze %gather3A_992 : memref<1x32x128xf32, #tpu.memory_space<vmem>> -> memref<32x128xf32, #tpu.memory_space<vmem>>
      %gather3A_994 = tpu.vector_load_idx %gather3A_993[%add3A_988, %broadcast_in_dim3A_982] : memref<32x128xf32, #tpu.memory_space<vmem>>[vector<16xi32>, vector<16xi32>], vector<16xf32>,
      tpu.vector_store_idx %arg11[%add3A_988, %broadcast_in_dim3A_985], %gather3A_994 : memref<32x512xf32, #tpu.memory_space<vmem>>[vector<16xi32>, vector<16xi32>], vector<16xf32>,
      %add3A_995 = arith.constant 16 : i32
      %add3A_996 = vector.broadcast %add3A_995 : i32 to vector<16xi32>
      %add3A_997 = arith.addi %iota3A, %add3A_996 : vector<16xi32>
      %gather3A_998 = arith.constant 15 : i32
      %gather3A_999 = arith.constant 0 : i32
      %gather3A_1000 = arith.constant 0 : i32
      %gather3A_1001 = tpu.memref_slice %arg9[%gather3A_998, %gather3A_999, %gather3A_1000] : memref<16x32x128xf32, #tpu.memory_space<vmem>> -> memref<1x32x128xf32, #tpu.memory_space<vmem>>
      %gather3A_1002 = tpu.memref_squeeze %gather3A_1001 : memref<1x32x128xf32, #tpu.memory_space<vmem>> -> memref<32x128xf32, #tpu.memory_space<vmem>>
      %gather3A_1003 = tpu.vector_load_idx %gather3A_1002[%add3A_997, %broadcast_in_dim3A_982] : memref<32x128xf32, #tpu.memory_space<vmem>>[vector<16xi32>, vector<16xi32>], vector<16xf32>,
      tpu.vector_store_idx %arg11[%add3A_997, %broadcast_in_dim3A_985], %gather3A_1003 : memref<32x512xf32, #tpu.memory_space<vmem>>[vector<16xi32>, vector<16xi32>], vector<16xf32>,
    }
    %scan3A_13 = arith.constant 32 : i32
    %scan3A_14 = arith.constant 0 : i32
    %scan3A_15 = arith.constant 0 : i32
    %scan3A_16 = arith.constant 32 : i32
    %scan3A_17 = arith.addi %scan3A_15, %scan3A_16 : i32
    %scan3A_18 = arith.constant 1 : i32
    scf.for %scan3A_20 = %scan3A_15 to %scan3A_17 step %scan3A_18  : i32 {
      %mul3A_21 = arith.constant 16 : i32
      %mul3A_22 = arith.muli %scan3A_20, %mul3A_21 : i32
      %add3A_23 = vector.broadcast %mul3A_22 : i32 to vector<16xi32>
      %add3A_24 = arith.addi %iota3A, %add3A_23 : vector<16xi32>
      %broadcast_in_dim3A = arith.constant 0.000000e+00 : f32
      %broadcast_in_dim3A_25 = vector.broadcast %broadcast_in_dim3A : f32 to vector<16xf32>
      %broadcast_in_dim3A_26 = arith.constant 0 : i32
      %broadcast_in_dim3A_27 = vector.broadcast %broadcast_in_dim3A_26 : i32 to vector<16xi32>
      %gather3A = tpu.vector_load_idx %arg10[%broadcast_in_dim3A_27, %add3A_24] : memref<32x512xf32, #tpu.memory_space<vmem>>[vector<16xi32>, vector<16xi32>], vector<16xf32>,
      %gather3A_28 = tpu.vector_load_idx %arg11[%broadcast_in_dim3A_27, %add3A_24] : memref<32x512xf32, #tpu.memory_space<vmem>>[vector<16xi32>, vector<16xi32>], vector<16xf32>,
      %mul3A_29 = arith.mulf %gather3A, %gather3A_28 : vector<16xf32>
      %add3A_30 = arith.addf %broadcast_in_dim3A_25, %mul3A_29 : vector<16xf32>
      %broadcast_in_dim3A_31 = arith.constant 1 : i32
      %broadcast_in_dim3A_32 = vector.broadcast %broadcast_in_dim3A_31 : i32 to vector<16xi32>
      %gather3A_33 = tpu.vector_load_idx %arg10[%broadcast_in_dim3A_32, %add3A_24] : memref<32x512xf32, #tpu.memory_space<vmem>>[vector<16xi32>, vector<16xi32>], vector<16xf32>,
      %gather3A_34 = tpu.vector_load_idx %arg11[%broadcast_in_dim3A_32, %add3A_24] : memref<32x512xf32, #tpu.memory_space<vmem>>[vector<16xi32>, vector<16xi32>], vector<16xf32>,
      %mul3A_35 = arith.mulf %gather3A_33, %gather3A_34 : vector<16xf32>
      %add3A_36 = arith.addf %add3A_30, %mul3A_35 : vector<16xf32>
      %broadcast_in_dim3A_37 = arith.constant 2 : i32
      %broadcast_in_dim3A_38 = vector.broadcast %broadcast_in_dim3A_37 : i32 to vector<16xi32>
      %gather3A_39 = tpu.vector_load_idx %arg10[%broadcast_in_dim3A_38, %add3A_24] : memref<32x512xf32, #tpu.memory_space<vmem>>[vector<16xi32>, vector<16xi32>], vector<16xf32>,
      %gather3A_40 = tpu.vector_load_idx %arg11[%broadcast_in_dim3A_38, %add3A_24] : memref<32x512xf32, #tpu.memory_space<vmem>>[vector<16xi32>, vector<16xi32>], vector<16xf32>,
      %mul3A_41 = arith.mulf %gather3A_39, %gather3A_40 : vector<16xf32>
      %add3A_42 = arith.addf %add3A_36, %mul3A_41 : vector<16xf32>
      %broadcast_in_dim3A_43 = arith.constant 3 : i32
      %broadcast_in_dim3A_44 = vector.broadcast %broadcast_in_dim3A_43 : i32 to vector<16xi32>
      %gather3A_45 = tpu.vector_load_idx %arg10[%broadcast_in_dim3A_44, %add3A_24] : memref<32x512xf32, #tpu.memory_space<vmem>>[vector<16xi32>, vector<16xi32>], vector<16xf32>,
      %gather3A_46 = tpu.vector_load_idx %arg11[%broadcast_in_dim3A_44, %add3A_24] : memref<32x512xf32, #tpu.memory_space<vmem>>[vector<16xi32>, vector<16xi32>], vector<16xf32>,
      %mul3A_47 = arith.mulf %gather3A_45, %gather3A_46 : vector<16xf32>
      %add3A_48 = arith.addf %add3A_42, %mul3A_47 : vector<16xf32>
      %broadcast_in_dim3A_49 = arith.constant 4 : i32
      %broadcast_in_dim3A_50 = vector.broadcast %broadcast_in_dim3A_49 : i32 to vector<16xi32>
      %gather3A_51 = tpu.vector_load_idx %arg10[%broadcast_in_dim3A_50, %add3A_24] : memref<32x512xf32, #tpu.memory_space<vmem>>[vector<16xi32>, vector<16xi32>], vector<16xf32>,
      %gather3A_52 = tpu.vector_load_idx %arg11[%broadcast_in_dim3A_50, %add3A_24] : memref<32x512xf32, #tpu.memory_space<vmem>>[vector<16xi32>, vector<16xi32>], vector<16xf32>,
      %mul3A_53 = arith.mulf %gather3A_51, %gather3A_52 : vector<16xf32>
      %add3A_54 = arith.addf %add3A_48, %mul3A_53 : vector<16xf32>
      %broadcast_in_dim3A_55 = arith.constant 5 : i32
      %broadcast_in_dim3A_56 = vector.broadcast %broadcast_in_dim3A_55 : i32 to vector<16xi32>
      %gather3A_57 = tpu.vector_load_idx %arg10[%broadcast_in_dim3A_56, %add3A_24] : memref<32x512xf32, #tpu.memory_space<vmem>>[vector<16xi32>, vector<16xi32>], vector<16xf32>,
      %gather3A_58 = tpu.vector_load_idx %arg11[%broadcast_in_dim3A_56, %add3A_24] : memref<32x512xf32, #tpu.memory_space<vmem>>[vector<16xi32>, vector<16xi32>], vector<16xf32>,
      %mul3A_59 = arith.mulf %gather3A_57, %gather3A_58 : vector<16xf32>
      %add3A_60 = arith.addf %add3A_54, %mul3A_59 : vector<16xf32>
      %broadcast_in_dim3A_61 = arith.constant 6 : i32
      %broadcast_in_dim3A_62 = vector.broadcast %broadcast_in_dim3A_61 : i32 to vector<16xi32>
      %gather3A_63 = tpu.vector_load_idx %arg10[%broadcast_in_dim3A_62, %add3A_24] : memref<32x512xf32, #tpu.memory_space<vmem>>[vector<16xi32>, vector<16xi32>], vector<16xf32>,
      %gather3A_64 = tpu.vector_load_idx %arg11[%broadcast_in_dim3A_62, %add3A_24] : memref<32x512xf32, #tpu.memory_space<vmem>>[vector<16xi32>, vector<16xi32>], vector<16xf32>,
      %mul3A_65 = arith.mulf %gather3A_63, %gather3A_64 : vector<16xf32>
      %add3A_66 = arith.addf %add3A_60, %mul3A_65 : vector<16xf32>
      %broadcast_in_dim3A_67 = arith.constant 7 : i32
      %broadcast_in_dim3A_68 = vector.broadcast %broadcast_in_dim3A_67 : i32 to vector<16xi32>
      %gather3A_69 = tpu.vector_load_idx %arg10[%broadcast_in_dim3A_68, %add3A_24] : memref<32x512xf32, #tpu.memory_space<vmem>>[vector<16xi32>, vector<16xi32>], vector<16xf32>,
      %gather3A_70 = tpu.vector_load_idx %arg11[%broadcast_in_dim3A_68, %add3A_24] : memref<32x512xf32, #tpu.memory_space<vmem>>[vector<16xi32>, vector<16xi32>], vector<16xf32>,
      %mul3A_71 = arith.mulf %gather3A_69, %gather3A_70 : vector<16xf32>
      %add3A_72 = arith.addf %add3A_66, %mul3A_71 : vector<16xf32>
      %broadcast_in_dim3A_73 = arith.constant 8 : i32
      %broadcast_in_dim3A_74 = vector.broadcast %broadcast_in_dim3A_73 : i32 to vector<16xi32>
      %gather3A_75 = tpu.vector_load_idx %arg10[%broadcast_in_dim3A_74, %add3A_24] : memref<32x512xf32, #tpu.memory_space<vmem>>[vector<16xi32>, vector<16xi32>], vector<16xf32>,
      %gather3A_76 = tpu.vector_load_idx %arg11[%broadcast_in_dim3A_74, %add3A_24] : memref<32x512xf32, #tpu.memory_space<vmem>>[vector<16xi32>, vector<16xi32>], vector<16xf32>,
      %mul3A_77 = arith.mulf %gather3A_75, %gather3A_76 : vector<16xf32>
      %add3A_78 = arith.addf %add3A_72, %mul3A_77 : vector<16xf32>
      %broadcast_in_dim3A_79 = arith.constant 9 : i32
      %broadcast_in_dim3A_80 = vector.broadcast %broadcast_in_dim3A_79 : i32 to vector<16xi32>
      %gather3A_81 = tpu.vector_load_idx %arg10[%broadcast_in_dim3A_80, %add3A_24] : memref<32x512xf32, #tpu.memory_space<vmem>>[vector<16xi32>, vector<16xi32>], vector<16xf32>,
      %gather3A_82 = tpu.vector_load_idx %arg11[%broadcast_in_dim3A_80, %add3A_24] : memref<32x512xf32, #tpu.memory_space<vmem>>[vector<16xi32>, vector<16xi32>], vector<16xf32>,
      %mul3A_83 = arith.mulf %gather3A_81, %gather3A_82 : vector<16xf32>
      %add3A_84 = arith.addf %add3A_78, %mul3A_83 : vector<16xf32>
      %broadcast_in_dim3A_85 = arith.constant 10 : i32
      %broadcast_in_dim3A_86 = vector.broadcast %broadcast_in_dim3A_85 : i32 to vector<16xi32>
      %gather3A_87 = tpu.vector_load_idx %arg10[%broadcast_in_dim3A_86, %add3A_24] : memref<32x512xf32, #tpu.memory_space<vmem>>[vector<16xi32>, vector<16xi32>], vector<16xf32>,
      %gather3A_88 = tpu.vector_load_idx %arg11[%broadcast_in_dim3A_86, %add3A_24] : memref<32x512xf32, #tpu.memory_space<vmem>>[vector<16xi32>, vector<16xi32>], vector<16xf32>,
      %mul3A_89 = arith.mulf %gather3A_87, %gather3A_88 : vector<16xf32>
      %add3A_90 = arith.addf %add3A_84, %mul3A_89 : vector<16xf32>
      %broadcast_in_dim3A_91 = arith.constant 11 : i32
      %broadcast_in_dim3A_92 = vector.broadcast %broadcast_in_dim3A_91 : i32 to vector<16xi32>
      %gather3A_93 = tpu.vector_load_idx %arg10[%broadcast_in_dim3A_92, %add3A_24] : memref<32x512xf32, #tpu.memory_space<vmem>>[vector<16xi32>, vector<16xi32>], vector<16xf32>,
      %gather3A_94 = tpu.vector_load_idx %arg11[%broadcast_in_dim3A_92, %add3A_24] : memref<32x512xf32, #tpu.memory_space<vmem>>[vector<16xi32>, vector<16xi32>], vector<16xf32>,
      %mul3A_95 = arith.mulf %gather3A_93, %gather3A_94 : vector<16xf32>
      %add3A_96 = arith.addf %add3A_90, %mul3A_95 : vector<16xf32>
      %broadcast_in_dim3A_97 = arith.constant 12 : i32
      %broadcast_in_dim3A_98 = vector.broadcast %broadcast_in_dim3A_97 : i32 to vector<16xi32>
      %gather3A_99 = tpu.vector_load_idx %arg10[%broadcast_in_dim3A_98, %add3A_24] : memref<32x512xf32, #tpu.memory_space<vmem>>[vector<16xi32>, vector<16xi32>], vector<16xf32>,
      %gather3A_100 = tpu.vector_load_idx %arg11[%broadcast_in_dim3A_98, %add3A_24] : memref<32x512xf32, #tpu.memory_space<vmem>>[vector<16xi32>, vector<16xi32>], vector<16xf32>,
      %mul3A_101 = arith.mulf %gather3A_99, %gather3A_100 : vector<16xf32>
      %add3A_102 = arith.addf %add3A_96, %mul3A_101 : vector<16xf32>
      %broadcast_in_dim3A_103 = arith.constant 13 : i32
      %broadcast_in_dim3A_104 = vector.broadcast %broadcast_in_dim3A_103 : i32 to vector<16xi32>
      %gather3A_105 = tpu.vector_load_idx %arg10[%broadcast_in_dim3A_104, %add3A_24] : memref<32x512xf32, #tpu.memory_space<vmem>>[vector<16xi32>, vector<16xi32>], vector<16xf32>,
      %gather3A_106 = tpu.vector_load_idx %arg11[%broadcast_in_dim3A_104, %add3A_24] : memref<32x512xf32, #tpu.memory_space<vmem>>[vector<16xi32>, vector<16xi32>], vector<16xf32>,
      %mul3A_107 = arith.mulf %gather3A_105, %gather3A_106 : vector<16xf32>
      %add3A_108 = arith.addf %add3A_102, %mul3A_107 : vector<16xf32>
      %broadcast_in_dim3A_109 = arith.constant 14 : i32
      %broadcast_in_dim3A_110 = vector.broadcast %broadcast_in_dim3A_109 : i32 to vector<16xi32>
      %gather3A_111 = tpu.vector_load_idx %arg10[%broadcast_in_dim3A_110, %add3A_24] : memref<32x512xf32, #tpu.memory_space<vmem>>[vector<16xi32>, vector<16xi32>], vector<16xf32>,
      %gather3A_112 = tpu.vector_load_idx %arg11[%broadcast_in_dim3A_110, %add3A_24] : memref<32x512xf32, #tpu.memory_space<vmem>>[vector<16xi32>, vector<16xi32>], vector<16xf32>,
      %mul3A_113 = arith.mulf %gather3A_111, %gather3A_112 : vector<16xf32>
      %add3A_114 = arith.addf %add3A_108, %mul3A_113 : vector<16xf32>
      %broadcast_in_dim3A_115 = arith.constant 15 : i32
      %broadcast_in_dim3A_116 = vector.broadcast %broadcast_in_dim3A_115 : i32 to vector<16xi32>
      %gather3A_117 = tpu.vector_load_idx %arg10[%broadcast_in_dim3A_116, %add3A_24] : memref<32x512xf32, #tpu.memory_space<vmem>>[vector<16xi32>, vector<16xi32>], vector<16xf32>,
      %gather3A_118 = tpu.vector_load_idx %arg11[%broadcast_in_dim3A_116, %add3A_24] : memref<32x512xf32, #tpu.memory_space<vmem>>[vector<16xi32>, vector<16xi32>], vector<16xf32>,
      %mul3A_119 = arith.mulf %gather3A_117, %gather3A_118 : vector<16xf32>
      %add3A_120 = arith.addf %add3A_114, %mul3A_119 : vector<16xf32>
      %broadcast_in_dim3A_121 = arith.constant 16 : i32
      %broadcast_in_dim3A_122 = vector.broadcast %broadcast_in_dim3A_121 : i32 to vector<16xi32>
      %gather3A_123 = tpu.vector_load_idx %arg10[%broadcast_in_dim3A_122, %add3A_24] : memref<32x512xf32, #tpu.memory_space<vmem>>[vector<16xi32>, vector<16xi32>], vector<16xf32>,
      %gather3A_124 = tpu.vector_load_idx %arg11[%broadcast_in_dim3A_122, %add3A_24] : memref<32x512xf32, #tpu.memory_space<vmem>>[vector<16xi32>, vector<16xi32>], vector<16xf32>,
      %mul3A_125 = arith.mulf %gather3A_123, %gather3A_124 : vector<16xf32>
      %add3A_126 = arith.addf %add3A_120, %mul3A_125 : vector<16xf32>
      %broadcast_in_dim3A_127 = arith.constant 17 : i32
      %broadcast_in_dim3A_128 = vector.broadcast %broadcast_in_dim3A_127 : i32 to vector<16xi32>
      %gather3A_129 = tpu.vector_load_idx %arg10[%broadcast_in_dim3A_128, %add3A_24] : memref<32x512xf32, #tpu.memory_space<vmem>>[vector<16xi32>, vector<16xi32>], vector<16xf32>,
      %gather3A_130 = tpu.vector_load_idx %arg11[%broadcast_in_dim3A_128, %add3A_24] : memref<32x512xf32, #tpu.memory_space<vmem>>[vector<16xi32>, vector<16xi32>], vector<16xf32>,
      %mul3A_131 = arith.mulf %gather3A_129, %gather3A_130 : vector<16xf32>
      %add3A_132 = arith.addf %add3A_126, %mul3A_131 : vector<16xf32>
      %broadcast_in_dim3A_133 = arith.constant 18 : i32
      %broadcast_in_dim3A_134 = vector.broadcast %broadcast_in_dim3A_133 : i32 to vector<16xi32>
      %gather3A_135 = tpu.vector_load_idx %arg10[%broadcast_in_dim3A_134, %add3A_24] : memref<32x512xf32, #tpu.memory_space<vmem>>[vector<16xi32>, vector<16xi32>], vector<16xf32>,
      %gather3A_136 = tpu.vector_load_idx %arg11[%broadcast_in_dim3A_134, %add3A_24] : memref<32x512xf32, #tpu.memory_space<vmem>>[vector<16xi32>, vector<16xi32>], vector<16xf32>,
      %mul3A_137 = arith.mulf %gather3A_135, %gather3A_136 : vector<16xf32>
      %add3A_138 = arith.addf %add3A_132, %mul3A_137 : vector<16xf32>
      %broadcast_in_dim3A_139 = arith.constant 19 : i32
      %broadcast_in_dim3A_140 = vector.broadcast %broadcast_in_dim3A_139 : i32 to vector<16xi32>
      %gather3A_141 = tpu.vector_load_idx %arg10[%broadcast_in_dim3A_140, %add3A_24] : memref<32x512xf32, #tpu.memory_space<vmem>>[vector<16xi32>, vector<16xi32>], vector<16xf32>,
      %gather3A_142 = tpu.vector_load_idx %arg11[%broadcast_in_dim3A_140, %add3A_24] : memref<32x512xf32, #tpu.memory_space<vmem>>[vector<16xi32>, vector<16xi32>], vector<16xf32>,
      %mul3A_143 = arith.mulf %gather3A_141, %gather3A_142 : vector<16xf32>
      %add3A_144 = arith.addf %add3A_138, %mul3A_143 : vector<16xf32>
      %broadcast_in_dim3A_145 = arith.constant 20 : i32
      %broadcast_in_dim3A_146 = vector.broadcast %broadcast_in_dim3A_145 : i32 to vector<16xi32>
      %gather3A_147 = tpu.vector_load_idx %arg10[%broadcast_in_dim3A_146, %add3A_24] : memref<32x512xf32, #tpu.memory_space<vmem>>[vector<16xi32>, vector<16xi32>], vector<16xf32>,
      %gather3A_148 = tpu.vector_load_idx %arg11[%broadcast_in_dim3A_146, %add3A_24] : memref<32x512xf32, #tpu.memory_space<vmem>>[vector<16xi32>, vector<16xi32>], vector<16xf32>,
      %mul3A_149 = arith.mulf %gather3A_147, %gather3A_148 : vector<16xf32>
      %add3A_150 = arith.addf %add3A_144, %mul3A_149 : vector<16xf32>
      %broadcast_in_dim3A_151 = arith.constant 21 : i32
      %broadcast_in_dim3A_152 = vector.broadcast %broadcast_in_dim3A_151 : i32 to vector<16xi32>
      %gather3A_153 = tpu.vector_load_idx %arg10[%broadcast_in_dim3A_152, %add3A_24] : memref<32x512xf32, #tpu.memory_space<vmem>>[vector<16xi32>, vector<16xi32>], vector<16xf32>,
      %gather3A_154 = tpu.vector_load_idx %arg11[%broadcast_in_dim3A_152, %add3A_24] : memref<32x512xf32, #tpu.memory_space<vmem>>[vector<16xi32>, vector<16xi32>], vector<16xf32>,
      %mul3A_155 = arith.mulf %gather3A_153, %gather3A_154 : vector<16xf32>
      %add3A_156 = arith.addf %add3A_150, %mul3A_155 : vector<16xf32>
      %broadcast_in_dim3A_157 = arith.constant 22 : i32
      %broadcast_in_dim3A_158 = vector.broadcast %broadcast_in_dim3A_157 : i32 to vector<16xi32>
      %gather3A_159 = tpu.vector_load_idx %arg10[%broadcast_in_dim3A_158, %add3A_24] : memref<32x512xf32, #tpu.memory_space<vmem>>[vector<16xi32>, vector<16xi32>], vector<16xf32>,
      %gather3A_160 = tpu.vector_load_idx %arg11[%broadcast_in_dim3A_158, %add3A_24] : memref<32x512xf32, #tpu.memory_space<vmem>>[vector<16xi32>, vector<16xi32>], vector<16xf32>,
      %mul3A_161 = arith.mulf %gather3A_159, %gather3A_160 : vector<16xf32>
      %add3A_162 = arith.addf %add3A_156, %mul3A_161 : vector<16xf32>
      %broadcast_in_dim3A_163 = arith.constant 23 : i32
      %broadcast_in_dim3A_164 = vector.broadcast %broadcast_in_dim3A_163 : i32 to vector<16xi32>
      %gather3A_165 = tpu.vector_load_idx %arg10[%broadcast_in_dim3A_164, %add3A_24] : memref<32x512xf32, #tpu.memory_space<vmem>>[vector<16xi32>, vector<16xi32>], vector<16xf32>,
      %gather3A_166 = tpu.vector_load_idx %arg11[%broadcast_in_dim3A_164, %add3A_24] : memref<32x512xf32, #tpu.memory_space<vmem>>[vector<16xi32>, vector<16xi32>], vector<16xf32>,
      %mul3A_167 = arith.mulf %gather3A_165, %gather3A_166 : vector<16xf32>
      %add3A_168 = arith.addf %add3A_162, %mul3A_167 : vector<16xf32>
      %broadcast_in_dim3A_169 = arith.constant 24 : i32
      %broadcast_in_dim3A_170 = vector.broadcast %broadcast_in_dim3A_169 : i32 to vector<16xi32>
      %gather3A_171 = tpu.vector_load_idx %arg10[%broadcast_in_dim3A_170, %add3A_24] : memref<32x512xf32, #tpu.memory_space<vmem>>[vector<16xi32>, vector<16xi32>], vector<16xf32>,
      %gather3A_172 = tpu.vector_load_idx %arg11[%broadcast_in_dim3A_170, %add3A_24] : memref<32x512xf32, #tpu.memory_space<vmem>>[vector<16xi32>, vector<16xi32>], vector<16xf32>,
      %mul3A_173 = arith.mulf %gather3A_171, %gather3A_172 : vector<16xf32>
      %add3A_174 = arith.addf %add3A_168, %mul3A_173 : vector<16xf32>
      %broadcast_in_dim3A_175 = arith.constant 25 : i32
      %broadcast_in_dim3A_176 = vector.broadcast %broadcast_in_dim3A_175 : i32 to vector<16xi32>
      %gather3A_177 = tpu.vector_load_idx %arg10[%broadcast_in_dim3A_176, %add3A_24] : memref<32x512xf32, #tpu.memory_space<vmem>>[vector<16xi32>, vector<16xi32>], vector<16xf32>,
      %gather3A_178 = tpu.vector_load_idx %arg11[%broadcast_in_dim3A_176, %add3A_24] : memref<32x512xf32, #tpu.memory_space<vmem>>[vector<16xi32>, vector<16xi32>], vector<16xf32>,
      %mul3A_179 = arith.mulf %gather3A_177, %gather3A_178 : vector<16xf32>
      %add3A_180 = arith.addf %add3A_174, %mul3A_179 : vector<16xf32>
      %broadcast_in_dim3A_181 = arith.constant 26 : i32
      %broadcast_in_dim3A_182 = vector.broadcast %broadcast_in_dim3A_181 : i32 to vector<16xi32>
      %gather3A_183 = tpu.vector_load_idx %arg10[%broadcast_in_dim3A_182, %add3A_24] : memref<32x512xf32, #tpu.memory_space<vmem>>[vector<16xi32>, vector<16xi32>], vector<16xf32>,
      %gather3A_184 = tpu.vector_load_idx %arg11[%broadcast_in_dim3A_182, %add3A_24] : memref<32x512xf32, #tpu.memory_space<vmem>>[vector<16xi32>, vector<16xi32>], vector<16xf32>,
      %mul3A_185 = arith.mulf %gather3A_183, %gather3A_184 : vector<16xf32>
      %add3A_186 = arith.addf %add3A_180, %mul3A_185 : vector<16xf32>
      %broadcast_in_dim3A_187 = arith.constant 27 : i32
      %broadcast_in_dim3A_188 = vector.broadcast %broadcast_in_dim3A_187 : i32 to vector<16xi32>
      %gather3A_189 = tpu.vector_load_idx %arg10[%broadcast_in_dim3A_188, %add3A_24] : memref<32x512xf32, #tpu.memory_space<vmem>>[vector<16xi32>, vector<16xi32>], vector<16xf32>,
      %gather3A_190 = tpu.vector_load_idx %arg11[%broadcast_in_dim3A_188, %add3A_24] : memref<32x512xf32, #tpu.memory_space<vmem>>[vector<16xi32>, vector<16xi32>], vector<16xf32>,
      %mul3A_191 = arith.mulf %gather3A_189, %gather3A_190 : vector<16xf32>
      %add3A_192 = arith.addf %add3A_186, %mul3A_191 : vector<16xf32>
      %broadcast_in_dim3A_193 = arith.constant 28 : i32
      %broadcast_in_dim3A_194 = vector.broadcast %broadcast_in_dim3A_193 : i32 to vector<16xi32>
      %gather3A_195 = tpu.vector_load_idx %arg10[%broadcast_in_dim3A_194, %add3A_24] : memref<32x512xf32, #tpu.memory_space<vmem>>[vector<16xi32>, vector<16xi32>], vector<16xf32>,
      %gather3A_196 = tpu.vector_load_idx %arg11[%broadcast_in_dim3A_194, %add3A_24] : memref<32x512xf32, #tpu.memory_space<vmem>>[vector<16xi32>, vector<16xi32>], vector<16xf32>,
      %mul3A_197 = arith.mulf %gather3A_195, %gather3A_196 : vector<16xf32>
      %add3A_198 = arith.addf %add3A_192, %mul3A_197 : vector<16xf32>
      %broadcast_in_dim3A_199 = arith.constant 29 : i32
      %broadcast_in_dim3A_200 = vector.broadcast %broadcast_in_dim3A_199 : i32 to vector<16xi32>
      %gather3A_201 = tpu.vector_load_idx %arg10[%broadcast_in_dim3A_200, %add3A_24] : memref<32x512xf32, #tpu.memory_space<vmem>>[vector<16xi32>, vector<16xi32>], vector<16xf32>,
      %gather3A_202 = tpu.vector_load_idx %arg11[%broadcast_in_dim3A_200, %add3A_24] : memref<32x512xf32, #tpu.memory_space<vmem>>[vector<16xi32>, vector<16xi32>], vector<16xf32>,
      %mul3A_203 = arith.mulf %gather3A_201, %gather3A_202 : vector<16xf32>
      %add3A_204 = arith.addf %add3A_198, %mul3A_203 : vector<16xf32>
      %broadcast_in_dim3A_205 = arith.constant 30 : i32
      %broadcast_in_dim3A_206 = vector.broadcast %broadcast_in_dim3A_205 : i32 to vector<16xi32>
      %gather3A_207 = tpu.vector_load_idx %arg10[%broadcast_in_dim3A_206, %add3A_24] : memref<32x512xf32, #tpu.memory_space<vmem>>[vector<16xi32>, vector<16xi32>], vector<16xf32>,
      %gather3A_208 = tpu.vector_load_idx %arg11[%broadcast_in_dim3A_206, %add3A_24] : memref<32x512xf32, #tpu.memory_space<vmem>>[vector<16xi32>, vector<16xi32>], vector<16xf32>,
      %mul3A_209 = arith.mulf %gather3A_207, %gather3A_208 : vector<16xf32>
      %add3A_210 = arith.addf %add3A_204, %mul3A_209 : vector<16xf32>
      %broadcast_in_dim3A_211 = arith.constant 31 : i32
      %broadcast_in_dim3A_212 = vector.broadcast %broadcast_in_dim3A_211 : i32 to vector<16xi32>
      %gather3A_213 = tpu.vector_load_idx %arg10[%broadcast_in_dim3A_212, %add3A_24] : memref<32x512xf32, #tpu.memory_space<vmem>>[vector<16xi32>, vector<16xi32>], vector<16xf32>,
      %gather3A_214 = tpu.vector_load_idx %arg11[%broadcast_in_dim3A_212, %add3A_24] : memref<32x512xf32, #tpu.memory_space<vmem>>[vector<16xi32>, vector<16xi32>], vector<16xf32>,
      %mul3A_215 = arith.mulf %gather3A_213, %gather3A_214 : vector<16xf32>
      %add3A_216 = arith.addf %add3A_210, %mul3A_215 : vector<16xf32>
      %mul3A_217 = arith.constant 16 : i32
      %mul3A_218 = arith.muli %scan3A_20, %mul3A_217 : i32
      %swap3A = arith.index_cast %mul3A_218 : i32 to index
      %swap3A_219 = tpu.vector_load %arg12[%swap3A] {strides = array<i32>} : memref<512xf32, #tpu.memory_space<vmem>>, vector<16xf32>,
      tpu.vector_store %arg12[%swap3A], %add3A_216 {strides = array<i32>} : memref<512xf32, #tpu.memory_space<vmem>>, vector<16xf32>,
    }
    %scan3A_19 = arith.constant 32 : i32
    "tpu.region"() ({
      %run_scoped3A = tpu.sem_alloc : memref<!tpu.dma_semaphore, #tpu.memory_space<semaphore_mem>>
      %dma_start3A = tpu.memref_slice %arg6[%mul3A_2] : memref<16384xf32, #tpu.memory_space<hbm>> -> memref<512xf32, #tpu.memory_space<hbm>>
      %dma_start3A_20 = tpu.memref_slice %arg6[%mul3A_2] : memref<16384xf32, #tpu.memory_space<hbm>> -> memref<512xf32, #tpu.memory_space<hbm>>
      tpu.enqueue_dma source(%arg12 : memref<512xf32, #tpu.memory_space<vmem>>) target(%dma_start3A_20 : memref<512xf32, #tpu.memory_space<hbm>>) target_semaphore(%run_scoped3A : memref<!tpu.dma_semaphore, #tpu.memory_space<semaphore_mem>>)
      %dma_wait3A = tpu.memref_slice %arg6[%mul3A_2] : memref<16384xf32, #tpu.memory_space<hbm>> -> memref<512xf32, #tpu.memory_space<hbm>>
      %dma_wait3A_21 = tpu.memref_slice %arg6[%mul3A_2] : memref<16384xf32, #tpu.memory_space<hbm>> -> memref<512xf32, #tpu.memory_space<hbm>>
      tpu.wait_dma2 semaphore(%run_scoped3A : memref<!tpu.dma_semaphore, #tpu.memory_space<semaphore_mem>>) src(%arg12 : memref<512xf32, #tpu.memory_space<vmem>>) dst(%dma_wait3A_21 : memref<512xf32, #tpu.memory_space<hbm>>)
      tpu.yield
    }) : () -> ()
    return
  }
}

</mosaic_0001>

<sc_bundles>
// kernel: kernel.3.cloned.1.call-start
scs
__scs_entry_jumppad:
0x0: {  	(pc) =	sbr.rel $0x88, $3  }
0x1: {  	(tag) =	ssettag $0x0;
	lr =	simm.s32 $0x1  }
0x2: {  	[smem:$0x3F9D] =	sst lr;
	_ =	strace $0xD0000000  }
0x3: {  	_ = 	snop  }
0x4: {  	_ = 	snop  }
0x5: {  	_ = 	snop  }
0x6: {  	_ = 	snop  }
0x7: {  	_ = 	snop  }
__scs_overlays_trampoline_lowered:
0x8: {  	[smem:$0x3FAC] =	sst s0  }
0x9: {  	[smem:$0x3FAD] =	sst s1  }
0xa: {  	[smem:$0x3FAE] =	sst s2  }
0xb: {  	[smem:$0x3FAF] =	sst s3  }
0xc: {  	[smem:$0x3FB0] =	sst s4  }
0xd: {  	[smem:$0x3FB1] =	sst s5  }
0xe: {  	[smem:$0x3FB2] =	sst s6  }
0xf: {  	[smem:$0x3FB3] =	sst s7  }
0x10: {  	[smem:$0x3FB4] =	sst s8  }
0x11: {  	[smem:$0x3FB5] =	sst s9;
	s0 =	simm.s32 @!p0 $0x0  }
0x12: {  	s1 =	sld [smem:$0x3F9B];
	s0 =	simm.s32 @p0 $0x1  }
0x13: {  	[smem:$0x3FB6] =	sst s0;
	s0 =	simm.s32 @!p1 $0x0  }
0x14: {  	s2 =	sld [smem:$0x3F9A];
	s0 =	simm.s32 @p1 $0x1  }
0x15: {  	[smem:$0x3FB7] =	sst s0;
	s0 =	simm.s32 @!p2 $0x0  }
0x16: {  	s3 =	sld [smem:$0x3FDB];
	s0 =	simm.s32 @p2 $0x1  }
0x17: {  	s4 =	simm.s32 $0x1BF5;
	[smem:$0x3FB9] =	sst s0  }
0x18: {  	s0 =	sld [smem:$0x3F9C];
	_ =	swait.ge [sflag:s4], $0x0  }
0x19: {  	s7 =	sld [smem:$0x3F9D]  }
0x1a: {  	s8 =	sadd.s32 $0xFFFFE003, lr  }
0x1b: {  	s9 =	sadd.s32 $0xFFFFFEF7, lr;
	s5 =	simm.s32 $0xFFFFFFFF;
	p2 =	slt.u32 s8, $0xFFFFF086  }
0x1c: {  	p1 =	slt.u32 s9, $0xF7A;
	s5 =	simm.s32 @!p2 $0x0  }
0x1d: {  	s5 =	simm.s32 @p1 $0x1;
	p0 =	seq.s32 s7, s2  }
0x1e: {  	s7 =	smul.u32 @!p0 $0xF7A, s2;
	p2 =	seq.s32 @!p0 s5, $0x0  }
0x1f: {  	s9 =	smul.u32 $0xF7A, s1;
	s8 =	simm.s32 @!p0 $0x1BF5;
	p2 =	por !p2, p0  }
0x20: {  	[sflag:s8] =	ssyncset.s32 @!p0 $0xFFFFF086;
	s6 =	sadd.s32 @!p0 s3, s7;
	s7 =	simm.s32 @!p0 $0x108  }
0x21: {  	s3 =	sadd.s32 s3, s9;
	s6 =	sadd.s32 @!p0 $0x88, s6;
	s7 =	simm.s32 @p2 $0x1082  }
0x22: {  	[simem:s7], [sflag:s8] =	dma.local @!p0 [hbm:s6], $0xF7A  }
0x23: {  	s9 =	sor.u32 $0xD0000000, s2;
	s6 =	simm.s32 $0x108;
	_ =	swait.ge @!p0 [sflag:s8], $0x0  }
0x24: {  	s3 =	sadd.s32 $0x88, s3;
	s6 =	simm.s32 @!p1 $0x1082;
	[sflag:s4] =	ssyncset.s32 $0xFFFFF086  }
0x25: {  	[simem:s6], [sflag:s4] =	dma.local [hbm:s3], $0xF7A  }
0x26: {  	[smem:$0x3F9D] =	sst s1;
	(tag) =	ssettag s2;
	_ =	strace s9  }
0x27: {  	s1 =	sld [smem:$0x3FAD]  }
0x28: {  	s2 =	sld [smem:$0x3FAE]  }
0x29: {  	s4 =	sld [smem:$0x3FB0]  }
0x2a: {  	p0 =	seq.s32 s5, $0x0;
	s5 =	sld [smem:$0x3FB1]  }
0x2b: {  	s6 =	sld [smem:$0x3FB2]  }
0x2c: {  	s7 =	sld [smem:$0x3FB3]  }
0x2d: {  	s3 =	simm.s32 $0x108;
	s8 =	sld [smem:$0x3FB4]  }
0x2e: {  	s3 =	simm.s32 @!p0 $0x1082;
	s9 =	sld [smem:$0x3FB5]  }
0x2f: {  	lr =	sadd.s32 s0, s3;
	s0 =	sld [smem:$0x3FAC]  }
0x30: {  	s3 =	sld [smem:$0x3FAF]  }
0x31: {  	[smem:$0x3FB8] =	sst s10  }
0x32: {  	s10 =	sld [smem:$0x3FB6];
	_ =	sdelay $0x3  }
0x33: {  	p0 =	seq.s32 s10, $0x1;
	s10 =	sld [smem:$0x3FB8];
	_ =	sdelay $0x3  }
0x34: {  	[smem:$0x3FB8] =	sst s10  }
0x35: {  	s10 =	sld [smem:$0x3FB7];
	_ =	sdelay $0x3  }
0x36: {  	p1 =	seq.s32 s10, $0x1;
	s10 =	sld [smem:$0x3FB8];
	_ =	sdelay $0x3  }
0x37: {  	[smem:$0x3FB8] =	sst s10  }
0x38: {  	s10 =	sld [smem:$0x3FB9]  }
0x39: {  	_ = 	snop;
	(pc) =	sbr.ind lr, $3  }
0x3a: {  	_ = 	snop  }
0x3b: {  	_ = 	snop  }
0x3c: {  	p2 =	seq.s32 s10, $0x1;
	s10 =	sld [smem:$0x3FB8]  }
0x3d: {  	_ =	shalt  }
0x3e: {  	_ =	shalt  }
0x3f: {  	_ =	shalt  }
0x40: {  	_ =	shalt  }
0x41: {  	_ =	shalt  }
0x42: {  	_ =	shalt  }
0x43: {  	_ =	shalt  }
0x44: {  	_ =	shalt  }
0x45: {  	_ =	shalt  }
0x46: {  	_ =	shalt  }
0x47: {  	_ =	shalt  }
0x48: {  	_ =	shalt  }
0x49: {  	_ =	shalt  }
0x4a: {  	_ =	shalt  }
0x4b: {  	_ =	shalt  }
0x4c: {  	_ =	shalt  }
0x4d: {  	_ =	shalt  }
0x4e: {  	_ =	shalt  }
0x4f: {  	_ =	shalt  }
0x50: {  	_ =	shalt  }
0x51: {  	_ =	shalt  }
0x52: {  	_ =	shalt  }
0x53: {  	_ =	shalt  }
0x54: {  	_ =	shalt  }
0x55: {  	_ =	shalt  }
0x56: {  	_ =	shalt  }
0x57: {  	_ =	shalt  }
0x58: {  	_ =	shalt  }
0x59: {  	_ =	shalt  }
0x5a: {  	_ =	shalt  }
0x5b: {  	_ =	shalt  }
0x5c: {  	_ =	shalt  }
0x5d: {  	_ =	shalt  }
0x5e: {  	_ =	shalt  }
0x5f: {  	_ =	shalt  }
0x60: {  	_ =	shalt  }
0x61: {  	_ =	shalt  }
0x62: {  	_ =	shalt  }
0x63: {  	_ =	shalt  }
0x64: {  	_ =	shalt  }
0x65: {  	_ =	shalt  }
0x66: {  	_ =	shalt  }
0x67: {  	_ =	shalt  }
0x68: {  	_ =	shalt  }
0x69: {  	_ =	shalt  }
0x6a: {  	_ =	shalt  }
0x6b: {  	_ =	shalt  }
0x6c: {  	_ =	shalt  }
0x6d: {  	_ =	shalt  }
0x6e: {  	_ =	shalt  }
0x6f: {  	_ =	shalt  }
0x70: {  	_ =	shalt  }
0x71: {  	_ =	shalt  }
0x72: {  	_ =	shalt  }
0x73: {  	_ =	shalt  }
0x74: {  	_ =	shalt  }
0x75: {  	_ =	shalt  }
0x76: {  	_ =	shalt  }
0x77: {  	_ =	shalt  }
0x78: {  	_ =	shalt  }
0x79: {  	_ =	shalt  }
0x7a: {  	_ =	shalt  }
0x7b: {  	_ =	shalt  }
0x7c: {  	_ =	shalt  }
0x7d: {  	_ =	shalt  }
0x7e: {  	_ =	shalt  }
0x7f: {  	_ =	shalt  }
0x80: {  	_ =	shalt  }
0x81: {  	_ =	shalt  }
0x82: {  	_ =	shalt  }
0x83: {  	_ =	shalt  }
0x84: {  	_ =	shalt  }
0x85: {  	_ =	shalt  }
0x86: {  	_ =	shalt  }
0x87: {  	_ =	shalt  }
.Lfunc_end0:
.L_simem_size_0:
called_computation_lowered:
.L_overlay_start_0:
0x88: {  	s2 =	sld [smem:$0x3FD9]  }
0x89: {  	s3 =	sld [smem:$0x3FFE];
	_ =	sdelay $0x1  }
0x8a: {  	s1 =	srdreg.scid  }
0x8b: {  	s0 =	sand.u32 $0x1, s1  }
0x8c: {  	s18 =	sshll.u32 s0, $0xA;
	s2 =	sadd.s32 s3, s2  }
0x8d: {  	s2 =	sadd.s32 s2, s18  }
0x8e: {  	[smem:$0x3FC4] =	sst s2  }
0x8f: {  	_ = 	snop  }
0x90: {  	s2 =	sld [smem:$0x3FC9]  }
0x91: {  	s19 =	sld [smem:$0x3FC8]  }
0x92: {  	s4 =	sld [smem:$0x3FC7]  }
0x93: {  	s5 =	sld [smem:$0x3FC6]  }
0x94: {  	s6 =	sld [smem:$0x3FD0];
	(tm) =	ssettm $0x1  }
0x95: {  	s7 =	sld [smem:$0x3FFB];
	_ =	sdelay $0x3  }
0x96: {  	_ =	strace s7  }
0x97: {  	s7 =	sld [smem:$0x3FFC];
	_ =	sdelay $0x3  }
0x98: {  	_ =	strace s7  }
0x99: {  	s7 =	sld [smem:$0x3FFD];
	_ =	sdelay $0x3  }
0x9a: {  	_ =	strace s7  }
0x9b: {  	_ =	strace $0x8FFFFFFF  }
0x9c: {  	s20 =	sld [smem:$0x3FDB];
	_ =	sdelay $0x1  }
0x9d: {  	s8 =	simm.s32 $_scs_section_size  }
0x9e: {  	s9 =	simm.s32 $_size__tile_overlayer_lowered;
	s10 =	simm.s32 $_tile_overlayer_lowered  }
0x9f: {  	s23 =	simm.s32 $0x1BFF;
	s22 =	sshll.u32 s10, $0x1;
	s7 =	sadd.s32 s8, s20  }
0xa0: {  	s11 =	simm.s32 $0x0;
	s21 =	sshll.u32 s9, $0x1;
	s9 =	sadd.s32 s22, s7  }
0xa1: {  	[timem:s11], [sflag:s23] =	dma.local [hbm:s9], s21  }
0xa2: {  	_ =	swait.ge [sflag:s23], s21  }
0xa3: {  	s8 =	ssub.s32 $0x0, s21;
	[sflag:s23] =	ssyncset.done $0x0  }
0xa4: {  	[sflag:s23] =	ssyncadd.s32 s8;
	_ =	sdelay $0x1  }
0xa5: {  	s24 =	simm.s32 $0x1B8B  }
0xa6: {  	_ =	swait.ge [sflag:s24], $0x1  }
0xa7: {  	[sflag:s24] =	ssyncset.done $0x0  }
0xa8: {  	s25 =	simm.s32 $0x1B8E;
	[sflag:s24] =	ssyncadd.s32 $0xFFFFFFFF  }
0xa9: {  	s26 =	simm.s32 $execute0_lowered;
	[smem:$0x3FD2] =	sst s25  }
0xaa: {  	s8 =	sshll.u32 s26, $0x1;
	_ =	strace $0x80000046;
	[dreg:$0x1] =	wrdreg $0xFFFFFFFF  }
0xab: {  	s28 =	simm.s32 $_size_execute0_lowered;
	s7 =	sadd.s32 s7, s8;
	[dreg:$0x0] =	wrdreg $0x0  }
0xac: {  	s8 =	sshll.u32 s28, $0x1;
	[dreg:$0x2] =	wrdreg s7  }
0xad: {  	[dreg:$0x3] =	wrdreg s8  }
0xae: {  	[dreg:$0x4] =	wrdreg $0xC0  }
0xaf: {  	_ =	task [dreg:s11], $0x5FFFF  }
0xb0: {  	[dreg:$0x1] =	wrdreg $0xFFFFFFFF  }
0xb1: {  	[dreg:$0x0] =	wrdreg $0x60  }
0xb2: {  	[dreg:$0x2] =	wrdreg s2  }
0xb3: {  	[dreg:$0x3] =	wrdreg s19  }
0xb4: {  	[dreg:$0x4] =	wrdreg s4  }
0xb5: {  	[dreg:$0x5] =	wrdreg s5  }
0xb6: {  	[dreg:$0x6] =	wrdreg s6  }
0xb7: {  	[dreg:$0x7] =	wrdreg $0x9  }
0xb8: {  	_ =	task.clear_ibuf [dreg:s11], $0x8FFFF;
	_ =	strace $0x90000046  }
0xb9: {  	s29 =	simm.s32 $0x9;
	_ =	strace $0x80000048  }
0xba: {  	_ =	swait.ge [sflag:s29], $0x1  }
0xbb: {  	[sflag:s29] =	ssyncadd.s32 $0xFFFFFFFF  }
0xbc: {  	_ =	strace $0x90000048  }
0xbd: {  	_ =	sfence  }
0xbe: {  	s30 =	sld [smem:$0x0];
	_ =	sdelay $0x2  }
0xbf: {  	s31 =	sshll.u32 s1, $0xD;
	s1 =	sshrl.u32 s1, $0x2  }
0xc0: {  	s3 =	sand.u32 $0x4000, s31;
	s1 =	sadd.s32 s1, s30  }
0xc1: {  	s0 =	sor.u32 s3, s0;
	s1 =	sshll.u32 s1, $0x11  }
0xc2: {  	s0 =	sor.u32 s1, s0  }
0xc3: {  	s0 =	sadd.s32 $0x8F2B, s0  }
0xc4: {  	[sflag:s0] =	ssyncadd.remote.s32 $0x1  }
0xc5: {  	_ =	sfence.sel $0xFFFF  }
0xc6: {  	[dreg:$0x0] =	wrdreg $0xFFFFFFFF;
	(pc) =	sbr.abs _section_cstart, $3  }
0xc7: {  	[dreg:$0x1] =	wrdreg $0xFFFFFFFF  }
0xc8: {  	_ =	task.clear_ibuf [dreg:s11], $0x2FFFF;
	_ =	strace $0x9FFFFFFF  }
0xc9: {  	(tm) =	ssettm $0x7FFFFFFF  }
tec
execute0_lowered:
.L_overlay_start_1:
0x0: {  	(tag) =	ssettag $0x1  }
0x1: {  	s0 =	rddreg [dreg:$0x0]  }
0x2: {  	s1 =	rddreg [dreg:$0x1]  }
0x3: {  	s2 =	rddreg [dreg:$0x2];
	v0 =	vlaneseq.u32;
	v2 =	vimm.s32 $0x1380  }
0x4: {  	s25 =	rddreg [dreg:$0x3];
	vm0 =	vcmask $0x300;
	v3 =	vimm.s32 $0x3380;
	vm1 =	vcmask $0x704  }
0x5: {  	s26 =	rddreg [dreg:$0x4];
	s3 =	srdreg.scid;
	vm15 =	vcmask $0xB08;
	v2 =	vsel vm0, $0x0, v2;
	v3 =	vsel vm0, $0x2000, v3  }
0x6: {  	s15 =	simm.s32 $0x0;
	s5 =	stileid.u32;
	s9 =	simm.s32 $0x7A1400;
	vm4 =	vcmask $0xF0C;
	v2 =	vsel vm1, $0x80, v2;
	v3 =	vsel vm1, $0x2080, v3  }
0x7: {  	s10 =	simm.s32 $0x400;
	vm5 =	vcmask $0x1310;
	s28 =	simm.s32 $0x10400;
	s14 =	simm.s32 $0x14400;
	v2 =	vsel vm15, $0x100, v2;
	v3 =	vsel vm15, $0x2100, v3  }
0x8: {  	vm6 =	vcmask $0x1714;
	s7 =	simm.s32 $0x4;
	s11 =	simm.s32 $0x7;
	s12 =	simm.s32 $0x8;
	v2 =	vsel vm4, $0x180, v2;
	v3 =	vsel vm4, $0x2180, v3  }
0x9: {  	vm7 =	vcmask $0x1B18;
	s13 =	simm.s32 $0x9;
	s18 =	simm.s32 $0xA;
	s19 =	simm.s32 $0xB;
	v2 =	vsel vm5, $0x200, v2;
	v3 =	vsel vm5, $0x2200, v3  }
0xa: {  	vm8 =	vcmask $0x1F1C;
	s20 =	simm.s32 $0xC;
	s21 =	simm.s32 $0xD;
	s22 =	simm.s32 $0xE;
	v2 =	vsel vm6, $0x280, v2;
	v3 =	vsel vm6, $0x2280, v3  }
0xb: {  	vm9 =	vcmask $0x2320;
	s23 =	simm.s32 $0xF;
	s24 =	simm.s32 $0x10;
	[dreg:$0x6] =	wrdreg s2;
	v2 =	vsel vm7, $0x300, v2;
	v3 =	vsel vm7, $0x2300, v3  }
0xc: {  	vm10 =	vcmask $0x2724;
	[dreg:$0x7] =	wrdreg s25;
	s3 =	sand.u32 $0x1, s3;
	s5 =	sshll.u32 s5, $0x7;
	v2 =	vsel vm8, $0x380, v2;
	v3 =	vsel vm8, $0x2380, v3  }
0xd: {  	vm11 =	vcmask $0x2B28;
	[smem:$0x7FF] =	sst s15;
	s4 =	ssub.s32 $0x2, s3;
	s3 =	sshll.u32 s3, $0x6;
	v2 =	vsel vm9, $0x1000, v2;
	v3 =	vsel vm9, $0x3000, v3  }
0xe: {  	vm12 =	vcmask $0x2F2C;
	s2 =	simm.s32 $0x5;
	_ =	strace $0x80000047;
	s3 =	sor.u32 s3, s5;
	v2 =	vsel vm10, $0x1080, v2;
	v3 =	vsel vm10, $0x3080, v3  }
0xf: {  	vm13 =	vcmask $0x3330;
	s6 =	sshrl.u32 s4, $0x1;
	s5 =	simm.s32 $0x3;
	s0 =	sadd.s32 s0, s3;
	v2 =	vsel vm11, $0x1100, v2;
	v3 =	vsel vm11, $0x3100, v3  }
0x10: {  	vm14 =	vcmask $0x3734;
	s4 =	ssub.s32 s4, s6;
	s29 =	sadd.s32 s1, s3;
	[dreg:$0x8] =	wrdreg s0;
	v2 =	vsel vm12, $0x1180, v2;
	v3 =	vsel vm12, $0x3180, v3  }
0x11: {  	v1 =	vmul.u32 $0x80, v0;
	s30 =	sadd.s32 s26, s3;
	s1 =	simm.s32 $0x11;
	[dreg:$0x9] =	wrdreg s29;
	v2 =	vsel vm13, $0x1200, v2;
	v3 =	vsel vm13, $0x3200, v3  }
0x12: {  	vm15 =	vcmask $0x3B38;
	s6 =	simm.s32 $0x6;
	[dreg:$0xa] =	wrdreg s30;
	s31 =	smax.u32 s4, $0x1;
	v2 =	vsel vm14, $0x1280, v2;
	v4 =	vsel vm14, $0x3280, v3  }
0x13: {  	s0 =	simm.s32 $0x0;
	s4 =	simm.s32 $0x2;
	[dreg:$0xb] =	wrdreg s31;
	v3 =	vor.u32 $0x800, v1;
	v2 =	vsel vm15, $0x1300, v2;
	v4 =	vsel vm15, $0x3300, v4  }
.LBB2_1:
0x14: {  	[dreg:$0xc] =	wrdreg s0  }
0x15: {  	s16 =	rddreg [dreg:$0x8]  }
0x16: {  	[tilespmem:s15], [sflag:$0x11] =	stream.linear.gather [hbm4b:s16+s15], $0x200, $0x38;
	[tilespmem:$0x18600] =	vst v63  }
0x17: {  	_ =	swait.ge [sflag:s1], $0x200  }
0x18: {  	[sflag:s1] =	ssyncset.done $0x0  }
0x19: {  	s17 =	simm.s32 $0x200;
	s31 =	rddreg [dreg:$0x9];
	[sflag:s1] =	ssyncadd.s32 $0xFFFFFE00  }
0x1a: {  	[tilespmem:s17], [sflag:$0x11] =	stream.linear.gather [hbm4b:s31+s15], $0x200, $0x38;
	[tilespmem:$0x18600] =	vst v63  }
0x1b: {  	_ =	swait.ge [sflag:s1], $0x200  }
0x1c: {  	[sflag:s1] =	ssyncset.done $0x0  }
0x1d: {  	s16 =	simm.s32 $0x0;
	s15 =	simm.s32 $0x0;
	[sflag:s1] =	ssyncadd.s32 $0xFFFFFE00  }
.LBB2_2:
0x1e: {  	v5 =	vld [tilespmem:s15+$0x0];
	_ =	sdelay $0x4  }
0x1f: {  	s17 =	rddreg [dreg:$0x6];
	v6 =	vand.u32 $0xFFFFFF80, v5  }
0x20: {  	v6 =	vadd.s32 s17, v6  }
0x21: {  	(v2sf) =	vpush v6, $0x0;
	_ =	sdelay $0x1  }
0x22: {  	(v2sf) =	vpush v6, $0x1;
	_ =	sdelay $0x1  }
0x23: {  	(v2sf) =	vpush v6, $0x2;
	_ =	sdelay $0x1  }
0x24: {  	(v2sf) =	vpush v6, $0x3;
	_ =	sdelay $0x1  }
0x25: {  	(v2sf) =	vpush v6, $0x4;
	_ =	sdelay $0x1  }
0x26: {  	(v2sf) =	vpush v6, $0x5;
	_ =	sdelay $0x1  }
0x27: {  	(v2sf) =	vpush v6, $0x6;
	_ =	sdelay $0x1  }
0x28: {  	(v2sf) =	vpush v6, $0x7  }
0x29: {  	s31 =	spop (v2sf)  }
0x2a: {  	(v2sf) =	vpush v6, $0x8;
	[tilespmem:s10], [sflag:$0x1] =	stream.strided.gather [hbm4b:s31+s10], $0x1000, s9, s10, $0x38;
	[tilespmem:$0x18600] =	vst v63  }
0x2b: {  	s25 =	simm.s32 $0x1400;
	s17 =	spop (v2sf)  }
0x2c: {  	(v2sf) =	vpush v6, $0x9;
	[tilespmem:s25], [sflag:$0x2] =	stream.strided.gather [hbm4b:s17+s10], $0x1000, s9, s10, $0x38;
	[tilespmem:$0x18600] =	vst v63  }
0x2d: {  	s26 =	simm.s32 $0x2400;
	s17 =	spop (v2sf)  }
0x2e: {  	(v2sf) =	vpush v6, $0xA;
	[tilespmem:s26], [sflag:$0x3] =	stream.strided.gather [hbm4b:s17+s10], $0x1000, s9, s10, $0x38;
	[tilespmem:$0x18600] =	vst v63  }
0x2f: {  	s26 =	simm.s32 $0x3400;
	s17 =	spop (v2sf)  }
0x30: {  	(v2sf) =	vpush v6, $0xB;
	[tilespmem:s26], [sflag:$0x4] =	stream.strided.gather [hbm4b:s17+s10], $0x1000, s9, s10, $0x38;
	[tilespmem:$0x18600] =	vst v63  }
0x31: {  	s29 =	simm.s32 $0x4400;
	s17 =	spop (v2sf)  }
0x32: {  	(v2sf) =	vpush v6, $0xC;
	[tilespmem:s29], [sflag:$0x5] =	stream.strided.gather [hbm4b:s17+s10], $0x1000, s9, s10, $0x38;
	[tilespmem:$0x18600] =	vst v63  }
0x33: {  	s29 =	simm.s32 $0x5400;
	s17 =	spop (v2sf)  }
0x34: {  	(v2sf) =	vpush v6, $0xD;
	[tilespmem:s29], [sflag:$0x6] =	stream.strided.gather [hbm4b:s17+s10], $0x1000, s9, s10, $0x38;
	[tilespmem:$0x18600] =	vst v63  }
0x35: {  	s30 =	simm.s32 $0x6400;
	s17 =	spop (v2sf)  }
0x36: {  	(v2sf) =	vpush v6, $0xE;
	[tilespmem:s30], [sflag:$0x7] =	stream.strided.gather [hbm4b:s17+s10], $0x1000, s9, s10, $0x38;
	[tilespmem:$0x18600] =	vst v63  }
0x37: {  	s30 =	simm.s32 $0x7400;
	s17 =	spop (v2sf)  }
0x38: {  	(v2sf) =	vpush v6, $0xF;
	[tilespmem:s30], [sflag:$0x8] =	stream.strided.gather [hbm4b:s17+s10], $0x1000, s9, s10, $0x38;
	[tilespmem:$0x18600] =	vst v63  }
0x39: {  	s31 =	simm.s32 $0x8400;
	s17 =	spop (v2sf)  }
0x3a: {  	[tilespmem:s31], [sflag:$0x9] =	stream.strided.gather [hbm4b:s17+s10], $0x1000, s9, s10, $0x38;
	[tilespmem:$0x18600] =	vst v63  }
0x3b: {  	s31 =	simm.s32 $0x9400;
	s17 =	spop (v2sf)  }
0x3c: {  	[tilespmem:s31], [sflag:$0xA] =	stream.strided.gather [hbm4b:s17+s10], $0x1000, s9, s10, $0x38;
	[tilespmem:$0x18600] =	vst v63  }
0x3d: {  	s0 =	simm.s32 $0xA400;
	s17 =	spop (v2sf)  }
0x3e: {  	[tilespmem:s0], [sflag:$0xB] =	stream.strided.gather [hbm4b:s17+s10], $0x1000, s9, s10, $0x38;
	[tilespmem:$0x18600] =	vst v63  }
0x3f: {  	s1 =	simm.s32 $0xB400;
	s0 =	spop (v2sf)  }
0x40: {  	[tilespmem:s1], [sflag:$0xC] =	stream.strided.gather [hbm4b:s0+s10], $0x1000, s9, s10, $0x38;
	[tilespmem:$0x18600] =	vst v63  }
0x41: {  	s1 =	simm.s32 $0xC400;
	s0 =	spop (v2sf)  }
0x42: {  	[tilespmem:s1], [sflag:$0xD] =	stream.strided.gather [hbm4b:s0+s10], $0x1000, s9, s10, $0x38;
	[tilespmem:$0x18600] =	vst v63  }
0x43: {  	s8 =	simm.s32 $0xD400;
	s0 =	spop (v2sf)  }
0x44: {  	v5 =	vand.u32 $0x7F, v5;
	[tilespmem:s8], [sflag:$0xE] =	stream.strided.gather [hbm4b:s0+s10], $0x1000, s9, s10, $0x38;
	[tilespmem:$0x18600] =	vst v63  }
0x45: {  	v6 =	vbroadcast v5, $0x0;
	s8 =	simm.s32 $0xE400;
	s0 =	spop (v2sf)  }
0x46: {  	[tilespmem:s8], [sflag:$0xF] =	stream.strided.gather [hbm4b:s0+s10], $0x1000, s9, s10, $0x38;
	[tilespmem:$0x18600] =	vst v63  }
0x47: {  	s3 =	simm.s32 $0xF400;
	v7 =	vor.u32 v1, v6;
	s17 =	simm.s32 $0x1;
	s0 =	spop (v2sf)  }
0x48: {  	v8 =	vmov s16;
	[tilespmem:s3], [sflag:$0x10] =	stream.strided.gather [hbm4b:s0+s10], $0x1000, s9, s10, $0x38;
	[tilespmem:$0x18600] =	vst v63  }
0x49: {  	v9 =	vshll.u32 v8, $0x3;
	_ =	swait.ge [sflag:s17], $0x1000  }
0x4a: {  	v8 =	vand.u32 $0x70, v8;
	v9 =	vand.u32 $0x7FFFFC00, v9;
	[sflag:s17] =	ssyncset.done $0x0  }
0x4b: {  	v8 =	vor.u32 v8, v9;
	[sflag:s17] =	ssyncadd.s32 $0xFFFFF000  }
0x4c: {  	v9 =	vadd.s32 v2, v8;
	v7 =	vld.idx.msk [tilespmem:v7+s10+$0x0], $0xffff  }
0x4d: {  	v6 =	vor.u32 v3, v6;
	_ =	sdelay $0x3  }
0x4e: {  	[tilespmem:v9+s28+$0x0] =	vst.idx.msk $0xffff, v7  }
0x4f: {  	v8 =	vadd.s32 v4, v8;
	v7 =	vld.idx.msk [tilespmem:v6+s10+$0x0], $0xffff;
	_ =	sdelay $0x1  }
0x50: {  	v32 =	vbroadcast v5, $0x1  }
0x51: {  	v6 =	vor.u32 s16, v0  }
0x52: {  	v11 =	vor.u32 v1, v32;
	v10 =	vbroadcast v6, $0x1  }
0x53: {  	[tilespmem:v8+s28+$0x0] =	vst.idx.msk $0xffff, v7  }
0x54: {  	v7 =	vshll.u32 v10, $0x3;
	_ =	swait.ge [sflag:s4], $0x1000  }
0x55: {  	v33 =	vand.u32 $0x71, v10;
	v7 =	vand.u32 $0x7FFFFC00, v7;
	[sflag:s4] =	ssyncset.done $0x0  }
0x56: {  	v7 =	vor.u32 v33, v7;
	[sflag:s4] =	ssyncadd.s32 $0xFFFFF000  }
0x57: {  	v35 =	vadd.s32 v2, v7;
	v34 =	vld.idx.msk [tilespmem:v11+s25+$0x0], $0xffff  }
0x58: {  	v9 =	vor.u32 v3, v32;
	_ =	sdelay $0x3  }
0x59: {  	[tilespmem:v35+s28+$0x0] =	vst.idx.msk $0xffff, v34  }
0x5a: {  	v7 =	vadd.s32 v4, v7;
	v8 =	vld.idx.msk [tilespmem:v9+s25+$0x0], $0xffff;
	_ =	sdelay $0x1  }
0x5b: {  	v36 =	vbroadcast v5, $0x2;
	_ =	sdelay $0x1  }
0x5c: {  	v38 =	vor.u32 v1, v36;
	v37 =	vbroadcast v6, $0x2  }
0x5d: {  	[tilespmem:v7+s28+$0x0] =	vst.idx.msk $0xffff, v8  }
0x5e: {  	v7 =	vshll.u32 v37, $0x3;
	_ =	swait.ge [sflag:s5], $0x1000  }
0x5f: {  	v39 =	vand.u32 $0x72, v37;
	v7 =	vand.u32 $0x7FFFFC00, v7;
	[sflag:s5] =	ssyncset.done $0x0  }
0x60: {  	s3 =	simm.s32 $0x2400;
	v7 =	vor.u32 v39, v7;
	[sflag:s5] =	ssyncadd.s32 $0xFFFFF000  }
0x61: {  	v41 =	vadd.s32 v2, v7;
	v40 =	vld.idx.msk [tilespmem:v38+s3+$0x0], $0xffff  }
0x62: {  	v9 =	vor.u32 v3, v36;
	_ =	sdelay $0x3  }
0x63: {  	[tilespmem:v41+s28+$0x0] =	vst.idx.msk $0xffff, v40  }
0x64: {  	v7 =	vadd.s32 v4, v7;
	v8 =	vld.idx.msk [tilespmem:v9+s3+$0x0], $0xffff;
	_ =	sdelay $0x1  }
0x65: {  	v42 =	vbroadcast v5, $0x3;
	_ =	sdelay $0x1  }
0x66: {  	v44 =	vor.u32 v1, v42;
	v43 =	vbroadcast v6, $0x3  }
0x67: {  	[tilespmem:v7+s28+$0x0] =	vst.idx.msk $0xffff, v8  }
0x68: {  	v7 =	vshll.u32 v43, $0x3;
	_ =	swait.ge [sflag:s7], $0x1000  }
0x69: {  	v45 =	vand.u32 $0x73, v43;
	v7 =	vand.u32 $0x7FFFFC00, v7;
	[sflag:s7] =	ssyncset.done $0x0  }
0x6a: {  	v7 =	vor.u32 v45, v7;
	[sflag:s7] =	ssyncadd.s32 $0xFFFFF000  }
0x6b: {  	v47 =	vadd.s32 v2, v7;
	v46 =	vld.idx.msk [tilespmem:v44+s26+$0x0], $0xffff  }
0x6c: {  	v9 =	vor.u32 v3, v42;
	_ =	sdelay $0x3  }
0x6d: {  	[tilespmem:v47+s28+$0x0] =	vst.idx.msk $0xffff, v46  }
0x6e: {  	v7 =	vadd.s32 v4, v7;
	v8 =	vld.idx.msk [tilespmem:v9+s26+$0x0], $0xffff;
	_ =	sdelay $0x1  }
0x6f: {  	v48 =	vbroadcast v5, $0x4;
	_ =	sdelay $0x1  }
0x70: {  	v50 =	vor.u32 v1, v48;
	v49 =	vbroadcast v6, $0x4  }
0x71: {  	[tilespmem:v7+s28+$0x0] =	vst.idx.msk $0xffff, v8  }
0x72: {  	v7 =	vshll.u32 v49, $0x3;
	_ =	swait.ge [sflag:s2], $0x1000  }
0x73: {  	v51 =	vand.u32 $0x74, v49;
	v7 =	vand.u32 $0x7FFFFC00, v7;
	[sflag:s2] =	ssyncset.done $0x0  }
0x74: {  	s0 =	simm.s32 $0x4400;
	v7 =	vor.u32 v51, v7;
	[sflag:s2] =	ssyncadd.s32 $0xFFFFF000  }
0x75: {  	v53 =	vadd.s32 v2, v7;
	v52 =	vld.idx.msk [tilespmem:v50+s0+$0x0], $0xffff  }
0x76: {  	v9 =	vor.u32 v3, v48;
	_ =	sdelay $0x3  }
0x77: {  	[tilespmem:v53+s28+$0x0] =	vst.idx.msk $0xffff, v52  }
0x78: {  	v7 =	vadd.s32 v4, v7;
	v8 =	vld.idx.msk [tilespmem:v9+s0+$0x0], $0xffff;
	_ =	sdelay $0x1  }
0x79: {  	v54 =	vbroadcast v5, $0x5;
	_ =	sdelay $0x1  }
0x7a: {  	v56 =	vor.u32 v1, v54;
	v55 =	vbroadcast v6, $0x5  }
0x7b: {  	[tilespmem:v7+s28+$0x0] =	vst.idx.msk $0xffff, v8  }
0x7c: {  	v7 =	vshll.u32 v55, $0x3;
	_ =	swait.ge [sflag:s6], $0x1000  }
0x7d: {  	v57 =	vand.u32 $0x75, v55;
	v7 =	vand.u32 $0x7FFFFC00, v7;
	[sflag:s6] =	ssyncset.done $0x0  }
0x7e: {  	v7 =	vor.u32 v57, v7;
	[sflag:s6] =	ssyncadd.s32 $0xFFFFF000  }
0x7f: {  	v59 =	vadd.s32 v2, v7;
	v58 =	vld.idx.msk [tilespmem:v56+s29+$0x0], $0xffff  }
0x80: {  	v9 =	vor.u32 v3, v54;
	_ =	sdelay $0x3  }
0x81: {  	[tilespmem:v59+s28+$0x0] =	vst.idx.msk $0xffff, v58  }
0x82: {  	v7 =	vadd.s32 v4, v7;
	v8 =	vld.idx.msk [tilespmem:v9+s29+$0x0], $0xffff;
	_ =	sdelay $0x1  }
0x83: {  	v60 =	vbroadcast v5, $0x6;
	_ =	sdelay $0x1  }
0x84: {  	v62 =	vor.u32 v1, v60;
	v61 =	vbroadcast v6, $0x6  }
0x85: {  	[tilespmem:v7+s28+$0x0] =	vst.idx.msk $0xffff, v8  }
0x86: {  	v7 =	vshll.u32 v61, $0x3;
	_ =	swait.ge [sflag:s11], $0x1000  }
0x87: {  	v63 =	vand.u32 $0x76, v61;
	v7 =	vand.u32 $0x7FFFFC00, v7;
	[sflag:s11] =	ssyncset.done $0x0  }
0x88: {  	s3 =	simm.s32 $0x6400;
	v7 =	vor.u32 v63, v7;
	[sflag:s11] =	ssyncadd.s32 $0xFFFFF000  }
0x89: {  	v13 =	vadd.s32 v2, v7;
	v12 =	vld.idx.msk [tilespmem:v62+s3+$0x0], $0xffff  }
0x8a: {  	v9 =	vor.u32 v3, v60;
	_ =	sdelay $0x3  }
0x8b: {  	[tilespmem:v13+s28+$0x0] =	vst.idx.msk $0xffff, v12  }
0x8c: {  	v7 =	vadd.s32 v4, v7;
	v8 =	vld.idx.msk [tilespmem:v9+s3+$0x0], $0xffff;
	_ =	sdelay $0x1  }
0x8d: {  	v14 =	vbroadcast v5, $0x7;
	_ =	sdelay $0x1  }
0x8e: {  	v16 =	vor.u32 v1, v14;
	v15 =	vbroadcast v6, $0x7  }
0x8f: {  	[tilespmem:v7+s28+$0x0] =	vst.idx.msk $0xffff, v8  }
0x90: {  	v7 =	vshll.u32 v15, $0x3;
	_ =	swait.ge [sflag:s12], $0x1000  }
0x91: {  	v17 =	vand.u32 $0x77, v15;
	v7 =	vand.u32 $0x7FFFFC00, v7;
	[sflag:s12] =	ssyncset.done $0x0  }
0x92: {  	v7 =	vor.u32 v17, v7;
	[sflag:s12] =	ssyncadd.s32 $0xFFFFF000  }
0x93: {  	v19 =	vadd.s32 v2, v7;
	v18 =	vld.idx.msk [tilespmem:v16+s30+$0x0], $0xffff  }
0x94: {  	v9 =	vor.u32 v3, v14;
	_ =	sdelay $0x3  }
0x95: {  	[tilespmem:v19+s28+$0x0] =	vst.idx.msk $0xffff, v18  }
0x96: {  	v7 =	vadd.s32 v4, v7;
	v8 =	vld.idx.msk [tilespmem:v9+s30+$0x0], $0xffff;
	_ =	sdelay $0x1  }
0x97: {  	v20 =	vbroadcast v5, $0x8;
	_ =	sdelay $0x1  }
0x98: {  	v22 =	vor.u32 v1, v20;
	v21 =	vbroadcast v6, $0x8  }
0x99: {  	[tilespmem:v7+s28+$0x0] =	vst.idx.msk $0xffff, v8  }
0x9a: {  	v7 =	vshll.u32 v21, $0x3;
	_ =	swait.ge [sflag:s13], $0x1000  }
0x9b: {  	v23 =	vand.u32 $0x78, v21;
	v7 =	vand.u32 $0x7FFFFC00, v7;
	[sflag:s13] =	ssyncset.done $0x0  }
0x9c: {  	s0 =	simm.s32 $0x8400;
	v7 =	vor.u32 v23, v7;
	[sflag:s13] =	ssyncadd.s32 $0xFFFFF000  }
0x9d: {  	v25 =	vadd.s32 v2, v7;
	v24 =	vld.idx.msk [tilespmem:v22+s0+$0x0], $0xffff  }
0x9e: {  	v9 =	vor.u32 v3, v20;
	_ =	sdelay $0x3  }
0x9f: {  	[tilespmem:v25+s28+$0x0] =	vst.idx.msk $0xffff, v24  }
0xa0: {  	v7 =	vadd.s32 v4, v7;
	v8 =	vld.idx.msk [tilespmem:v9+s0+$0x0], $0xffff;
	_ =	sdelay $0x1  }
0xa1: {  	v26 =	vbroadcast v5, $0x9;
	_ =	sdelay $0x1  }
0xa2: {  	v28 =	vor.u32 v1, v26;
	v27 =	vbroadcast v6, $0x9  }
0xa3: {  	[tilespmem:v7+s28+$0x0] =	vst.idx.msk $0xffff, v8  }
0xa4: {  	v7 =	vshll.u32 v27, $0x3;
	_ =	swait.ge [sflag:s18], $0x1000  }
0xa5: {  	v29 =	vand.u32 $0x79, v27;
	v7 =	vand.u32 $0x7FFFFC00, v7;
	[sflag:s18] =	ssyncset.done $0x0  }
0xa6: {  	v7 =	vor.u32 v29, v7;
	[sflag:s18] =	ssyncadd.s32 $0xFFFFF000  }
0xa7: {  	v31 =	vadd.s32 v2, v7;
	v30 =	vld.idx.msk [tilespmem:v28+s31+$0x0], $0xffff  }
0xa8: {  	v9 =	vor.u32 v3, v26;
	_ =	sdelay $0x3  }
0xa9: {  	[tilespmem:v31+s28+$0x0] =	vst.idx.msk $0xffff, v30  }
0xaa: {  	v7 =	vadd.s32 v4, v7;
	v8 =	vld.idx.msk [tilespmem:v9+s31+$0x0], $0xffff;
	_ =	sdelay $0x1  }
0xab: {  	v32 =	vbroadcast v5, $0xA;
	_ =	sdelay $0x1  }
0xac: {  	v33 =	vbroadcast v6, $0xA;
	v34 =	vor.u32 v1, v32  }
0xad: {  	[tilespmem:v7+s28+$0x0] =	vst.idx.msk $0xffff, v8  }
0xae: {  	v7 =	vshll.u32 v33, $0x3;
	_ =	swait.ge [sflag:s19], $0x1000  }
0xaf: {  	v35 =	vand.u32 $0x7A, v33;
	v7 =	vand.u32 $0x7FFFFC00, v7;
	[sflag:s19] =	ssyncset.done $0x0  }
0xb0: {  	s26 =	simm.s32 $0xA400;
	v7 =	vor.u32 v35, v7;
	[sflag:s19] =	ssyncadd.s32 $0xFFFFF000  }
0xb1: {  	v37 =	vadd.s32 v2, v7;
	v36 =	vld.idx.msk [tilespmem:v34+s26+$0x0], $0xffff  }
0xb2: {  	v9 =	vor.u32 v3, v32;
	_ =	sdelay $0x3  }
0xb3: {  	[tilespmem:v37+s28+$0x0] =	vst.idx.msk $0xffff, v36  }
0xb4: {  	v7 =	vadd.s32 v4, v7;
	v8 =	vld.idx.msk [tilespmem:v9+s26+$0x0], $0xffff;
	_ =	sdelay $0x1  }
0xb5: {  	v38 =	vbroadcast v5, $0xB;
	_ =	sdelay $0x1  }
0xb6: {  	v39 =	vbroadcast v6, $0xB;
	v40 =	vor.u32 v1, v38  }
0xb7: {  	[tilespmem:v7+s28+$0x0] =	vst.idx.msk $0xffff, v8  }
0xb8: {  	v7 =	vshll.u32 v39, $0x3;
	_ =	swait.ge [sflag:s20], $0x1000  }
0xb9: {  	v41 =	vand.u32 $0x7B, v39;
	v7 =	vand.u32 $0x7FFFFC00, v7;
	[sflag:s20] =	ssyncset.done $0x0  }
0xba: {  	s29 =	simm.s32 $0xB400;
	v7 =	vor.u32 v41, v7;
	[sflag:s20] =	ssyncadd.s32 $0xFFFFF000  }
0xbb: {  	v43 =	vadd.s32 v2, v7;
	v42 =	vld.idx.msk [tilespmem:v40+s29+$0x0], $0xffff  }
0xbc: {  	v9 =	vor.u32 v3, v38;
	_ =	sdelay $0x3  }
0xbd: {  	[tilespmem:v43+s28+$0x0] =	vst.idx.msk $0xffff, v42  }
0xbe: {  	v7 =	vadd.s32 v4, v7;
	v8 =	vld.idx.msk [tilespmem:v9+s29+$0x0], $0xffff;
	_ =	sdelay $0x1  }
0xbf: {  	v44 =	vbroadcast v5, $0xC;
	_ =	sdelay $0x1  }
0xc0: {  	v45 =	vbroadcast v6, $0xC;
	v46 =	vor.u32 v1, v44  }
0xc1: {  	[tilespmem:v7+s28+$0x0] =	vst.idx.msk $0xffff, v8  }
0xc2: {  	v7 =	vshll.u32 v45, $0x3;
	_ =	swait.ge [sflag:s21], $0x1000  }
0xc3: {  	v47 =	vand.u32 $0x7C, v45;
	v7 =	vand.u32 $0x7FFFFC00, v7;
	[sflag:s21] =	ssyncset.done $0x0  }
0xc4: {  	v7 =	vor.u32 v47, v7;
	[sflag:s21] =	ssyncadd.s32 $0xFFFFF000  }
0xc5: {  	v49 =	vadd.s32 v2, v7;
	v48 =	vld.idx.msk [tilespmem:v46+s1+$0x0], $0xffff  }
0xc6: {  	v9 =	vor.u32 v3, v44;
	_ =	sdelay $0x3  }
0xc7: {  	[tilespmem:v49+s28+$0x0] =	vst.idx.msk $0xffff, v48  }
0xc8: {  	v7 =	vadd.s32 v4, v7;
	v8 =	vld.idx.msk [tilespmem:v9+s1+$0x0], $0xffff;
	_ =	sdelay $0x1  }
0xc9: {  	v50 =	vbroadcast v5, $0xD;
	_ =	sdelay $0x1  }
0xca: {  	v51 =	vbroadcast v6, $0xD;
	v52 =	vor.u32 v1, v50  }
0xcb: {  	[tilespmem:v7+s28+$0x0] =	vst.idx.msk $0xffff, v8  }
0xcc: {  	v7 =	vshll.u32 v51, $0x3;
	_ =	swait.ge [sflag:s22], $0x1000  }
0xcd: {  	v53 =	vand.u32 $0x7D, v51;
	v7 =	vand.u32 $0x7FFFFC00, v7;
	[sflag:s22] =	ssyncset.done $0x0  }
0xce: {  	s30 =	simm.s32 $0xD400;
	v7 =	vor.u32 v53, v7;
	[sflag:s22] =	ssyncadd.s32 $0xFFFFF000  }
0xcf: {  	v55 =	vadd.s32 v2, v7;
	v54 =	vld.idx.msk [tilespmem:v52+s30+$0x0], $0xffff  }
0xd0: {  	v9 =	vor.u32 v3, v50;
	_ =	sdelay $0x3  }
0xd1: {  	[tilespmem:v55+s28+$0x0] =	vst.idx.msk $0xffff, v54  }
0xd2: {  	v7 =	vadd.s32 v4, v7;
	v8 =	vld.idx.msk [tilespmem:v9+s30+$0x0], $0xffff;
	_ =	sdelay $0x1  }
0xd3: {  	v56 =	vbroadcast v5, $0xE;
	_ =	sdelay $0x1  }
0xd4: {  	v57 =	vbroadcast v6, $0xE;
	v58 =	vor.u32 v1, v56  }
0xd5: {  	[tilespmem:v7+s28+$0x0] =	vst.idx.msk $0xffff, v8  }
0xd6: {  	v7 =	vshll.u32 v57, $0x3;
	_ =	swait.ge [sflag:s23], $0x1000  }
0xd7: {  	v59 =	vand.u32 $0x7E, v57;
	v7 =	vand.u32 $0x7FFFFC00, v7;
	[sflag:s23] =	ssyncset.done $0x0  }
0xd8: {  	v7 =	vor.u32 v59, v7;
	[sflag:s23] =	ssyncadd.s32 $0xFFFFF000  }
0xd9: {  	v61 =	vadd.s32 v2, v7;
	v60 =	vld.idx.msk [tilespmem:v58+s8+$0x0], $0xffff  }
0xda: {  	v9 =	vor.u32 v3, v56;
	_ =	sdelay $0x3  }
0xdb: {  	[tilespmem:v61+s28+$0x0] =	vst.idx.msk $0xffff, v60  }
0xdc: {  	v7 =	vadd.s32 v4, v7;
	v8 =	vld.idx.msk [tilespmem:v9+s8+$0x0], $0xffff;
	_ =	sdelay $0x1  }
0xdd: {  	v5 =	vbroadcast v5, $0xF;
	_ =	sdelay $0x1  }
0xde: {  	v6 =	vbroadcast v6, $0xF;
	v62 =	vor.u32 v1, v5  }
0xdf: {  	[tilespmem:v7+s28+$0x0] =	vst.idx.msk $0xffff, v8  }
0xe0: {  	v7 =	vshll.u32 v6, $0x3;
	_ =	swait.ge [sflag:s24], $0x1000  }
0xe1: {  	v6 =	vand.u32 $0x7F, v6;
	v7 =	vand.u32 $0x7FFFFC00, v7;
	[sflag:s24] =	ssyncset.done $0x0  }
0xe2: {  	s31 =	simm.s32 $0xF400;
	v6 =	vor.u32 v6, v7;
	[sflag:s24] =	ssyncadd.s32 $0xFFFFF000  }
0xe3: {  	v63 =	vadd.s32 v2, v6;
	v7 =	vld.idx.msk [tilespmem:v62+s31+$0x0], $0xffff  }
0xe4: {  	v5 =	vor.u32 v3, v5;
	_ =	sdelay $0x3  }
0xe5: {  	[tilespmem:v63+s28+$0x0] =	vst.idx.msk $0xffff, v7  }
0xe6: {  	p0 =	sne.s32 s16, $0x1F0;
	v6 =	vadd.s32 v4, v6;
	v5 =	vld.idx.msk [tilespmem:v5+s31+$0x0], $0xffff  }
.Ltmp0:
0xe7: {  	_ = 	snop;
	(pc) =	sbr.rel @p0 .LBB2_2-.Ltmp0, $2  }
0xe8: {  	_ =	sdelay $0x2  }
0xe9: {  	s15 =	sadd.s32 $0x10, s15;
	s16 =	sadd.s32 $0x10, s16;
	[tilespmem:v6+s28+$0x0] =	vst.idx.msk $0xffff, v5  }
0xea: {  	s15 =	simm.s32 $0x200;
	s16 =	simm.s32 $0x0  }
.LBB2_4:
0xeb: {  	v5 =	vld [tilespmem:s15+$0x0];
	_ =	sdelay $0x4  }
0xec: {  	s17 =	rddreg [dreg:$0x7];
	v6 =	vand.u32 $0xFFFFFF80, v5  }
0xed: {  	v6 =	vadd.s32 s17, v6  }
0xee: {  	(v2sf) =	vpush v6, $0x0;
	_ =	sdelay $0x1  }
0xef: {  	(v2sf) =	vpush v6, $0x1;
	_ =	sdelay $0x1  }
0xf0: {  	(v2sf) =	vpush v6, $0x2;
	_ =	sdelay $0x1  }
0xf1: {  	(v2sf) =	vpush v6, $0x3;
	_ =	sdelay $0x1  }
0xf2: {  	(v2sf) =	vpush v6, $0x4;
	_ =	sdelay $0x1  }
0xf3: {  	(v2sf) =	vpush v6, $0x5;
	_ =	sdelay $0x1  }
0xf4: {  	(v2sf) =	vpush v6, $0x6;
	_ =	sdelay $0x1  }
0xf5: {  	(v2sf) =	vpush v6, $0x7  }
0xf6: {  	s31 =	spop (v2sf)  }
0xf7: {  	(v2sf) =	vpush v6, $0x8;
	[tilespmem:s10], [sflag:$0x1] =	stream.strided.gather [hbm4b:s31+s10], $0x1000, s9, s10, $0x38;
	[tilespmem:$0x18600] =	vst v63  }
0xf8: {  	s25 =	simm.s32 $0x1400;
	s17 =	spop (v2sf)  }
0xf9: {  	(v2sf) =	vpush v6, $0x9;
	[tilespmem:s25], [sflag:$0x2] =	stream.strided.gather [hbm4b:s17+s10], $0x1000, s9, s10, $0x38;
	[tilespmem:$0x18600] =	vst v63  }
0xfa: {  	s26 =	simm.s32 $0x2400;
	s17 =	spop (v2sf)  }
0xfb: {  	(v2sf) =	vpush v6, $0xA;
	[tilespmem:s26], [sflag:$0x3] =	stream.strided.gather [hbm4b:s17+s10], $0x1000, s9, s10, $0x38;
	[tilespmem:$0x18600] =	vst v63  }
0xfc: {  	s26 =	simm.s32 $0x3400;
	s17 =	spop (v2sf)  }
0xfd: {  	(v2sf) =	vpush v6, $0xB;
	[tilespmem:s26], [sflag:$0x4] =	stream.strided.gather [hbm4b:s17+s10], $0x1000, s9, s10, $0x38;
	[tilespmem:$0x18600] =	vst v63  }
0xfe: {  	s29 =	simm.s32 $0x4400;
	s17 =	spop (v2sf)  }
0xff: {  	(v2sf) =	vpush v6, $0xC;
	[tilespmem:s29], [sflag:$0x5] =	stream.strided.gather [hbm4b:s17+s10], $0x1000, s9, s10, $0x38;
	[tilespmem:$0x18600] =	vst v63  }
0x100: {  	s29 =	simm.s32 $0x5400;
	s17 =	spop (v2sf)  }
0x101: {  	(v2sf) =	vpush v6, $0xD;
	[tilespmem:s29], [sflag:$0x6] =	stream.strided.gather [hbm4b:s17+s10], $0x1000, s9, s10, $0x38;
	[tilespmem:$0x18600] =	vst v63  }
0x102: {  	s30 =	simm.s32 $0x6400;
	s17 =	spop (v2sf)  }
0x103: {  	(v2sf) =	vpush v6, $0xE;
	[tilespmem:s30], [sflag:$0x7] =	stream.strided.gather [hbm4b:s17+s10], $0x1000, s9, s10, $0x38;
	[tilespmem:$0x18600] =	vst v63  }
0x104: {  	s30 =	simm.s32 $0x7400;
	s17 =	spop (v2sf)  }
0x105: {  	(v2sf) =	vpush v6, $0xF;
	[tilespmem:s30], [sflag:$0x8] =	stream.strided.gather [hbm4b:s17+s10], $0x1000, s9, s10, $0x38;
	[tilespmem:$0x18600] =	vst v63  }
0x106: {  	s31 =	simm.s32 $0x8400;
	s17 =	spop (v2sf)  }
0x107: {  	[tilespmem:s31], [sflag:$0x9] =	stream.strided.gather [hbm4b:s17+s10], $0x1000, s9, s10, $0x38;
	[tilespmem:$0x18600] =	vst v63  }
0x108: {  	s31 =	simm.s32 $0x9400;
	s17 =	spop (v2sf)  }
0x109: {  	[tilespmem:s31], [sflag:$0xA] =	stream.strided.gather [hbm4b:s17+s10], $0x1000, s9, s10, $0x38;
	[tilespmem:$0x18600] =	vst v63  }
0x10a: {  	s0 =	simm.s32 $0xA400;
	s17 =	spop (v2sf)  }
0x10b: {  	[tilespmem:s0], [sflag:$0xB] =	stream.strided.gather [hbm4b:s17+s10], $0x1000, s9, s10, $0x38;
	[tilespmem:$0x18600] =	vst v63  }
0x10c: {  	s1 =	simm.s32 $0xB400;
	s0 =	spop (v2sf)  }
0x10d: {  	[tilespmem:s1], [sflag:$0xC] =	stream.strided.gather [hbm4b:s0+s10], $0x1000, s9, s10, $0x38;
	[tilespmem:$0x18600] =	vst v63  }
0x10e: {  	s1 =	simm.s32 $0xC400;
	s0 =	spop (v2sf)  }
0x10f: {  	[tilespmem:s1], [sflag:$0xD] =	stream.strided.gather [hbm4b:s0+s10], $0x1000, s9, s10, $0x38;
	[tilespmem:$0x18600] =	vst v63  }
0x110: {  	s8 =	simm.s32 $0xD400;
	s0 =	spop (v2sf)  }
0x111: {  	v5 =	vand.u32 $0x7F, v5;
	[tilespmem:s8], [sflag:$0xE] =	stream.strided.gather [hbm4b:s0+s10], $0x1000, s9, s10, $0x38;
	[tilespmem:$0x18600] =	vst v63  }
0x112: {  	v6 =	vbroadcast v5, $0x0;
	s8 =	simm.s32 $0xE400;
	s0 =	spop (v2sf)  }
0x113: {  	[tilespmem:s8], [sflag:$0xF] =	stream.strided.gather [hbm4b:s0+s10], $0x1000, s9, s10, $0x38;
	[tilespmem:$0x18600] =	vst v63  }
0x114: {  	s3 =	simm.s32 $0xF400;
	v7 =	vor.u32 v1, v6;
	s17 =	simm.s32 $0x1;
	s0 =	spop (v2sf)  }
0x115: {  	v8 =	vmov s16;
	[tilespmem:s3], [sflag:$0x10] =	stream.strided.gather [hbm4b:s0+s10], $0x1000, s9, s10, $0x38;
	[tilespmem:$0x18600] =	vst v63  }
0x116: {  	v9 =	vshll.u32 v8, $0x3;
	_ =	swait.ge [sflag:s17], $0x1000  }
0x117: {  	v8 =	vand.u32 $0x70, v8;
	v9 =	vand.u32 $0x7FFFFC00, v9;
	[sflag:s17] =	ssyncset.done $0x0  }
0x118: {  	v8 =	vor.u32 v8, v9;
	[sflag:s17] =	ssyncadd.s32 $0xFFFFF000  }
0x119: {  	v9 =	vadd.s32 v2, v8;
	v7 =	vld.idx.msk [tilespmem:v7+s10+$0x0], $0xffff  }
0x11a: {  	v6 =	vor.u32 v3, v6;
	_ =	sdelay $0x3  }
0x11b: {  	[tilespmem:v9+s14+$0x0] =	vst.idx.msk $0xffff, v7  }
0x11c: {  	v8 =	vadd.s32 v4, v8;
	v7 =	vld.idx.msk [tilespmem:v6+s10+$0x0], $0xffff;
	_ =	sdelay $0x1  }
0x11d: {  	v32 =	vbroadcast v5, $0x1  }
0x11e: {  	v6 =	vor.u32 s16, v0  }
0x11f: {  	v11 =	vor.u32 v1, v32;
	v10 =	vbroadcast v6, $0x1  }
0x120: {  	[tilespmem:v8+s14+$0x0] =	vst.idx.msk $0xffff, v7  }
0x121: {  	v7 =	vshll.u32 v10, $0x3;
	_ =	swait.ge [sflag:s4], $0x1000  }
0x122: {  	v33 =	vand.u32 $0x71, v10;
	v7 =	vand.u32 $0x7FFFFC00, v7;
	[sflag:s4] =	ssyncset.done $0x0  }
0x123: {  	v7 =	vor.u32 v33, v7;
	[sflag:s4] =	ssyncadd.s32 $0xFFFFF000  }
0x124: {  	v35 =	vadd.s32 v2, v7;
	v34 =	vld.idx.msk [tilespmem:v11+s25+$0x0], $0xffff  }
0x125: {  	v9 =	vor.u32 v3, v32;
	_ =	sdelay $0x3  }
0x126: {  	[tilespmem:v35+s14+$0x0] =	vst.idx.msk $0xffff, v34  }
0x127: {  	v7 =	vadd.s32 v4, v7;
	v8 =	vld.idx.msk [tilespmem:v9+s25+$0x0], $0xffff;
	_ =	sdelay $0x1  }
0x128: {  	v36 =	vbroadcast v5, $0x2;
	_ =	sdelay $0x1  }
0x129: {  	v38 =	vor.u32 v1, v36;
	v37 =	vbroadcast v6, $0x2  }
0x12a: {  	[tilespmem:v7+s14+$0x0] =	vst.idx.msk $0xffff, v8  }
0x12b: {  	v7 =	vshll.u32 v37, $0x3;
	_ =	swait.ge [sflag:s5], $0x1000  }
0x12c: {  	v39 =	vand.u32 $0x72, v37;
	v7 =	vand.u32 $0x7FFFFC00, v7;
	[sflag:s5] =	ssyncset.done $0x0  }
0x12d: {  	s3 =	simm.s32 $0x2400;
	v7 =	vor.u32 v39, v7;
	[sflag:s5] =	ssyncadd.s32 $0xFFFFF000  }
0x12e: {  	v41 =	vadd.s32 v2, v7;
	v40 =	vld.idx.msk [tilespmem:v38+s3+$0x0], $0xffff  }
0x12f: {  	v9 =	vor.u32 v3, v36;
	_ =	sdelay $0x3  }
0x130: {  	[tilespmem:v41+s14+$0x0] =	vst.idx.msk $0xffff, v40  }
0x131: {  	v7 =	vadd.s32 v4, v7;
	v8 =	vld.idx.msk [tilespmem:v9+s3+$0x0], $0xffff;
	_ =	sdelay $0x1  }
0x132: {  	v42 =	vbroadcast v5, $0x3;
	_ =	sdelay $0x1  }
0x133: {  	v44 =	vor.u32 v1, v42;
	v43 =	vbroadcast v6, $0x3  }
0x134: {  	[tilespmem:v7+s14+$0x0] =	vst.idx.msk $0xffff, v8  }
0x135: {  	v7 =	vshll.u32 v43, $0x3;
	_ =	swait.ge [sflag:s7], $0x1000  }
0x136: {  	v45 =	vand.u32 $0x73, v43;
	v7 =	vand.u32 $0x7FFFFC00, v7;
	[sflag:s7] =	ssyncset.done $0x0  }
0x137: {  	v7 =	vor.u32 v45, v7;
	[sflag:s7] =	ssyncadd.s32 $0xFFFFF000  }
0x138: {  	v47 =	vadd.s32 v2, v7;
	v46 =	vld.idx.msk [tilespmem:v44+s26+$0x0], $0xffff  }
0x139: {  	v9 =	vor.u32 v3, v42;
	_ =	sdelay $0x3  }
0x13a: {  	[tilespmem:v47+s14+$0x0] =	vst.idx.msk $0xffff, v46  }
0x13b: {  	v7 =	vadd.s32 v4, v7;
	v8 =	vld.idx.msk [tilespmem:v9+s26+$0x0], $0xffff;
	_ =	sdelay $0x1  }
0x13c: {  	v48 =	vbroadcast v5, $0x4;
	_ =	sdelay $0x1  }
0x13d: {  	v50 =	vor.u32 v1, v48;
	v49 =	vbroadcast v6, $0x4  }
0x13e: {  	[tilespmem:v7+s14+$0x0] =	vst.idx.msk $0xffff, v8  }
0x13f: {  	v7 =	vshll.u32 v49, $0x3;
	_ =	swait.ge [sflag:s2], $0x1000  }
0x140: {  	v51 =	vand.u32 $0x74, v49;
	v7 =	vand.u32 $0x7FFFFC00, v7;
	[sflag:s2] =	ssyncset.done $0x0  }
0x141: {  	s0 =	simm.s32 $0x4400;
	v7 =	vor.u32 v51, v7;
	[sflag:s2] =	ssyncadd.s32 $0xFFFFF000  }
0x142: {  	v53 =	vadd.s32 v2, v7;
	v52 =	vld.idx.msk [tilespmem:v50+s0+$0x0], $0xffff  }
0x143: {  	v9 =	vor.u32 v3, v48;
	_ =	sdelay $0x3  }
0x144: {  	[tilespmem:v53+s14+$0x0] =	vst.idx.msk $0xffff, v52  }
0x145: {  	v7 =	vadd.s32 v4, v7;
	v8 =	vld.idx.msk [tilespmem:v9+s0+$0x0], $0xffff;
	_ =	sdelay $0x1  }
0x146: {  	v54 =	vbroadcast v5, $0x5;
	_ =	sdelay $0x1  }
0x147: {  	v56 =	vor.u32 v1, v54;
	v55 =	vbroadcast v6, $0x5  }
0x148: {  	[tilespmem:v7+s14+$0x0] =	vst.idx.msk $0xffff, v8  }
0x149: {  	v7 =	vshll.u32 v55, $0x3;
	_ =	swait.ge [sflag:s6], $0x1000  }
0x14a: {  	v57 =	vand.u32 $0x75, v55;
	v7 =	vand.u32 $0x7FFFFC00, v7;
	[sflag:s6] =	ssyncset.done $0x0  }
0x14b: {  	v7 =	vor.u32 v57, v7;
	[sflag:s6] =	ssyncadd.s32 $0xFFFFF000  }
0x14c: {  	v59 =	vadd.s32 v2, v7;
	v58 =	vld.idx.msk [tilespmem:v56+s29+$0x0], $0xffff  }
0x14d: {  	v9 =	vor.u32 v3, v54;
	_ =	sdelay $0x3  }
0x14e: {  	[tilespmem:v59+s14+$0x0] =	vst.idx.msk $0xffff, v58  }
0x14f: {  	v7 =	vadd.s32 v4, v7;
	v8 =	vld.idx.msk [tilespmem:v9+s29+$0x0], $0xffff;
	_ =	sdelay $0x1  }
0x150: {  	v60 =	vbroadcast v5, $0x6;
	_ =	sdelay $0x1  }
0x151: {  	v62 =	vor.u32 v1, v60;
	v61 =	vbroadcast v6, $0x6  }
0x152: {  	[tilespmem:v7+s14+$0x0] =	vst.idx.msk $0xffff, v8  }
0x153: {  	v7 =	vshll.u32 v61, $0x3;
	_ =	swait.ge [sflag:s11], $0x1000  }
0x154: {  	v63 =	vand.u32 $0x76, v61;
	v7 =	vand.u32 $0x7FFFFC00, v7;
	[sflag:s11] =	ssyncset.done $0x0  }
0x155: {  	s3 =	simm.s32 $0x6400;
	v7 =	vor.u32 v63, v7;
	[sflag:s11] =	ssyncadd.s32 $0xFFFFF000  }
0x156: {  	v13 =	vadd.s32 v2, v7;
	v12 =	vld.idx.msk [tilespmem:v62+s3+$0x0], $0xffff  }
0x157: {  	v9 =	vor.u32 v3, v60;
	_ =	sdelay $0x3  }
0x158: {  	[tilespmem:v13+s14+$0x0] =	vst.idx.msk $0xffff, v12  }
0x159: {  	v7 =	vadd.s32 v4, v7;
	v8 =	vld.idx.msk [tilespmem:v9+s3+$0x0], $0xffff;
	_ =	sdelay $0x1  }
0x15a: {  	v14 =	vbroadcast v5, $0x7;
	_ =	sdelay $0x1  }
0x15b: {  	v16 =	vor.u32 v1, v14;
	v15 =	vbroadcast v6, $0x7  }
0x15c: {  	[tilespmem:v7+s14+$0x0] =	vst.idx.msk $0xffff, v8  }
0x15d: {  	v7 =	vshll.u32 v15, $0x3;
	_ =	swait.ge [sflag:s12], $0x1000  }
0x15e: {  	v17 =	vand.u32 $0x77, v15;
	v7 =	vand.u32 $0x7FFFFC00, v7;
	[sflag:s12] =	ssyncset.done $0x0  }
0x15f: {  	v7 =	vor.u32 v17, v7;
	[sflag:s12] =	ssyncadd.s32 $0xFFFFF000  }
0x160: {  	v19 =	vadd.s32 v2, v7;
	v18 =	vld.idx.msk [tilespmem:v16+s30+$0x0], $0xffff  }
0x161: {  	v9 =	vor.u32 v3, v14;
	_ =	sdelay $0x3  }
0x162: {  	[tilespmem:v19+s14+$0x0] =	vst.idx.msk $0xffff, v18  }
0x163: {  	v7 =	vadd.s32 v4, v7;
	v8 =	vld.idx.msk [tilespmem:v9+s30+$0x0], $0xffff;
	_ =	sdelay $0x1  }
0x164: {  	v20 =	vbroadcast v5, $0x8;
	_ =	sdelay $0x1  }
0x165: {  	v22 =	vor.u32 v1, v20;
	v21 =	vbroadcast v6, $0x8  }
0x166: {  	[tilespmem:v7+s14+$0x0] =	vst.idx.msk $0xffff, v8  }
0x167: {  	v7 =	vshll.u32 v21, $0x3;
	_ =	swait.ge [sflag:s13], $0x1000  }
0x168: {  	v23 =	vand.u32 $0x78, v21;
	v7 =	vand.u32 $0x7FFFFC00, v7;
	[sflag:s13] =	ssyncset.done $0x0  }
0x169: {  	s0 =	simm.s32 $0x8400;
	v7 =	vor.u32 v23, v7;
	[sflag:s13] =	ssyncadd.s32 $0xFFFFF000  }
0x16a: {  	v25 =	vadd.s32 v2, v7;
	v24 =	vld.idx.msk [tilespmem:v22+s0+$0x0], $0xffff  }
0x16b: {  	v9 =	vor.u32 v3, v20;
	_ =	sdelay $0x3  }
0x16c: {  	[tilespmem:v25+s14+$0x0] =	vst.idx.msk $0xffff, v24  }
0x16d: {  	v7 =	vadd.s32 v4, v7;
	v8 =	vld.idx.msk [tilespmem:v9+s0+$0x0], $0xffff;
	_ =	sdelay $0x1  }
0x16e: {  	v26 =	vbroadcast v5, $0x9;
	_ =	sdelay $0x1  }
0x16f: {  	v28 =	vor.u32 v1, v26;
	v27 =	vbroadcast v6, $0x9  }
0x170: {  	[tilespmem:v7+s14+$0x0] =	vst.idx.msk $0xffff, v8  }
0x171: {  	v7 =	vshll.u32 v27, $0x3;
	_ =	swait.ge [sflag:s18], $0x1000  }
0x172: {  	v29 =	vand.u32 $0x79, v27;
	v7 =	vand.u32 $0x7FFFFC00, v7;
	[sflag:s18] =	ssyncset.done $0x0  }
0x173: {  	v7 =	vor.u32 v29, v7;
	[sflag:s18] =	ssyncadd.s32 $0xFFFFF000  }
0x174: {  	v31 =	vadd.s32 v2, v7;
	v30 =	vld.idx.msk [tilespmem:v28+s31+$0x0], $0xffff  }
0x175: {  	v9 =	vor.u32 v3, v26;
	_ =	sdelay $0x3  }
0x176: {  	[tilespmem:v31+s14+$0x0] =	vst.idx.msk $0xffff, v30  }
0x177: {  	v7 =	vadd.s32 v4, v7;
	v8 =	vld.idx.msk [tilespmem:v9+s31+$0x0], $0xffff;
	_ =	sdelay $0x1  }
0x178: {  	v32 =	vbroadcast v5, $0xA;
	_ =	sdelay $0x1  }
0x179: {  	v33 =	vbroadcast v6, $0xA;
	v34 =	vor.u32 v1, v32  }
0x17a: {  	[tilespmem:v7+s14+$0x0] =	vst.idx.msk $0xffff, v8  }
0x17b: {  	v7 =	vshll.u32 v33, $0x3;
	_ =	swait.ge [sflag:s19], $0x1000  }
0x17c: {  	v35 =	vand.u32 $0x7A, v33;
	v7 =	vand.u32 $0x7FFFFC00, v7;
	[sflag:s19] =	ssyncset.done $0x0  }
0x17d: {  	s26 =	simm.s32 $0xA400;
	v7 =	vor.u32 v35, v7;
	[sflag:s19] =	ssyncadd.s32 $0xFFFFF000  }
0x17e: {  	v37 =	vadd.s32 v2, v7;
	v36 =	vld.idx.msk [tilespmem:v34+s26+$0x0], $0xffff  }
0x17f: {  	v9 =	vor.u32 v3, v32;
	_ =	sdelay $0x3  }
0x180: {  	[tilespmem:v37+s14+$0x0] =	vst.idx.msk $0xffff, v36  }
0x181: {  	v7 =	vadd.s32 v4, v7;
	v8 =	vld.idx.msk [tilespmem:v9+s26+$0x0], $0xffff;
	_ =	sdelay $0x1  }
0x182: {  	v38 =	vbroadcast v5, $0xB;
	_ =	sdelay $0x1  }
0x183: {  	v39 =	vbroadcast v6, $0xB;
	v40 =	vor.u32 v1, v38  }
0x184: {  	[tilespmem:v7+s14+$0x0] =	vst.idx.msk $0xffff, v8  }
0x185: {  	v7 =	vshll.u32 v39, $0x3;
	_ =	swait.ge [sflag:s20], $0x1000  }
0x186: {  	v41 =	vand.u32 $0x7B, v39;
	v7 =	vand.u32 $0x7FFFFC00, v7;
	[sflag:s20] =	ssyncset.done $0x0  }
0x187: {  	s29 =	simm.s32 $0xB400;
	v7 =	vor.u32 v41, v7;
	[sflag:s20] =	ssyncadd.s32 $0xFFFFF000  }
0x188: {  	v43 =	vadd.s32 v2, v7;
	v42 =	vld.idx.msk [tilespmem:v40+s29+$0x0], $0xffff  }
0x189: {  	v9 =	vor.u32 v3, v38;
	_ =	sdelay $0x3  }
0x18a: {  	[tilespmem:v43+s14+$0x0] =	vst.idx.msk $0xffff, v42  }
0x18b: {  	v7 =	vadd.s32 v4, v7;
	v8 =	vld.idx.msk [tilespmem:v9+s29+$0x0], $0xffff;
	_ =	sdelay $0x1  }
0x18c: {  	v44 =	vbroadcast v5, $0xC;
	_ =	sdelay $0x1  }
0x18d: {  	v45 =	vbroadcast v6, $0xC;
	v46 =	vor.u32 v1, v44  }
0x18e: {  	[tilespmem:v7+s14+$0x0] =	vst.idx.msk $0xffff, v8  }
0x18f: {  	v7 =	vshll.u32 v45, $0x3;
	_ =	swait.ge [sflag:s21], $0x1000  }
0x190: {  	v47 =	vand.u32 $0x7C, v45;
	v7 =	vand.u32 $0x7FFFFC00, v7;
	[sflag:s21] =	ssyncset.done $0x0  }
0x191: {  	v7 =	vor.u32 v47, v7;
	[sflag:s21] =	ssyncadd.s32 $0xFFFFF000  }
0x192: {  	v49 =	vadd.s32 v2, v7;
	v48 =	vld.idx.msk [tilespmem:v46+s1+$0x0], $0xffff  }
0x193: {  	v9 =	vor.u32 v3, v44;
	_ =	sdelay $0x3  }
0x194: {  	[tilespmem:v49+s14+$0x0] =	vst.idx.msk $0xffff, v48  }
0x195: {  	v7 =	vadd.s32 v4, v7;
	v8 =	vld.idx.msk [tilespmem:v9+s1+$0x0], $0xffff;
	_ =	sdelay $0x1  }
0x196: {  	v50 =	vbroadcast v5, $0xD;
	_ =	sdelay $0x1  }
0x197: {  	v51 =	vbroadcast v6, $0xD;
	v52 =	vor.u32 v1, v50  }
0x198: {  	[tilespmem:v7+s14+$0x0] =	vst.idx.msk $0xffff, v8  }
0x199: {  	v7 =	vshll.u32 v51, $0x3;
	_ =	swait.ge [sflag:s22], $0x1000  }
0x19a: {  	v53 =	vand.u32 $0x7D, v51;
	v7 =	vand.u32 $0x7FFFFC00, v7;
	[sflag:s22] =	ssyncset.done $0x0  }
0x19b: {  	s30 =	simm.s32 $0xD400;
	v7 =	vor.u32 v53, v7;
	[sflag:s22] =	ssyncadd.s32 $0xFFFFF000  }
0x19c: {  	v55 =	vadd.s32 v2, v7;
	v54 =	vld.idx.msk [tilespmem:v52+s30+$0x0], $0xffff  }
0x19d: {  	v9 =	vor.u32 v3, v50;
	_ =	sdelay $0x3  }
0x19e: {  	[tilespmem:v55+s14+$0x0] =	vst.idx.msk $0xffff, v54  }
0x19f: {  	v7 =	vadd.s32 v4, v7;
	v8 =	vld.idx.msk [tilespmem:v9+s30+$0x0], $0xffff;
	_ =	sdelay $0x1  }
0x1a0: {  	v56 =	vbroadcast v5, $0xE;
	_ =	sdelay $0x1  }
0x1a1: {  	v57 =	vbroadcast v6, $0xE;
	v58 =	vor.u32 v1, v56  }
0x1a2: {  	[tilespmem:v7+s14+$0x0] =	vst.idx.msk $0xffff, v8  }
0x1a3: {  	v7 =	vshll.u32 v57, $0x3;
	_ =	swait.ge [sflag:s23], $0x1000  }
0x1a4: {  	v59 =	vand.u32 $0x7E, v57;
	v7 =	vand.u32 $0x7FFFFC00, v7;
	[sflag:s23] =	ssyncset.done $0x0  }
0x1a5: {  	v7 =	vor.u32 v59, v7;
	[sflag:s23] =	ssyncadd.s32 $0xFFFFF000  }
0x1a6: {  	v61 =	vadd.s32 v2, v7;
	v60 =	vld.idx.msk [tilespmem:v58+s8+$0x0], $0xffff  }
0x1a7: {  	v9 =	vor.u32 v3, v56;
	_ =	sdelay $0x3  }
0x1a8: {  	[tilespmem:v61+s14+$0x0] =	vst.idx.msk $0xffff, v60  }
0x1a9: {  	v7 =	vadd.s32 v4, v7;
	v8 =	vld.idx.msk [tilespmem:v9+s8+$0x0], $0xffff;
	_ =	sdelay $0x1  }
0x1aa: {  	v5 =	vbroadcast v5, $0xF;
	_ =	sdelay $0x1  }
0x1ab: {  	v6 =	vbroadcast v6, $0xF;
	v62 =	vor.u32 v1, v5  }
0x1ac: {  	[tilespmem:v7+s14+$0x0] =	vst.idx.msk $0xffff, v8  }
0x1ad: {  	v7 =	vshll.u32 v6, $0x3;
	_ =	swait.ge [sflag:s24], $0x1000  }
0x1ae: {  	v6 =	vand.u32 $0x7F, v6;
	v7 =	vand.u32 $0x7FFFFC00, v7;
	[sflag:s24] =	ssyncset.done $0x0  }
0x1af: {  	s31 =	simm.s32 $0xF400;
	v6 =	vor.u32 v6, v7;
	[sflag:s24] =	ssyncadd.s32 $0xFFFFF000  }
0x1b0: {  	v63 =	vadd.s32 v2, v6;
	v7 =	vld.idx.msk [tilespmem:v62+s31+$0x0], $0xffff  }
0x1b1: {  	v5 =	vor.u32 v3, v5;
	_ =	sdelay $0x3  }
0x1b2: {  	[tilespmem:v63+s14+$0x0] =	vst.idx.msk $0xffff, v7  }
0x1b3: {  	p0 =	sne.s32 s16, $0x1F0;
	v6 =	vadd.s32 v4, v6;
	v5 =	vld.idx.msk [tilespmem:v5+s31+$0x0], $0xffff  }
.Ltmp1:
0x1b4: {  	_ = 	snop;
	(pc) =	sbr.rel @p0 .LBB2_4-.Ltmp1, $2  }
0x1b5: {  	_ =	sdelay $0x2  }
0x1b6: {  	s15 =	sadd.s32 $0x10, s15;
	s16 =	sadd.s32 $0x10, s16;
	[tilespmem:v6+s14+$0x0] =	vst.idx.msk $0xffff, v5  }
0x1b7: {  	s0 =	simm.s32 $0x0  }
0x1b8: {  	v5 =	vmov s0  }
0x1b9: {  	v6 =	vor.u32 s0, v0;
	v7 =	vshll.u32 v5, $0x3  }
0x1ba: {  	v6 =	vand.u32 $0x7F, v6;
	v5 =	vand.u32 $0xC00, v7  }
0x1bb: {  	v5 =	vor.u32 v6, v5;
	_ =	sdelay $0x1  }
0x1bc: {  	v8 =	vor.u32 $0x80, v5;
	_ =	sdelay $0x1  }
0x1bd: {  	v9 =	vor.u32 $0x100, v5  }
0x1be: {  	v10 =	vld.idx.msk [tilespmem:v5+s14+$0x0], $0xffff  }
0x1bf: {  	v12 =	vor.u32 $0x180, v5;
	v11 =	vld.idx.msk [tilespmem:v5+s28+$0x0], $0xffff  }
0x1c0: {  	v13 =	vld.idx.msk [tilespmem:v8+s28+$0x0], $0xffff  }
0x1c1: {  	v14 =	vor.u32 $0x200, v5;
	v8 =	vld.idx.msk [tilespmem:v8+s14+$0x0], $0xffff  }
0x1c2: {  	v15 =	vld.idx.msk [tilespmem:v9+s28+$0x0], $0xffff  }
0x1c3: {  	v16 =	vor.u32 $0x280, v5;
	v9 =	vld.idx.msk [tilespmem:v9+s14+$0x0], $0xffff  }
0x1c4: {  	v17 =	vld.idx.msk [tilespmem:v12+s28+$0x0], $0xffff;
	v10 =	vmul.f32 v10, v11  }
0x1c5: {  	v42 =	vor.u32 $0x300, v5;
	v11 =	vld.idx.msk [tilespmem:v12+s14+$0x0], $0xffff  }
0x1c6: {  	v6 =	vor.u32 v7, v6;
	v18 =	vld.idx.msk [tilespmem:v14+s28+$0x0], $0xffff;
	v8 =	vmul.f32 v8, v13;
	v7 =	vadd.f32 $0.0e+00, v10  }
0x1c7: {  	v43 =	vor.u32 $0x380, v6;
	v10 =	vld.idx.msk [tilespmem:v14+s14+$0x0], $0xffff  }
0x1c8: {  	v44 =	vld.idx.msk [tilespmem:v16+s28+$0x0], $0xffff;
	v7 =	vadd.f32 v8, v7;
	v8 =	vmul.f32 v9, v15  }
0x1c9: {  	v45 =	vor.u32 $0x1000, v5;
	v9 =	vld.idx.msk [tilespmem:v16+s14+$0x0], $0xffff  }
0x1ca: {  	v46 =	vld.idx.msk [tilespmem:v42+s28+$0x0], $0xffff;
	v7 =	vadd.f32 v8, v7;
	v8 =	vmul.f32 v11, v17  }
0x1cb: {  	v47 =	vor.u32 $0x1080, v5;
	v11 =	vld.idx.msk [tilespmem:v42+s14+$0x0], $0xffff  }
0x1cc: {  	v48 =	vld.idx.msk [tilespmem:v43+s28+$0x0], $0xffff;
	v7 =	vadd.f32 v8, v7;
	v8 =	vmul.f32 v10, v18  }
0x1cd: {  	v49 =	vor.u32 $0x1100, v5;
	v10 =	vld.idx.msk [tilespmem:v43+s14+$0x0], $0xffff  }
0x1ce: {  	v50 =	vld.idx.msk [tilespmem:v45+s28+$0x0], $0xffff;
	v7 =	vadd.f32 v8, v7;
	v8 =	vmul.f32 v9, v44  }
0x1cf: {  	v51 =	vor.u32 $0x1180, v5;
	v9 =	vld.idx.msk [tilespmem:v45+s14+$0x0], $0xffff  }
0x1d0: {  	v52 =	vld.idx.msk [tilespmem:v47+s28+$0x0], $0xffff;
	v7 =	vadd.f32 v8, v7;
	v8 =	vmul.f32 v11, v46  }
0x1d1: {  	v53 =	vor.u32 $0x1200, v5;
	v11 =	vld.idx.msk [tilespmem:v47+s14+$0x0], $0xffff  }
0x1d2: {  	v54 =	vld.idx.msk [tilespmem:v49+s28+$0x0], $0xffff;
	v7 =	vadd.f32 v8, v7;
	v8 =	vmul.f32 v10, v48  }
0x1d3: {  	v55 =	vor.u32 $0x1280, v5;
	v10 =	vld.idx.msk [tilespmem:v49+s14+$0x0], $0xffff  }
0x1d4: {  	v56 =	vld.idx.msk [tilespmem:v51+s28+$0x0], $0xffff;
	v7 =	vadd.f32 v8, v7;
	v8 =	vmul.f32 v9, v50  }
0x1d5: {  	v57 =	vor.u32 $0x1300, v5;
	v9 =	vld.idx.msk [tilespmem:v51+s14+$0x0], $0xffff  }
0x1d6: {  	v58 =	vld.idx.msk [tilespmem:v53+s28+$0x0], $0xffff;
	v7 =	vadd.f32 v8, v7;
	v8 =	vmul.f32 v11, v52  }
0x1d7: {  	v59 =	vor.u32 $0x1380, v6;
	v11 =	vld.idx.msk [tilespmem:v53+s14+$0x0], $0xffff  }
0x1d8: {  	v60 =	vld.idx.msk [tilespmem:v55+s28+$0x0], $0xffff;
	v7 =	vadd.f32 v8, v7;
	v8 =	vmul.f32 v10, v54  }
0x1d9: {  	v61 =	vor.u32 $0x2000, v5;
	v10 =	vld.idx.msk [tilespmem:v55+s14+$0x0], $0xffff  }
0x1da: {  	v62 =	vld.idx.msk [tilespmem:v57+s28+$0x0], $0xffff;
	v7 =	vadd.f32 v8, v7;
	v8 =	vmul.f32 v9, v56  }
0x1db: {  	v63 =	vor.u32 $0x2080, v5;
	v9 =	vld.idx.msk [tilespmem:v57+s14+$0x0], $0xffff  }
0x1dc: {  	v21 =	vld.idx.msk [tilespmem:v59+s28+$0x0], $0xffff;
	v7 =	vadd.f32 v8, v7;
	v8 =	vmul.f32 v11, v58  }
0x1dd: {  	v22 =	vor.u32 $0x2100, v5;
	v11 =	vld.idx.msk [tilespmem:v59+s14+$0x0], $0xffff  }
0x1de: {  	v23 =	vld.idx.msk [tilespmem:v61+s28+$0x0], $0xffff;
	v7 =	vadd.f32 v8, v7;
	v8 =	vmul.f32 v10, v60  }
0x1df: {  	v24 =	vor.u32 $0x2180, v5;
	v10 =	vld.idx.msk [tilespmem:v61+s14+$0x0], $0xffff  }
0x1e0: {  	v25 =	vld.idx.msk [tilespmem:v63+s28+$0x0], $0xffff;
	v7 =	vadd.f32 v8, v7;
	v8 =	vmul.f32 v9, v62  }
0x1e1: {  	v26 =	vor.u32 $0x2200, v5;
	v9 =	vld.idx.msk [tilespmem:v63+s14+$0x0], $0xffff  }
0x1e2: {  	v27 =	vld.idx.msk [tilespmem:v22+s28+$0x0], $0xffff;
	v7 =	vadd.f32 v8, v7;
	v8 =	vmul.f32 v11, v21  }
0x1e3: {  	v28 =	vor.u32 $0x2280, v5;
	v11 =	vld.idx.msk [tilespmem:v22+s14+$0x0], $0xffff  }
0x1e4: {  	v29 =	vld.idx.msk [tilespmem:v24+s28+$0x0], $0xffff;
	v7 =	vadd.f32 v8, v7;
	v8 =	vmul.f32 v10, v23  }
0x1e5: {  	v30 =	vor.u32 $0x2300, v5;
	v10 =	vld.idx.msk [tilespmem:v24+s14+$0x0], $0xffff  }
0x1e6: {  	v31 =	vld.idx.msk [tilespmem:v26+s28+$0x0], $0xffff;
	v7 =	vadd.f32 v8, v7;
	v8 =	vmul.f32 v9, v25  }
0x1e7: {  	v32 =	vor.u32 $0x2380, v6;
	v9 =	vld.idx.msk [tilespmem:v26+s14+$0x0], $0xffff  }
0x1e8: {  	v33 =	vld.idx.msk [tilespmem:v28+s28+$0x0], $0xffff;
	v7 =	vadd.f32 v8, v7;
	v8 =	vmul.f32 v11, v27  }
0x1e9: {  	v34 =	vor.u32 $0x3000, v5;
	v11 =	vld.idx.msk [tilespmem:v28+s14+$0x0], $0xffff  }
0x1ea: {  	v35 =	vld.idx.msk [tilespmem:v30+s28+$0x0], $0xffff;
	v7 =	vadd.f32 v8, v7;
	v8 =	vmul.f32 v10, v29  }
0x1eb: {  	v36 =	vor.u32 $0x3080, v5;
	v10 =	vld.idx.msk [tilespmem:v30+s14+$0x0], $0xffff  }
0x1ec: {  	v37 =	vld.idx.msk [tilespmem:v32+s28+$0x0], $0xffff;
	v7 =	vadd.f32 v8, v7;
	v8 =	vmul.f32 v9, v31  }
0x1ed: {  	v38 =	vor.u32 $0x3100, v5;
	v9 =	vld.idx.msk [tilespmem:v32+s14+$0x0], $0xffff  }
0x1ee: {  	v39 =	vld.idx.msk [tilespmem:v34+s28+$0x0], $0xffff;
	v7 =	vadd.f32 v8, v7;
	v8 =	vmul.f32 v11, v33  }
0x1ef: {  	v40 =	vor.u32 $0x3180, v5;
	v11 =	vld.idx.msk [tilespmem:v34+s14+$0x0], $0xffff  }
0x1f0: {  	v41 =	vld.idx.msk [tilespmem:v36+s28+$0x0], $0xffff;
	v7 =	vadd.f32 v8, v7;
	v8 =	vmul.f32 v10, v35  }
0x1f1: {  	v42 =	vor.u32 $0x3200, v5;
	v10 =	vld.idx.msk [tilespmem:v36+s14+$0x0], $0xffff  }
0x1f2: {  	v43 =	vld.idx.msk [tilespmem:v38+s28+$0x0], $0xffff;
	v7 =	vadd.f32 v8, v7;
	v8 =	vmul.f32 v9, v37  }
0x1f3: {  	v44 =	vor.u32 $0x3280, v5;
	v9 =	vld.idx.msk [tilespmem:v38+s14+$0x0], $0xffff  }
0x1f4: {  	v45 =	vld.idx.msk [tilespmem:v40+s28+$0x0], $0xffff;
	v7 =	vadd.f32 v8, v7;
	v8 =	vmul.f32 v11, v39  }
0x1f5: {  	v5 =	vor.u32 $0x3300, v5;
	v11 =	vld.idx.msk [tilespmem:v40+s14+$0x0], $0xffff  }
0x1f6: {  	v46 =	vld.idx.msk [tilespmem:v42+s28+$0x0], $0xffff;
	v7 =	vadd.f32 v8, v7;
	v8 =	vmul.f32 v10, v41  }
0x1f7: {  	v6 =	vor.u32 $0x3380, v6;
	v10 =	vld.idx.msk [tilespmem:v42+s14+$0x0], $0xffff  }
0x1f8: {  	v47 =	vld.idx.msk [tilespmem:v44+s28+$0x0], $0xffff;
	v7 =	vadd.f32 v8, v7;
	v8 =	vmul.f32 v9, v43  }
0x1f9: {  	v9 =	vld.idx.msk [tilespmem:v44+s14+$0x0], $0xffff  }
0x1fa: {  	v48 =	vld.idx.msk [tilespmem:v5+s28+$0x0], $0xffff;
	v7 =	vadd.f32 v8, v7;
	v8 =	vmul.f32 v11, v45  }
0x1fb: {  	v5 =	vld.idx.msk [tilespmem:v5+s14+$0x0], $0xffff  }
0x1fc: {  	v11 =	vld.idx.msk [tilespmem:v6+s28+$0x0], $0xffff;
	v7 =	vadd.f32 v8, v7;
	v8 =	vmul.f32 v10, v46  }
0x1fd: {  	v6 =	vld.idx.msk [tilespmem:v6+s14+$0x0], $0xffff  }
0x1fe: {  	s15 =	simm.s32 $0x10;
	v7 =	vadd.f32 v8, v7;
	v8 =	vmul.f32 v9, v47  }
0x1ff: {  	v10 =	vor.u32 s15, v0;
	v9 =	vmov s15  }
0x200: {  	v9 =	vshll.u32 v9, $0x3;
	v7 =	vadd.f32 v8, v7;
	v8 =	vmul.f32 v5, v48  }
0x201: {  	v10 =	vand.u32 $0x7F, v10;
	v5 =	vand.u32 $0xC00, v9  }
0x202: {  	v6 =	vmul.f32 v6, v11;
	v5 =	vor.u32 v10, v5;
	v7 =	vadd.f32 v8, v7;
	_ =	sdelay $0x1  }
0x203: {  	v8 =	vor.u32 $0x80, v5;
	v6 =	vadd.f32 v6, v7  }
0x204: {  	s15 =	simm.s32 $0x18400  }
0x205: {  	v49 =	vor.u32 $0x180, v5;
	[tilespmem:s15+$0x0] =	vst v6  }
0x206: {  	v7 =	vor.u32 $0x100, v5;
	v6 =	vld.idx.msk [tilespmem:v5+s14+$0x0], $0xffff  }
0x207: {  	v11 =	vld.idx.msk [tilespmem:v5+s28+$0x0], $0xffff  }
0x208: {  	v51 =	vor.u32 $0x200, v5;
	v50 =	vld.idx.msk [tilespmem:v8+s28+$0x0], $0xffff  }
0x209: {  	v8 =	vld.idx.msk [tilespmem:v8+s14+$0x0], $0xffff  }
0x20a: {  	v54 =	vld.idx.msk [tilespmem:v49+s28+$0x0], $0xffff  }
0x20b: {  	v53 =	vor.u32 $0x280, v5;
	v52 =	vld.idx.msk [tilespmem:v7+s28+$0x0], $0xffff  }
0x20c: {  	v55 =	vor.u32 $0x300, v5;
	v7 =	vld.idx.msk [tilespmem:v7+s14+$0x0], $0xffff  }
0x20d: {  	v9 =	vor.u32 v9, v10;
	v56 =	vld.idx.msk [tilespmem:v51+s28+$0x0], $0xffff;
	v6 =	vmul.f32 v6, v11  }
0x20e: {  	v57 =	vor.u32 $0x380, v9;
	v11 =	vld.idx.msk [tilespmem:v49+s14+$0x0], $0xffff  }
0x20f: {  	v10 =	vld.idx.msk [tilespmem:v51+s14+$0x0], $0xffff;
	v8 =	vmul.f32 v8, v50;
	v6 =	vadd.f32 $0.0e+00, v6  }
0x210: {  	v59 =	vor.u32 $0x1000, v5;
	v58 =	vld.idx.msk [tilespmem:v53+s28+$0x0], $0xffff  }
0x211: {  	v60 =	vld.idx.msk [tilespmem:v55+s28+$0x0], $0xffff;
	v7 =	vmul.f32 v7, v52;
	v6 =	vadd.f32 v8, v6  }
0x212: {  	v61 =	vor.u32 $0x1080, v5;
	v8 =	vld.idx.msk [tilespmem:v53+s14+$0x0], $0xffff  }
0x213: {  	v62 =	vld.idx.msk [tilespmem:v57+s28+$0x0], $0xffff;
	v6 =	vadd.f32 v7, v6;
	v7 =	vmul.f32 v11, v54  }
0x214: {  	v63 =	vor.u32 $0x1100, v5;
	v11 =	vld.idx.msk [tilespmem:v55+s14+$0x0], $0xffff  }
0x215: {  	v21 =	vld.idx.msk [tilespmem:v59+s28+$0x0], $0xffff;
	v6 =	vadd.f32 v7, v6;
	v7 =	vmul.f32 v10, v56  }
0x216: {  	v22 =	vor.u32 $0x1180, v5;
	v10 =	vld.idx.msk [tilespmem:v57+s14+$0x0], $0xffff  }
0x217: {  	v23 =	vld.idx.msk [tilespmem:v61+s28+$0x0], $0xffff;
	v6 =	vadd.f32 v7, v6;
	v7 =	vmul.f32 v8, v58  }
0x218: {  	v24 =	vor.u32 $0x1200, v5;
	v8 =	vld.idx.msk [tilespmem:v59+s14+$0x0], $0xffff  }
0x219: {  	v25 =	vld.idx.msk [tilespmem:v63+s28+$0x0], $0xffff;
	v6 =	vadd.f32 v7, v6;
	v7 =	vmul.f32 v11, v60  }
0x21a: {  	v26 =	vor.u32 $0x1280, v5;
	v11 =	vld.idx.msk [tilespmem:v61+s14+$0x0], $0xffff  }
0x21b: {  	v27 =	vld.idx.msk [tilespmem:v22+s28+$0x0], $0xffff;
	v6 =	vadd.f32 v7, v6;
	v7 =	vmul.f32 v10, v62  }
0x21c: {  	v28 =	vor.u32 $0x1300, v5;
	v10 =	vld.idx.msk [tilespmem:v63+s14+$0x0], $0xffff  }
0x21d: {  	v29 =	vld.idx.msk [tilespmem:v24+s28+$0x0], $0xffff;
	v6 =	vadd.f32 v7, v6;
	v7 =	vmul.f32 v8, v21  }
0x21e: {  	v30 =	vor.u32 $0x1380, v9;
	v8 =	vld.idx.msk [tilespmem:v22+s14+$0x0], $0xffff  }
0x21f: {  	v31 =	vld.idx.msk [tilespmem:v26+s28+$0x0], $0xffff;
	v6 =	vadd.f32 v7, v6;
	v7 =	vmul.f32 v11, v23  }
0x220: {  	v32 =	vor.u32 $0x2000, v5;
	v11 =	vld.idx.msk [tilespmem:v24+s14+$0x0], $0xffff  }
0x221: {  	v33 =	vld.idx.msk [tilespmem:v28+s28+$0x0], $0xffff;
	v6 =	vadd.f32 v7, v6;
	v7 =	vmul.f32 v10, v25  }
0x222: {  	v34 =	vor.u32 $0x2080, v5;
	v10 =	vld.idx.msk [tilespmem:v26+s14+$0x0], $0xffff  }
0x223: {  	v35 =	vld.idx.msk [tilespmem:v30+s28+$0x0], $0xffff;
	v6 =	vadd.f32 v7, v6;
	v7 =	vmul.f32 v8, v27  }
0x224: {  	v36 =	vor.u32 $0x2100, v5;
	v8 =	vld.idx.msk [tilespmem:v28+s14+$0x0], $0xffff  }
0x225: {  	v37 =	vld.idx.msk [tilespmem:v32+s28+$0x0], $0xffff;
	v6 =	vadd.f32 v7, v6;
	v7 =	vmul.f32 v11, v29  }
0x226: {  	v38 =	vor.u32 $0x2180, v5;
	v11 =	vld.idx.msk [tilespmem:v30+s14+$0x0], $0xffff  }
0x227: {  	v39 =	vld.idx.msk [tilespmem:v34+s28+$0x0], $0xffff;
	v6 =	vadd.f32 v7, v6;
	v7 =	vmul.f32 v10, v31  }
0x228: {  	v40 =	vor.u32 $0x2200, v5;
	v10 =	vld.idx.msk [tilespmem:v32+s14+$0x0], $0xffff  }
0x229: {  	v41 =	vld.idx.msk [tilespmem:v36+s28+$0x0], $0xffff;
	v6 =	vadd.f32 v7, v6;
	v7 =	vmul.f32 v8, v33  }
0x22a: {  	v42 =	vor.u32 $0x2280, v5;
	v8 =	vld.idx.msk [tilespmem:v34+s14+$0x0], $0xffff  }
0x22b: {  	v43 =	vld.idx.msk [tilespmem:v38+s28+$0x0], $0xffff;
	v6 =	vadd.f32 v7, v6;
	v7 =	vmul.f32 v11, v35  }
0x22c: {  	v46 =	vor.u32 $0x2380, v9;
	v11 =	vld.idx.msk [tilespmem:v36+s14+$0x0], $0xffff  }
0x22d: {  	v45 =	vld.idx.msk [tilespmem:v40+s28+$0x0], $0xffff;
	v6 =	vadd.f32 v7, v6;
	v7 =	vmul.f32 v10, v37  }
0x22e: {  	v44 =	vor.u32 $0x2300, v5;
	v10 =	vld.idx.msk [tilespmem:v38+s14+$0x0], $0xffff  }
0x22f: {  	v47 =	vld.idx.msk [tilespmem:v42+s28+$0x0], $0xffff;
	v6 =	vadd.f32 v7, v6;
	v7 =	vmul.f32 v8, v39  }
0x230: {  	v48 =	vor.u32 $0x3000, v5;
	v8 =	vld.idx.msk [tilespmem:v40+s14+$0x0], $0xffff  }
0x231: {  	v51 =	vld.idx.msk [tilespmem:v46+s28+$0x0], $0xffff;
	v6 =	vadd.f32 v7, v6;
	v7 =	vmul.f32 v11, v41  }
0x232: {  	v50 =	vor.u32 $0x3080, v5;
	v11 =	vld.idx.msk [tilespmem:v42+s14+$0x0], $0xffff  }
0x233: {  	v49 =	vld.idx.msk [tilespmem:v44+s28+$0x0], $0xffff;
	v6 =	vadd.f32 v7, v6;
	v7 =	vmul.f32 v10, v43  }
0x234: {  	v52 =	vor.u32 $0x3100, v5;
	v10 =	vld.idx.msk [tilespmem:v44+s14+$0x0], $0xffff  }
0x235: {  	v53 =	vld.idx.msk [tilespmem:v48+s28+$0x0], $0xffff;
	v6 =	vadd.f32 v7, v6;
	v7 =	vmul.f32 v8, v45  }
0x236: {  	v54 =	vor.u32 $0x3180, v5;
	v8 =	vld.idx.msk [tilespmem:v46+s14+$0x0], $0xffff  }
0x237: {  	v55 =	vld.idx.msk [tilespmem:v50+s28+$0x0], $0xffff;
	v6 =	vadd.f32 v7, v6;
	v7 =	vmul.f32 v11, v47  }
0x238: {  	v56 =	vor.u32 $0x3200, v5;
	v11 =	vld.idx.msk [tilespmem:v48+s14+$0x0], $0xffff  }
0x239: {  	v57 =	vld.idx.msk [tilespmem:v52+s28+$0x0], $0xffff;
	v6 =	vadd.f32 v7, v6;
	v7 =	vmul.f32 v10, v49  }
0x23a: {  	v58 =	vor.u32 $0x3280, v5;
	v10 =	vld.idx.msk [tilespmem:v50+s14+$0x0], $0xffff  }
0x23b: {  	v59 =	vld.idx.msk [tilespmem:v54+s28+$0x0], $0xffff;
	v6 =	vadd.f32 v7, v6;
	v7 =	vmul.f32 v8, v51  }
0x23c: {  	v8 =	vld.idx.msk [tilespmem:v52+s14+$0x0], $0xffff  }
0x23d: {  	v60 =	vld.idx.msk [tilespmem:v56+s28+$0x0], $0xffff;
	v6 =	vadd.f32 v7, v6;
	v7 =	vmul.f32 v11, v53  }
0x23e: {  	v5 =	vor.u32 $0x3300, v5;
	v11 =	vld.idx.msk [tilespmem:v54+s14+$0x0], $0xffff  }
0x23f: {  	v61 =	vld.idx.msk [tilespmem:v58+s28+$0x0], $0xffff;
	v6 =	vadd.f32 v7, v6;
	v7 =	vmul.f32 v10, v55  }
0x240: {  	v9 =	vor.u32 $0x3380, v9;
	v10 =	vld.idx.msk [tilespmem:v56+s14+$0x0], $0xffff  }
0x241: {  	v6 =	vadd.f32 v7, v6;
	v7 =	vmul.f32 v8, v57;
	v8 =	vld.idx.msk [tilespmem:v58+s14+$0x0], $0xffff;
	_ =	sdelay $0x1  }
0x242: {  	v62 =	vld.idx.msk [tilespmem:v5+s28+$0x0], $0xffff;
	v6 =	vadd.f32 v7, v6;
	v7 =	vmul.f32 v11, v59  }
0x243: {  	v11 =	vld.idx.msk [tilespmem:v5+s14+$0x0], $0xffff  }
0x244: {  	v5 =	vadd.f32 v7, v6;
	v6 =	vmul.f32 v10, v60;
	v7 =	vld.idx.msk [tilespmem:v9+s28+$0x0], $0xffff  }
0x245: {  	v63 =	vmul.f32 v8, v61;
	v8 =	vld.idx.msk [tilespmem:v9+s14+$0x0], $0xffff  }
0x246: {  	s16 =	simm.s32 $0x20;
	v10 =	vadd.f32 v6, v5  }
0x247: {  	v6 =	vmov s16;
	v5 =	vor.u32 s16, v0  }
0x248: {  	s1 =	simm.s32 $0x11;
	s16 =	simm.s32 $0x30;
	v6 =	vshll.u32 v6, $0x3;
	v9 =	vadd.f32 v63, v10;
	v10 =	vmul.f32 v11, v62  }
.LBB2_6:
0x249: {  	p0 =	sne.s32 s16, $0x1F0;
	v11 =	vand.u32 $0x7F, v5;
	v5 =	vand.u32 $0xC00, v6  }
0x24a: {  	v7 =	vmul.f32 v8, v7;
	v5 =	vor.u32 v11, v5;
	v9 =	vadd.f32 v10, v9;
	_ =	sdelay $0x1  }
0x24b: {  	v8 =	vor.u32 $0x80, v5;
	v7 =	vadd.f32 v7, v9  }
0x24c: {  	s15 =	sadd.s32 $0x10, s15  }
0x24d: {  	v9 =	vor.u32 $0x100, v5;
	[tilespmem:s15+$0x0] =	vst v7  }
0x24e: {  	v7 =	vld.idx.msk [tilespmem:v5+s14+$0x0], $0xffff  }
0x24f: {  	v12 =	vor.u32 $0x180, v5;
	v10 =	vld.idx.msk [tilespmem:v5+s28+$0x0], $0xffff  }
0x250: {  	v13 =	vld.idx.msk [tilespmem:v8+s28+$0x0], $0xffff  }
0x251: {  	v14 =	vor.u32 $0x200, v5;
	v8 =	vld.idx.msk [tilespmem:v8+s14+$0x0], $0xffff  }
0x252: {  	v15 =	vld.idx.msk [tilespmem:v9+s28+$0x0], $0xffff  }
0x253: {  	v16 =	vor.u32 $0x280, v5;
	v9 =	vld.idx.msk [tilespmem:v9+s14+$0x0], $0xffff  }
0x254: {  	v17 =	vld.idx.msk [tilespmem:v12+s28+$0x0], $0xffff  }
0x255: {  	v7 =	vmul.f32 v7, v10;
	v10 =	vld.idx.msk [tilespmem:v12+s14+$0x0], $0xffff;
	v12 =	vor.u32 $0x300, v5  }
0x256: {  	v6 =	vor.u32 v6, v11;
	v18 =	vld.idx.msk [tilespmem:v14+s28+$0x0], $0xffff  }
0x257: {  	v7 =	vadd.f32 $0.0e+00, v7;
	v8 =	vmul.f32 v8, v13;
	v13 =	vor.u32 $0x380, v6;
	v11 =	vld.idx.msk [tilespmem:v14+s14+$0x0], $0xffff  }
0x258: {  	v14 =	vld.idx.msk [tilespmem:v16+s28+$0x0], $0xffff  }
0x259: {  	v7 =	vadd.f32 v8, v7;
	v8 =	vmul.f32 v9, v15;
	v15 =	vor.u32 $0x1000, v5;
	v9 =	vld.idx.msk [tilespmem:v16+s14+$0x0], $0xffff  }
0x25a: {  	v16 =	vld.idx.msk [tilespmem:v12+s28+$0x0], $0xffff  }
0x25b: {  	v7 =	vadd.f32 v8, v7;
	v8 =	vmul.f32 v10, v17;
	v10 =	vld.idx.msk [tilespmem:v12+s14+$0x0], $0xffff;
	v12 =	vor.u32 $0x1080, v5  }
0x25c: {  	v17 =	vld.idx.msk [tilespmem:v13+s28+$0x0], $0xffff  }
0x25d: {  	v7 =	vadd.f32 v8, v7;
	v8 =	vmul.f32 v11, v18;
	v11 =	vld.idx.msk [tilespmem:v13+s14+$0x0], $0xffff;
	v13 =	vor.u32 $0x1100, v5  }
0x25e: {  	v18 =	vld.idx.msk [tilespmem:v15+s28+$0x0], $0xffff  }
0x25f: {  	v7 =	vadd.f32 v8, v7;
	v8 =	vmul.f32 v9, v14;
	v14 =	vor.u32 $0x1180, v5;
	v9 =	vld.idx.msk [tilespmem:v15+s14+$0x0], $0xffff  }
0x260: {  	v15 =	vld.idx.msk [tilespmem:v12+s28+$0x0], $0xffff  }
0x261: {  	v7 =	vadd.f32 v8, v7;
	v8 =	vmul.f32 v10, v16;
	v10 =	vld.idx.msk [tilespmem:v12+s14+$0x0], $0xffff;
	v12 =	vor.u32 $0x1200, v5  }
0x262: {  	v16 =	vld.idx.msk [tilespmem:v13+s28+$0x0], $0xffff  }
0x263: {  	v7 =	vadd.f32 v8, v7;
	v8 =	vmul.f32 v11, v17;
	v11 =	vld.idx.msk [tilespmem:v13+s14+$0x0], $0xffff;
	v13 =	vor.u32 $0x1280, v5  }
0x264: {  	v17 =	vld.idx.msk [tilespmem:v14+s28+$0x0], $0xffff  }
0x265: {  	v7 =	vadd.f32 v8, v7;
	v8 =	vmul.f32 v9, v18;
	v9 =	vld.idx.msk [tilespmem:v14+s14+$0x0], $0xffff;
	v14 =	vor.u32 $0x1300, v5  }
0x266: {  	v18 =	vld.idx.msk [tilespmem:v12+s28+$0x0], $0xffff  }
0x267: {  	v7 =	vadd.f32 v8, v7;
	v8 =	vmul.f32 v10, v15;
	v10 =	vld.idx.msk [tilespmem:v12+s14+$0x0], $0xffff;
	v12 =	vor.u32 $0x1380, v6  }
0x268: {  	v15 =	vld.idx.msk [tilespmem:v13+s28+$0x0], $0xffff  }
0x269: {  	v7 =	vadd.f32 v8, v7;
	v8 =	vmul.f32 v11, v16;
	v11 =	vld.idx.msk [tilespmem:v13+s14+$0x0], $0xffff;
	v13 =	vor.u32 $0x2000, v5  }
0x26a: {  	v16 =	vld.idx.msk [tilespmem:v14+s28+$0x0], $0xffff  }
0x26b: {  	v7 =	vadd.f32 v8, v7;
	v8 =	vmul.f32 v9, v17;
	v9 =	vld.idx.msk [tilespmem:v14+s14+$0x0], $0xffff;
	v14 =	vor.u32 $0x2080, v5  }
0x26c: {  	v17 =	vld.idx.msk [tilespmem:v12+s28+$0x0], $0xffff  }
0x26d: {  	v7 =	vadd.f32 v8, v7;
	v8 =	vmul.f32 v10, v18;
	v10 =	vld.idx.msk [tilespmem:v12+s14+$0x0], $0xffff;
	v12 =	vor.u32 $0x2100, v5  }
0x26e: {  	v18 =	vld.idx.msk [tilespmem:v13+s28+$0x0], $0xffff  }
0x26f: {  	v7 =	vadd.f32 v8, v7;
	v8 =	vmul.f32 v11, v15;
	v11 =	vld.idx.msk [tilespmem:v13+s14+$0x0], $0xffff;
	v13 =	vor.u32 $0x2180, v5  }
0x270: {  	v15 =	vld.idx.msk [tilespmem:v14+s28+$0x0], $0xffff  }
0x271: {  	v7 =	vadd.f32 v8, v7;
	v8 =	vmul.f32 v9, v16;
	v9 =	vld.idx.msk [tilespmem:v14+s14+$0x0], $0xffff;
	v14 =	vor.u32 $0x2200, v5  }
0x272: {  	v16 =	vld.idx.msk [tilespmem:v12+s28+$0x0], $0xffff  }
0x273: {  	v7 =	vadd.f32 v8, v7;
	v8 =	vmul.f32 v10, v17;
	v10 =	vld.idx.msk [tilespmem:v12+s14+$0x0], $0xffff;
	v12 =	vor.u32 $0x2280, v5  }
0x274: {  	v17 =	vld.idx.msk [tilespmem:v13+s28+$0x0], $0xffff  }
0x275: {  	v7 =	vadd.f32 v8, v7;
	v8 =	vmul.f32 v11, v18;
	v11 =	vld.idx.msk [tilespmem:v13+s14+$0x0], $0xffff;
	v13 =	vor.u32 $0x2300, v5  }
0x276: {  	v18 =	vld.idx.msk [tilespmem:v14+s28+$0x0], $0xffff  }
0x277: {  	v7 =	vadd.f32 v8, v7;
	v8 =	vmul.f32 v9, v15;
	v9 =	vld.idx.msk [tilespmem:v14+s14+$0x0], $0xffff;
	v14 =	vor.u32 $0x2380, v6  }
0x278: {  	v15 =	vld.idx.msk [tilespmem:v12+s28+$0x0], $0xffff  }
0x279: {  	v7 =	vadd.f32 v8, v7;
	v8 =	vmul.f32 v10, v16;
	v10 =	vld.idx.msk [tilespmem:v12+s14+$0x0], $0xffff;
	v12 =	vor.u32 $0x3000, v5  }
0x27a: {  	v16 =	vld.idx.msk [tilespmem:v13+s28+$0x0], $0xffff  }
0x27b: {  	v7 =	vadd.f32 v8, v7;
	v8 =	vmul.f32 v11, v17;
	v11 =	vld.idx.msk [tilespmem:v13+s14+$0x0], $0xffff;
	v13 =	vor.u32 $0x3080, v5  }
0x27c: {  	v17 =	vld.idx.msk [tilespmem:v14+s28+$0x0], $0xffff  }
0x27d: {  	v7 =	vadd.f32 v8, v7;
	v8 =	vmul.f32 v9, v18;
	v9 =	vld.idx.msk [tilespmem:v14+s14+$0x0], $0xffff;
	v14 =	vor.u32 $0x3100, v5  }
0x27e: {  	v18 =	vld.idx.msk [tilespmem:v12+s28+$0x0], $0xffff  }
0x27f: {  	v7 =	vadd.f32 v8, v7;
	v8 =	vmul.f32 v10, v15;
	v10 =	vld.idx.msk [tilespmem:v12+s14+$0x0], $0xffff;
	v12 =	vor.u32 $0x3180, v5  }
0x280: {  	v15 =	vld.idx.msk [tilespmem:v13+s28+$0x0], $0xffff  }
0x281: {  	v7 =	vadd.f32 v8, v7;
	v8 =	vmul.f32 v11, v16;
	v11 =	vld.idx.msk [tilespmem:v13+s14+$0x0], $0xffff;
	v13 =	vor.u32 $0x3200, v5  }
0x282: {  	v16 =	vld.idx.msk [tilespmem:v14+s28+$0x0], $0xffff  }
0x283: {  	v7 =	vadd.f32 v8, v7;
	v8 =	vmul.f32 v9, v17;
	v9 =	vld.idx.msk [tilespmem:v14+s14+$0x0], $0xffff;
	v14 =	vor.u32 $0x3280, v5  }
0x284: {  	v17 =	vld.idx.msk [tilespmem:v12+s28+$0x0], $0xffff  }
0x285: {  	v5 =	vor.u32 $0x3300, v5;
	v7 =	vadd.f32 v8, v7;
	v8 =	vmul.f32 v10, v18;
	v10 =	vld.idx.msk [tilespmem:v12+s14+$0x0], $0xffff  }
0x286: {  	v12 =	vld.idx.msk [tilespmem:v13+s28+$0x0], $0xffff  }
0x287: {  	v6 =	vor.u32 $0x3380, v6;
	v7 =	vadd.f32 v8, v7;
	v8 =	vmul.f32 v11, v15;
	v11 =	vld.idx.msk [tilespmem:v13+s14+$0x0], $0xffff  }
0x288: {  	v13 =	vld.idx.msk [tilespmem:v14+s28+$0x0], $0xffff  }
0x289: {  	v7 =	vadd.f32 v8, v7;
	v8 =	vmul.f32 v9, v16;
	v9 =	vld.idx.msk [tilespmem:v14+s14+$0x0], $0xffff  }
0x28a: {  	v14 =	vld.idx.msk [tilespmem:v5+s28+$0x0], $0xffff  }
0x28b: {  	v8 =	vadd.f32 v8, v7;
	v10 =	vmul.f32 v10, v17;
	v15 =	vld.idx.msk [tilespmem:v5+s14+$0x0], $0xffff  }
0x28c: {  	v7 =	vld.idx.msk [tilespmem:v6+s28+$0x0], $0xffff  }
.Ltmp2:
0x28d: {  	v5 =	vadd.f32 v10, v8;
	v10 =	vmul.f32 v11, v12;
	v8 =	vld.idx.msk [tilespmem:v6+s14+$0x0], $0xffff;
	(pc) =	sbr.rel @p0 .LBB2_6-.Ltmp2, $4  }
0x28e: {  	_ = 	snop  }
0x28f: {  	v10 =	vadd.f32 v10, v5;
	v9 =	vmul.f32 v9, v13  }
0x290: {  	v6 =	vmov s16;
	v5 =	vor.u32 s16, v0  }
0x291: {  	v6 =	vshll.u32 v6, $0x3;
	s16 =	sadd.s32 $0x10, s16;
	v9 =	vadd.f32 v9, v10;
	v10 =	vmul.f32 v15, v14  }
0x292: {  	v11 =	vand.u32 $0x7F, v5;
	v5 =	vand.u32 $0xC00, v6  }
0x293: {  	v7 =	vmul.f32 v8, v7;
	v5 =	vor.u32 v11, v5;
	v9 =	vadd.f32 v10, v9;
	_ =	sdelay $0x1  }
0x294: {  	v42 =	vor.u32 $0x80, v5;
	v7 =	vadd.f32 v7, v9  }
0x295: {  	s15 =	sadd.s32 $0x10, s15  }
0x296: {  	v43 =	vor.u32 $0x100, v5;
	[tilespmem:s15+$0x0] =	vst v7  }
0x297: {  	v7 =	vld.idx.msk [tilespmem:v5+s14+$0x0], $0xffff  }
0x298: {  	v12 =	vor.u32 $0x180, v5;
	v44 =	vld.idx.msk [tilespmem:v5+s28+$0x0], $0xffff  }
0x299: {  	v13 =	vld.idx.msk [tilespmem:v42+s28+$0x0], $0xffff  }
0x29a: {  	v14 =	vor.u32 $0x200, v5;
	v8 =	vld.idx.msk [tilespmem:v42+s14+$0x0], $0xffff  }
0x29b: {  	v15 =	vld.idx.msk [tilespmem:v43+s28+$0x0], $0xffff  }
0x29c: {  	v16 =	vor.u32 $0x280, v5;
	v9 =	vld.idx.msk [tilespmem:v43+s14+$0x0], $0xffff  }
0x29d: {  	v17 =	vld.idx.msk [tilespmem:v12+s28+$0x0], $0xffff;
	v7 =	vmul.f32 v7, v44  }
0x29e: {  	v46 =	vor.u32 $0x300, v5;
	v45 =	vld.idx.msk [tilespmem:v12+s14+$0x0], $0xffff  }
0x29f: {  	v6 =	vor.u32 v6, v11;
	v18 =	vld.idx.msk [tilespmem:v14+s28+$0x0], $0xffff;
	v8 =	vmul.f32 v8, v13;
	v7 =	vadd.f32 $0.0e+00, v7  }
0x2a0: {  	v48 =	vor.u32 $0x380, v6;
	v47 =	vld.idx.msk [tilespmem:v14+s14+$0x0], $0xffff  }
0x2a1: {  	v49 =	vld.idx.msk [tilespmem:v16+s28+$0x0], $0xffff;
	v50 =	vmul.f32 v9, v15;
	v7 =	vadd.f32 v8, v7  }
0x2a2: {  	v52 =	vor.u32 $0x1000, v5;
	v51 =	vld.idx.msk [tilespmem:v16+s14+$0x0], $0xffff  }
0x2a3: {  	v53 =	vld.idx.msk [tilespmem:v46+s28+$0x0], $0xffff;
	v54 =	vmul.f32 v45, v17;
	v7 =	vadd.f32 v50, v7  }
0x2a4: {  	v56 =	vor.u32 $0x1080, v5;
	v55 =	vld.idx.msk [tilespmem:v46+s14+$0x0], $0xffff  }
0x2a5: {  	v57 =	vld.idx.msk [tilespmem:v48+s28+$0x0], $0xffff;
	v58 =	vmul.f32 v47, v18;
	v7 =	vadd.f32 v54, v7  }
0x2a6: {  	v60 =	vor.u32 $0x1100, v5;
	v59 =	vld.idx.msk [tilespmem:v48+s14+$0x0], $0xffff  }
0x2a7: {  	v61 =	vld.idx.msk [tilespmem:v52+s28+$0x0], $0xffff;
	v62 =	vmul.f32 v51, v49;
	v7 =	vadd.f32 v58, v7  }
0x2a8: {  	v20 =	vor.u32 $0x1180, v5;
	v63 =	vld.idx.msk [tilespmem:v52+s14+$0x0], $0xffff  }
0x2a9: {  	v21 =	vld.idx.msk [tilespmem:v56+s28+$0x0], $0xffff;
	v22 =	vmul.f32 v55, v53;
	v7 =	vadd.f32 v62, v7  }
0x2aa: {  	v24 =	vor.u32 $0x1200, v5;
	v23 =	vld.idx.msk [tilespmem:v56+s14+$0x0], $0xffff  }
0x2ab: {  	v25 =	vld.idx.msk [tilespmem:v60+s28+$0x0], $0xffff;
	v26 =	vmul.f32 v59, v57;
	v7 =	vadd.f32 v22, v7  }
0x2ac: {  	v28 =	vor.u32 $0x1280, v5;
	v27 =	vld.idx.msk [tilespmem:v60+s14+$0x0], $0xffff  }
0x2ad: {  	v29 =	vld.idx.msk [tilespmem:v20+s28+$0x0], $0xffff;
	v30 =	vmul.f32 v63, v61;
	v7 =	vadd.f32 v26, v7  }
0x2ae: {  	v32 =	vor.u32 $0x1300, v5;
	v31 =	vld.idx.msk [tilespmem:v20+s14+$0x0], $0xffff  }
0x2af: {  	v33 =	vld.idx.msk [tilespmem:v24+s28+$0x0], $0xffff;
	v34 =	vmul.f32 v23, v21;
	v7 =	vadd.f32 v30, v7  }
0x2b0: {  	v36 =	vor.u32 $0x1380, v6;
	v35 =	vld.idx.msk [tilespmem:v24+s14+$0x0], $0xffff  }
0x2b1: {  	v37 =	vld.idx.msk [tilespmem:v28+s28+$0x0], $0xffff;
	v38 =	vmul.f32 v27, v25;
	v7 =	vadd.f32 v34, v7  }
0x2b2: {  	v40 =	vor.u32 $0x2000, v5;
	v39 =	vld.idx.msk [tilespmem:v28+s14+$0x0], $0xffff  }
0x2b3: {  	v41 =	vld.idx.msk [tilespmem:v32+s28+$0x0], $0xffff;
	v42 =	vmul.f32 v31, v29;
	v7 =	vadd.f32 v38, v7  }
0x2b4: {  	v43 =	vld.idx.msk [tilespmem:v32+s14+$0x0], $0xffff;
	v44 =	vor.u32 $0x2080, v5  }
0x2b5: {  	v45 =	vld.idx.msk [tilespmem:v36+s28+$0x0], $0xffff;
	v46 =	vmul.f32 v35, v33;
	v7 =	vadd.f32 v42, v7  }
0x2b6: {  	v48 =	vor.u32 $0x2100, v5;
	v47 =	vld.idx.msk [tilespmem:v36+s14+$0x0], $0xffff  }
0x2b7: {  	v49 =	vld.idx.msk [tilespmem:v40+s28+$0x0], $0xffff;
	v50 =	vmul.f32 v39, v37;
	v7 =	vadd.f32 v46, v7  }
0x2b8: {  	v52 =	vor.u32 $0x2180, v5;
	v51 =	vld.idx.msk [tilespmem:v40+s14+$0x0], $0xffff  }
0x2b9: {  	v53 =	vld.idx.msk [tilespmem:v44+s28+$0x0], $0xffff;
	v54 =	vmul.f32 v43, v41;
	v7 =	vadd.f32 v50, v7  }
0x2ba: {  	v56 =	vor.u32 $0x2200, v5;
	v55 =	vld.idx.msk [tilespmem:v44+s14+$0x0], $0xffff  }
0x2bb: {  	v57 =	vld.idx.msk [tilespmem:v48+s28+$0x0], $0xffff;
	v58 =	vmul.f32 v47, v45;
	v7 =	vadd.f32 v54, v7  }
0x2bc: {  	v60 =	vor.u32 $0x2280, v5;
	v59 =	vld.idx.msk [tilespmem:v48+s14+$0x0], $0xffff  }
0x2bd: {  	v61 =	vld.idx.msk [tilespmem:v52+s28+$0x0], $0xffff;
	v62 =	vmul.f32 v51, v49;
	v7 =	vadd.f32 v58, v7  }
0x2be: {  	v63 =	vld.idx.msk [tilespmem:v52+s14+$0x0], $0xffff;
	v21 =	vor.u32 $0x2300, v5  }
0x2bf: {  	v24 =	vld.idx.msk [tilespmem:v56+s14+$0x0], $0xffff;
	v23 =	vmul.f32 v55, v53;
	v7 =	vadd.f32 v62, v7  }
0x2c0: {  	v25 =	vor.u32 $0x2380, v6;
	v22 =	vld.idx.msk [tilespmem:v56+s28+$0x0], $0xffff  }
0x2c1: {  	v28 =	vld.idx.msk [tilespmem:v60+s14+$0x0], $0xffff;
	v27 =	vmul.f32 v59, v57;
	v7 =	vadd.f32 v23, v7  }
0x2c2: {  	v29 =	vor.u32 $0x3000, v5;
	v26 =	vld.idx.msk [tilespmem:v60+s28+$0x0], $0xffff  }
0x2c3: {  	v31 =	vmul.f32 v63, v61;
	v32 =	vld.idx.msk [tilespmem:v21+s14+$0x0], $0xffff;
	v7 =	vadd.f32 v27, v7  }
0x2c4: {  	v33 =	vor.u32 $0x3080, v5;
	v30 =	vld.idx.msk [tilespmem:v21+s28+$0x0], $0xffff  }
0x2c5: {  	v36 =	vld.idx.msk [tilespmem:v25+s14+$0x0], $0xffff;
	v35 =	vmul.f32 v24, v22;
	v7 =	vadd.f32 v31, v7  }
0x2c6: {  	v37 =	vor.u32 $0x3100, v5;
	v34 =	vld.idx.msk [tilespmem:v25+s28+$0x0], $0xffff  }
0x2c7: {  	v40 =	vld.idx.msk [tilespmem:v29+s14+$0x0], $0xffff;
	v39 =	vmul.f32 v28, v26;
	v7 =	vadd.f32 v35, v7  }
0x2c8: {  	v41 =	vor.u32 $0x3180, v5;
	v38 =	vld.idx.msk [tilespmem:v29+s28+$0x0], $0xffff  }
0x2c9: {  	v44 =	vld.idx.msk [tilespmem:v33+s14+$0x0], $0xffff;
	v43 =	vmul.f32 v32, v30;
	v7 =	vadd.f32 v39, v7  }
0x2ca: {  	v45 =	vor.u32 $0x3200, v5;
	v42 =	vld.idx.msk [tilespmem:v33+s28+$0x0], $0xffff  }
0x2cb: {  	v48 =	vld.idx.msk [tilespmem:v37+s14+$0x0], $0xffff;
	v47 =	vmul.f32 v36, v34;
	v7 =	vadd.f32 v43, v7  }
0x2cc: {  	v49 =	vor.u32 $0x3280, v5;
	v46 =	vld.idx.msk [tilespmem:v37+s28+$0x0], $0xffff  }
0x2cd: {  	v52 =	vld.idx.msk [tilespmem:v41+s14+$0x0], $0xffff;
	v51 =	vmul.f32 v40, v38;
	v7 =	vadd.f32 v47, v7  }
0x2ce: {  	v5 =	vor.u32 $0x3300, v5;
	v50 =	vld.idx.msk [tilespmem:v41+s28+$0x0], $0xffff  }
0x2cf: {  	v53 =	vld.idx.msk [tilespmem:v45+s28+$0x0], $0xffff;
	v54 =	vmul.f32 v44, v42;
	v7 =	vadd.f32 v51, v7  }
0x2d0: {  	v6 =	vor.u32 $0x3380, v6;
	v55 =	vld.idx.msk [tilespmem:v45+s14+$0x0], $0xffff  }
0x2d1: {  	v56 =	vld.idx.msk [tilespmem:v49+s28+$0x0], $0xffff;
	v57 =	vmul.f32 v48, v46;
	v7 =	vadd.f32 v54, v7  }
0x2d2: {  	v58 =	vld.idx.msk [tilespmem:v49+s14+$0x0], $0xffff  }
0x2d3: {  	v59 =	vld.idx.msk [tilespmem:v5+s28+$0x0], $0xffff;
	v60 =	vmul.f32 v52, v50;
	v7 =	vadd.f32 v57, v7  }
0x2d4: {  	v5 =	vld.idx.msk [tilespmem:v5+s14+$0x0], $0xffff  }
0x2d5: {  	v61 =	vld.idx.msk [tilespmem:v6+s28+$0x0], $0xffff;
	v62 =	vmul.f32 v55, v53;
	v7 =	vadd.f32 v60, v7  }
0x2d6: {  	v6 =	vld.idx.msk [tilespmem:v6+s14+$0x0], $0xffff  }
0x2d7: {  	v63 =	vmul.f32 v58, v56;
	v7 =	vadd.f32 v62, v7;
	_ =	sdelay $0x1  }
0x2d8: {  	v5 =	vmul.f32 v5, v59;
	v7 =	vadd.f32 v63, v7;
	_ =	sdelay $0x1  }
0x2d9: {  	v6 =	vmul.f32 v6, v61;
	v5 =	vadd.f32 v5, v7;
	_ =	sdelay $0x1  }
0x2da: {  	v5 =	vadd.f32 v6, v5  }
0x2db: {  	s15 =	sadd.s32 $0x10, s15  }
0x2dc: {  	s16 =	rddreg [dreg:$0xa];
	s0 =	simm.s32 $0x18400;
	[tilespmem:s15+$0x0] =	vst v5;
	s15 =	simm.s32 $0x0  }
0x2dd: {  	[hbm4b:s16+s15] =	stream.linear.scatter [tilespmem:s0], [sflag:$0x11], $0x200, $0x38;
	[tilespmem:$0x18600] =	vst v63  }
0x2de: {  	_ =	swait.ge [sflag:s1], $0x200  }
0x2df: {  	s30 =	rddreg [dreg:$0xc]  }
0x2e0: {  	s31 =	rddreg [dreg:$0xb];
	s0 =	sadd.s32 $0x1, s30  }
0x2e1: {  	p0 =	sne.s32 s0, s31  }
.Ltmp3:
0x2e2: {  	_ = 	snop;
	(pc) =	sbr.rel @p0 .LBB2_1-.Ltmp3, $3  }
0x2e3: {  	_ =	sdelay $0x1  }
0x2e4: {  	[sflag:s1] =	ssyncset.done $0x0  }
0x2e5: {  	[sflag:s1] =	ssyncadd.s32 $0xFFFFFE00  }
0x2e6: {  	_ =	sfence.sel $0x180000  }
0x2e7: {  	[bflag:$0x0] =	sbarrier.arrive $0xFFFF  }
0x2e8: {  	_ =	strace $0x90000047  }
0x2e9: {  	s0 =	stileid.u32;
	[bflag:$0x2] =	sbarrier.arrive $0xFFFF  }
0x2ea: {  	p0 =	sne.s32 s0, $0x0;
	s0 =	rddreg [dreg:$0x5]  }
0x2eb: {  	s0 =	sadd.s32 @!p0 $0x100000, s0  }
0x2ec: {  	[sflag:s0] =	ssyncadd.tile.s32 @!p0 $0x1;
	_ =	shalt  }
.Lfunc_end2:
_tile_overlayer_lowered:
.L_overlay_start_2:
0x2ed: {  	(tag) =	ssettag $0x2  }
0x2ee: {  	s0 =	rddreg [dreg:$0x0];
	s2 =	stileid.u32  }
0x2ef: {  	s1 =	rddreg [dreg:$0x1];
	p0 =	sne.s32 s2, $0x0  }
0x2f0: {  	s3 =	rddreg [dreg:$0x2];
	[bflag:$0x3] =	sbarrier.arrive $0xFFFF;
	s2 =	simm.s32 @!p0 $0x1C11  }
0x2f1: {  	[timem:s3], [sflag:s2] =	dma.local @!p0 [hbm:s0], s1  }
0x2f2: {  	s0 =	simm.s32 @!p0 $0x11  }
0x2f3: {  	_ =	swait.ge @!p0 [sflag:s0], s1  }
0x2f4: {  	s1 =	ssub.s32 @!p0 $0x0, s1;
	[sflag:s0] =	ssyncset.done @!p0 $0x0  }
0x2f5: {  	[sflag:s0] =	ssyncadd.s32 @!p0 s1  }
0x2f6: {  	[bflag:$0x3] =	sbarrier.arrive $0xFFFF  }
0x2f7: {  	_ =	shalt  }

</sc_bundles>
